<compile_context>
chip_gen: v7x
topology: tpu7x:2x2x1
jax: 0.10.2.dev20260603
libtpu: 0.0.44.dev20260713+nightly
codegen_flags: <defaults>
</compile_context>

<pallas_src>
import jax
import jax.numpy as jnp
from jax import lax
from jax.experimental import pallas as pl
from jax.experimental.pallas import tpu as pltpu
from jax.experimental.pallas import tpu_sc as plsc

_N = 10000
_E = 320000
_F = 128
_H = 16
_C = 2
_G = 64

_NC = 2
_NS = 16
_NW = _NC * _NS
_CH = 128
_K = 79
_EPT = _K * _CH
_EPAD = _NW * _EPT
_NB = 4
_DD = 8
_ND = 128
_NACC = _N + _ND
_RPT = 624
_TAIL0 = _RPT * _NS
_TAIL = _N - _TAIL0

_mesh = plsc.VectorSubcoreMesh(core_axis_name="c", subcore_axis_name="s")


def _copy_rows(sid, src_at, dst_at):
  r0 = sid * _RPT
  pltpu.sync_copy(src_at(r0, _RPT), dst_at(r0, _RPT))

  @pl.when(sid == _NS - 1)
  def _():
    pltpu.sync_copy(src_at(_TAIL0, _TAIL), dst_at(_TAIL0, _TAIL))


def _zero_rows(sid, zeros_hbm, acc_sh):
  r0 = sid * _RPT
  for off, sz in ((0, 128), (128, 128), (256, 128), (384, 128), (512, 112)):
    pltpu.sync_copy(zeros_hbm.at[pl.ds(0, sz)], acc_sh.at[pl.ds(r0 + off, sz)])

  @pl.when(sid == _NS - 1)
  def _():
    pltpu.sync_copy(zeros_hbm.at[pl.ds(0, _TAIL)],
                    acc_sh.at[pl.ds(_TAIL0, _TAIL)])


def _seg_body_gather(y_hbm, zeros_hbm, src_hbm, dst_hbm, out_hbm,
                     src_v, dst_v, rows_v, acc_sh, tab_sh,
                     g0, g1, g2, g3, t0, t1, t2, t3):
  cid = lax.axis_index("c")
  sid = lax.axis_index("s")
  wid = sid * _NC + cid
  gsems = (g0, g1, g2, g3)
  ssems = (t0, t1, t2, t3)

  pltpu.sync_copy(src_hbm.at[wid], src_v)
  pltpu.sync_copy(dst_hbm.at[wid], dst_v)

  _copy_rows(sid, lambda o, n: y_hbm.at[pl.ds(o, n)],
             lambda o, n: tab_sh.at[pl.ds(o, n)])

  @pl.when(cid == 0)
  def _():
    _copy_rows(sid, lambda o, n: y_hbm.at[pl.ds(o, n)],
               lambda o, n: acc_sh.at[pl.ds(o, n)])

  @pl.when(cid != 0)
  def _():
    _zero_rows(sid, zeros_hbm, acc_sh)

  plsc.subcore_barrier()

  def _gather(j, sel):
    pltpu.async_copy(tab_sh.at[src_v.at[j]], rows_v.at[sel % 8],
                     gsems[sel % 4])

  def _drain_g(j, sel):
    pltpu.make_async_copy(tab_sh.at[src_v.at[j]], rows_v.at[sel % 8],
                          gsems[sel % 4]).wait()

  def _scat(j, sel):
    pltpu.async_copy(rows_v.at[sel % 8], acc_sh.at[dst_v.at[j]],
                     ssems[sel % 4], add=True)

  def _wait_s(j, sel):
    pltpu.make_async_copy(rows_v.at[sel % 8], acc_sh.at[dst_v.at[j]],
                          ssems[sel % 4]).wait()

  for j in range(4):
    _gather(j, j)
  for j in range(4):
    _drain_g(j, j)
    _scat(j, j)
    _gather(j + 4, j + 4)

  def group(i, carry):
    j0 = i * 8 + 4
    for b in range(8):
      j = j0 + b
      _drain_g(j, 4 + b)
      _wait_s(j - 4, b)
      _scat(j, 4 + b)
      _gather(j + 4, b)
    return carry

  lax.fori_loop(0, 8, group, 0)

  for j in range(68, _K):
    _drain_g(j, j)
    _wait_s(j - 4, j - 4)
    _scat(j, j)
    if j + 4 < _K:
      _gather(j + 4, j + 4)
  for j in range(_K - 4, _K):
    _wait_s(j, j)

  plsc.subcore_barrier()
  _copy_rows(sid, lambda o, n: acc_sh.at[pl.ds(o, n)],
             lambda o, n: out_hbm.at[cid, pl.ds(o, n)])


def _seg_body_ones(ones_hbm, zeros_hbm, dst_hbm, out_hbm,
                   dst_v, rows_v, acc_sh,
                   s0, s1, s2, s3, s4, s5, s6, s7):
  cid = lax.axis_index("c")
  sid = lax.axis_index("s")
  wid = sid * _NC + cid
  sems = (s0, s1, s2, s3, s4, s5, s6, s7)

  pltpu.sync_copy(dst_hbm.at[wid], dst_v)
  _zero_rows(sid, zeros_hbm, acc_sh)
  pltpu.sync_copy(ones_hbm, rows_v)
  plsc.subcore_barrier()

  def _scat(j, b):
    pltpu.async_copy(rows_v, acc_sh.at[dst_v.at[j]], sems[b % 8], add=True)

  def _wait(j, b):
    pltpu.make_async_copy(rows_v, acc_sh.at[dst_v.at[j]], sems[b % 8]).wait()

  for j in range(8):
    _scat(j, j)

  def grp(i, carry):
    j0 = i * 8
    for b in range(8):
      j = j0 + b
      _wait(j - 8, b)
      _scat(j, b)
    return carry

  lax.fori_loop(1, 9, grp, 0)
  for j in range(72, _K):
    _wait(j - 8, j)
    _scat(j, j)
  for j in range(_K - 8, _K):
    _wait(j, j)

  plsc.subcore_barrier()
  _copy_rows(sid, lambda o, n: acc_sh.at[pl.ds(o, n)],
             lambda o, n: out_hbm.at[cid, pl.ds(o, n)])


_seg_sum = pl.kernel(
    _seg_body_gather,
    out_type=jax.ShapeDtypeStruct((_NC, _N, _H), jnp.float32),
    mesh=_mesh,
    scratch_types=[
        pltpu.VMEM((_K, _CH), jnp.int32),
        pltpu.VMEM((_K, _CH), jnp.int32),
        pltpu.VMEM((8, _CH, _H), jnp.float32),
        pltpu.VMEM_SHARED((_NACC, _H), jnp.float32),
        pltpu.VMEM_SHARED((_N, _H), jnp.float32),
    ] + [pltpu.SemaphoreType.DMA] * 8,
    name="gcn_seg_sum",
    compiler_params=pltpu.CompilerParams(use_tc_tiling_on_sc=False),
)

_deg_sum = pl.kernel(
    _seg_body_ones,
    out_type=jax.ShapeDtypeStruct((_NC, _N, _DD), jnp.float32),
    mesh=_mesh,
    scratch_types=[
        pltpu.VMEM((_K, _CH), jnp.int32),
        pltpu.VMEM((_CH, _DD), jnp.float32),
        pltpu.VMEM_SHARED((_NACC, _DD), jnp.float32),
    ] + [pltpu.SemaphoreType.DMA] * 8,
    name="gcn_deg",
    compiler_params=pltpu.CompilerParams(use_tc_tiling_on_sc=False),
)


def _tc0_body(x_ref, w1_ref, xw_ref):
  xw_ref[...] = jnp.dot(x_ref[...], w1_ref[...],
                        preferred_element_type=jnp.float32)


def _tc1_body(xw_ref, degp_ref, y_ref, dinv_ref):
  deg = degp_ref[0, :, 0:1] + degp_ref[1, :, 0:1] + 1.0
  dinv = lax.rsqrt(deg)
  y_ref[...] = xw_ref[...] * dinv
  dinv_ref[...] = dinv


def _tc2_body(p_ref, dinv_ref, b1_ref, w2_ref, y_ref):
  dinv = dinv_ref[...]
  h1 = jnp.maximum((p_ref[0] + p_ref[1]) * dinv + b1_ref[...], 0.0)
  t = jnp.dot(h1, w2_ref[...], preferred_element_type=jnp.float32)
  y_ref[...] = t * dinv


def _tc3_body(p_ref, dinv_ref, b2_ref, batch_ref, wf_ref, bf_ref, out_ref):
  dinv = dinv_ref[...]
  h2 = jnp.maximum((p_ref[0] + p_ref[1]) * dinv + b2_ref[...], 0.0)
  gids = lax.broadcasted_iota(jnp.int32, (_G, _N), 0)
  mask = (batch_ref[...] == gids).astype(jnp.float32)
  summed = jnp.dot(mask, h2, preferred_element_type=jnp.float32)
  counts = jnp.sum(mask, axis=1, keepdims=True)
  pooled = summed / jnp.maximum(counts, 1.0)
  logits = jnp.dot(pooled, wf_ref[...],
                   preferred_element_type=jnp.float32) + bf_ref[...]
  m = jnp.max(logits, axis=1, keepdims=True)
  s = logits - m
  out_ref[...] = s - jnp.log(jnp.sum(jnp.exp(s), axis=1, keepdims=True))


_tc0 = pl.pallas_call(
    _tc0_body,
    out_shape=jax.ShapeDtypeStruct((_N, _H), jnp.float32),
    name="gcn_tc0",
)

_tc1 = pl.pallas_call(
    _tc1_body,
    out_shape=(
        jax.ShapeDtypeStruct((_N, _H), jnp.float32),
        jax.ShapeDtypeStruct((_N, 1), jnp.float32),
    ),
    name="gcn_tc1",
)

_tc2 = pl.pallas_call(
    _tc2_body,
    out_shape=jax.ShapeDtypeStruct((_N, _H), jnp.float32),
    name="gcn_tc2",
)

_tc3 = pl.pallas_call(
    _tc3_body,
    out_shape=jax.ShapeDtypeStruct((_G, _C), jnp.float32),
    name="gcn_tc3",
)


@jax.jit
def kernel(x, edge_index, batch, W1, b1, W2, b2, Wf, bf):
  src = edge_index[0]
  dst = edge_index[1]
  npad = _EPAD - _E
  pad = jnp.arange(npad, dtype=jnp.int32)
  src_p = jnp.concatenate([src, pad]).reshape(_NW, _K, _CH)
  dst_p = jnp.concatenate([dst, _N + (pad % _ND)]).reshape(_NW, _K, _CH)
  zeros = jnp.zeros((_CH, _H), jnp.float32)
  zeros1 = jnp.zeros((_CH, _DD), jnp.float32)
  ones1 = jnp.ones((_CH, _DD), jnp.float32)

  xw = _tc0(x, W1)
  degp = _deg_sum(ones1, zeros1, dst_p)
  y1, dinv = _tc1(xw, degp)
  p1 = _seg_sum(y1, zeros, src_p, dst_p)
  y2 = _tc2(p1, dinv, b1.reshape(1, _H), W2)
  p2 = _seg_sum(y2, zeros, src_p, dst_p)
  return _tc3(p2, dinv, b2.reshape(1, _H), batch.reshape(1, _N),
              Wf, bf.reshape(1, _C))

# --- scband reference (transcript-rebuilt; emitter-appended) ---
"""Pipeline reference for scband-gcngraph-classifier-imdb-20461224198761 (READ-ONLY COPY).

The authoritative reference and input builder live on the scoring server;
editing this copy changes nothing except your own understanding.
"""

import jax, jax.numpy as jnp
import numpy as np

N = 10000
E = 320000
F_IN = 128
H = 16
C = 2
G = 64


def setup_inputs(seed: int = 0) -> dict:
    key = jax.random.key(seed)
    ks = jax.random.split(key, 10)
    x = jax.random.normal(ks[0], (N, F_IN), dtype=jnp.float32)
    edge_index = jax.random.randint(ks[1], (2, E), 0, N, dtype=jnp.int32)
    batch = jnp.sort(jax.random.randint(ks[2], (N,), 0, G, dtype=jnp.int32))
    W1 = jax.random.normal(ks[3], (F_IN, H), dtype=jnp.float32) * (1.0 / np.sqrt(F_IN))
    b1 = jnp.zeros((H,), dtype=jnp.float32)
    W2 = jax.random.normal(ks[4], (H, H), dtype=jnp.float32) * (1.0 / np.sqrt(H))
    b2 = jnp.zeros((H,), dtype=jnp.float32)
    Wf = jax.random.normal(ks[5], (H, C), dtype=jnp.float32) * (1.0 / np.sqrt(H))
    bf = jnp.zeros((C,), dtype=jnp.float32)
    return {"x": x, "edge_index": edge_index, "batch": batch,
            "W1": W1, "b1": b1, "W2": W2, "b2": b2, "Wf": Wf, "bf": bf}


def _gcn_conv(x, src, dst, W, b, num_nodes):
    # x @ W first (standard GCNConv), then normalized aggregation with self-loops
    xw = x @ W
    loop = jnp.arange(num_nodes, dtype=src.dtype)
    s = jnp.concatenate([src, loop])
    d = jnp.concatenate([dst, loop])
    deg = jnp.zeros((num_nodes,), dtype=xw.dtype).at[d].add(1.0)
    dinv = jnp.where(deg > 0, jax.lax.rsqrt(deg), 0.0)
    norm = dinv[s] * dinv[d]
    msg = xw[s] * norm[:, None]
    out = jax.ops.segment_sum(msg, d, num_segments=num_nodes)
    return out + b


def reference(x, edge_index, batch, W1, b1, W2, b2, Wf, bf):
    src = edge_index[0]
    dst = edge_index[1]
    h = jax.nn.relu(_gcn_conv(x, src, dst, W1, b1, N))
    h = jax.nn.relu(_gcn_conv(h, src, dst, W2, b2, N))
    # global mean pool over graphs
    summed = jax.ops.segment_sum(h, batch, num_segments=G)
    counts = jax.ops.segment_sum(jnp.ones((N,), dtype=h.dtype), batch, num_segments=G)
    pooled = summed / jnp.maximum(counts, 1.0)[:, None]
    logits = pooled @ Wf + bf
    return jax.nn.log_softmax(logits, axis=1)

if __name__ == "__main__":
    import jax
    _d = setup_inputs()
    print(jax.jit(kernel)(*tuple(_d.values())))

</pallas_src>

<mosaic_0001>
#map = affine_map<(d0, d1) -> (0, 0)>
#map1 = affine_map<(d0, d1) -> (0, 0, 0)>
module attributes {stable_mosaic.version = 14 : i64} {
  func.func @gcn_seg_sum(%arg0: i32, %arg1: i32, %arg2: memref<10000x16xf32, #tpu.memory_space<hbm>>, %arg3: memref<128x16xf32, #tpu.memory_space<hbm>>, %arg4: memref<32x79x128xi32, #tpu.memory_space<hbm>>, %arg5: memref<32x79x128xi32, #tpu.memory_space<hbm>>, %arg6: memref<2x10000x16xf32, #tpu.memory_space<hbm>>, %arg7: memref<79x128xi32, #tpu.memory_space<vmem>>, %arg8: memref<79x128xi32, #tpu.memory_space<vmem>>, %arg9: memref<8x128x16xf32, #tpu.memory_space<vmem>>, %arg10: memref<10128x16xf32, #tpu.memory_space<vmem_shared>>, %arg11: memref<10000x16xf32, #tpu.memory_space<vmem_shared>>, %arg12: memref<!tpu.dma_semaphore, #tpu.memory_space<semaphore_mem>>, %arg13: memref<!tpu.dma_semaphore, #tpu.memory_space<semaphore_mem>>, %arg14: memref<!tpu.dma_semaphore, #tpu.memory_space<semaphore_mem>>, %arg15: memref<!tpu.dma_semaphore, #tpu.memory_space<semaphore_mem>>, %arg16: memref<!tpu.dma_semaphore, #tpu.memory_space<semaphore_mem>>, %arg17: memref<!tpu.dma_semaphore, #tpu.memory_space<semaphore_mem>>, %arg18: memref<!tpu.dma_semaphore, #tpu.memory_space<semaphore_mem>>, %arg19: memref<!tpu.dma_semaphore, #tpu.memory_space<semaphore_mem>>) attributes {dimension_semantics = [#tpu.dimension_semantics<core_parallel>, #tpu.dimension_semantics<subcore_parallel>], iteration_bounds = array<i64: 2, 16>, scalar_prefetch = 0 : i64, scratch_operands = 13 : i64, tpu.core_type = #tpu.core_type<sc_vector_subcore>, window_params = [{transform_indices = #map}, {transform_indices = #map}, {transform_indices = #map1}, {transform_indices = #map1}, {transform_indices = #map1}]} {
    %mul3A = arith.constant 2 : i32
    %mul3A_0 = arith.muli %arg1, %mul3A : i32
    %add3A = arith.addi %mul3A_0, %arg0 : i32
    "tpu.region"() ({
      %run_scoped3A = tpu.sem_alloc : memref<!tpu.dma_semaphore, #tpu.memory_space<semaphore_mem>>
      %dma_start3A_745 = arith.constant 0 : i32
      %dma_start3A_746 = arith.constant 0 : i32
      %dma_start3A_747 = tpu.memref_slice %arg4[%add3A, %dma_start3A_745, %dma_start3A_746] : memref<32x79x128xi32, #tpu.memory_space<hbm>> -> memref<1x79x128xi32, #tpu.memory_space<hbm>>
      %dma_start3A_748 = tpu.memref_squeeze %dma_start3A_747 : memref<1x79x128xi32, #tpu.memory_space<hbm>> -> memref<79x128xi32, #tpu.memory_space<hbm>>
      %dma_start3A_749 = arith.constant 0 : i32
      %dma_start3A_750 = arith.constant 0 : i32
      %dma_start3A_751 = tpu.memref_slice %arg4[%add3A, %dma_start3A_749, %dma_start3A_750] : memref<32x79x128xi32, #tpu.memory_space<hbm>> -> memref<1x79x128xi32, #tpu.memory_space<hbm>>
      %dma_start3A_752 = tpu.memref_squeeze %dma_start3A_751 : memref<1x79x128xi32, #tpu.memory_space<hbm>> -> memref<79x128xi32, #tpu.memory_space<hbm>>
      tpu.enqueue_dma source(%dma_start3A_752 : memref<79x128xi32, #tpu.memory_space<hbm>>) target(%arg7 : memref<79x128xi32, #tpu.memory_space<vmem>>) target_semaphore(%run_scoped3A : memref<!tpu.dma_semaphore, #tpu.memory_space<semaphore_mem>>)
      %dma_wait3A_753 = arith.constant 0 : i32
      %dma_wait3A_754 = arith.constant 0 : i32
      %dma_wait3A_755 = tpu.memref_slice %arg4[%add3A, %dma_wait3A_753, %dma_wait3A_754] : memref<32x79x128xi32, #tpu.memory_space<hbm>> -> memref<1x79x128xi32, #tpu.memory_space<hbm>>
      %dma_wait3A_756 = tpu.memref_squeeze %dma_wait3A_755 : memref<1x79x128xi32, #tpu.memory_space<hbm>> -> memref<79x128xi32, #tpu.memory_space<hbm>>
      %dma_wait3A_757 = arith.constant 0 : i32
      %dma_wait3A_758 = arith.constant 0 : i32
      %dma_wait3A_759 = tpu.memref_slice %arg4[%add3A, %dma_wait3A_757, %dma_wait3A_758] : memref<32x79x128xi32, #tpu.memory_space<hbm>> -> memref<1x79x128xi32, #tpu.memory_space<hbm>>
      %dma_wait3A_760 = tpu.memref_squeeze %dma_wait3A_759 : memref<1x79x128xi32, #tpu.memory_space<hbm>> -> memref<79x128xi32, #tpu.memory_space<hbm>>
      tpu.wait_dma2 semaphore(%run_scoped3A : memref<!tpu.dma_semaphore, #tpu.memory_space<semaphore_mem>>) src(%dma_wait3A_760 : memref<79x128xi32, #tpu.memory_space<hbm>>) dst(%arg7 : memref<79x128xi32, #tpu.memory_space<vmem>>)
      tpu.yield
    }) : () -> ()
    "tpu.region"() ({
      %run_scoped3A = tpu.sem_alloc : memref<!tpu.dma_semaphore, #tpu.memory_space<semaphore_mem>>
      %dma_start3A_745 = arith.constant 0 : i32
      %dma_start3A_746 = arith.constant 0 : i32
      %dma_start3A_747 = tpu.memref_slice %arg5[%add3A, %dma_start3A_745, %dma_start3A_746] : memref<32x79x128xi32, #tpu.memory_space<hbm>> -> memref<1x79x128xi32, #tpu.memory_space<hbm>>
      %dma_start3A_748 = tpu.memref_squeeze %dma_start3A_747 : memref<1x79x128xi32, #tpu.memory_space<hbm>> -> memref<79x128xi32, #tpu.memory_space<hbm>>
      %dma_start3A_749 = arith.constant 0 : i32
      %dma_start3A_750 = arith.constant 0 : i32
      %dma_start3A_751 = tpu.memref_slice %arg5[%add3A, %dma_start3A_749, %dma_start3A_750] : memref<32x79x128xi32, #tpu.memory_space<hbm>> -> memref<1x79x128xi32, #tpu.memory_space<hbm>>
      %dma_start3A_752 = tpu.memref_squeeze %dma_start3A_751 : memref<1x79x128xi32, #tpu.memory_space<hbm>> -> memref<79x128xi32, #tpu.memory_space<hbm>>
      tpu.enqueue_dma source(%dma_start3A_752 : memref<79x128xi32, #tpu.memory_space<hbm>>) target(%arg8 : memref<79x128xi32, #tpu.memory_space<vmem>>) target_semaphore(%run_scoped3A : memref<!tpu.dma_semaphore, #tpu.memory_space<semaphore_mem>>)
      %dma_wait3A_753 = arith.constant 0 : i32
      %dma_wait3A_754 = arith.constant 0 : i32
      %dma_wait3A_755 = tpu.memref_slice %arg5[%add3A, %dma_wait3A_753, %dma_wait3A_754] : memref<32x79x128xi32, #tpu.memory_space<hbm>> -> memref<1x79x128xi32, #tpu.memory_space<hbm>>
      %dma_wait3A_756 = tpu.memref_squeeze %dma_wait3A_755 : memref<1x79x128xi32, #tpu.memory_space<hbm>> -> memref<79x128xi32, #tpu.memory_space<hbm>>
      %dma_wait3A_757 = arith.constant 0 : i32
      %dma_wait3A_758 = arith.constant 0 : i32
      %dma_wait3A_759 = tpu.memref_slice %arg5[%add3A, %dma_wait3A_757, %dma_wait3A_758] : memref<32x79x128xi32, #tpu.memory_space<hbm>> -> memref<1x79x128xi32, #tpu.memory_space<hbm>>
      %dma_wait3A_760 = tpu.memref_squeeze %dma_wait3A_759 : memref<1x79x128xi32, #tpu.memory_space<hbm>> -> memref<79x128xi32, #tpu.memory_space<hbm>>
      tpu.wait_dma2 semaphore(%run_scoped3A : memref<!tpu.dma_semaphore, #tpu.memory_space<semaphore_mem>>) src(%dma_wait3A_760 : memref<79x128xi32, #tpu.memory_space<hbm>>) dst(%arg8 : memref<79x128xi32, #tpu.memory_space<vmem>>)
      tpu.yield
    }) : () -> ()
    %mul3A_1 = arith.constant 624 : i32
    %mul3A_2 = arith.muli %arg1, %mul3A_1 : i32
    "tpu.region"() ({
      %run_scoped3A = tpu.sem_alloc : memref<!tpu.dma_semaphore, #tpu.memory_space<semaphore_mem>>
      %dma_start3A_745 = arith.constant 0 : i32
      %dma_start3A_746 = tpu.memref_slice %arg11[%mul3A_2, %dma_start3A_745] : memref<10000x16xf32, #tpu.memory_space<vmem_shared>> -> memref<624x16xf32, #tpu.memory_space<vmem_shared>>
      %dma_start3A_747 = arith.constant 0 : i32
      %dma_start3A_748 = tpu.memref_slice %arg2[%mul3A_2, %dma_start3A_747] : memref<10000x16xf32, #tpu.memory_space<hbm>> -> memref<624x16xf32, #tpu.memory_space<hbm>>
      tpu.enqueue_dma source(%dma_start3A_748 : memref<624x16xf32, #tpu.memory_space<hbm>>) target(%dma_start3A_746 : memref<624x16xf32, #tpu.memory_space<vmem_shared>>) target_semaphore(%run_scoped3A : memref<!tpu.dma_semaphore, #tpu.memory_space<semaphore_mem>>)
      %dma_wait3A_749 = arith.constant 0 : i32
      %dma_wait3A_750 = tpu.memref_slice %arg11[%mul3A_2, %dma_wait3A_749] : memref<10000x16xf32, #tpu.memory_space<vmem_shared>> -> memref<624x16xf32, #tpu.memory_space<vmem_shared>>
      %dma_wait3A_751 = arith.constant 0 : i32
      %dma_wait3A_752 = tpu.memref_slice %arg2[%mul3A_2, %dma_wait3A_751] : memref<10000x16xf32, #tpu.memory_space<hbm>> -> memref<624x16xf32, #tpu.memory_space<hbm>>
      tpu.wait_dma2 semaphore(%run_scoped3A : memref<!tpu.dma_semaphore, #tpu.memory_space<semaphore_mem>>) src(%dma_wait3A_752 : memref<624x16xf32, #tpu.memory_space<hbm>>) dst(%dma_wait3A_750 : memref<624x16xf32, #tpu.memory_space<vmem_shared>>)
      tpu.yield
    }) : () -> ()
    %eq3A = arith.constant 15 : i32
    %eq3A_3 = arith.cmpi eq, %arg1, %eq3A : i32
    %convert_element_type3A = arith.extui %eq3A_3 : i1 to i32
    %cond3A = arith.constant 0 : i32
    %cond3A_4 = arith.cmpi ne, %convert_element_type3A, %cond3A : i32
    scf.if %cond3A_4 {
      "tpu.region"() ({
        %run_scoped3A = tpu.sem_alloc : memref<!tpu.dma_semaphore, #tpu.memory_space<semaphore_mem>>
        %dma_start3A_745 = arith.constant 9984 : i32
        %dma_start3A_746 = arith.constant 0 : i32
        %dma_start3A_747 = tpu.memref_slice %arg11[%dma_start3A_745, %dma_start3A_746] : memref<10000x16xf32, #tpu.memory_space<vmem_shared>> -> memref<16x16xf32, #tpu.memory_space<vmem_shared>>
        %dma_start3A_748 = arith.constant 9984 : i32
        %dma_start3A_749 = arith.constant 0 : i32
        %dma_start3A_750 = tpu.memref_slice %arg2[%dma_start3A_748, %dma_start3A_749] : memref<10000x16xf32, #tpu.memory_space<hbm>> -> memref<16x16xf32, #tpu.memory_space<hbm>>
        tpu.enqueue_dma source(%dma_start3A_750 : memref<16x16xf32, #tpu.memory_space<hbm>>) target(%dma_start3A_747 : memref<16x16xf32, #tpu.memory_space<vmem_shared>>) target_semaphore(%run_scoped3A : memref<!tpu.dma_semaphore, #tpu.memory_space<semaphore_mem>>)
        %dma_wait3A_751 = arith.constant 9984 : i32
        %dma_wait3A_752 = arith.constant 0 : i32
        %dma_wait3A_753 = tpu.memref_slice %arg11[%dma_wait3A_751, %dma_wait3A_752] : memref<10000x16xf32, #tpu.memory_space<vmem_shared>> -> memref<16x16xf32, #tpu.memory_space<vmem_shared>>
        %dma_wait3A_754 = arith.constant 9984 : i32
        %dma_wait3A_755 = arith.constant 0 : i32
        %dma_wait3A_756 = tpu.memref_slice %arg2[%dma_wait3A_754, %dma_wait3A_755] : memref<10000x16xf32, #tpu.memory_space<hbm>> -> memref<16x16xf32, #tpu.memory_space<hbm>>
        tpu.wait_dma2 semaphore(%run_scoped3A : memref<!tpu.dma_semaphore, #tpu.memory_space<semaphore_mem>>) src(%dma_wait3A_756 : memref<16x16xf32, #tpu.memory_space<hbm>>) dst(%dma_wait3A_753 : memref<16x16xf32, #tpu.memory_space<vmem_shared>>)
        tpu.yield
      }) : () -> ()
    } else {
    }
    %eq3A_5 = arith.constant 0 : i32
    %eq3A_6 = arith.cmpi eq, %arg0, %eq3A_5 : i32
    %convert_element_type3A_7 = arith.extui %eq3A_6 : i1 to i32
    %cond3A_8 = arith.constant 0 : i32
    %cond3A_9 = arith.cmpi ne, %convert_element_type3A_7, %cond3A_8 : i32
    scf.if %cond3A_9 {
      %mul3A_745 = arith.constant 624 : i32
      %mul3A_746 = arith.muli %arg1, %mul3A_745 : i32
      "tpu.region"() ({
        %run_scoped3A = tpu.sem_alloc : memref<!tpu.dma_semaphore, #tpu.memory_space<semaphore_mem>>
        %dma_start3A_752 = arith.constant 0 : i32
        %dma_start3A_753 = tpu.memref_slice %arg10[%mul3A_746, %dma_start3A_752] : memref<10128x16xf32, #tpu.memory_space<vmem_shared>> -> memref<624x16xf32, #tpu.memory_space<vmem_shared>>
        %dma_start3A_754 = arith.constant 0 : i32
        %dma_start3A_755 = tpu.memref_slice %arg2[%mul3A_746, %dma_start3A_754] : memref<10000x16xf32, #tpu.memory_space<hbm>> -> memref<624x16xf32, #tpu.memory_space<hbm>>
        tpu.enqueue_dma source(%dma_start3A_755 : memref<624x16xf32, #tpu.memory_space<hbm>>) target(%dma_start3A_753 : memref<624x16xf32, #tpu.memory_space<vmem_shared>>) target_semaphore(%run_scoped3A : memref<!tpu.dma_semaphore, #tpu.memory_space<semaphore_mem>>)
        %dma_wait3A_756 = arith.constant 0 : i32
        %dma_wait3A_757 = tpu.memref_slice %arg10[%mul3A_746, %dma_wait3A_756] : memref<10128x16xf32, #tpu.memory_space<vmem_shared>> -> memref<624x16xf32, #tpu.memory_space<vmem_shared>>
        %dma_wait3A_758 = arith.constant 0 : i32
        %dma_wait3A_759 = tpu.memref_slice %arg2[%mul3A_746, %dma_wait3A_758] : memref<10000x16xf32, #tpu.memory_space<hbm>> -> memref<624x16xf32, #tpu.memory_space<hbm>>
        tpu.wait_dma2 semaphore(%run_scoped3A : memref<!tpu.dma_semaphore, #tpu.memory_space<semaphore_mem>>) src(%dma_wait3A_759 : memref<624x16xf32, #tpu.memory_space<hbm>>) dst(%dma_wait3A_757 : memref<624x16xf32, #tpu.memory_space<vmem_shared>>)
        tpu.yield
      }) : () -> ()
      %eq3A_747 = arith.constant 15 : i32
      %eq3A_748 = arith.cmpi eq, %arg1, %eq3A_747 : i32
      %convert_element_type3A_749 = arith.extui %eq3A_748 : i1 to i32
      %cond3A_750 = arith.constant 0 : i32
      %cond3A_751 = arith.cmpi ne, %convert_element_type3A_749, %cond3A_750 : i32
      scf.if %cond3A_751 {
        "tpu.region"() ({
          %run_scoped3A = tpu.sem_alloc : memref<!tpu.dma_semaphore, #tpu.memory_space<semaphore_mem>>
          %dma_start3A_752 = arith.constant 9984 : i32
          %dma_start3A_753 = arith.constant 0 : i32
          %dma_start3A_754 = tpu.memref_slice %arg10[%dma_start3A_752, %dma_start3A_753] : memref<10128x16xf32, #tpu.memory_space<vmem_shared>> -> memref<16x16xf32, #tpu.memory_space<vmem_shared>>
          %dma_start3A_755 = arith.constant 9984 : i32
          %dma_start3A_756 = arith.constant 0 : i32
          %dma_start3A_757 = tpu.memref_slice %arg2[%dma_start3A_755, %dma_start3A_756] : memref<10000x16xf32, #tpu.memory_space<hbm>> -> memref<16x16xf32, #tpu.memory_space<hbm>>
          tpu.enqueue_dma source(%dma_start3A_757 : memref<16x16xf32, #tpu.memory_space<hbm>>) target(%dma_start3A_754 : memref<16x16xf32, #tpu.memory_space<vmem_shared>>) target_semaphore(%run_scoped3A : memref<!tpu.dma_semaphore, #tpu.memory_space<semaphore_mem>>)
          %dma_wait3A_758 = arith.constant 9984 : i32
          %dma_wait3A_759 = arith.constant 0 : i32
          %dma_wait3A_760 = tpu.memref_slice %arg10[%dma_wait3A_758, %dma_wait3A_759] : memref<10128x16xf32, #tpu.memory_space<vmem_shared>> -> memref<16x16xf32, #tpu.memory_space<vmem_shared>>
          %dma_wait3A_761 = arith.constant 9984 : i32
          %dma_wait3A_762 = arith.constant 0 : i32
          %dma_wait3A_763 = tpu.memref_slice %arg2[%dma_wait3A_761, %dma_wait3A_762] : memref<10000x16xf32, #tpu.memory_space<hbm>> -> memref<16x16xf32, #tpu.memory_space<hbm>>
          tpu.wait_dma2 semaphore(%run_scoped3A : memref<!tpu.dma_semaphore, #tpu.memory_space<semaphore_mem>>) src(%dma_wait3A_763 : memref<16x16xf32, #tpu.memory_space<hbm>>) dst(%dma_wait3A_760 : memref<16x16xf32, #tpu.memory_space<vmem_shared>>)
          tpu.yield
        }) : () -> ()
      } else {
      }
    } else {
    }
    %ne3A = arith.constant 0 : i32
    %ne3A_10 = arith.cmpi ne, %arg0, %ne3A : i32
    %convert_element_type3A_11 = arith.extui %ne3A_10 : i1 to i32
    %cond3A_12 = arith.constant 0 : i32
    %cond3A_13 = arith.cmpi ne, %convert_element_type3A_11, %cond3A_12 : i32
    scf.if %cond3A_13 {
      %mul3A_745 = arith.constant 624 : i32
      %mul3A_746 = arith.muli %arg1, %mul3A_745 : i32
      %add3A_747 = arith.constant 0 : i32
      %add3A_748 = arith.addi %mul3A_746, %add3A_747 : i32
      "tpu.region"() ({
        %run_scoped3A = tpu.sem_alloc : memref<!tpu.dma_semaphore, #tpu.memory_space<semaphore_mem>>
        %dma_start3A_762 = arith.constant 0 : i32
        %dma_start3A_763 = tpu.memref_slice %arg10[%add3A_748, %dma_start3A_762] : memref<10128x16xf32, #tpu.memory_space<vmem_shared>> -> memref<128x16xf32, #tpu.memory_space<vmem_shared>>
        %dma_start3A_764 = arith.constant 0 : i32
        %dma_start3A_765 = arith.constant 0 : i32
        %dma_start3A_766 = tpu.memref_slice %arg3[%dma_start3A_764, %dma_start3A_765] : memref<128x16xf32, #tpu.memory_space<hbm>> -> memref<128x16xf32, #tpu.memory_space<hbm>>
        tpu.enqueue_dma source(%dma_start3A_766 : memref<128x16xf32, #tpu.memory_space<hbm>>) target(%dma_start3A_763 : memref<128x16xf32, #tpu.memory_space<vmem_shared>>) target_semaphore(%run_scoped3A : memref<!tpu.dma_semaphore, #tpu.memory_space<semaphore_mem>>)
        %dma_wait3A_767 = arith.constant 0 : i32
        %dma_wait3A_768 = tpu.memref_slice %arg10[%add3A_748, %dma_wait3A_767] : memref<10128x16xf32, #tpu.memory_space<vmem_shared>> -> memref<128x16xf32, #tpu.memory_space<vmem_shared>>
        %dma_wait3A_769 = arith.constant 0 : i32
        %dma_wait3A_770 = arith.constant 0 : i32
        %dma_wait3A_771 = tpu.memref_slice %arg3[%dma_wait3A_769, %dma_wait3A_770] : memref<128x16xf32, #tpu.memory_space<hbm>> -> memref<128x16xf32, #tpu.memory_space<hbm>>
        tpu.wait_dma2 semaphore(%run_scoped3A : memref<!tpu.dma_semaphore, #tpu.memory_space<semaphore_mem>>) src(%dma_wait3A_771 : memref<128x16xf32, #tpu.memory_space<hbm>>) dst(%dma_wait3A_768 : memref<128x16xf32, #tpu.memory_space<vmem_shared>>)
        tpu.yield
      }) : () -> ()
      %add3A_749 = arith.constant 128 : i32
      %add3A_750 = arith.addi %mul3A_746, %add3A_749 : i32
      "tpu.region"() ({
        %run_scoped3A = tpu.sem_alloc : memref<!tpu.dma_semaphore, #tpu.memory_space<semaphore_mem>>
        %dma_start3A_762 = arith.constant 0 : i32
        %dma_start3A_763 = tpu.memref_slice %arg10[%add3A_750, %dma_start3A_762] : memref<10128x16xf32, #tpu.memory_space<vmem_shared>> -> memref<128x16xf32, #tpu.memory_space<vmem_shared>>
        %dma_start3A_764 = arith.constant 0 : i32
        %dma_start3A_765 = arith.constant 0 : i32
        %dma_start3A_766 = tpu.memref_slice %arg3[%dma_start3A_764, %dma_start3A_765] : memref<128x16xf32, #tpu.memory_space<hbm>> -> memref<128x16xf32, #tpu.memory_space<hbm>>
        tpu.enqueue_dma source(%dma_start3A_766 : memref<128x16xf32, #tpu.memory_space<hbm>>) target(%dma_start3A_763 : memref<128x16xf32, #tpu.memory_space<vmem_shared>>) target_semaphore(%run_scoped3A : memref<!tpu.dma_semaphore, #tpu.memory_space<semaphore_mem>>)
        %dma_wait3A_767 = arith.constant 0 : i32
        %dma_wait3A_768 = tpu.memref_slice %arg10[%add3A_750, %dma_wait3A_767] : memref<10128x16xf32, #tpu.memory_space<vmem_shared>> -> memref<128x16xf32, #tpu.memory_space<vmem_shared>>
        %dma_wait3A_769 = arith.constant 0 : i32
        %dma_wait3A_770 = arith.constant 0 : i32
        %dma_wait3A_771 = tpu.memref_slice %arg3[%dma_wait3A_769, %dma_wait3A_770] : memref<128x16xf32, #tpu.memory_space<hbm>> -> memref<128x16xf32, #tpu.memory_space<hbm>>
        tpu.wait_dma2 semaphore(%run_scoped3A : memref<!tpu.dma_semaphore, #tpu.memory_space<semaphore_mem>>) src(%dma_wait3A_771 : memref<128x16xf32, #tpu.memory_space<hbm>>) dst(%dma_wait3A_768 : memref<128x16xf32, #tpu.memory_space<vmem_shared>>)
        tpu.yield
      }) : () -> ()
      %add3A_751 = arith.constant 256 : i32
      %add3A_752 = arith.addi %mul3A_746, %add3A_751 : i32
      "tpu.region"() ({
        %run_scoped3A = tpu.sem_alloc : memref<!tpu.dma_semaphore, #tpu.memory_space<semaphore_mem>>
        %dma_start3A_762 = arith.constant 0 : i32
        %dma_start3A_763 = tpu.memref_slice %arg10[%add3A_752, %dma_start3A_762] : memref<10128x16xf32, #tpu.memory_space<vmem_shared>> -> memref<128x16xf32, #tpu.memory_space<vmem_shared>>
        %dma_start3A_764 = arith.constant 0 : i32
        %dma_start3A_765 = arith.constant 0 : i32
        %dma_start3A_766 = tpu.memref_slice %arg3[%dma_start3A_764, %dma_start3A_765] : memref<128x16xf32, #tpu.memory_space<hbm>> -> memref<128x16xf32, #tpu.memory_space<hbm>>
        tpu.enqueue_dma source(%dma_start3A_766 : memref<128x16xf32, #tpu.memory_space<hbm>>) target(%dma_start3A_763 : memref<128x16xf32, #tpu.memory_space<vmem_shared>>) target_semaphore(%run_scoped3A : memref<!tpu.dma_semaphore, #tpu.memory_space<semaphore_mem>>)
        %dma_wait3A_767 = arith.constant 0 : i32
        %dma_wait3A_768 = tpu.memref_slice %arg10[%add3A_752, %dma_wait3A_767] : memref<10128x16xf32, #tpu.memory_space<vmem_shared>> -> memref<128x16xf32, #tpu.memory_space<vmem_shared>>
        %dma_wait3A_769 = arith.constant 0 : i32
        %dma_wait3A_770 = arith.constant 0 : i32
        %dma_wait3A_771 = tpu.memref_slice %arg3[%dma_wait3A_769, %dma_wait3A_770] : memref<128x16xf32, #tpu.memory_space<hbm>> -> memref<128x16xf32, #tpu.memory_space<hbm>>
        tpu.wait_dma2 semaphore(%run_scoped3A : memref<!tpu.dma_semaphore, #tpu.memory_space<semaphore_mem>>) src(%dma_wait3A_771 : memref<128x16xf32, #tpu.memory_space<hbm>>) dst(%dma_wait3A_768 : memref<128x16xf32, #tpu.memory_space<vmem_shared>>)
        tpu.yield
      }) : () -> ()
      %add3A_753 = arith.constant 384 : i32
      %add3A_754 = arith.addi %mul3A_746, %add3A_753 : i32
      "tpu.region"() ({
        %run_scoped3A = tpu.sem_alloc : memref<!tpu.dma_semaphore, #tpu.memory_space<semaphore_mem>>
        %dma_start3A_762 = arith.constant 0 : i32
        %dma_start3A_763 = tpu.memref_slice %arg10[%add3A_754, %dma_start3A_762] : memref<10128x16xf32, #tpu.memory_space<vmem_shared>> -> memref<128x16xf32, #tpu.memory_space<vmem_shared>>
        %dma_start3A_764 = arith.constant 0 : i32
        %dma_start3A_765 = arith.constant 0 : i32
        %dma_start3A_766 = tpu.memref_slice %arg3[%dma_start3A_764, %dma_start3A_765] : memref<128x16xf32, #tpu.memory_space<hbm>> -> memref<128x16xf32, #tpu.memory_space<hbm>>
        tpu.enqueue_dma source(%dma_start3A_766 : memref<128x16xf32, #tpu.memory_space<hbm>>) target(%dma_start3A_763 : memref<128x16xf32, #tpu.memory_space<vmem_shared>>) target_semaphore(%run_scoped3A : memref<!tpu.dma_semaphore, #tpu.memory_space<semaphore_mem>>)
        %dma_wait3A_767 = arith.constant 0 : i32
        %dma_wait3A_768 = tpu.memref_slice %arg10[%add3A_754, %dma_wait3A_767] : memref<10128x16xf32, #tpu.memory_space<vmem_shared>> -> memref<128x16xf32, #tpu.memory_space<vmem_shared>>
        %dma_wait3A_769 = arith.constant 0 : i32
        %dma_wait3A_770 = arith.constant 0 : i32
        %dma_wait3A_771 = tpu.memref_slice %arg3[%dma_wait3A_769, %dma_wait3A_770] : memref<128x16xf32, #tpu.memory_space<hbm>> -> memref<128x16xf32, #tpu.memory_space<hbm>>
        tpu.wait_dma2 semaphore(%run_scoped3A : memref<!tpu.dma_semaphore, #tpu.memory_space<semaphore_mem>>) src(%dma_wait3A_771 : memref<128x16xf32, #tpu.memory_space<hbm>>) dst(%dma_wait3A_768 : memref<128x16xf32, #tpu.memory_space<vmem_shared>>)
        tpu.yield
      }) : () -> ()
      %add3A_755 = arith.constant 512 : i32
      %add3A_756 = arith.addi %mul3A_746, %add3A_755 : i32
      "tpu.region"() ({
        %run_scoped3A = tpu.sem_alloc : memref<!tpu.dma_semaphore, #tpu.memory_space<semaphore_mem>>
        %dma_start3A_762 = arith.constant 0 : i32
        %dma_start3A_763 = tpu.memref_slice %arg10[%add3A_756, %dma_start3A_762] : memref<10128x16xf32, #tpu.memory_space<vmem_shared>> -> memref<112x16xf32, #tpu.memory_space<vmem_shared>>
        %dma_start3A_764 = arith.constant 0 : i32
        %dma_start3A_765 = arith.constant 0 : i32
        %dma_start3A_766 = tpu.memref_slice %arg3[%dma_start3A_764, %dma_start3A_765] : memref<128x16xf32, #tpu.memory_space<hbm>> -> memref<112x16xf32, #tpu.memory_space<hbm>>
        tpu.enqueue_dma source(%dma_start3A_766 : memref<112x16xf32, #tpu.memory_space<hbm>>) target(%dma_start3A_763 : memref<112x16xf32, #tpu.memory_space<vmem_shared>>) target_semaphore(%run_scoped3A : memref<!tpu.dma_semaphore, #tpu.memory_space<semaphore_mem>>)
        %dma_wait3A_767 = arith.constant 0 : i32
        %dma_wait3A_768 = tpu.memref_slice %arg10[%add3A_756, %dma_wait3A_767] : memref<10128x16xf32, #tpu.memory_space<vmem_shared>> -> memref<112x16xf32, #tpu.memory_space<vmem_shared>>
        %dma_wait3A_769 = arith.constant 0 : i32
        %dma_wait3A_770 = arith.constant 0 : i32
        %dma_wait3A_771 = tpu.memref_slice %arg3[%dma_wait3A_769, %dma_wait3A_770] : memref<128x16xf32, #tpu.memory_space<hbm>> -> memref<112x16xf32, #tpu.memory_space<hbm>>
        tpu.wait_dma2 semaphore(%run_scoped3A : memref<!tpu.dma_semaphore, #tpu.memory_space<semaphore_mem>>) src(%dma_wait3A_771 : memref<112x16xf32, #tpu.memory_space<hbm>>) dst(%dma_wait3A_768 : memref<112x16xf32, #tpu.memory_space<vmem_shared>>)
        tpu.yield
      }) : () -> ()
      %eq3A_757 = arith.constant 15 : i32
      %eq3A_758 = arith.cmpi eq, %arg1, %eq3A_757 : i32
      %convert_element_type3A_759 = arith.extui %eq3A_758 : i1 to i32
      %cond3A_760 = arith.constant 0 : i32
      %cond3A_761 = arith.cmpi ne, %convert_element_type3A_759, %cond3A_760 : i32
      scf.if %cond3A_761 {
        "tpu.region"() ({
          %run_scoped3A = tpu.sem_alloc : memref<!tpu.dma_semaphore, #tpu.memory_space<semaphore_mem>>
          %dma_start3A_762 = arith.constant 9984 : i32
          %dma_start3A_763 = arith.constant 0 : i32
          %dma_start3A_764 = tpu.memref_slice %arg10[%dma_start3A_762, %dma_start3A_763] : memref<10128x16xf32, #tpu.memory_space<vmem_shared>> -> memref<16x16xf32, #tpu.memory_space<vmem_shared>>
          %dma_start3A_765 = arith.constant 0 : i32
          %dma_start3A_766 = arith.constant 0 : i32
          %dma_start3A_767 = tpu.memref_slice %arg3[%dma_start3A_765, %dma_start3A_766] : memref<128x16xf32, #tpu.memory_space<hbm>> -> memref<16x16xf32, #tpu.memory_space<hbm>>
          tpu.enqueue_dma source(%dma_start3A_767 : memref<16x16xf32, #tpu.memory_space<hbm>>) target(%dma_start3A_764 : memref<16x16xf32, #tpu.memory_space<vmem_shared>>) target_semaphore(%run_scoped3A : memref<!tpu.dma_semaphore, #tpu.memory_space<semaphore_mem>>)
          %dma_wait3A_768 = arith.constant 9984 : i32
          %dma_wait3A_769 = arith.constant 0 : i32
          %dma_wait3A_770 = tpu.memref_slice %arg10[%dma_wait3A_768, %dma_wait3A_769] : memref<10128x16xf32, #tpu.memory_space<vmem_shared>> -> memref<16x16xf32, #tpu.memory_space<vmem_shared>>
          %dma_wait3A_771 = arith.constant 0 : i32
          %dma_wait3A_772 = arith.constant 0 : i32
          %dma_wait3A_773 = tpu.memref_slice %arg3[%dma_wait3A_771, %dma_wait3A_772] : memref<128x16xf32, #tpu.memory_space<hbm>> -> memref<16x16xf32, #tpu.memory_space<hbm>>
          tpu.wait_dma2 semaphore(%run_scoped3A : memref<!tpu.dma_semaphore, #tpu.memory_space<semaphore_mem>>) src(%dma_wait3A_773 : memref<16x16xf32, #tpu.memory_space<hbm>>) dst(%dma_wait3A_770 : memref<16x16xf32, #tpu.memory_space<vmem_shared>>)
          tpu.yield
        }) : () -> ()
      } else {
      }
    } else {
    }
    %barrier3A = arith.constant 0 : index
    tpu.barrier barrier_id(%barrier3A)
    %dma_start3A = arith.constant 0 : i32
    %dma_start3A_14 = arith.constant 0 : i32
    %dma_start3A_15 = arith.constant 0 : i32
    %dma_start3A_16 = arith.constant 0 : i32
    %dma_start3A_17 = tpu.memref_slice %arg9[%dma_start3A_14, %dma_start3A_15, %dma_start3A_16] : memref<8x128x16xf32, #tpu.memory_space<vmem>> -> memref<1x128x16xf32, #tpu.memory_space<vmem>>
    %dma_start3A_18 = tpu.memref_squeeze %dma_start3A_17 : memref<1x128x16xf32, #tpu.memory_space<vmem>> -> memref<128x16xf32, #tpu.memory_space<vmem>>
    %dma_start3A_19 = arith.constant 0 : i32
    %dma_start3A_20 = tpu.memref_slice %arg7[%dma_start3A, %dma_start3A_19] : memref<79x128xi32, #tpu.memory_space<vmem>> -> memref<1x128xi32, #tpu.memory_space<vmem>>
    %dma_start3A_21 = tpu.memref_squeeze %dma_start3A_20 : memref<1x128xi32, #tpu.memory_space<vmem>> -> memref<128xi32, #tpu.memory_space<vmem>>
    %dma_start3A_22 = arith.constant 0 : i32
    %dma_start3A_23 = arith.constant 0 : i32
    %dma_start3A_24 = tpu.memref_slice %arg11[%dma_start3A_22, %dma_start3A_23] : memref<10000x16xf32, #tpu.memory_space<vmem_shared>> -> memref<10000x16xf32, #tpu.memory_space<vmem_shared>>
    tpu.enqueue_indirect_dma source(%dma_start3A_24 : memref<10000x16xf32, #tpu.memory_space<vmem_shared>>) target(%dma_start3A_18 : memref<128x16xf32, #tpu.memory_space<vmem>>) offsets(%dma_start3A_21 : memref<128xi32, #tpu.memory_space<vmem>>) semaphore(%arg12 : memref<!tpu.dma_semaphore, #tpu.memory_space<semaphore_mem>>)
    %dma_start3A_25 = arith.constant 1 : i32
    %dma_start3A_26 = arith.constant 1 : i32
    %dma_start3A_27 = arith.constant 0 : i32
    %dma_start3A_28 = arith.constant 0 : i32
    %dma_start3A_29 = tpu.memref_slice %arg9[%dma_start3A_26, %dma_start3A_27, %dma_start3A_28] : memref<8x128x16xf32, #tpu.memory_space<vmem>> -> memref<1x128x16xf32, #tpu.memory_space<vmem>>
    %dma_start3A_30 = tpu.memref_squeeze %dma_start3A_29 : memref<1x128x16xf32, #tpu.memory_space<vmem>> -> memref<128x16xf32, #tpu.memory_space<vmem>>
    %dma_start3A_31 = arith.constant 0 : i32
    %dma_start3A_32 = tpu.memref_slice %arg7[%dma_start3A_25, %dma_start3A_31] : memref<79x128xi32, #tpu.memory_space<vmem>> -> memref<1x128xi32, #tpu.memory_space<vmem>>
    %dma_start3A_33 = tpu.memref_squeeze %dma_start3A_32 : memref<1x128xi32, #tpu.memory_space<vmem>> -> memref<128xi32, #tpu.memory_space<vmem>>
    %dma_start3A_34 = arith.constant 0 : i32
    %dma_start3A_35 = arith.constant 0 : i32
    %dma_start3A_36 = tpu.memref_slice %arg11[%dma_start3A_34, %dma_start3A_35] : memref<10000x16xf32, #tpu.memory_space<vmem_shared>> -> memref<10000x16xf32, #tpu.memory_space<vmem_shared>>
    tpu.enqueue_indirect_dma source(%dma_start3A_36 : memref<10000x16xf32, #tpu.memory_space<vmem_shared>>) target(%dma_start3A_30 : memref<128x16xf32, #tpu.memory_space<vmem>>) offsets(%dma_start3A_33 : memref<128xi32, #tpu.memory_space<vmem>>) semaphore(%arg13 : memref<!tpu.dma_semaphore, #tpu.memory_space<semaphore_mem>>)
    %dma_start3A_37 = arith.constant 2 : i32
    %dma_start3A_38 = arith.constant 2 : i32
    %dma_start3A_39 = arith.constant 0 : i32
    %dma_start3A_40 = arith.constant 0 : i32
    %dma_start3A_41 = tpu.memref_slice %arg9[%dma_start3A_38, %dma_start3A_39, %dma_start3A_40] : memref<8x128x16xf32, #tpu.memory_space<vmem>> -> memref<1x128x16xf32, #tpu.memory_space<vmem>>
    %dma_start3A_42 = tpu.memref_squeeze %dma_start3A_41 : memref<1x128x16xf32, #tpu.memory_space<vmem>> -> memref<128x16xf32, #tpu.memory_space<vmem>>
    %dma_start3A_43 = arith.constant 0 : i32
    %dma_start3A_44 = tpu.memref_slice %arg7[%dma_start3A_37, %dma_start3A_43] : memref<79x128xi32, #tpu.memory_space<vmem>> -> memref<1x128xi32, #tpu.memory_space<vmem>>
    %dma_start3A_45 = tpu.memref_squeeze %dma_start3A_44 : memref<1x128xi32, #tpu.memory_space<vmem>> -> memref<128xi32, #tpu.memory_space<vmem>>
    %dma_start3A_46 = arith.constant 0 : i32
    %dma_start3A_47 = arith.constant 0 : i32
    %dma_start3A_48 = tpu.memref_slice %arg11[%dma_start3A_46, %dma_start3A_47] : memref<10000x16xf32, #tpu.memory_space<vmem_shared>> -> memref<10000x16xf32, #tpu.memory_space<vmem_shared>>
    tpu.enqueue_indirect_dma source(%dma_start3A_48 : memref<10000x16xf32, #tpu.memory_space<vmem_shared>>) target(%dma_start3A_42 : memref<128x16xf32, #tpu.memory_space<vmem>>) offsets(%dma_start3A_45 : memref<128xi32, #tpu.memory_space<vmem>>) semaphore(%arg14 : memref<!tpu.dma_semaphore, #tpu.memory_space<semaphore_mem>>)
    %dma_start3A_49 = arith.constant 3 : i32
    %dma_start3A_50 = arith.constant 3 : i32
    %dma_start3A_51 = arith.constant 0 : i32
    %dma_start3A_52 = arith.constant 0 : i32
    %dma_start3A_53 = tpu.memref_slice %arg9[%dma_start3A_50, %dma_start3A_51, %dma_start3A_52] : memref<8x128x16xf32, #tpu.memory_space<vmem>> -> memref<1x128x16xf32, #tpu.memory_space<vmem>>
    %dma_start3A_54 = tpu.memref_squeeze %dma_start3A_53 : memref<1x128x16xf32, #tpu.memory_space<vmem>> -> memref<128x16xf32, #tpu.memory_space<vmem>>
    %dma_start3A_55 = arith.constant 0 : i32
    %dma_start3A_56 = tpu.memref_slice %arg7[%dma_start3A_49, %dma_start3A_55] : memref<79x128xi32, #tpu.memory_space<vmem>> -> memref<1x128xi32, #tpu.memory_space<vmem>>
    %dma_start3A_57 = tpu.memref_squeeze %dma_start3A_56 : memref<1x128xi32, #tpu.memory_space<vmem>> -> memref<128xi32, #tpu.memory_space<vmem>>
    %dma_start3A_58 = arith.constant 0 : i32
    %dma_start3A_59 = arith.constant 0 : i32
    %dma_start3A_60 = tpu.memref_slice %arg11[%dma_start3A_58, %dma_start3A_59] : memref<10000x16xf32, #tpu.memory_space<vmem_shared>> -> memref<10000x16xf32, #tpu.memory_space<vmem_shared>>
    tpu.enqueue_indirect_dma source(%dma_start3A_60 : memref<10000x16xf32, #tpu.memory_space<vmem_shared>>) target(%dma_start3A_54 : memref<128x16xf32, #tpu.memory_space<vmem>>) offsets(%dma_start3A_57 : memref<128xi32, #tpu.memory_space<vmem>>) semaphore(%arg15 : memref<!tpu.dma_semaphore, #tpu.memory_space<semaphore_mem>>)
    %dma_wait3A = arith.constant 0 : i32
    %dma_wait3A_61 = arith.constant 0 : i32
    %dma_wait3A_62 = arith.constant 0 : i32
    %dma_wait3A_63 = arith.constant 0 : i32
    %dma_wait3A_64 = tpu.memref_slice %arg9[%dma_wait3A_61, %dma_wait3A_62, %dma_wait3A_63] : memref<8x128x16xf32, #tpu.memory_space<vmem>> -> memref<1x128x16xf32, #tpu.memory_space<vmem>>
    %dma_wait3A_65 = tpu.memref_squeeze %dma_wait3A_64 : memref<1x128x16xf32, #tpu.memory_space<vmem>> -> memref<128x16xf32, #tpu.memory_space<vmem>>
    %dma_wait3A_66 = arith.constant 0 : i32
    %dma_wait3A_67 = tpu.memref_slice %arg7[%dma_wait3A, %dma_wait3A_66] : memref<79x128xi32, #tpu.memory_space<vmem>> -> memref<1x128xi32, #tpu.memory_space<vmem>>
    %dma_wait3A_68 = tpu.memref_squeeze %dma_wait3A_67 : memref<1x128xi32, #tpu.memory_space<vmem>> -> memref<128xi32, #tpu.memory_space<vmem>>
    %dma_wait3A_69 = arith.constant 0 : i32
    %dma_wait3A_70 = arith.constant 0 : i32
    %dma_wait3A_71 = tpu.memref_slice %arg11[%dma_wait3A_69, %dma_wait3A_70] : memref<10000x16xf32, #tpu.memory_space<vmem_shared>> -> memref<10000x16xf32, #tpu.memory_space<vmem_shared>>
    tpu.wait_indirect_dma semaphore(%arg12 : memref<!tpu.dma_semaphore, #tpu.memory_space<semaphore_mem>>) src(%dma_wait3A_71 : memref<10000x16xf32, #tpu.memory_space<vmem_shared>>) dst(%dma_wait3A_65 : memref<128x16xf32, #tpu.memory_space<vmem>>)
    %dma_start3A_72 = arith.constant 0 : i32
    %dma_start3A_73 = arith.constant 0 : i32
    %dma_start3A_74 = arith.constant 0 : i32
    %dma_start3A_75 = arith.constant 0 : i32
    %dma_start3A_76 = tpu.memref_slice %arg9[%dma_start3A_72, %dma_start3A_74, %dma_start3A_75] : memref<8x128x16xf32, #tpu.memory_space<vmem>> -> memref<1x128x16xf32, #tpu.memory_space<vmem>>
    %dma_start3A_77 = tpu.memref_squeeze %dma_start3A_76 : memref<1x128x16xf32, #tpu.memory_space<vmem>> -> memref<128x16xf32, #tpu.memory_space<vmem>>
    %dma_start3A_78 = arith.constant 0 : i32
    %dma_start3A_79 = tpu.memref_slice %arg8[%dma_start3A_73, %dma_start3A_78] : memref<79x128xi32, #tpu.memory_space<vmem>> -> memref<1x128xi32, #tpu.memory_space<vmem>>
    %dma_start3A_80 = tpu.memref_squeeze %dma_start3A_79 : memref<1x128xi32, #tpu.memory_space<vmem>> -> memref<128xi32, #tpu.memory_space<vmem>>
    %dma_start3A_81 = arith.constant 0 : i32
    %dma_start3A_82 = arith.constant 0 : i32
    %dma_start3A_83 = tpu.memref_slice %arg10[%dma_start3A_81, %dma_start3A_82] : memref<10128x16xf32, #tpu.memory_space<vmem_shared>> -> memref<10128x16xf32, #tpu.memory_space<vmem_shared>>
    tpu.enqueue_indirect_dma source(%dma_start3A_77 : memref<128x16xf32, #tpu.memory_space<vmem>>) target(%dma_start3A_83 : memref<10128x16xf32, #tpu.memory_space<vmem_shared>>) offsets(%dma_start3A_80 : memref<128xi32, #tpu.memory_space<vmem>>) semaphore(%arg16 : memref<!tpu.dma_semaphore, #tpu.memory_space<semaphore_mem>>) {add = true}
    %dma_start3A_84 = arith.constant 4 : i32
    %dma_start3A_85 = arith.constant 4 : i32
    %dma_start3A_86 = arith.constant 0 : i32
    %dma_start3A_87 = arith.constant 0 : i32
    %dma_start3A_88 = tpu.memref_slice %arg9[%dma_start3A_85, %dma_start3A_86, %dma_start3A_87] : memref<8x128x16xf32, #tpu.memory_space<vmem>> -> memref<1x128x16xf32, #tpu.memory_space<vmem>>
    %dma_start3A_89 = tpu.memref_squeeze %dma_start3A_88 : memref<1x128x16xf32, #tpu.memory_space<vmem>> -> memref<128x16xf32, #tpu.memory_space<vmem>>
    %dma_start3A_90 = arith.constant 0 : i32
    %dma_start3A_91 = tpu.memref_slice %arg7[%dma_start3A_84, %dma_start3A_90] : memref<79x128xi32, #tpu.memory_space<vmem>> -> memref<1x128xi32, #tpu.memory_space<vmem>>
    %dma_start3A_92 = tpu.memref_squeeze %dma_start3A_91 : memref<1x128xi32, #tpu.memory_space<vmem>> -> memref<128xi32, #tpu.memory_space<vmem>>
    %dma_start3A_93 = arith.constant 0 : i32
    %dma_start3A_94 = arith.constant 0 : i32
    %dma_start3A_95 = tpu.memref_slice %arg11[%dma_start3A_93, %dma_start3A_94] : memref<10000x16xf32, #tpu.memory_space<vmem_shared>> -> memref<10000x16xf32, #tpu.memory_space<vmem_shared>>
    tpu.enqueue_indirect_dma source(%dma_start3A_95 : memref<10000x16xf32, #tpu.memory_space<vmem_shared>>) target(%dma_start3A_89 : memref<128x16xf32, #tpu.memory_space<vmem>>) offsets(%dma_start3A_92 : memref<128xi32, #tpu.memory_space<vmem>>) semaphore(%arg12 : memref<!tpu.dma_semaphore, #tpu.memory_space<semaphore_mem>>)
    %dma_wait3A_96 = arith.constant 1 : i32
    %dma_wait3A_97 = arith.constant 1 : i32
    %dma_wait3A_98 = arith.constant 0 : i32
    %dma_wait3A_99 = arith.constant 0 : i32
    %dma_wait3A_100 = tpu.memref_slice %arg9[%dma_wait3A_97, %dma_wait3A_98, %dma_wait3A_99] : memref<8x128x16xf32, #tpu.memory_space<vmem>> -> memref<1x128x16xf32, #tpu.memory_space<vmem>>
    %dma_wait3A_101 = tpu.memref_squeeze %dma_wait3A_100 : memref<1x128x16xf32, #tpu.memory_space<vmem>> -> memref<128x16xf32, #tpu.memory_space<vmem>>
    %dma_wait3A_102 = arith.constant 0 : i32
    %dma_wait3A_103 = tpu.memref_slice %arg7[%dma_wait3A_96, %dma_wait3A_102] : memref<79x128xi32, #tpu.memory_space<vmem>> -> memref<1x128xi32, #tpu.memory_space<vmem>>
    %dma_wait3A_104 = tpu.memref_squeeze %dma_wait3A_103 : memref<1x128xi32, #tpu.memory_space<vmem>> -> memref<128xi32, #tpu.memory_space<vmem>>
    %dma_wait3A_105 = arith.constant 0 : i32
    %dma_wait3A_106 = arith.constant 0 : i32
    %dma_wait3A_107 = tpu.memref_slice %arg11[%dma_wait3A_105, %dma_wait3A_106] : memref<10000x16xf32, #tpu.memory_space<vmem_shared>> -> memref<10000x16xf32, #tpu.memory_space<vmem_shared>>
    tpu.wait_indirect_dma semaphore(%arg13 : memref<!tpu.dma_semaphore, #tpu.memory_space<semaphore_mem>>) src(%dma_wait3A_107 : memref<10000x16xf32, #tpu.memory_space<vmem_shared>>) dst(%dma_wait3A_101 : memref<128x16xf32, #tpu.memory_space<vmem>>)
    %dma_start3A_108 = arith.constant 1 : i32
    %dma_start3A_109 = arith.constant 1 : i32
    %dma_start3A_110 = arith.constant 0 : i32
    %dma_start3A_111 = arith.constant 0 : i32
    %dma_start3A_112 = tpu.memref_slice %arg9[%dma_start3A_108, %dma_start3A_110, %dma_start3A_111] : memref<8x128x16xf32, #tpu.memory_space<vmem>> -> memref<1x128x16xf32, #tpu.memory_space<vmem>>
    %dma_start3A_113 = tpu.memref_squeeze %dma_start3A_112 : memref<1x128x16xf32, #tpu.memory_space<vmem>> -> memref<128x16xf32, #tpu.memory_space<vmem>>
    %dma_start3A_114 = arith.constant 0 : i32
    %dma_start3A_115 = tpu.memref_slice %arg8[%dma_start3A_109, %dma_start3A_114] : memref<79x128xi32, #tpu.memory_space<vmem>> -> memref<1x128xi32, #tpu.memory_space<vmem>>
    %dma_start3A_116 = tpu.memref_squeeze %dma_start3A_115 : memref<1x128xi32, #tpu.memory_space<vmem>> -> memref<128xi32, #tpu.memory_space<vmem>>
    %dma_start3A_117 = arith.constant 0 : i32
    %dma_start3A_118 = arith.constant 0 : i32
    %dma_start3A_119 = tpu.memref_slice %arg10[%dma_start3A_117, %dma_start3A_118] : memref<10128x16xf32, #tpu.memory_space<vmem_shared>> -> memref<10128x16xf32, #tpu.memory_space<vmem_shared>>
    tpu.enqueue_indirect_dma source(%dma_start3A_113 : memref<128x16xf32, #tpu.memory_space<vmem>>) target(%dma_start3A_119 : memref<10128x16xf32, #tpu.memory_space<vmem_shared>>) offsets(%dma_start3A_116 : memref<128xi32, #tpu.memory_space<vmem>>) semaphore(%arg17 : memref<!tpu.dma_semaphore, #tpu.memory_space<semaphore_mem>>) {add = true}
    %dma_start3A_120 = arith.constant 5 : i32
    %dma_start3A_121 = arith.constant 5 : i32
    %dma_start3A_122 = arith.constant 0 : i32
    %dma_start3A_123 = arith.constant 0 : i32
    %dma_start3A_124 = tpu.memref_slice %arg9[%dma_start3A_121, %dma_start3A_122, %dma_start3A_123] : memref<8x128x16xf32, #tpu.memory_space<vmem>> -> memref<1x128x16xf32, #tpu.memory_space<vmem>>
    %dma_start3A_125 = tpu.memref_squeeze %dma_start3A_124 : memref<1x128x16xf32, #tpu.memory_space<vmem>> -> memref<128x16xf32, #tpu.memory_space<vmem>>
    %dma_start3A_126 = arith.constant 0 : i32
    %dma_start3A_127 = tpu.memref_slice %arg7[%dma_start3A_120, %dma_start3A_126] : memref<79x128xi32, #tpu.memory_space<vmem>> -> memref<1x128xi32, #tpu.memory_space<vmem>>
    %dma_start3A_128 = tpu.memref_squeeze %dma_start3A_127 : memref<1x128xi32, #tpu.memory_space<vmem>> -> memref<128xi32, #tpu.memory_space<vmem>>
    %dma_start3A_129 = arith.constant 0 : i32
    %dma_start3A_130 = arith.constant 0 : i32
    %dma_start3A_131 = tpu.memref_slice %arg11[%dma_start3A_129, %dma_start3A_130] : memref<10000x16xf32, #tpu.memory_space<vmem_shared>> -> memref<10000x16xf32, #tpu.memory_space<vmem_shared>>
    tpu.enqueue_indirect_dma source(%dma_start3A_131 : memref<10000x16xf32, #tpu.memory_space<vmem_shared>>) target(%dma_start3A_125 : memref<128x16xf32, #tpu.memory_space<vmem>>) offsets(%dma_start3A_128 : memref<128xi32, #tpu.memory_space<vmem>>) semaphore(%arg13 : memref<!tpu.dma_semaphore, #tpu.memory_space<semaphore_mem>>)
    %dma_wait3A_132 = arith.constant 2 : i32
    %dma_wait3A_133 = arith.constant 2 : i32
    %dma_wait3A_134 = arith.constant 0 : i32
    %dma_wait3A_135 = arith.constant 0 : i32
    %dma_wait3A_136 = tpu.memref_slice %arg9[%dma_wait3A_133, %dma_wait3A_134, %dma_wait3A_135] : memref<8x128x16xf32, #tpu.memory_space<vmem>> -> memref<1x128x16xf32, #tpu.memory_space<vmem>>
    %dma_wait3A_137 = tpu.memref_squeeze %dma_wait3A_136 : memref<1x128x16xf32, #tpu.memory_space<vmem>> -> memref<128x16xf32, #tpu.memory_space<vmem>>
    %dma_wait3A_138 = arith.constant 0 : i32
    %dma_wait3A_139 = tpu.memref_slice %arg7[%dma_wait3A_132, %dma_wait3A_138] : memref<79x128xi32, #tpu.memory_space<vmem>> -> memref<1x128xi32, #tpu.memory_space<vmem>>
    %dma_wait3A_140 = tpu.memref_squeeze %dma_wait3A_139 : memref<1x128xi32, #tpu.memory_space<vmem>> -> memref<128xi32, #tpu.memory_space<vmem>>
    %dma_wait3A_141 = arith.constant 0 : i32
    %dma_wait3A_142 = arith.constant 0 : i32
    %dma_wait3A_143 = tpu.memref_slice %arg11[%dma_wait3A_141, %dma_wait3A_142] : memref<10000x16xf32, #tpu.memory_space<vmem_shared>> -> memref<10000x16xf32, #tpu.memory_space<vmem_shared>>
    tpu.wait_indirect_dma semaphore(%arg14 : memref<!tpu.dma_semaphore, #tpu.memory_space<semaphore_mem>>) src(%dma_wait3A_143 : memref<10000x16xf32, #tpu.memory_space<vmem_shared>>) dst(%dma_wait3A_137 : memref<128x16xf32, #tpu.memory_space<vmem>>)
    %dma_start3A_144 = arith.constant 2 : i32
    %dma_start3A_145 = arith.constant 2 : i32
    %dma_start3A_146 = arith.constant 0 : i32
    %dma_start3A_147 = arith.constant 0 : i32
    %dma_start3A_148 = tpu.memref_slice %arg9[%dma_start3A_144, %dma_start3A_146, %dma_start3A_147] : memref<8x128x16xf32, #tpu.memory_space<vmem>> -> memref<1x128x16xf32, #tpu.memory_space<vmem>>
    %dma_start3A_149 = tpu.memref_squeeze %dma_start3A_148 : memref<1x128x16xf32, #tpu.memory_space<vmem>> -> memref<128x16xf32, #tpu.memory_space<vmem>>
    %dma_start3A_150 = arith.constant 0 : i32
    %dma_start3A_151 = tpu.memref_slice %arg8[%dma_start3A_145, %dma_start3A_150] : memref<79x128xi32, #tpu.memory_space<vmem>> -> memref<1x128xi32, #tpu.memory_space<vmem>>
    %dma_start3A_152 = tpu.memref_squeeze %dma_start3A_151 : memref<1x128xi32, #tpu.memory_space<vmem>> -> memref<128xi32, #tpu.memory_space<vmem>>
    %dma_start3A_153 = arith.constant 0 : i32
    %dma_start3A_154 = arith.constant 0 : i32
    %dma_start3A_155 = tpu.memref_slice %arg10[%dma_start3A_153, %dma_start3A_154] : memref<10128x16xf32, #tpu.memory_space<vmem_shared>> -> memref<10128x16xf32, #tpu.memory_space<vmem_shared>>
    tpu.enqueue_indirect_dma source(%dma_start3A_149 : memref<128x16xf32, #tpu.memory_space<vmem>>) target(%dma_start3A_155 : memref<10128x16xf32, #tpu.memory_space<vmem_shared>>) offsets(%dma_start3A_152 : memref<128xi32, #tpu.memory_space<vmem>>) semaphore(%arg18 : memref<!tpu.dma_semaphore, #tpu.memory_space<semaphore_mem>>) {add = true}
    %dma_start3A_156 = arith.constant 6 : i32
    %dma_start3A_157 = arith.constant 6 : i32
    %dma_start3A_158 = arith.constant 0 : i32
    %dma_start3A_159 = arith.constant 0 : i32
    %dma_start3A_160 = tpu.memref_slice %arg9[%dma_start3A_157, %dma_start3A_158, %dma_start3A_159] : memref<8x128x16xf32, #tpu.memory_space<vmem>> -> memref<1x128x16xf32, #tpu.memory_space<vmem>>
    %dma_start3A_161 = tpu.memref_squeeze %dma_start3A_160 : memref<1x128x16xf32, #tpu.memory_space<vmem>> -> memref<128x16xf32, #tpu.memory_space<vmem>>
    %dma_start3A_162 = arith.constant 0 : i32
    %dma_start3A_163 = tpu.memref_slice %arg7[%dma_start3A_156, %dma_start3A_162] : memref<79x128xi32, #tpu.memory_space<vmem>> -> memref<1x128xi32, #tpu.memory_space<vmem>>
    %dma_start3A_164 = tpu.memref_squeeze %dma_start3A_163 : memref<1x128xi32, #tpu.memory_space<vmem>> -> memref<128xi32, #tpu.memory_space<vmem>>
    %dma_start3A_165 = arith.constant 0 : i32
    %dma_start3A_166 = arith.constant 0 : i32
    %dma_start3A_167 = tpu.memref_slice %arg11[%dma_start3A_165, %dma_start3A_166] : memref<10000x16xf32, #tpu.memory_space<vmem_shared>> -> memref<10000x16xf32, #tpu.memory_space<vmem_shared>>
    tpu.enqueue_indirect_dma source(%dma_start3A_167 : memref<10000x16xf32, #tpu.memory_space<vmem_shared>>) target(%dma_start3A_161 : memref<128x16xf32, #tpu.memory_space<vmem>>) offsets(%dma_start3A_164 : memref<128xi32, #tpu.memory_space<vmem>>) semaphore(%arg14 : memref<!tpu.dma_semaphore, #tpu.memory_space<semaphore_mem>>)
    %dma_wait3A_168 = arith.constant 3 : i32
    %dma_wait3A_169 = arith.constant 3 : i32
    %dma_wait3A_170 = arith.constant 0 : i32
    %dma_wait3A_171 = arith.constant 0 : i32
    %dma_wait3A_172 = tpu.memref_slice %arg9[%dma_wait3A_169, %dma_wait3A_170, %dma_wait3A_171] : memref<8x128x16xf32, #tpu.memory_space<vmem>> -> memref<1x128x16xf32, #tpu.memory_space<vmem>>
    %dma_wait3A_173 = tpu.memref_squeeze %dma_wait3A_172 : memref<1x128x16xf32, #tpu.memory_space<vmem>> -> memref<128x16xf32, #tpu.memory_space<vmem>>
    %dma_wait3A_174 = arith.constant 0 : i32
    %dma_wait3A_175 = tpu.memref_slice %arg7[%dma_wait3A_168, %dma_wait3A_174] : memref<79x128xi32, #tpu.memory_space<vmem>> -> memref<1x128xi32, #tpu.memory_space<vmem>>
    %dma_wait3A_176 = tpu.memref_squeeze %dma_wait3A_175 : memref<1x128xi32, #tpu.memory_space<vmem>> -> memref<128xi32, #tpu.memory_space<vmem>>
    %dma_wait3A_177 = arith.constant 0 : i32
    %dma_wait3A_178 = arith.constant 0 : i32
    %dma_wait3A_179 = tpu.memref_slice %arg11[%dma_wait3A_177, %dma_wait3A_178] : memref<10000x16xf32, #tpu.memory_space<vmem_shared>> -> memref<10000x16xf32, #tpu.memory_space<vmem_shared>>
    tpu.wait_indirect_dma semaphore(%arg15 : memref<!tpu.dma_semaphore, #tpu.memory_space<semaphore_mem>>) src(%dma_wait3A_179 : memref<10000x16xf32, #tpu.memory_space<vmem_shared>>) dst(%dma_wait3A_173 : memref<128x16xf32, #tpu.memory_space<vmem>>)
    %dma_start3A_180 = arith.constant 3 : i32
    %dma_start3A_181 = arith.constant 3 : i32
    %dma_start3A_182 = arith.constant 0 : i32
    %dma_start3A_183 = arith.constant 0 : i32
    %dma_start3A_184 = tpu.memref_slice %arg9[%dma_start3A_180, %dma_start3A_182, %dma_start3A_183] : memref<8x128x16xf32, #tpu.memory_space<vmem>> -> memref<1x128x16xf32, #tpu.memory_space<vmem>>
    %dma_start3A_185 = tpu.memref_squeeze %dma_start3A_184 : memref<1x128x16xf32, #tpu.memory_space<vmem>> -> memref<128x16xf32, #tpu.memory_space<vmem>>
    %dma_start3A_186 = arith.constant 0 : i32
    %dma_start3A_187 = tpu.memref_slice %arg8[%dma_start3A_181, %dma_start3A_186] : memref<79x128xi32, #tpu.memory_space<vmem>> -> memref<1x128xi32, #tpu.memory_space<vmem>>
    %dma_start3A_188 = tpu.memref_squeeze %dma_start3A_187 : memref<1x128xi32, #tpu.memory_space<vmem>> -> memref<128xi32, #tpu.memory_space<vmem>>
    %dma_start3A_189 = arith.constant 0 : i32
    %dma_start3A_190 = arith.constant 0 : i32
    %dma_start3A_191 = tpu.memref_slice %arg10[%dma_start3A_189, %dma_start3A_190] : memref<10128x16xf32, #tpu.memory_space<vmem_shared>> -> memref<10128x16xf32, #tpu.memory_space<vmem_shared>>
    tpu.enqueue_indirect_dma source(%dma_start3A_185 : memref<128x16xf32, #tpu.memory_space<vmem>>) target(%dma_start3A_191 : memref<10128x16xf32, #tpu.memory_space<vmem_shared>>) offsets(%dma_start3A_188 : memref<128xi32, #tpu.memory_space<vmem>>) semaphore(%arg19 : memref<!tpu.dma_semaphore, #tpu.memory_space<semaphore_mem>>) {add = true}
    %dma_start3A_192 = arith.constant 7 : i32
    %dma_start3A_193 = arith.constant 7 : i32
    %dma_start3A_194 = arith.constant 0 : i32
    %dma_start3A_195 = arith.constant 0 : i32
    %dma_start3A_196 = tpu.memref_slice %arg9[%dma_start3A_193, %dma_start3A_194, %dma_start3A_195] : memref<8x128x16xf32, #tpu.memory_space<vmem>> -> memref<1x128x16xf32, #tpu.memory_space<vmem>>
    %dma_start3A_197 = tpu.memref_squeeze %dma_start3A_196 : memref<1x128x16xf32, #tpu.memory_space<vmem>> -> memref<128x16xf32, #tpu.memory_space<vmem>>
    %dma_start3A_198 = arith.constant 0 : i32
    %dma_start3A_199 = tpu.memref_slice %arg7[%dma_start3A_192, %dma_start3A_198] : memref<79x128xi32, #tpu.memory_space<vmem>> -> memref<1x128xi32, #tpu.memory_space<vmem>>
    %dma_start3A_200 = tpu.memref_squeeze %dma_start3A_199 : memref<1x128xi32, #tpu.memory_space<vmem>> -> memref<128xi32, #tpu.memory_space<vmem>>
    %dma_start3A_201 = arith.constant 0 : i32
    %dma_start3A_202 = arith.constant 0 : i32
    %dma_start3A_203 = tpu.memref_slice %arg11[%dma_start3A_201, %dma_start3A_202] : memref<10000x16xf32, #tpu.memory_space<vmem_shared>> -> memref<10000x16xf32, #tpu.memory_space<vmem_shared>>
    tpu.enqueue_indirect_dma source(%dma_start3A_203 : memref<10000x16xf32, #tpu.memory_space<vmem_shared>>) target(%dma_start3A_197 : memref<128x16xf32, #tpu.memory_space<vmem>>) offsets(%dma_start3A_200 : memref<128xi32, #tpu.memory_space<vmem>>) semaphore(%arg15 : memref<!tpu.dma_semaphore, #tpu.memory_space<semaphore_mem>>)
    %scan3A = arith.constant 0 : i32
    %scan3A_204 = arith.constant 0 : i32
    %scan3A_205 = arith.constant 8 : i32
    %scan3A_206 = arith.addi %scan3A_204, %scan3A_205 : i32
    %scan3A_207 = arith.constant 1 : i32
    scf.for %scan3A_745 = %scan3A_204 to %scan3A_206 step %scan3A_207  : i32 {
      %mul3A_746 = arith.constant 8 : i32
      %mul3A_747 = arith.muli %scan3A_745, %mul3A_746 : i32
      %add3A_748 = arith.constant 4 : i32
      %add3A_749 = arith.addi %mul3A_747, %add3A_748 : i32
      %add3A_750 = arith.constant 0 : i32
      %add3A_751 = arith.addi %add3A_749, %add3A_750 : i32
      %dma_wait3A_752 = arith.constant 4 : i32
      %dma_wait3A_753 = arith.constant 0 : i32
      %dma_wait3A_754 = arith.constant 0 : i32
      %dma_wait3A_755 = tpu.memref_slice %arg9[%dma_wait3A_752, %dma_wait3A_753, %dma_wait3A_754] : memref<8x128x16xf32, #tpu.memory_space<vmem>> -> memref<1x128x16xf32, #tpu.memory_space<vmem>>
      %dma_wait3A_756 = tpu.memref_squeeze %dma_wait3A_755 : memref<1x128x16xf32, #tpu.memory_space<vmem>> -> memref<128x16xf32, #tpu.memory_space<vmem>>
      %dma_wait3A_757 = arith.constant 0 : i32
      %dma_wait3A_758 = tpu.memref_slice %arg7[%add3A_751, %dma_wait3A_757] : memref<79x128xi32, #tpu.memory_space<vmem>> -> memref<1x128xi32, #tpu.memory_space<vmem>>
      %dma_wait3A_759 = tpu.memref_squeeze %dma_wait3A_758 : memref<1x128xi32, #tpu.memory_space<vmem>> -> memref<128xi32, #tpu.memory_space<vmem>>
      %dma_wait3A_760 = arith.constant 0 : i32
      %dma_wait3A_761 = arith.constant 0 : i32
      %dma_wait3A_762 = tpu.memref_slice %arg11[%dma_wait3A_760, %dma_wait3A_761] : memref<10000x16xf32, #tpu.memory_space<vmem_shared>> -> memref<10000x16xf32, #tpu.memory_space<vmem_shared>>
      tpu.wait_indirect_dma semaphore(%arg12 : memref<!tpu.dma_semaphore, #tpu.memory_space<semaphore_mem>>) src(%dma_wait3A_762 : memref<10000x16xf32, #tpu.memory_space<vmem_shared>>) dst(%dma_wait3A_756 : memref<128x16xf32, #tpu.memory_space<vmem>>)
      %sub3A = arith.constant 4 : i32
      %sub3A_763 = arith.subi %add3A_751, %sub3A : i32
      %dma_wait3A_764 = arith.constant 0 : i32
      %dma_wait3A_765 = arith.constant 0 : i32
      %dma_wait3A_766 = arith.constant 0 : i32
      %dma_wait3A_767 = tpu.memref_slice %arg9[%dma_wait3A_764, %dma_wait3A_765, %dma_wait3A_766] : memref<8x128x16xf32, #tpu.memory_space<vmem>> -> memref<1x128x16xf32, #tpu.memory_space<vmem>>
      %dma_wait3A_768 = tpu.memref_squeeze %dma_wait3A_767 : memref<1x128x16xf32, #tpu.memory_space<vmem>> -> memref<128x16xf32, #tpu.memory_space<vmem>>
      %dma_wait3A_769 = arith.constant 0 : i32
      %dma_wait3A_770 = tpu.memref_slice %arg8[%sub3A_763, %dma_wait3A_769] : memref<79x128xi32, #tpu.memory_space<vmem>> -> memref<1x128xi32, #tpu.memory_space<vmem>>
      %dma_wait3A_771 = tpu.memref_squeeze %dma_wait3A_770 : memref<1x128xi32, #tpu.memory_space<vmem>> -> memref<128xi32, #tpu.memory_space<vmem>>
      %dma_wait3A_772 = arith.constant 0 : i32
      %dma_wait3A_773 = arith.constant 0 : i32
      %dma_wait3A_774 = tpu.memref_slice %arg10[%dma_wait3A_772, %dma_wait3A_773] : memref<10128x16xf32, #tpu.memory_space<vmem_shared>> -> memref<10128x16xf32, #tpu.memory_space<vmem_shared>>
      tpu.wait_indirect_dma semaphore(%arg16 : memref<!tpu.dma_semaphore, #tpu.memory_space<semaphore_mem>>) src(%dma_wait3A_768 : memref<128x16xf32, #tpu.memory_space<vmem>>) dst(%dma_wait3A_774 : memref<10128x16xf32, #tpu.memory_space<vmem_shared>>)
      %dma_start3A_775 = arith.constant 4 : i32
      %dma_start3A_776 = arith.constant 0 : i32
      %dma_start3A_777 = arith.constant 0 : i32
      %dma_start3A_778 = tpu.memref_slice %arg9[%dma_start3A_775, %dma_start3A_776, %dma_start3A_777] : memref<8x128x16xf32, #tpu.memory_space<vmem>> -> memref<1x128x16xf32, #tpu.memory_space<vmem>>
      %dma_start3A_779 = tpu.memref_squeeze %dma_start3A_778 : memref<1x128x16xf32, #tpu.memory_space<vmem>> -> memref<128x16xf32, #tpu.memory_space<vmem>>
      %dma_start3A_780 = arith.constant 0 : i32
      %dma_start3A_781 = tpu.memref_slice %arg8[%add3A_751, %dma_start3A_780] : memref<79x128xi32, #tpu.memory_space<vmem>> -> memref<1x128xi32, #tpu.memory_space<vmem>>
      %dma_start3A_782 = tpu.memref_squeeze %dma_start3A_781 : memref<1x128xi32, #tpu.memory_space<vmem>> -> memref<128xi32, #tpu.memory_space<vmem>>
      %dma_start3A_783 = arith.constant 0 : i32
      %dma_start3A_784 = arith.constant 0 : i32
      %dma_start3A_785 = tpu.memref_slice %arg10[%dma_start3A_783, %dma_start3A_784] : memref<10128x16xf32, #tpu.memory_space<vmem_shared>> -> memref<10128x16xf32, #tpu.memory_space<vmem_shared>>
      tpu.enqueue_indirect_dma source(%dma_start3A_779 : memref<128x16xf32, #tpu.memory_space<vmem>>) target(%dma_start3A_785 : memref<10128x16xf32, #tpu.memory_space<vmem_shared>>) offsets(%dma_start3A_782 : memref<128xi32, #tpu.memory_space<vmem>>) semaphore(%arg16 : memref<!tpu.dma_semaphore, #tpu.memory_space<semaphore_mem>>) {add = true}
      %add3A_786 = arith.constant 4 : i32
      %add3A_787 = arith.addi %add3A_751, %add3A_786 : i32
      %dma_start3A_788 = arith.constant 0 : i32
      %dma_start3A_789 = arith.constant 0 : i32
      %dma_start3A_790 = arith.constant 0 : i32
      %dma_start3A_791 = tpu.memref_slice %arg9[%dma_start3A_788, %dma_start3A_789, %dma_start3A_790] : memref<8x128x16xf32, #tpu.memory_space<vmem>> -> memref<1x128x16xf32, #tpu.memory_space<vmem>>
      %dma_start3A_792 = tpu.memref_squeeze %dma_start3A_791 : memref<1x128x16xf32, #tpu.memory_space<vmem>> -> memref<128x16xf32, #tpu.memory_space<vmem>>
      %dma_start3A_793 = arith.constant 0 : i32
      %dma_start3A_794 = tpu.memref_slice %arg7[%add3A_787, %dma_start3A_793] : memref<79x128xi32, #tpu.memory_space<vmem>> -> memref<1x128xi32, #tpu.memory_space<vmem>>
      %dma_start3A_795 = tpu.memref_squeeze %dma_start3A_794 : memref<1x128xi32, #tpu.memory_space<vmem>> -> memref<128xi32, #tpu.memory_space<vmem>>
      %dma_start3A_796 = arith.constant 0 : i32
      %dma_start3A_797 = arith.constant 0 : i32
      %dma_start3A_798 = tpu.memref_slice %arg11[%dma_start3A_796, %dma_start3A_797] : memref<10000x16xf32, #tpu.memory_space<vmem_shared>> -> memref<10000x16xf32, #tpu.memory_space<vmem_shared>>
      tpu.enqueue_indirect_dma source(%dma_start3A_798 : memref<10000x16xf32, #tpu.memory_space<vmem_shared>>) target(%dma_start3A_792 : memref<128x16xf32, #tpu.memory_space<vmem>>) offsets(%dma_start3A_795 : memref<128xi32, #tpu.memory_space<vmem>>) semaphore(%arg12 : memref<!tpu.dma_semaphore, #tpu.memory_space<semaphore_mem>>)
      %add3A_799 = arith.constant 1 : i32
      %add3A_800 = arith.addi %add3A_749, %add3A_799 : i32
      %dma_wait3A_801 = arith.constant 5 : i32
      %dma_wait3A_802 = arith.constant 0 : i32
      %dma_wait3A_803 = arith.constant 0 : i32
      %dma_wait3A_804 = tpu.memref_slice %arg9[%dma_wait3A_801, %dma_wait3A_802, %dma_wait3A_803] : memref<8x128x16xf32, #tpu.memory_space<vmem>> -> memref<1x128x16xf32, #tpu.memory_space<vmem>>
      %dma_wait3A_805 = tpu.memref_squeeze %dma_wait3A_804 : memref<1x128x16xf32, #tpu.memory_space<vmem>> -> memref<128x16xf32, #tpu.memory_space<vmem>>
      %dma_wait3A_806 = arith.constant 0 : i32
      %dma_wait3A_807 = tpu.memref_slice %arg7[%add3A_800, %dma_wait3A_806] : memref<79x128xi32, #tpu.memory_space<vmem>> -> memref<1x128xi32, #tpu.memory_space<vmem>>
      %dma_wait3A_808 = tpu.memref_squeeze %dma_wait3A_807 : memref<1x128xi32, #tpu.memory_space<vmem>> -> memref<128xi32, #tpu.memory_space<vmem>>
      %dma_wait3A_809 = arith.constant 0 : i32
      %dma_wait3A_810 = arith.constant 0 : i32
      %dma_wait3A_811 = tpu.memref_slice %arg11[%dma_wait3A_809, %dma_wait3A_810] : memref<10000x16xf32, #tpu.memory_space<vmem_shared>> -> memref<10000x16xf32, #tpu.memory_space<vmem_shared>>
      tpu.wait_indirect_dma semaphore(%arg13 : memref<!tpu.dma_semaphore, #tpu.memory_space<semaphore_mem>>) src(%dma_wait3A_811 : memref<10000x16xf32, #tpu.memory_space<vmem_shared>>) dst(%dma_wait3A_805 : memref<128x16xf32, #tpu.memory_space<vmem>>)
      %sub3A_812 = arith.constant 4 : i32
      %sub3A_813 = arith.subi %add3A_800, %sub3A_812 : i32
      %dma_wait3A_814 = arith.constant 1 : i32
      %dma_wait3A_815 = arith.constant 0 : i32
      %dma_wait3A_816 = arith.constant 0 : i32
      %dma_wait3A_817 = tpu.memref_slice %arg9[%dma_wait3A_814, %dma_wait3A_815, %dma_wait3A_816] : memref<8x128x16xf32, #tpu.memory_space<vmem>> -> memref<1x128x16xf32, #tpu.memory_space<vmem>>
      %dma_wait3A_818 = tpu.memref_squeeze %dma_wait3A_817 : memref<1x128x16xf32, #tpu.memory_space<vmem>> -> memref<128x16xf32, #tpu.memory_space<vmem>>
      %dma_wait3A_819 = arith.constant 0 : i32
      %dma_wait3A_820 = tpu.memref_slice %arg8[%sub3A_813, %dma_wait3A_819] : memref<79x128xi32, #tpu.memory_space<vmem>> -> memref<1x128xi32, #tpu.memory_space<vmem>>
      %dma_wait3A_821 = tpu.memref_squeeze %dma_wait3A_820 : memref<1x128xi32, #tpu.memory_space<vmem>> -> memref<128xi32, #tpu.memory_space<vmem>>
      %dma_wait3A_822 = arith.constant 0 : i32
      %dma_wait3A_823 = arith.constant 0 : i32
      %dma_wait3A_824 = tpu.memref_slice %arg10[%dma_wait3A_822, %dma_wait3A_823] : memref<10128x16xf32, #tpu.memory_space<vmem_shared>> -> memref<10128x16xf32, #tpu.memory_space<vmem_shared>>
      tpu.wait_indirect_dma semaphore(%arg17 : memref<!tpu.dma_semaphore, #tpu.memory_space<semaphore_mem>>) src(%dma_wait3A_818 : memref<128x16xf32, #tpu.memory_space<vmem>>) dst(%dma_wait3A_824 : memref<10128x16xf32, #tpu.memory_space<vmem_shared>>)
      %dma_start3A_825 = arith.constant 5 : i32
      %dma_start3A_826 = arith.constant 0 : i32
      %dma_start3A_827 = arith.constant 0 : i32
      %dma_start3A_828 = tpu.memref_slice %arg9[%dma_start3A_825, %dma_start3A_826, %dma_start3A_827] : memref<8x128x16xf32, #tpu.memory_space<vmem>> -> memref<1x128x16xf32, #tpu.memory_space<vmem>>
      %dma_start3A_829 = tpu.memref_squeeze %dma_start3A_828 : memref<1x128x16xf32, #tpu.memory_space<vmem>> -> memref<128x16xf32, #tpu.memory_space<vmem>>
      %dma_start3A_830 = arith.constant 0 : i32
      %dma_start3A_831 = tpu.memref_slice %arg8[%add3A_800, %dma_start3A_830] : memref<79x128xi32, #tpu.memory_space<vmem>> -> memref<1x128xi32, #tpu.memory_space<vmem>>
      %dma_start3A_832 = tpu.memref_squeeze %dma_start3A_831 : memref<1x128xi32, #tpu.memory_space<vmem>> -> memref<128xi32, #tpu.memory_space<vmem>>
      %dma_start3A_833 = arith.constant 0 : i32
      %dma_start3A_834 = arith.constant 0 : i32
      %dma_start3A_835 = tpu.memref_slice %arg10[%dma_start3A_833, %dma_start3A_834] : memref<10128x16xf32, #tpu.memory_space<vmem_shared>> -> memref<10128x16xf32, #tpu.memory_space<vmem_shared>>
      tpu.enqueue_indirect_dma source(%dma_start3A_829 : memref<128x16xf32, #tpu.memory_space<vmem>>) target(%dma_start3A_835 : memref<10128x16xf32, #tpu.memory_space<vmem_shared>>) offsets(%dma_start3A_832 : memref<128xi32, #tpu.memory_space<vmem>>) semaphore(%arg17 : memref<!tpu.dma_semaphore, #tpu.memory_space<semaphore_mem>>) {add = true}
      %add3A_836 = arith.constant 4 : i32
      %add3A_837 = arith.addi %add3A_800, %add3A_836 : i32
      %dma_start3A_838 = arith.constant 1 : i32
      %dma_start3A_839 = arith.constant 0 : i32
      %dma_start3A_840 = arith.constant 0 : i32
      %dma_start3A_841 = tpu.memref_slice %arg9[%dma_start3A_838, %dma_start3A_839, %dma_start3A_840] : memref<8x128x16xf32, #tpu.memory_space<vmem>> -> memref<1x128x16xf32, #tpu.memory_space<vmem>>
      %dma_start3A_842 = tpu.memref_squeeze %dma_start3A_841 : memref<1x128x16xf32, #tpu.memory_space<vmem>> -> memref<128x16xf32, #tpu.memory_space<vmem>>
      %dma_start3A_843 = arith.constant 0 : i32
      %dma_start3A_844 = tpu.memref_slice %arg7[%add3A_837, %dma_start3A_843] : memref<79x128xi32, #tpu.memory_space<vmem>> -> memref<1x128xi32, #tpu.memory_space<vmem>>
      %dma_start3A_845 = tpu.memref_squeeze %dma_start3A_844 : memref<1x128xi32, #tpu.memory_space<vmem>> -> memref<128xi32, #tpu.memory_space<vmem>>
      %dma_start3A_846 = arith.constant 0 : i32
      %dma_start3A_847 = arith.constant 0 : i32
      %dma_start3A_848 = tpu.memref_slice %arg11[%dma_start3A_846, %dma_start3A_847] : memref<10000x16xf32, #tpu.memory_space<vmem_shared>> -> memref<10000x16xf32, #tpu.memory_space<vmem_shared>>
      tpu.enqueue_indirect_dma source(%dma_start3A_848 : memref<10000x16xf32, #tpu.memory_space<vmem_shared>>) target(%dma_start3A_842 : memref<128x16xf32, #tpu.memory_space<vmem>>) offsets(%dma_start3A_845 : memref<128xi32, #tpu.memory_space<vmem>>) semaphore(%arg13 : memref<!tpu.dma_semaphore, #tpu.memory_space<semaphore_mem>>)
      %add3A_849 = arith.constant 2 : i32
      %add3A_850 = arith.addi %add3A_749, %add3A_849 : i32
      %dma_wait3A_851 = arith.constant 6 : i32
      %dma_wait3A_852 = arith.constant 0 : i32
      %dma_wait3A_853 = arith.constant 0 : i32
      %dma_wait3A_854 = tpu.memref_slice %arg9[%dma_wait3A_851, %dma_wait3A_852, %dma_wait3A_853] : memref<8x128x16xf32, #tpu.memory_space<vmem>> -> memref<1x128x16xf32, #tpu.memory_space<vmem>>
      %dma_wait3A_855 = tpu.memref_squeeze %dma_wait3A_854 : memref<1x128x16xf32, #tpu.memory_space<vmem>> -> memref<128x16xf32, #tpu.memory_space<vmem>>
      %dma_wait3A_856 = arith.constant 0 : i32
      %dma_wait3A_857 = tpu.memref_slice %arg7[%add3A_850, %dma_wait3A_856] : memref<79x128xi32, #tpu.memory_space<vmem>> -> memref<1x128xi32, #tpu.memory_space<vmem>>
      %dma_wait3A_858 = tpu.memref_squeeze %dma_wait3A_857 : memref<1x128xi32, #tpu.memory_space<vmem>> -> memref<128xi32, #tpu.memory_space<vmem>>
      %dma_wait3A_859 = arith.constant 0 : i32
      %dma_wait3A_860 = arith.constant 0 : i32
      %dma_wait3A_861 = tpu.memref_slice %arg11[%dma_wait3A_859, %dma_wait3A_860] : memref<10000x16xf32, #tpu.memory_space<vmem_shared>> -> memref<10000x16xf32, #tpu.memory_space<vmem_shared>>
      tpu.wait_indirect_dma semaphore(%arg14 : memref<!tpu.dma_semaphore, #tpu.memory_space<semaphore_mem>>) src(%dma_wait3A_861 : memref<10000x16xf32, #tpu.memory_space<vmem_shared>>) dst(%dma_wait3A_855 : memref<128x16xf32, #tpu.memory_space<vmem>>)
      %sub3A_862 = arith.constant 4 : i32
      %sub3A_863 = arith.subi %add3A_850, %sub3A_862 : i32
      %dma_wait3A_864 = arith.constant 2 : i32
      %dma_wait3A_865 = arith.constant 0 : i32
      %dma_wait3A_866 = arith.constant 0 : i32
      %dma_wait3A_867 = tpu.memref_slice %arg9[%dma_wait3A_864, %dma_wait3A_865, %dma_wait3A_866] : memref<8x128x16xf32, #tpu.memory_space<vmem>> -> memref<1x128x16xf32, #tpu.memory_space<vmem>>
      %dma_wait3A_868 = tpu.memref_squeeze %dma_wait3A_867 : memref<1x128x16xf32, #tpu.memory_space<vmem>> -> memref<128x16xf32, #tpu.memory_space<vmem>>
      %dma_wait3A_869 = arith.constant 0 : i32
      %dma_wait3A_870 = tpu.memref_slice %arg8[%sub3A_863, %dma_wait3A_869] : memref<79x128xi32, #tpu.memory_space<vmem>> -> memref<1x128xi32, #tpu.memory_space<vmem>>
      %dma_wait3A_871 = tpu.memref_squeeze %dma_wait3A_870 : memref<1x128xi32, #tpu.memory_space<vmem>> -> memref<128xi32, #tpu.memory_space<vmem>>
      %dma_wait3A_872 = arith.constant 0 : i32
      %dma_wait3A_873 = arith.constant 0 : i32
      %dma_wait3A_874 = tpu.memref_slice %arg10[%dma_wait3A_872, %dma_wait3A_873] : memref<10128x16xf32, #tpu.memory_space<vmem_shared>> -> memref<10128x16xf32, #tpu.memory_space<vmem_shared>>
      tpu.wait_indirect_dma semaphore(%arg18 : memref<!tpu.dma_semaphore, #tpu.memory_space<semaphore_mem>>) src(%dma_wait3A_868 : memref<128x16xf32, #tpu.memory_space<vmem>>) dst(%dma_wait3A_874 : memref<10128x16xf32, #tpu.memory_space<vmem_shared>>)
      %dma_start3A_875 = arith.constant 6 : i32
      %dma_start3A_876 = arith.constant 0 : i32
      %dma_start3A_877 = arith.constant 0 : i32
      %dma_start3A_878 = tpu.memref_slice %arg9[%dma_start3A_875, %dma_start3A_876, %dma_start3A_877] : memref<8x128x16xf32, #tpu.memory_space<vmem>> -> memref<1x128x16xf32, #tpu.memory_space<vmem>>
      %dma_start3A_879 = tpu.memref_squeeze %dma_start3A_878 : memref<1x128x16xf32, #tpu.memory_space<vmem>> -> memref<128x16xf32, #tpu.memory_space<vmem>>
      %dma_start3A_880 = arith.constant 0 : i32
      %dma_start3A_881 = tpu.memref_slice %arg8[%add3A_850, %dma_start3A_880] : memref<79x128xi32, #tpu.memory_space<vmem>> -> memref<1x128xi32, #tpu.memory_space<vmem>>
      %dma_start3A_882 = tpu.memref_squeeze %dma_start3A_881 : memref<1x128xi32, #tpu.memory_space<vmem>> -> memref<128xi32, #tpu.memory_space<vmem>>
      %dma_start3A_883 = arith.constant 0 : i32
      %dma_start3A_884 = arith.constant 0 : i32
      %dma_start3A_885 = tpu.memref_slice %arg10[%dma_start3A_883, %dma_start3A_884] : memref<10128x16xf32, #tpu.memory_space<vmem_shared>> -> memref<10128x16xf32, #tpu.memory_space<vmem_shared>>
      tpu.enqueue_indirect_dma source(%dma_start3A_879 : memref<128x16xf32, #tpu.memory_space<vmem>>) target(%dma_start3A_885 : memref<10128x16xf32, #tpu.memory_space<vmem_shared>>) offsets(%dma_start3A_882 : memref<128xi32, #tpu.memory_space<vmem>>) semaphore(%arg18 : memref<!tpu.dma_semaphore, #tpu.memory_space<semaphore_mem>>) {add = true}
      %add3A_886 = arith.constant 4 : i32
      %add3A_887 = arith.addi %add3A_850, %add3A_886 : i32
      %dma_start3A_888 = arith.constant 2 : i32
      %dma_start3A_889 = arith.constant 0 : i32
      %dma_start3A_890 = arith.constant 0 : i32
      %dma_start3A_891 = tpu.memref_slice %arg9[%dma_start3A_888, %dma_start3A_889, %dma_start3A_890] : memref<8x128x16xf32, #tpu.memory_space<vmem>> -> memref<1x128x16xf32, #tpu.memory_space<vmem>>
      %dma_start3A_892 = tpu.memref_squeeze %dma_start3A_891 : memref<1x128x16xf32, #tpu.memory_space<vmem>> -> memref<128x16xf32, #tpu.memory_space<vmem>>
      %dma_start3A_893 = arith.constant 0 : i32
      %dma_start3A_894 = tpu.memref_slice %arg7[%add3A_887, %dma_start3A_893] : memref<79x128xi32, #tpu.memory_space<vmem>> -> memref<1x128xi32, #tpu.memory_space<vmem>>
      %dma_start3A_895 = tpu.memref_squeeze %dma_start3A_894 : memref<1x128xi32, #tpu.memory_space<vmem>> -> memref<128xi32, #tpu.memory_space<vmem>>
      %dma_start3A_896 = arith.constant 0 : i32
      %dma_start3A_897 = arith.constant 0 : i32
      %dma_start3A_898 = tpu.memref_slice %arg11[%dma_start3A_896, %dma_start3A_897] : memref<10000x16xf32, #tpu.memory_space<vmem_shared>> -> memref<10000x16xf32, #tpu.memory_space<vmem_shared>>
      tpu.enqueue_indirect_dma source(%dma_start3A_898 : memref<10000x16xf32, #tpu.memory_space<vmem_shared>>) target(%dma_start3A_892 : memref<128x16xf32, #tpu.memory_space<vmem>>) offsets(%dma_start3A_895 : memref<128xi32, #tpu.memory_space<vmem>>) semaphore(%arg14 : memref<!tpu.dma_semaphore, #tpu.memory_space<semaphore_mem>>)
      %add3A_899 = arith.constant 3 : i32
      %add3A_900 = arith.addi %add3A_749, %add3A_899 : i32
      %dma_wait3A_901 = arith.constant 7 : i32
      %dma_wait3A_902 = arith.constant 0 : i32
      %dma_wait3A_903 = arith.constant 0 : i32
      %dma_wait3A_904 = tpu.memref_slice %arg9[%dma_wait3A_901, %dma_wait3A_902, %dma_wait3A_903] : memref<8x128x16xf32, #tpu.memory_space<vmem>> -> memref<1x128x16xf32, #tpu.memory_space<vmem>>
      %dma_wait3A_905 = tpu.memref_squeeze %dma_wait3A_904 : memref<1x128x16xf32, #tpu.memory_space<vmem>> -> memref<128x16xf32, #tpu.memory_space<vmem>>
      %dma_wait3A_906 = arith.constant 0 : i32
      %dma_wait3A_907 = tpu.memref_slice %arg7[%add3A_900, %dma_wait3A_906] : memref<79x128xi32, #tpu.memory_space<vmem>> -> memref<1x128xi32, #tpu.memory_space<vmem>>
      %dma_wait3A_908 = tpu.memref_squeeze %dma_wait3A_907 : memref<1x128xi32, #tpu.memory_space<vmem>> -> memref<128xi32, #tpu.memory_space<vmem>>
      %dma_wait3A_909 = arith.constant 0 : i32
      %dma_wait3A_910 = arith.constant 0 : i32
      %dma_wait3A_911 = tpu.memref_slice %arg11[%dma_wait3A_909, %dma_wait3A_910] : memref<10000x16xf32, #tpu.memory_space<vmem_shared>> -> memref<10000x16xf32, #tpu.memory_space<vmem_shared>>
      tpu.wait_indirect_dma semaphore(%arg15 : memref<!tpu.dma_semaphore, #tpu.memory_space<semaphore_mem>>) src(%dma_wait3A_911 : memref<10000x16xf32, #tpu.memory_space<vmem_shared>>) dst(%dma_wait3A_905 : memref<128x16xf32, #tpu.memory_space<vmem>>)
      %sub3A_912 = arith.constant 4 : i32
      %sub3A_913 = arith.subi %add3A_900, %sub3A_912 : i32
      %dma_wait3A_914 = arith.constant 3 : i32
      %dma_wait3A_915 = arith.constant 0 : i32
      %dma_wait3A_916 = arith.constant 0 : i32
      %dma_wait3A_917 = tpu.memref_slice %arg9[%dma_wait3A_914, %dma_wait3A_915, %dma_wait3A_916] : memref<8x128x16xf32, #tpu.memory_space<vmem>> -> memref<1x128x16xf32, #tpu.memory_space<vmem>>
      %dma_wait3A_918 = tpu.memref_squeeze %dma_wait3A_917 : memref<1x128x16xf32, #tpu.memory_space<vmem>> -> memref<128x16xf32, #tpu.memory_space<vmem>>
      %dma_wait3A_919 = arith.constant 0 : i32
      %dma_wait3A_920 = tpu.memref_slice %arg8[%sub3A_913, %dma_wait3A_919] : memref<79x128xi32, #tpu.memory_space<vmem>> -> memref<1x128xi32, #tpu.memory_space<vmem>>
      %dma_wait3A_921 = tpu.memref_squeeze %dma_wait3A_920 : memref<1x128xi32, #tpu.memory_space<vmem>> -> memref<128xi32, #tpu.memory_space<vmem>>
      %dma_wait3A_922 = arith.constant 0 : i32
      %dma_wait3A_923 = arith.constant 0 : i32
      %dma_wait3A_924 = tpu.memref_slice %arg10[%dma_wait3A_922, %dma_wait3A_923] : memref<10128x16xf32, #tpu.memory_space<vmem_shared>> -> memref<10128x16xf32, #tpu.memory_space<vmem_shared>>
      tpu.wait_indirect_dma semaphore(%arg19 : memref<!tpu.dma_semaphore, #tpu.memory_space<semaphore_mem>>) src(%dma_wait3A_918 : memref<128x16xf32, #tpu.memory_space<vmem>>) dst(%dma_wait3A_924 : memref<10128x16xf32, #tpu.memory_space<vmem_shared>>)
      %dma_start3A_925 = arith.constant 7 : i32
      %dma_start3A_926 = arith.constant 0 : i32
      %dma_start3A_927 = arith.constant 0 : i32
      %dma_start3A_928 = tpu.memref_slice %arg9[%dma_start3A_925, %dma_start3A_926, %dma_start3A_927] : memref<8x128x16xf32, #tpu.memory_space<vmem>> -> memref<1x128x16xf32, #tpu.memory_space<vmem>>
      %dma_start3A_929 = tpu.memref_squeeze %dma_start3A_928 : memref<1x128x16xf32, #tpu.memory_space<vmem>> -> memref<128x16xf32, #tpu.memory_space<vmem>>
      %dma_start3A_930 = arith.constant 0 : i32
      %dma_start3A_931 = tpu.memref_slice %arg8[%add3A_900, %dma_start3A_930] : memref<79x128xi32, #tpu.memory_space<vmem>> -> memref<1x128xi32, #tpu.memory_space<vmem>>
      %dma_start3A_932 = tpu.memref_squeeze %dma_start3A_931 : memref<1x128xi32, #tpu.memory_space<vmem>> -> memref<128xi32, #tpu.memory_space<vmem>>
      %dma_start3A_933 = arith.constant 0 : i32
      %dma_start3A_934 = arith.constant 0 : i32
      %dma_start3A_935 = tpu.memref_slice %arg10[%dma_start3A_933, %dma_start3A_934] : memref<10128x16xf32, #tpu.memory_space<vmem_shared>> -> memref<10128x16xf32, #tpu.memory_space<vmem_shared>>
      tpu.enqueue_indirect_dma source(%dma_start3A_929 : memref<128x16xf32, #tpu.memory_space<vmem>>) target(%dma_start3A_935 : memref<10128x16xf32, #tpu.memory_space<vmem_shared>>) offsets(%dma_start3A_932 : memref<128xi32, #tpu.memory_space<vmem>>) semaphore(%arg19 : memref<!tpu.dma_semaphore, #tpu.memory_space<semaphore_mem>>) {add = true}
      %add3A_936 = arith.constant 4 : i32
      %add3A_937 = arith.addi %add3A_900, %add3A_936 : i32
      %dma_start3A_938 = arith.constant 3 : i32
      %dma_start3A_939 = arith.constant 0 : i32
      %dma_start3A_940 = arith.constant 0 : i32
      %dma_start3A_941 = tpu.memref_slice %arg9[%dma_start3A_938, %dma_start3A_939, %dma_start3A_940] : memref<8x128x16xf32, #tpu.memory_space<vmem>> -> memref<1x128x16xf32, #tpu.memory_space<vmem>>
      %dma_start3A_942 = tpu.memref_squeeze %dma_start3A_941 : memref<1x128x16xf32, #tpu.memory_space<vmem>> -> memref<128x16xf32, #tpu.memory_space<vmem>>
      %dma_start3A_943 = arith.constant 0 : i32
      %dma_start3A_944 = tpu.memref_slice %arg7[%add3A_937, %dma_start3A_943] : memref<79x128xi32, #tpu.memory_space<vmem>> -> memref<1x128xi32, #tpu.memory_space<vmem>>
      %dma_start3A_945 = tpu.memref_squeeze %dma_start3A_944 : memref<1x128xi32, #tpu.memory_space<vmem>> -> memref<128xi32, #tpu.memory_space<vmem>>
      %dma_start3A_946 = arith.constant 0 : i32
      %dma_start3A_947 = arith.constant 0 : i32
      %dma_start3A_948 = tpu.memref_slice %arg11[%dma_start3A_946, %dma_start3A_947] : memref<10000x16xf32, #tpu.memory_space<vmem_shared>> -> memref<10000x16xf32, #tpu.memory_space<vmem_shared>>
      tpu.enqueue_indirect_dma source(%dma_start3A_948 : memref<10000x16xf32, #tpu.memory_space<vmem_shared>>) target(%dma_start3A_942 : memref<128x16xf32, #tpu.memory_space<vmem>>) offsets(%dma_start3A_945 : memref<128xi32, #tpu.memory_space<vmem>>) semaphore(%arg15 : memref<!tpu.dma_semaphore, #tpu.memory_space<semaphore_mem>>)
      %add3A_949 = arith.constant 4 : i32
      %add3A_950 = arith.addi %add3A_749, %add3A_949 : i32
      %dma_wait3A_951 = arith.constant 0 : i32
      %dma_wait3A_952 = arith.constant 0 : i32
      %dma_wait3A_953 = arith.constant 0 : i32
      %dma_wait3A_954 = tpu.memref_slice %arg9[%dma_wait3A_951, %dma_wait3A_952, %dma_wait3A_953] : memref<8x128x16xf32, #tpu.memory_space<vmem>> -> memref<1x128x16xf32, #tpu.memory_space<vmem>>
      %dma_wait3A_955 = tpu.memref_squeeze %dma_wait3A_954 : memref<1x128x16xf32, #tpu.memory_space<vmem>> -> memref<128x16xf32, #tpu.memory_space<vmem>>
      %dma_wait3A_956 = arith.constant 0 : i32
      %dma_wait3A_957 = tpu.memref_slice %arg7[%add3A_950, %dma_wait3A_956] : memref<79x128xi32, #tpu.memory_space<vmem>> -> memref<1x128xi32, #tpu.memory_space<vmem>>
      %dma_wait3A_958 = tpu.memref_squeeze %dma_wait3A_957 : memref<1x128xi32, #tpu.memory_space<vmem>> -> memref<128xi32, #tpu.memory_space<vmem>>
      %dma_wait3A_959 = arith.constant 0 : i32
      %dma_wait3A_960 = arith.constant 0 : i32
      %dma_wait3A_961 = tpu.memref_slice %arg11[%dma_wait3A_959, %dma_wait3A_960] : memref<10000x16xf32, #tpu.memory_space<vmem_shared>> -> memref<10000x16xf32, #tpu.memory_space<vmem_shared>>
      tpu.wait_indirect_dma semaphore(%arg12 : memref<!tpu.dma_semaphore, #tpu.memory_space<semaphore_mem>>) src(%dma_wait3A_961 : memref<10000x16xf32, #tpu.memory_space<vmem_shared>>) dst(%dma_wait3A_955 : memref<128x16xf32, #tpu.memory_space<vmem>>)
      %sub3A_962 = arith.constant 4 : i32
      %sub3A_963 = arith.subi %add3A_950, %sub3A_962 : i32
      %dma_wait3A_964 = arith.constant 4 : i32
      %dma_wait3A_965 = arith.constant 0 : i32
      %dma_wait3A_966 = arith.constant 0 : i32
      %dma_wait3A_967 = tpu.memref_slice %arg9[%dma_wait3A_964, %dma_wait3A_965, %dma_wait3A_966] : memref<8x128x16xf32, #tpu.memory_space<vmem>> -> memref<1x128x16xf32, #tpu.memory_space<vmem>>
      %dma_wait3A_968 = tpu.memref_squeeze %dma_wait3A_967 : memref<1x128x16xf32, #tpu.memory_space<vmem>> -> memref<128x16xf32, #tpu.memory_space<vmem>>
      %dma_wait3A_969 = arith.constant 0 : i32
      %dma_wait3A_970 = tpu.memref_slice %arg8[%sub3A_963, %dma_wait3A_969] : memref<79x128xi32, #tpu.memory_space<vmem>> -> memref<1x128xi32, #tpu.memory_space<vmem>>
      %dma_wait3A_971 = tpu.memref_squeeze %dma_wait3A_970 : memref<1x128xi32, #tpu.memory_space<vmem>> -> memref<128xi32, #tpu.memory_space<vmem>>
      %dma_wait3A_972 = arith.constant 0 : i32
      %dma_wait3A_973 = arith.constant 0 : i32
      %dma_wait3A_974 = tpu.memref_slice %arg10[%dma_wait3A_972, %dma_wait3A_973] : memref<10128x16xf32, #tpu.memory_space<vmem_shared>> -> memref<10128x16xf32, #tpu.memory_space<vmem_shared>>
      tpu.wait_indirect_dma semaphore(%arg16 : memref<!tpu.dma_semaphore, #tpu.memory_space<semaphore_mem>>) src(%dma_wait3A_968 : memref<128x16xf32, #tpu.memory_space<vmem>>) dst(%dma_wait3A_974 : memref<10128x16xf32, #tpu.memory_space<vmem_shared>>)
      %dma_start3A_975 = arith.constant 0 : i32
      %dma_start3A_976 = arith.constant 0 : i32
      %dma_start3A_977 = arith.constant 0 : i32
      %dma_start3A_978 = tpu.memref_slice %arg9[%dma_start3A_975, %dma_start3A_976, %dma_start3A_977] : memref<8x128x16xf32, #tpu.memory_space<vmem>> -> memref<1x128x16xf32, #tpu.memory_space<vmem>>
      %dma_start3A_979 = tpu.memref_squeeze %dma_start3A_978 : memref<1x128x16xf32, #tpu.memory_space<vmem>> -> memref<128x16xf32, #tpu.memory_space<vmem>>
      %dma_start3A_980 = arith.constant 0 : i32
      %dma_start3A_981 = tpu.memref_slice %arg8[%add3A_950, %dma_start3A_980] : memref<79x128xi32, #tpu.memory_space<vmem>> -> memref<1x128xi32, #tpu.memory_space<vmem>>
      %dma_start3A_982 = tpu.memref_squeeze %dma_start3A_981 : memref<1x128xi32, #tpu.memory_space<vmem>> -> memref<128xi32, #tpu.memory_space<vmem>>
      %dma_start3A_983 = arith.constant 0 : i32
      %dma_start3A_984 = arith.constant 0 : i32
      %dma_start3A_985 = tpu.memref_slice %arg10[%dma_start3A_983, %dma_start3A_984] : memref<10128x16xf32, #tpu.memory_space<vmem_shared>> -> memref<10128x16xf32, #tpu.memory_space<vmem_shared>>
      tpu.enqueue_indirect_dma source(%dma_start3A_979 : memref<128x16xf32, #tpu.memory_space<vmem>>) target(%dma_start3A_985 : memref<10128x16xf32, #tpu.memory_space<vmem_shared>>) offsets(%dma_start3A_982 : memref<128xi32, #tpu.memory_space<vmem>>) semaphore(%arg16 : memref<!tpu.dma_semaphore, #tpu.memory_space<semaphore_mem>>) {add = true}
      %add3A_986 = arith.constant 4 : i32
      %add3A_987 = arith.addi %add3A_950, %add3A_986 : i32
      %dma_start3A_988 = arith.constant 4 : i32
      %dma_start3A_989 = arith.constant 0 : i32
      %dma_start3A_990 = arith.constant 0 : i32
      %dma_start3A_991 = tpu.memref_slice %arg9[%dma_start3A_988, %dma_start3A_989, %dma_start3A_990] : memref<8x128x16xf32, #tpu.memory_space<vmem>> -> memref<1x128x16xf32, #tpu.memory_space<vmem>>
      %dma_start3A_992 = tpu.memref_squeeze %dma_start3A_991 : memref<1x128x16xf32, #tpu.memory_space<vmem>> -> memref<128x16xf32, #tpu.memory_space<vmem>>
      %dma_start3A_993 = arith.constant 0 : i32
      %dma_start3A_994 = tpu.memref_slice %arg7[%add3A_987, %dma_start3A_993] : memref<79x128xi32, #tpu.memory_space<vmem>> -> memref<1x128xi32, #tpu.memory_space<vmem>>
      %dma_start3A_995 = tpu.memref_squeeze %dma_start3A_994 : memref<1x128xi32, #tpu.memory_space<vmem>> -> memref<128xi32, #tpu.memory_space<vmem>>
      %dma_start3A_996 = arith.constant 0 : i32
      %dma_start3A_997 = arith.constant 0 : i32
      %dma_start3A_998 = tpu.memref_slice %arg11[%dma_start3A_996, %dma_start3A_997] : memref<10000x16xf32, #tpu.memory_space<vmem_shared>> -> memref<10000x16xf32, #tpu.memory_space<vmem_shared>>
      tpu.enqueue_indirect_dma source(%dma_start3A_998 : memref<10000x16xf32, #tpu.memory_space<vmem_shared>>) target(%dma_start3A_992 : memref<128x16xf32, #tpu.memory_space<vmem>>) offsets(%dma_start3A_995 : memref<128xi32, #tpu.memory_space<vmem>>) semaphore(%arg12 : memref<!tpu.dma_semaphore, #tpu.memory_space<semaphore_mem>>)
      %add3A_999 = arith.constant 5 : i32
      %add3A_1000 = arith.addi %add3A_749, %add3A_999 : i32
      %dma_wait3A_1001 = arith.constant 1 : i32
      %dma_wait3A_1002 = arith.constant 0 : i32
      %dma_wait3A_1003 = arith.constant 0 : i32
      %dma_wait3A_1004 = tpu.memref_slice %arg9[%dma_wait3A_1001, %dma_wait3A_1002, %dma_wait3A_1003] : memref<8x128x16xf32, #tpu.memory_space<vmem>> -> memref<1x128x16xf32, #tpu.memory_space<vmem>>
      %dma_wait3A_1005 = tpu.memref_squeeze %dma_wait3A_1004 : memref<1x128x16xf32, #tpu.memory_space<vmem>> -> memref<128x16xf32, #tpu.memory_space<vmem>>
      %dma_wait3A_1006 = arith.constant 0 : i32
      %dma_wait3A_1007 = tpu.memref_slice %arg7[%add3A_1000, %dma_wait3A_1006] : memref<79x128xi32, #tpu.memory_space<vmem>> -> memref<1x128xi32, #tpu.memory_space<vmem>>
      %dma_wait3A_1008 = tpu.memref_squeeze %dma_wait3A_1007 : memref<1x128xi32, #tpu.memory_space<vmem>> -> memref<128xi32, #tpu.memory_space<vmem>>
      %dma_wait3A_1009 = arith.constant 0 : i32
      %dma_wait3A_1010 = arith.constant 0 : i32
      %dma_wait3A_1011 = tpu.memref_slice %arg11[%dma_wait3A_1009, %dma_wait3A_1010] : memref<10000x16xf32, #tpu.memory_space<vmem_shared>> -> memref<10000x16xf32, #tpu.memory_space<vmem_shared>>
      tpu.wait_indirect_dma semaphore(%arg13 : memref<!tpu.dma_semaphore, #tpu.memory_space<semaphore_mem>>) src(%dma_wait3A_1011 : memref<10000x16xf32, #tpu.memory_space<vmem_shared>>) dst(%dma_wait3A_1005 : memref<128x16xf32, #tpu.memory_space<vmem>>)
      %sub3A_1012 = arith.constant 4 : i32
      %sub3A_1013 = arith.subi %add3A_1000, %sub3A_1012 : i32
      %dma_wait3A_1014 = arith.constant 5 : i32
      %dma_wait3A_1015 = arith.constant 0 : i32
      %dma_wait3A_1016 = arith.constant 0 : i32
      %dma_wait3A_1017 = tpu.memref_slice %arg9[%dma_wait3A_1014, %dma_wait3A_1015, %dma_wait3A_1016] : memref<8x128x16xf32, #tpu.memory_space<vmem>> -> memref<1x128x16xf32, #tpu.memory_space<vmem>>
      %dma_wait3A_1018 = tpu.memref_squeeze %dma_wait3A_1017 : memref<1x128x16xf32, #tpu.memory_space<vmem>> -> memref<128x16xf32, #tpu.memory_space<vmem>>
      %dma_wait3A_1019 = arith.constant 0 : i32
      %dma_wait3A_1020 = tpu.memref_slice %arg8[%sub3A_1013, %dma_wait3A_1019] : memref<79x128xi32, #tpu.memory_space<vmem>> -> memref<1x128xi32, #tpu.memory_space<vmem>>
      %dma_wait3A_1021 = tpu.memref_squeeze %dma_wait3A_1020 : memref<1x128xi32, #tpu.memory_space<vmem>> -> memref<128xi32, #tpu.memory_space<vmem>>
      %dma_wait3A_1022 = arith.constant 0 : i32
      %dma_wait3A_1023 = arith.constant 0 : i32
      %dma_wait3A_1024 = tpu.memref_slice %arg10[%dma_wait3A_1022, %dma_wait3A_1023] : memref<10128x16xf32, #tpu.memory_space<vmem_shared>> -> memref<10128x16xf32, #tpu.memory_space<vmem_shared>>
      tpu.wait_indirect_dma semaphore(%arg17 : memref<!tpu.dma_semaphore, #tpu.memory_space<semaphore_mem>>) src(%dma_wait3A_1018 : memref<128x16xf32, #tpu.memory_space<vmem>>) dst(%dma_wait3A_1024 : memref<10128x16xf32, #tpu.memory_space<vmem_shared>>)
      %dma_start3A_1025 = arith.constant 1 : i32
      %dma_start3A_1026 = arith.constant 0 : i32
      %dma_start3A_1027 = arith.constant 0 : i32
      %dma_start3A_1028 = tpu.memref_slice %arg9[%dma_start3A_1025, %dma_start3A_1026, %dma_start3A_1027] : memref<8x128x16xf32, #tpu.memory_space<vmem>> -> memref<1x128x16xf32, #tpu.memory_space<vmem>>
      %dma_start3A_1029 = tpu.memref_squeeze %dma_start3A_1028 : memref<1x128x16xf32, #tpu.memory_space<vmem>> -> memref<128x16xf32, #tpu.memory_space<vmem>>
      %dma_start3A_1030 = arith.constant 0 : i32
      %dma_start3A_1031 = tpu.memref_slice %arg8[%add3A_1000, %dma_start3A_1030] : memref<79x128xi32, #tpu.memory_space<vmem>> -> memref<1x128xi32, #tpu.memory_space<vmem>>
      %dma_start3A_1032 = tpu.memref_squeeze %dma_start3A_1031 : memref<1x128xi32, #tpu.memory_space<vmem>> -> memref<128xi32, #tpu.memory_space<vmem>>
      %dma_start3A_1033 = arith.constant 0 : i32
      %dma_start3A_1034 = arith.constant 0 : i32
      %dma_start3A_1035 = tpu.memref_slice %arg10[%dma_start3A_1033, %dma_start3A_1034] : memref<10128x16xf32, #tpu.memory_space<vmem_shared>> -> memref<10128x16xf32, #tpu.memory_space<vmem_shared>>
      tpu.enqueue_indirect_dma source(%dma_start3A_1029 : memref<128x16xf32, #tpu.memory_space<vmem>>) target(%dma_start3A_1035 : memref<10128x16xf32, #tpu.memory_space<vmem_shared>>) offsets(%dma_start3A_1032 : memref<128xi32, #tpu.memory_space<vmem>>) semaphore(%arg17 : memref<!tpu.dma_semaphore, #tpu.memory_space<semaphore_mem>>) {add = true}
      %add3A_1036 = arith.constant 4 : i32
      %add3A_1037 = arith.addi %add3A_1000, %add3A_1036 : i32
      %dma_start3A_1038 = arith.constant 5 : i32
      %dma_start3A_1039 = arith.constant 0 : i32
      %dma_start3A_1040 = arith.constant 0 : i32
      %dma_start3A_1041 = tpu.memref_slice %arg9[%dma_start3A_1038, %dma_start3A_1039, %dma_start3A_1040] : memref<8x128x16xf32, #tpu.memory_space<vmem>> -> memref<1x128x16xf32, #tpu.memory_space<vmem>>
      %dma_start3A_1042 = tpu.memref_squeeze %dma_start3A_1041 : memref<1x128x16xf32, #tpu.memory_space<vmem>> -> memref<128x16xf32, #tpu.memory_space<vmem>>
      %dma_start3A_1043 = arith.constant 0 : i32
      %dma_start3A_1044 = tpu.memref_slice %arg7[%add3A_1037, %dma_start3A_1043] : memref<79x128xi32, #tpu.memory_space<vmem>> -> memref<1x128xi32, #tpu.memory_space<vmem>>
      %dma_start3A_1045 = tpu.memref_squeeze %dma_start3A_1044 : memref<1x128xi32, #tpu.memory_space<vmem>> -> memref<128xi32, #tpu.memory_space<vmem>>
      %dma_start3A_1046 = arith.constant 0 : i32
      %dma_start3A_1047 = arith.constant 0 : i32
      %dma_start3A_1048 = tpu.memref_slice %arg11[%dma_start3A_1046, %dma_start3A_1047] : memref<10000x16xf32, #tpu.memory_space<vmem_shared>> -> memref<10000x16xf32, #tpu.memory_space<vmem_shared>>
      tpu.enqueue_indirect_dma source(%dma_start3A_1048 : memref<10000x16xf32, #tpu.memory_space<vmem_shared>>) target(%dma_start3A_1042 : memref<128x16xf32, #tpu.memory_space<vmem>>) offsets(%dma_start3A_1045 : memref<128xi32, #tpu.memory_space<vmem>>) semaphore(%arg13 : memref<!tpu.dma_semaphore, #tpu.memory_space<semaphore_mem>>)
      %add3A_1049 = arith.constant 6 : i32
      %add3A_1050 = arith.addi %add3A_749, %add3A_1049 : i32
      %dma_wait3A_1051 = arith.constant 2 : i32
      %dma_wait3A_1052 = arith.constant 0 : i32
      %dma_wait3A_1053 = arith.constant 0 : i32
      %dma_wait3A_1054 = tpu.memref_slice %arg9[%dma_wait3A_1051, %dma_wait3A_1052, %dma_wait3A_1053] : memref<8x128x16xf32, #tpu.memory_space<vmem>> -> memref<1x128x16xf32, #tpu.memory_space<vmem>>
      %dma_wait3A_1055 = tpu.memref_squeeze %dma_wait3A_1054 : memref<1x128x16xf32, #tpu.memory_space<vmem>> -> memref<128x16xf32, #tpu.memory_space<vmem>>
      %dma_wait3A_1056 = arith.constant 0 : i32
      %dma_wait3A_1057 = tpu.memref_slice %arg7[%add3A_1050, %dma_wait3A_1056] : memref<79x128xi32, #tpu.memory_space<vmem>> -> memref<1x128xi32, #tpu.memory_space<vmem>>
      %dma_wait3A_1058 = tpu.memref_squeeze %dma_wait3A_1057 : memref<1x128xi32, #tpu.memory_space<vmem>> -> memref<128xi32, #tpu.memory_space<vmem>>
      %dma_wait3A_1059 = arith.constant 0 : i32
      %dma_wait3A_1060 = arith.constant 0 : i32
      %dma_wait3A_1061 = tpu.memref_slice %arg11[%dma_wait3A_1059, %dma_wait3A_1060] : memref<10000x16xf32, #tpu.memory_space<vmem_shared>> -> memref<10000x16xf32, #tpu.memory_space<vmem_shared>>
      tpu.wait_indirect_dma semaphore(%arg14 : memref<!tpu.dma_semaphore, #tpu.memory_space<semaphore_mem>>) src(%dma_wait3A_1061 : memref<10000x16xf32, #tpu.memory_space<vmem_shared>>) dst(%dma_wait3A_1055 : memref<128x16xf32, #tpu.memory_space<vmem>>)
      %sub3A_1062 = arith.constant 4 : i32
      %sub3A_1063 = arith.subi %add3A_1050, %sub3A_1062 : i32
      %dma_wait3A_1064 = arith.constant 6 : i32
      %dma_wait3A_1065 = arith.constant 0 : i32
      %dma_wait3A_1066 = arith.constant 0 : i32
      %dma_wait3A_1067 = tpu.memref_slice %arg9[%dma_wait3A_1064, %dma_wait3A_1065, %dma_wait3A_1066] : memref<8x128x16xf32, #tpu.memory_space<vmem>> -> memref<1x128x16xf32, #tpu.memory_space<vmem>>
      %dma_wait3A_1068 = tpu.memref_squeeze %dma_wait3A_1067 : memref<1x128x16xf32, #tpu.memory_space<vmem>> -> memref<128x16xf32, #tpu.memory_space<vmem>>
      %dma_wait3A_1069 = arith.constant 0 : i32
      %dma_wait3A_1070 = tpu.memref_slice %arg8[%sub3A_1063, %dma_wait3A_1069] : memref<79x128xi32, #tpu.memory_space<vmem>> -> memref<1x128xi32, #tpu.memory_space<vmem>>
      %dma_wait3A_1071 = tpu.memref_squeeze %dma_wait3A_1070 : memref<1x128xi32, #tpu.memory_space<vmem>> -> memref<128xi32, #tpu.memory_space<vmem>>
      %dma_wait3A_1072 = arith.constant 0 : i32
      %dma_wait3A_1073 = arith.constant 0 : i32
      %dma_wait3A_1074 = tpu.memref_slice %arg10[%dma_wait3A_1072, %dma_wait3A_1073] : memref<10128x16xf32, #tpu.memory_space<vmem_shared>> -> memref<10128x16xf32, #tpu.memory_space<vmem_shared>>
      tpu.wait_indirect_dma semaphore(%arg18 : memref<!tpu.dma_semaphore, #tpu.memory_space<semaphore_mem>>) src(%dma_wait3A_1068 : memref<128x16xf32, #tpu.memory_space<vmem>>) dst(%dma_wait3A_1074 : memref<10128x16xf32, #tpu.memory_space<vmem_shared>>)
      %dma_start3A_1075 = arith.constant 2 : i32
      %dma_start3A_1076 = arith.constant 0 : i32
      %dma_start3A_1077 = arith.constant 0 : i32
      %dma_start3A_1078 = tpu.memref_slice %arg9[%dma_start3A_1075, %dma_start3A_1076, %dma_start3A_1077] : memref<8x128x16xf32, #tpu.memory_space<vmem>> -> memref<1x128x16xf32, #tpu.memory_space<vmem>>
      %dma_start3A_1079 = tpu.memref_squeeze %dma_start3A_1078 : memref<1x128x16xf32, #tpu.memory_space<vmem>> -> memref<128x16xf32, #tpu.memory_space<vmem>>
      %dma_start3A_1080 = arith.constant 0 : i32
      %dma_start3A_1081 = tpu.memref_slice %arg8[%add3A_1050, %dma_start3A_1080] : memref<79x128xi32, #tpu.memory_space<vmem>> -> memref<1x128xi32, #tpu.memory_space<vmem>>
      %dma_start3A_1082 = tpu.memref_squeeze %dma_start3A_1081 : memref<1x128xi32, #tpu.memory_space<vmem>> -> memref<128xi32, #tpu.memory_space<vmem>>
      %dma_start3A_1083 = arith.constant 0 : i32
      %dma_start3A_1084 = arith.constant 0 : i32
      %dma_start3A_1085 = tpu.memref_slice %arg10[%dma_start3A_1083, %dma_start3A_1084] : memref<10128x16xf32, #tpu.memory_space<vmem_shared>> -> memref<10128x16xf32, #tpu.memory_space<vmem_shared>>
      tpu.enqueue_indirect_dma source(%dma_start3A_1079 : memref<128x16xf32, #tpu.memory_space<vmem>>) target(%dma_start3A_1085 : memref<10128x16xf32, #tpu.memory_space<vmem_shared>>) offsets(%dma_start3A_1082 : memref<128xi32, #tpu.memory_space<vmem>>) semaphore(%arg18 : memref<!tpu.dma_semaphore, #tpu.memory_space<semaphore_mem>>) {add = true}
      %add3A_1086 = arith.constant 4 : i32
      %add3A_1087 = arith.addi %add3A_1050, %add3A_1086 : i32
      %dma_start3A_1088 = arith.constant 6 : i32
      %dma_start3A_1089 = arith.constant 0 : i32
      %dma_start3A_1090 = arith.constant 0 : i32
      %dma_start3A_1091 = tpu.memref_slice %arg9[%dma_start3A_1088, %dma_start3A_1089, %dma_start3A_1090] : memref<8x128x16xf32, #tpu.memory_space<vmem>> -> memref<1x128x16xf32, #tpu.memory_space<vmem>>
      %dma_start3A_1092 = tpu.memref_squeeze %dma_start3A_1091 : memref<1x128x16xf32, #tpu.memory_space<vmem>> -> memref<128x16xf32, #tpu.memory_space<vmem>>
      %dma_start3A_1093 = arith.constant 0 : i32
      %dma_start3A_1094 = tpu.memref_slice %arg7[%add3A_1087, %dma_start3A_1093] : memref<79x128xi32, #tpu.memory_space<vmem>> -> memref<1x128xi32, #tpu.memory_space<vmem>>
      %dma_start3A_1095 = tpu.memref_squeeze %dma_start3A_1094 : memref<1x128xi32, #tpu.memory_space<vmem>> -> memref<128xi32, #tpu.memory_space<vmem>>
      %dma_start3A_1096 = arith.constant 0 : i32
      %dma_start3A_1097 = arith.constant 0 : i32
      %dma_start3A_1098 = tpu.memref_slice %arg11[%dma_start3A_1096, %dma_start3A_1097] : memref<10000x16xf32, #tpu.memory_space<vmem_shared>> -> memref<10000x16xf32, #tpu.memory_space<vmem_shared>>
      tpu.enqueue_indirect_dma source(%dma_start3A_1098 : memref<10000x16xf32, #tpu.memory_space<vmem_shared>>) target(%dma_start3A_1092 : memref<128x16xf32, #tpu.memory_space<vmem>>) offsets(%dma_start3A_1095 : memref<128xi32, #tpu.memory_space<vmem>>) semaphore(%arg14 : memref<!tpu.dma_semaphore, #tpu.memory_space<semaphore_mem>>)
      %add3A_1099 = arith.constant 7 : i32
      %add3A_1100 = arith.addi %add3A_749, %add3A_1099 : i32
      %dma_wait3A_1101 = arith.constant 3 : i32
      %dma_wait3A_1102 = arith.constant 0 : i32
      %dma_wait3A_1103 = arith.constant 0 : i32
      %dma_wait3A_1104 = tpu.memref_slice %arg9[%dma_wait3A_1101, %dma_wait3A_1102, %dma_wait3A_1103] : memref<8x128x16xf32, #tpu.memory_space<vmem>> -> memref<1x128x16xf32, #tpu.memory_space<vmem>>
      %dma_wait3A_1105 = tpu.memref_squeeze %dma_wait3A_1104 : memref<1x128x16xf32, #tpu.memory_space<vmem>> -> memref<128x16xf32, #tpu.memory_space<vmem>>
      %dma_wait3A_1106 = arith.constant 0 : i32
      %dma_wait3A_1107 = tpu.memref_slice %arg7[%add3A_1100, %dma_wait3A_1106] : memref<79x128xi32, #tpu.memory_space<vmem>> -> memref<1x128xi32, #tpu.memory_space<vmem>>
      %dma_wait3A_1108 = tpu.memref_squeeze %dma_wait3A_1107 : memref<1x128xi32, #tpu.memory_space<vmem>> -> memref<128xi32, #tpu.memory_space<vmem>>
      %dma_wait3A_1109 = arith.constant 0 : i32
      %dma_wait3A_1110 = arith.constant 0 : i32
      %dma_wait3A_1111 = tpu.memref_slice %arg11[%dma_wait3A_1109, %dma_wait3A_1110] : memref<10000x16xf32, #tpu.memory_space<vmem_shared>> -> memref<10000x16xf32, #tpu.memory_space<vmem_shared>>
      tpu.wait_indirect_dma semaphore(%arg15 : memref<!tpu.dma_semaphore, #tpu.memory_space<semaphore_mem>>) src(%dma_wait3A_1111 : memref<10000x16xf32, #tpu.memory_space<vmem_shared>>) dst(%dma_wait3A_1105 : memref<128x16xf32, #tpu.memory_space<vmem>>)
      %sub3A_1112 = arith.constant 4 : i32
      %sub3A_1113 = arith.subi %add3A_1100, %sub3A_1112 : i32
      %dma_wait3A_1114 = arith.constant 7 : i32
      %dma_wait3A_1115 = arith.constant 0 : i32
      %dma_wait3A_1116 = arith.constant 0 : i32
      %dma_wait3A_1117 = tpu.memref_slice %arg9[%dma_wait3A_1114, %dma_wait3A_1115, %dma_wait3A_1116] : memref<8x128x16xf32, #tpu.memory_space<vmem>> -> memref<1x128x16xf32, #tpu.memory_space<vmem>>
      %dma_wait3A_1118 = tpu.memref_squeeze %dma_wait3A_1117 : memref<1x128x16xf32, #tpu.memory_space<vmem>> -> memref<128x16xf32, #tpu.memory_space<vmem>>
      %dma_wait3A_1119 = arith.constant 0 : i32
      %dma_wait3A_1120 = tpu.memref_slice %arg8[%sub3A_1113, %dma_wait3A_1119] : memref<79x128xi32, #tpu.memory_space<vmem>> -> memref<1x128xi32, #tpu.memory_space<vmem>>
      %dma_wait3A_1121 = tpu.memref_squeeze %dma_wait3A_1120 : memref<1x128xi32, #tpu.memory_space<vmem>> -> memref<128xi32, #tpu.memory_space<vmem>>
      %dma_wait3A_1122 = arith.constant 0 : i32
      %dma_wait3A_1123 = arith.constant 0 : i32
      %dma_wait3A_1124 = tpu.memref_slice %arg10[%dma_wait3A_1122, %dma_wait3A_1123] : memref<10128x16xf32, #tpu.memory_space<vmem_shared>> -> memref<10128x16xf32, #tpu.memory_space<vmem_shared>>
      tpu.wait_indirect_dma semaphore(%arg19 : memref<!tpu.dma_semaphore, #tpu.memory_space<semaphore_mem>>) src(%dma_wait3A_1118 : memref<128x16xf32, #tpu.memory_space<vmem>>) dst(%dma_wait3A_1124 : memref<10128x16xf32, #tpu.memory_space<vmem_shared>>)
      %dma_start3A_1125 = arith.constant 3 : i32
      %dma_start3A_1126 = arith.constant 0 : i32
      %dma_start3A_1127 = arith.constant 0 : i32
      %dma_start3A_1128 = tpu.memref_slice %arg9[%dma_start3A_1125, %dma_start3A_1126, %dma_start3A_1127] : memref<8x128x16xf32, #tpu.memory_space<vmem>> -> memref<1x128x16xf32, #tpu.memory_space<vmem>>
      %dma_start3A_1129 = tpu.memref_squeeze %dma_start3A_1128 : memref<1x128x16xf32, #tpu.memory_space<vmem>> -> memref<128x16xf32, #tpu.memory_space<vmem>>
      %dma_start3A_1130 = arith.constant 0 : i32
      %dma_start3A_1131 = tpu.memref_slice %arg8[%add3A_1100, %dma_start3A_1130] : memref<79x128xi32, #tpu.memory_space<vmem>> -> memref<1x128xi32, #tpu.memory_space<vmem>>
      %dma_start3A_1132 = tpu.memref_squeeze %dma_start3A_1131 : memref<1x128xi32, #tpu.memory_space<vmem>> -> memref<128xi32, #tpu.memory_space<vmem>>
      %dma_start3A_1133 = arith.constant 0 : i32
      %dma_start3A_1134 = arith.constant 0 : i32
      %dma_start3A_1135 = tpu.memref_slice %arg10[%dma_start3A_1133, %dma_start3A_1134] : memref<10128x16xf32, #tpu.memory_space<vmem_shared>> -> memref<10128x16xf32, #tpu.memory_space<vmem_shared>>
      tpu.enqueue_indirect_dma source(%dma_start3A_1129 : memref<128x16xf32, #tpu.memory_space<vmem>>) target(%dma_start3A_1135 : memref<10128x16xf32, #tpu.memory_space<vmem_shared>>) offsets(%dma_start3A_1132 : memref<128xi32, #tpu.memory_space<vmem>>) semaphore(%arg19 : memref<!tpu.dma_semaphore, #tpu.memory_space<semaphore_mem>>) {add = true}
      %add3A_1136 = arith.constant 4 : i32
      %add3A_1137 = arith.addi %add3A_1100, %add3A_1136 : i32
      %dma_start3A_1138 = arith.constant 7 : i32
      %dma_start3A_1139 = arith.constant 0 : i32
      %dma_start3A_1140 = arith.constant 0 : i32
      %dma_start3A_1141 = tpu.memref_slice %arg9[%dma_start3A_1138, %dma_start3A_1139, %dma_start3A_1140] : memref<8x128x16xf32, #tpu.memory_space<vmem>> -> memref<1x128x16xf32, #tpu.memory_space<vmem>>
      %dma_start3A_1142 = tpu.memref_squeeze %dma_start3A_1141 : memref<1x128x16xf32, #tpu.memory_space<vmem>> -> memref<128x16xf32, #tpu.memory_space<vmem>>
      %dma_start3A_1143 = arith.constant 0 : i32
      %dma_start3A_1144 = tpu.memref_slice %arg7[%add3A_1137, %dma_start3A_1143] : memref<79x128xi32, #tpu.memory_space<vmem>> -> memref<1x128xi32, #tpu.memory_space<vmem>>
      %dma_start3A_1145 = tpu.memref_squeeze %dma_start3A_1144 : memref<1x128xi32, #tpu.memory_space<vmem>> -> memref<128xi32, #tpu.memory_space<vmem>>
      %dma_start3A_1146 = arith.constant 0 : i32
      %dma_start3A_1147 = arith.constant 0 : i32
      %dma_start3A_1148 = tpu.memref_slice %arg11[%dma_start3A_1146, %dma_start3A_1147] : memref<10000x16xf32, #tpu.memory_space<vmem_shared>> -> memref<10000x16xf32, #tpu.memory_space<vmem_shared>>
      tpu.enqueue_indirect_dma source(%dma_start3A_1148 : memref<10000x16xf32, #tpu.memory_space<vmem_shared>>) target(%dma_start3A_1142 : memref<128x16xf32, #tpu.memory_space<vmem>>) offsets(%dma_start3A_1145 : memref<128xi32, #tpu.memory_space<vmem>>) semaphore(%arg15 : memref<!tpu.dma_semaphore, #tpu.memory_space<semaphore_mem>>)
    }
    %scan3A_208 = arith.constant 8 : i32
    %dma_wait3A_209 = arith.constant 68 : i32
    %dma_wait3A_210 = arith.constant 4 : i32
    %dma_wait3A_211 = arith.constant 0 : i32
    %dma_wait3A_212 = arith.constant 0 : i32
    %dma_wait3A_213 = tpu.memref_slice %arg9[%dma_wait3A_210, %dma_wait3A_211, %dma_wait3A_212] : memref<8x128x16xf32, #tpu.memory_space<vmem>> -> memref<1x128x16xf32, #tpu.memory_space<vmem>>
    %dma_wait3A_214 = tpu.memref_squeeze %dma_wait3A_213 : memref<1x128x16xf32, #tpu.memory_space<vmem>> -> memref<128x16xf32, #tpu.memory_space<vmem>>
    %dma_wait3A_215 = arith.constant 0 : i32
    %dma_wait3A_216 = tpu.memref_slice %arg7[%dma_wait3A_209, %dma_wait3A_215] : memref<79x128xi32, #tpu.memory_space<vmem>> -> memref<1x128xi32, #tpu.memory_space<vmem>>
    %dma_wait3A_217 = tpu.memref_squeeze %dma_wait3A_216 : memref<1x128xi32, #tpu.memory_space<vmem>> -> memref<128xi32, #tpu.memory_space<vmem>>
    %dma_wait3A_218 = arith.constant 0 : i32
    %dma_wait3A_219 = arith.constant 0 : i32
    %dma_wait3A_220 = tpu.memref_slice %arg11[%dma_wait3A_218, %dma_wait3A_219] : memref<10000x16xf32, #tpu.memory_space<vmem_shared>> -> memref<10000x16xf32, #tpu.memory_space<vmem_shared>>
    tpu.wait_indirect_dma semaphore(%arg12 : memref<!tpu.dma_semaphore, #tpu.memory_space<semaphore_mem>>) src(%dma_wait3A_220 : memref<10000x16xf32, #tpu.memory_space<vmem_shared>>) dst(%dma_wait3A_214 : memref<128x16xf32, #tpu.memory_space<vmem>>)
    %dma_wait3A_221 = arith.constant 0 : i32
    %dma_wait3A_222 = arith.constant 64 : i32
    %dma_wait3A_223 = arith.constant 0 : i32
    %dma_wait3A_224 = arith.constant 0 : i32
    %dma_wait3A_225 = tpu.memref_slice %arg9[%dma_wait3A_221, %dma_wait3A_223, %dma_wait3A_224] : memref<8x128x16xf32, #tpu.memory_space<vmem>> -> memref<1x128x16xf32, #tpu.memory_space<vmem>>
    %dma_wait3A_226 = tpu.memref_squeeze %dma_wait3A_225 : memref<1x128x16xf32, #tpu.memory_space<vmem>> -> memref<128x16xf32, #tpu.memory_space<vmem>>
    %dma_wait3A_227 = arith.constant 0 : i32
    %dma_wait3A_228 = tpu.memref_slice %arg8[%dma_wait3A_222, %dma_wait3A_227] : memref<79x128xi32, #tpu.memory_space<vmem>> -> memref<1x128xi32, #tpu.memory_space<vmem>>
    %dma_wait3A_229 = tpu.memref_squeeze %dma_wait3A_228 : memref<1x128xi32, #tpu.memory_space<vmem>> -> memref<128xi32, #tpu.memory_space<vmem>>
    %dma_wait3A_230 = arith.constant 0 : i32
    %dma_wait3A_231 = arith.constant 0 : i32
    %dma_wait3A_232 = tpu.memref_slice %arg10[%dma_wait3A_230, %dma_wait3A_231] : memref<10128x16xf32, #tpu.memory_space<vmem_shared>> -> memref<10128x16xf32, #tpu.memory_space<vmem_shared>>
    tpu.wait_indirect_dma semaphore(%arg16 : memref<!tpu.dma_semaphore, #tpu.memory_space<semaphore_mem>>) src(%dma_wait3A_226 : memref<128x16xf32, #tpu.memory_space<vmem>>) dst(%dma_wait3A_232 : memref<10128x16xf32, #tpu.memory_space<vmem_shared>>)
    %dma_start3A_233 = arith.constant 4 : i32
    %dma_start3A_234 = arith.constant 68 : i32
    %dma_start3A_235 = arith.constant 0 : i32
    %dma_start3A_236 = arith.constant 0 : i32
    %dma_start3A_237 = tpu.memref_slice %arg9[%dma_start3A_233, %dma_start3A_235, %dma_start3A_236] : memref<8x128x16xf32, #tpu.memory_space<vmem>> -> memref<1x128x16xf32, #tpu.memory_space<vmem>>
    %dma_start3A_238 = tpu.memref_squeeze %dma_start3A_237 : memref<1x128x16xf32, #tpu.memory_space<vmem>> -> memref<128x16xf32, #tpu.memory_space<vmem>>
    %dma_start3A_239 = arith.constant 0 : i32
    %dma_start3A_240 = tpu.memref_slice %arg8[%dma_start3A_234, %dma_start3A_239] : memref<79x128xi32, #tpu.memory_space<vmem>> -> memref<1x128xi32, #tpu.memory_space<vmem>>
    %dma_start3A_241 = tpu.memref_squeeze %dma_start3A_240 : memref<1x128xi32, #tpu.memory_space<vmem>> -> memref<128xi32, #tpu.memory_space<vmem>>
    %dma_start3A_242 = arith.constant 0 : i32
    %dma_start3A_243 = arith.constant 0 : i32
    %dma_start3A_244 = tpu.memref_slice %arg10[%dma_start3A_242, %dma_start3A_243] : memref<10128x16xf32, #tpu.memory_space<vmem_shared>> -> memref<10128x16xf32, #tpu.memory_space<vmem_shared>>
    tpu.enqueue_indirect_dma source(%dma_start3A_238 : memref<128x16xf32, #tpu.memory_space<vmem>>) target(%dma_start3A_244 : memref<10128x16xf32, #tpu.memory_space<vmem_shared>>) offsets(%dma_start3A_241 : memref<128xi32, #tpu.memory_space<vmem>>) semaphore(%arg16 : memref<!tpu.dma_semaphore, #tpu.memory_space<semaphore_mem>>) {add = true}
    %dma_start3A_245 = arith.constant 72 : i32
    %dma_start3A_246 = arith.constant 0 : i32
    %dma_start3A_247 = arith.constant 0 : i32
    %dma_start3A_248 = arith.constant 0 : i32
    %dma_start3A_249 = tpu.memref_slice %arg9[%dma_start3A_246, %dma_start3A_247, %dma_start3A_248] : memref<8x128x16xf32, #tpu.memory_space<vmem>> -> memref<1x128x16xf32, #tpu.memory_space<vmem>>
    %dma_start3A_250 = tpu.memref_squeeze %dma_start3A_249 : memref<1x128x16xf32, #tpu.memory_space<vmem>> -> memref<128x16xf32, #tpu.memory_space<vmem>>
    %dma_start3A_251 = arith.constant 0 : i32
    %dma_start3A_252 = tpu.memref_slice %arg7[%dma_start3A_245, %dma_start3A_251] : memref<79x128xi32, #tpu.memory_space<vmem>> -> memref<1x128xi32, #tpu.memory_space<vmem>>
    %dma_start3A_253 = tpu.memref_squeeze %dma_start3A_252 : memref<1x128xi32, #tpu.memory_space<vmem>> -> memref<128xi32, #tpu.memory_space<vmem>>
    %dma_start3A_254 = arith.constant 0 : i32
    %dma_start3A_255 = arith.constant 0 : i32
    %dma_start3A_256 = tpu.memref_slice %arg11[%dma_start3A_254, %dma_start3A_255] : memref<10000x16xf32, #tpu.memory_space<vmem_shared>> -> memref<10000x16xf32, #tpu.memory_space<vmem_shared>>
    tpu.enqueue_indirect_dma source(%dma_start3A_256 : memref<10000x16xf32, #tpu.memory_space<vmem_shared>>) target(%dma_start3A_250 : memref<128x16xf32, #tpu.memory_space<vmem>>) offsets(%dma_start3A_253 : memref<128xi32, #tpu.memory_space<vmem>>) semaphore(%arg12 : memref<!tpu.dma_semaphore, #tpu.memory_space<semaphore_mem>>)
    %dma_wait3A_257 = arith.constant 69 : i32
    %dma_wait3A_258 = arith.constant 5 : i32
    %dma_wait3A_259 = arith.constant 0 : i32
    %dma_wait3A_260 = arith.constant 0 : i32
    %dma_wait3A_261 = tpu.memref_slice %arg9[%dma_wait3A_258, %dma_wait3A_259, %dma_wait3A_260] : memref<8x128x16xf32, #tpu.memory_space<vmem>> -> memref<1x128x16xf32, #tpu.memory_space<vmem>>
    %dma_wait3A_262 = tpu.memref_squeeze %dma_wait3A_261 : memref<1x128x16xf32, #tpu.memory_space<vmem>> -> memref<128x16xf32, #tpu.memory_space<vmem>>
    %dma_wait3A_263 = arith.constant 0 : i32
    %dma_wait3A_264 = tpu.memref_slice %arg7[%dma_wait3A_257, %dma_wait3A_263] : memref<79x128xi32, #tpu.memory_space<vmem>> -> memref<1x128xi32, #tpu.memory_space<vmem>>
    %dma_wait3A_265 = tpu.memref_squeeze %dma_wait3A_264 : memref<1x128xi32, #tpu.memory_space<vmem>> -> memref<128xi32, #tpu.memory_space<vmem>>
    %dma_wait3A_266 = arith.constant 0 : i32
    %dma_wait3A_267 = arith.constant 0 : i32
    %dma_wait3A_268 = tpu.memref_slice %arg11[%dma_wait3A_266, %dma_wait3A_267] : memref<10000x16xf32, #tpu.memory_space<vmem_shared>> -> memref<10000x16xf32, #tpu.memory_space<vmem_shared>>
    tpu.wait_indirect_dma semaphore(%arg13 : memref<!tpu.dma_semaphore, #tpu.memory_space<semaphore_mem>>) src(%dma_wait3A_268 : memref<10000x16xf32, #tpu.memory_space<vmem_shared>>) dst(%dma_wait3A_262 : memref<128x16xf32, #tpu.memory_space<vmem>>)
    %dma_wait3A_269 = arith.constant 1 : i32
    %dma_wait3A_270 = arith.constant 65 : i32
    %dma_wait3A_271 = arith.constant 0 : i32
    %dma_wait3A_272 = arith.constant 0 : i32
    %dma_wait3A_273 = tpu.memref_slice %arg9[%dma_wait3A_269, %dma_wait3A_271, %dma_wait3A_272] : memref<8x128x16xf32, #tpu.memory_space<vmem>> -> memref<1x128x16xf32, #tpu.memory_space<vmem>>
    %dma_wait3A_274 = tpu.memref_squeeze %dma_wait3A_273 : memref<1x128x16xf32, #tpu.memory_space<vmem>> -> memref<128x16xf32, #tpu.memory_space<vmem>>
    %dma_wait3A_275 = arith.constant 0 : i32
    %dma_wait3A_276 = tpu.memref_slice %arg8[%dma_wait3A_270, %dma_wait3A_275] : memref<79x128xi32, #tpu.memory_space<vmem>> -> memref<1x128xi32, #tpu.memory_space<vmem>>
    %dma_wait3A_277 = tpu.memref_squeeze %dma_wait3A_276 : memref<1x128xi32, #tpu.memory_space<vmem>> -> memref<128xi32, #tpu.memory_space<vmem>>
    %dma_wait3A_278 = arith.constant 0 : i32
    %dma_wait3A_279 = arith.constant 0 : i32
    %dma_wait3A_280 = tpu.memref_slice %arg10[%dma_wait3A_278, %dma_wait3A_279] : memref<10128x16xf32, #tpu.memory_space<vmem_shared>> -> memref<10128x16xf32, #tpu.memory_space<vmem_shared>>
    tpu.wait_indirect_dma semaphore(%arg17 : memref<!tpu.dma_semaphore, #tpu.memory_space<semaphore_mem>>) src(%dma_wait3A_274 : memref<128x16xf32, #tpu.memory_space<vmem>>) dst(%dma_wait3A_280 : memref<10128x16xf32, #tpu.memory_space<vmem_shared>>)
    %dma_start3A_281 = arith.constant 5 : i32
    %dma_start3A_282 = arith.constant 69 : i32
    %dma_start3A_283 = arith.constant 0 : i32
    %dma_start3A_284 = arith.constant 0 : i32
    %dma_start3A_285 = tpu.memref_slice %arg9[%dma_start3A_281, %dma_start3A_283, %dma_start3A_284] : memref<8x128x16xf32, #tpu.memory_space<vmem>> -> memref<1x128x16xf32, #tpu.memory_space<vmem>>
    %dma_start3A_286 = tpu.memref_squeeze %dma_start3A_285 : memref<1x128x16xf32, #tpu.memory_space<vmem>> -> memref<128x16xf32, #tpu.memory_space<vmem>>
    %dma_start3A_287 = arith.constant 0 : i32
    %dma_start3A_288 = tpu.memref_slice %arg8[%dma_start3A_282, %dma_start3A_287] : memref<79x128xi32, #tpu.memory_space<vmem>> -> memref<1x128xi32, #tpu.memory_space<vmem>>
    %dma_start3A_289 = tpu.memref_squeeze %dma_start3A_288 : memref<1x128xi32, #tpu.memory_space<vmem>> -> memref<128xi32, #tpu.memory_space<vmem>>
    %dma_start3A_290 = arith.constant 0 : i32
    %dma_start3A_291 = arith.constant 0 : i32
    %dma_start3A_292 = tpu.memref_slice %arg10[%dma_start3A_290, %dma_start3A_291] : memref<10128x16xf32, #tpu.memory_space<vmem_shared>> -> memref<10128x16xf32, #tpu.memory_space<vmem_shared>>
    tpu.enqueue_indirect_dma source(%dma_start3A_286 : memref<128x16xf32, #tpu.memory_space<vmem>>) target(%dma_start3A_292 : memref<10128x16xf32, #tpu.memory_space<vmem_shared>>) offsets(%dma_start3A_289 : memref<128xi32, #tpu.memory_space<vmem>>) semaphore(%arg17 : memref<!tpu.dma_semaphore, #tpu.memory_space<semaphore_mem>>) {add = true}
    %dma_start3A_293 = arith.constant 73 : i32
    %dma_start3A_294 = arith.constant 1 : i32
    %dma_start3A_295 = arith.constant 0 : i32
    %dma_start3A_296 = arith.constant 0 : i32
    %dma_start3A_297 = tpu.memref_slice %arg9[%dma_start3A_294, %dma_start3A_295, %dma_start3A_296] : memref<8x128x16xf32, #tpu.memory_space<vmem>> -> memref<1x128x16xf32, #tpu.memory_space<vmem>>
    %dma_start3A_298 = tpu.memref_squeeze %dma_start3A_297 : memref<1x128x16xf32, #tpu.memory_space<vmem>> -> memref<128x16xf32, #tpu.memory_space<vmem>>
    %dma_start3A_299 = arith.constant 0 : i32
    %dma_start3A_300 = tpu.memref_slice %arg7[%dma_start3A_293, %dma_start3A_299] : memref<79x128xi32, #tpu.memory_space<vmem>> -> memref<1x128xi32, #tpu.memory_space<vmem>>
    %dma_start3A_301 = tpu.memref_squeeze %dma_start3A_300 : memref<1x128xi32, #tpu.memory_space<vmem>> -> memref<128xi32, #tpu.memory_space<vmem>>
    %dma_start3A_302 = arith.constant 0 : i32
    %dma_start3A_303 = arith.constant 0 : i32
    %dma_start3A_304 = tpu.memref_slice %arg11[%dma_start3A_302, %dma_start3A_303] : memref<10000x16xf32, #tpu.memory_space<vmem_shared>> -> memref<10000x16xf32, #tpu.memory_space<vmem_shared>>
    tpu.enqueue_indirect_dma source(%dma_start3A_304 : memref<10000x16xf32, #tpu.memory_space<vmem_shared>>) target(%dma_start3A_298 : memref<128x16xf32, #tpu.memory_space<vmem>>) offsets(%dma_start3A_301 : memref<128xi32, #tpu.memory_space<vmem>>) semaphore(%arg13 : memref<!tpu.dma_semaphore, #tpu.memory_space<semaphore_mem>>)
    %dma_wait3A_305 = arith.constant 70 : i32
    %dma_wait3A_306 = arith.constant 6 : i32
    %dma_wait3A_307 = arith.constant 0 : i32
    %dma_wait3A_308 = arith.constant 0 : i32
    %dma_wait3A_309 = tpu.memref_slice %arg9[%dma_wait3A_306, %dma_wait3A_307, %dma_wait3A_308] : memref<8x128x16xf32, #tpu.memory_space<vmem>> -> memref<1x128x16xf32, #tpu.memory_space<vmem>>
    %dma_wait3A_310 = tpu.memref_squeeze %dma_wait3A_309 : memref<1x128x16xf32, #tpu.memory_space<vmem>> -> memref<128x16xf32, #tpu.memory_space<vmem>>
    %dma_wait3A_311 = arith.constant 0 : i32
    %dma_wait3A_312 = tpu.memref_slice %arg7[%dma_wait3A_305, %dma_wait3A_311] : memref<79x128xi32, #tpu.memory_space<vmem>> -> memref<1x128xi32, #tpu.memory_space<vmem>>
    %dma_wait3A_313 = tpu.memref_squeeze %dma_wait3A_312 : memref<1x128xi32, #tpu.memory_space<vmem>> -> memref<128xi32, #tpu.memory_space<vmem>>
    %dma_wait3A_314 = arith.constant 0 : i32
    %dma_wait3A_315 = arith.constant 0 : i32
    %dma_wait3A_316 = tpu.memref_slice %arg11[%dma_wait3A_314, %dma_wait3A_315] : memref<10000x16xf32, #tpu.memory_space<vmem_shared>> -> memref<10000x16xf32, #tpu.memory_space<vmem_shared>>
    tpu.wait_indirect_dma semaphore(%arg14 : memref<!tpu.dma_semaphore, #tpu.memory_space<semaphore_mem>>) src(%dma_wait3A_316 : memref<10000x16xf32, #tpu.memory_space<vmem_shared>>) dst(%dma_wait3A_310 : memref<128x16xf32, #tpu.memory_space<vmem>>)
    %dma_wait3A_317 = arith.constant 2 : i32
    %dma_wait3A_318 = arith.constant 66 : i32
    %dma_wait3A_319 = arith.constant 0 : i32
    %dma_wait3A_320 = arith.constant 0 : i32
    %dma_wait3A_321 = tpu.memref_slice %arg9[%dma_wait3A_317, %dma_wait3A_319, %dma_wait3A_320] : memref<8x128x16xf32, #tpu.memory_space<vmem>> -> memref<1x128x16xf32, #tpu.memory_space<vmem>>
    %dma_wait3A_322 = tpu.memref_squeeze %dma_wait3A_321 : memref<1x128x16xf32, #tpu.memory_space<vmem>> -> memref<128x16xf32, #tpu.memory_space<vmem>>
    %dma_wait3A_323 = arith.constant 0 : i32
    %dma_wait3A_324 = tpu.memref_slice %arg8[%dma_wait3A_318, %dma_wait3A_323] : memref<79x128xi32, #tpu.memory_space<vmem>> -> memref<1x128xi32, #tpu.memory_space<vmem>>
    %dma_wait3A_325 = tpu.memref_squeeze %dma_wait3A_324 : memref<1x128xi32, #tpu.memory_space<vmem>> -> memref<128xi32, #tpu.memory_space<vmem>>
    %dma_wait3A_326 = arith.constant 0 : i32
    %dma_wait3A_327 = arith.constant 0 : i32
    %dma_wait3A_328 = tpu.memref_slice %arg10[%dma_wait3A_326, %dma_wait3A_327] : memref<10128x16xf32, #tpu.memory_space<vmem_shared>> -> memref<10128x16xf32, #tpu.memory_space<vmem_shared>>
    tpu.wait_indirect_dma semaphore(%arg18 : memref<!tpu.dma_semaphore, #tpu.memory_space<semaphore_mem>>) src(%dma_wait3A_322 : memref<128x16xf32, #tpu.memory_space<vmem>>) dst(%dma_wait3A_328 : memref<10128x16xf32, #tpu.memory_space<vmem_shared>>)
    %dma_start3A_329 = arith.constant 6 : i32
    %dma_start3A_330 = arith.constant 70 : i32
    %dma_start3A_331 = arith.constant 0 : i32
    %dma_start3A_332 = arith.constant 0 : i32
    %dma_start3A_333 = tpu.memref_slice %arg9[%dma_start3A_329, %dma_start3A_331, %dma_start3A_332] : memref<8x128x16xf32, #tpu.memory_space<vmem>> -> memref<1x128x16xf32, #tpu.memory_space<vmem>>
    %dma_start3A_334 = tpu.memref_squeeze %dma_start3A_333 : memref<1x128x16xf32, #tpu.memory_space<vmem>> -> memref<128x16xf32, #tpu.memory_space<vmem>>
    %dma_start3A_335 = arith.constant 0 : i32
    %dma_start3A_336 = tpu.memref_slice %arg8[%dma_start3A_330, %dma_start3A_335] : memref<79x128xi32, #tpu.memory_space<vmem>> -> memref<1x128xi32, #tpu.memory_space<vmem>>
    %dma_start3A_337 = tpu.memref_squeeze %dma_start3A_336 : memref<1x128xi32, #tpu.memory_space<vmem>> -> memref<128xi32, #tpu.memory_space<vmem>>
    %dma_start3A_338 = arith.constant 0 : i32
    %dma_start3A_339 = arith.constant 0 : i32
    %dma_start3A_340 = tpu.memref_slice %arg10[%dma_start3A_338, %dma_start3A_339] : memref<10128x16xf32, #tpu.memory_space<vmem_shared>> -> memref<10128x16xf32, #tpu.memory_space<vmem_shared>>
    tpu.enqueue_indirect_dma source(%dma_start3A_334 : memref<128x16xf32, #tpu.memory_space<vmem>>) target(%dma_start3A_340 : memref<10128x16xf32, #tpu.memory_space<vmem_shared>>) offsets(%dma_start3A_337 : memref<128xi32, #tpu.memory_space<vmem>>) semaphore(%arg18 : memref<!tpu.dma_semaphore, #tpu.memory_space<semaphore_mem>>) {add = true}
    %dma_start3A_341 = arith.constant 74 : i32
    %dma_start3A_342 = arith.constant 2 : i32
    %dma_start3A_343 = arith.constant 0 : i32
    %dma_start3A_344 = arith.constant 0 : i32
    %dma_start3A_345 = tpu.memref_slice %arg9[%dma_start3A_342, %dma_start3A_343, %dma_start3A_344] : memref<8x128x16xf32, #tpu.memory_space<vmem>> -> memref<1x128x16xf32, #tpu.memory_space<vmem>>
    %dma_start3A_346 = tpu.memref_squeeze %dma_start3A_345 : memref<1x128x16xf32, #tpu.memory_space<vmem>> -> memref<128x16xf32, #tpu.memory_space<vmem>>
    %dma_start3A_347 = arith.constant 0 : i32
    %dma_start3A_348 = tpu.memref_slice %arg7[%dma_start3A_341, %dma_start3A_347] : memref<79x128xi32, #tpu.memory_space<vmem>> -> memref<1x128xi32, #tpu.memory_space<vmem>>
    %dma_start3A_349 = tpu.memref_squeeze %dma_start3A_348 : memref<1x128xi32, #tpu.memory_space<vmem>> -> memref<128xi32, #tpu.memory_space<vmem>>
    %dma_start3A_350 = arith.constant 0 : i32
    %dma_start3A_351 = arith.constant 0 : i32
    %dma_start3A_352 = tpu.memref_slice %arg11[%dma_start3A_350, %dma_start3A_351] : memref<10000x16xf32, #tpu.memory_space<vmem_shared>> -> memref<10000x16xf32, #tpu.memory_space<vmem_shared>>
    tpu.enqueue_indirect_dma source(%dma_start3A_352 : memref<10000x16xf32, #tpu.memory_space<vmem_shared>>) target(%dma_start3A_346 : memref<128x16xf32, #tpu.memory_space<vmem>>) offsets(%dma_start3A_349 : memref<128xi32, #tpu.memory_space<vmem>>) semaphore(%arg14 : memref<!tpu.dma_semaphore, #tpu.memory_space<semaphore_mem>>)
    %dma_wait3A_353 = arith.constant 71 : i32
    %dma_wait3A_354 = arith.constant 7 : i32
    %dma_wait3A_355 = arith.constant 0 : i32
    %dma_wait3A_356 = arith.constant 0 : i32
    %dma_wait3A_357 = tpu.memref_slice %arg9[%dma_wait3A_354, %dma_wait3A_355, %dma_wait3A_356] : memref<8x128x16xf32, #tpu.memory_space<vmem>> -> memref<1x128x16xf32, #tpu.memory_space<vmem>>
    %dma_wait3A_358 = tpu.memref_squeeze %dma_wait3A_357 : memref<1x128x16xf32, #tpu.memory_space<vmem>> -> memref<128x16xf32, #tpu.memory_space<vmem>>
    %dma_wait3A_359 = arith.constant 0 : i32
    %dma_wait3A_360 = tpu.memref_slice %arg7[%dma_wait3A_353, %dma_wait3A_359] : memref<79x128xi32, #tpu.memory_space<vmem>> -> memref<1x128xi32, #tpu.memory_space<vmem>>
    %dma_wait3A_361 = tpu.memref_squeeze %dma_wait3A_360 : memref<1x128xi32, #tpu.memory_space<vmem>> -> memref<128xi32, #tpu.memory_space<vmem>>
    %dma_wait3A_362 = arith.constant 0 : i32
    %dma_wait3A_363 = arith.constant 0 : i32
    %dma_wait3A_364 = tpu.memref_slice %arg11[%dma_wait3A_362, %dma_wait3A_363] : memref<10000x16xf32, #tpu.memory_space<vmem_shared>> -> memref<10000x16xf32, #tpu.memory_space<vmem_shared>>
    tpu.wait_indirect_dma semaphore(%arg15 : memref<!tpu.dma_semaphore, #tpu.memory_space<semaphore_mem>>) src(%dma_wait3A_364 : memref<10000x16xf32, #tpu.memory_space<vmem_shared>>) dst(%dma_wait3A_358 : memref<128x16xf32, #tpu.memory_space<vmem>>)
    %dma_wait3A_365 = arith.constant 3 : i32
    %dma_wait3A_366 = arith.constant 67 : i32
    %dma_wait3A_367 = arith.constant 0 : i32
    %dma_wait3A_368 = arith.constant 0 : i32
    %dma_wait3A_369 = tpu.memref_slice %arg9[%dma_wait3A_365, %dma_wait3A_367, %dma_wait3A_368] : memref<8x128x16xf32, #tpu.memory_space<vmem>> -> memref<1x128x16xf32, #tpu.memory_space<vmem>>
    %dma_wait3A_370 = tpu.memref_squeeze %dma_wait3A_369 : memref<1x128x16xf32, #tpu.memory_space<vmem>> -> memref<128x16xf32, #tpu.memory_space<vmem>>
    %dma_wait3A_371 = arith.constant 0 : i32
    %dma_wait3A_372 = tpu.memref_slice %arg8[%dma_wait3A_366, %dma_wait3A_371] : memref<79x128xi32, #tpu.memory_space<vmem>> -> memref<1x128xi32, #tpu.memory_space<vmem>>
    %dma_wait3A_373 = tpu.memref_squeeze %dma_wait3A_372 : memref<1x128xi32, #tpu.memory_space<vmem>> -> memref<128xi32, #tpu.memory_space<vmem>>
    %dma_wait3A_374 = arith.constant 0 : i32
    %dma_wait3A_375 = arith.constant 0 : i32
    %dma_wait3A_376 = tpu.memref_slice %arg10[%dma_wait3A_374, %dma_wait3A_375] : memref<10128x16xf32, #tpu.memory_space<vmem_shared>> -> memref<10128x16xf32, #tpu.memory_space<vmem_shared>>
    tpu.wait_indirect_dma semaphore(%arg19 : memref<!tpu.dma_semaphore, #tpu.memory_space<semaphore_mem>>) src(%dma_wait3A_370 : memref<128x16xf32, #tpu.memory_space<vmem>>) dst(%dma_wait3A_376 : memref<10128x16xf32, #tpu.memory_space<vmem_shared>>)
    %dma_start3A_377 = arith.constant 7 : i32
    %dma_start3A_378 = arith.constant 71 : i32
    %dma_start3A_379 = arith.constant 0 : i32
    %dma_start3A_380 = arith.constant 0 : i32
    %dma_start3A_381 = tpu.memref_slice %arg9[%dma_start3A_377, %dma_start3A_379, %dma_start3A_380] : memref<8x128x16xf32, #tpu.memory_space<vmem>> -> memref<1x128x16xf32, #tpu.memory_space<vmem>>
    %dma_start3A_382 = tpu.memref_squeeze %dma_start3A_381 : memref<1x128x16xf32, #tpu.memory_space<vmem>> -> memref<128x16xf32, #tpu.memory_space<vmem>>
    %dma_start3A_383 = arith.constant 0 : i32
    %dma_start3A_384 = tpu.memref_slice %arg8[%dma_start3A_378, %dma_start3A_383] : memref<79x128xi32, #tpu.memory_space<vmem>> -> memref<1x128xi32, #tpu.memory_space<vmem>>
    %dma_start3A_385 = tpu.memref_squeeze %dma_start3A_384 : memref<1x128xi32, #tpu.memory_space<vmem>> -> memref<128xi32, #tpu.memory_space<vmem>>
    %dma_start3A_386 = arith.constant 0 : i32
    %dma_start3A_387 = arith.constant 0 : i32
    %dma_start3A_388 = tpu.memref_slice %arg10[%dma_start3A_386, %dma_start3A_387] : memref<10128x16xf32, #tpu.memory_space<vmem_shared>> -> memref<10128x16xf32, #tpu.memory_space<vmem_shared>>
    tpu.enqueue_indirect_dma source(%dma_start3A_382 : memref<128x16xf32, #tpu.memory_space<vmem>>) target(%dma_start3A_388 : memref<10128x16xf32, #tpu.memory_space<vmem_shared>>) offsets(%dma_start3A_385 : memref<128xi32, #tpu.memory_space<vmem>>) semaphore(%arg19 : memref<!tpu.dma_semaphore, #tpu.memory_space<semaphore_mem>>) {add = true}
    %dma_start3A_389 = arith.constant 75 : i32
    %dma_start3A_390 = arith.constant 3 : i32
    %dma_start3A_391 = arith.constant 0 : i32
    %dma_start3A_392 = arith.constant 0 : i32
    %dma_start3A_393 = tpu.memref_slice %arg9[%dma_start3A_390, %dma_start3A_391, %dma_start3A_392] : memref<8x128x16xf32, #tpu.memory_space<vmem>> -> memref<1x128x16xf32, #tpu.memory_space<vmem>>
    %dma_start3A_394 = tpu.memref_squeeze %dma_start3A_393 : memref<1x128x16xf32, #tpu.memory_space<vmem>> -> memref<128x16xf32, #tpu.memory_space<vmem>>
    %dma_start3A_395 = arith.constant 0 : i32
    %dma_start3A_396 = tpu.memref_slice %arg7[%dma_start3A_389, %dma_start3A_395] : memref<79x128xi32, #tpu.memory_space<vmem>> -> memref<1x128xi32, #tpu.memory_space<vmem>>
    %dma_start3A_397 = tpu.memref_squeeze %dma_start3A_396 : memref<1x128xi32, #tpu.memory_space<vmem>> -> memref<128xi32, #tpu.memory_space<vmem>>
    %dma_start3A_398 = arith.constant 0 : i32
    %dma_start3A_399 = arith.constant 0 : i32
    %dma_start3A_400 = tpu.memref_slice %arg11[%dma_start3A_398, %dma_start3A_399] : memref<10000x16xf32, #tpu.memory_space<vmem_shared>> -> memref<10000x16xf32, #tpu.memory_space<vmem_shared>>
    tpu.enqueue_indirect_dma source(%dma_start3A_400 : memref<10000x16xf32, #tpu.memory_space<vmem_shared>>) target(%dma_start3A_394 : memref<128x16xf32, #tpu.memory_space<vmem>>) offsets(%dma_start3A_397 : memref<128xi32, #tpu.memory_space<vmem>>) semaphore(%arg15 : memref<!tpu.dma_semaphore, #tpu.memory_space<semaphore_mem>>)
    %dma_wait3A_401 = arith.constant 72 : i32
    %dma_wait3A_402 = arith.constant 0 : i32
    %dma_wait3A_403 = arith.constant 0 : i32
    %dma_wait3A_404 = arith.constant 0 : i32
    %dma_wait3A_405 = tpu.memref_slice %arg9[%dma_wait3A_402, %dma_wait3A_403, %dma_wait3A_404] : memref<8x128x16xf32, #tpu.memory_space<vmem>> -> memref<1x128x16xf32, #tpu.memory_space<vmem>>
    %dma_wait3A_406 = tpu.memref_squeeze %dma_wait3A_405 : memref<1x128x16xf32, #tpu.memory_space<vmem>> -> memref<128x16xf32, #tpu.memory_space<vmem>>
    %dma_wait3A_407 = arith.constant 0 : i32
    %dma_wait3A_408 = tpu.memref_slice %arg7[%dma_wait3A_401, %dma_wait3A_407] : memref<79x128xi32, #tpu.memory_space<vmem>> -> memref<1x128xi32, #tpu.memory_space<vmem>>
    %dma_wait3A_409 = tpu.memref_squeeze %dma_wait3A_408 : memref<1x128xi32, #tpu.memory_space<vmem>> -> memref<128xi32, #tpu.memory_space<vmem>>
    %dma_wait3A_410 = arith.constant 0 : i32
    %dma_wait3A_411 = arith.constant 0 : i32
    %dma_wait3A_412 = tpu.memref_slice %arg11[%dma_wait3A_410, %dma_wait3A_411] : memref<10000x16xf32, #tpu.memory_space<vmem_shared>> -> memref<10000x16xf32, #tpu.memory_space<vmem_shared>>
    tpu.wait_indirect_dma semaphore(%arg12 : memref<!tpu.dma_semaphore, #tpu.memory_space<semaphore_mem>>) src(%dma_wait3A_412 : memref<10000x16xf32, #tpu.memory_space<vmem_shared>>) dst(%dma_wait3A_406 : memref<128x16xf32, #tpu.memory_space<vmem>>)
    %dma_wait3A_413 = arith.constant 4 : i32
    %dma_wait3A_414 = arith.constant 68 : i32
    %dma_wait3A_415 = arith.constant 0 : i32
    %dma_wait3A_416 = arith.constant 0 : i32
    %dma_wait3A_417 = tpu.memref_slice %arg9[%dma_wait3A_413, %dma_wait3A_415, %dma_wait3A_416] : memref<8x128x16xf32, #tpu.memory_space<vmem>> -> memref<1x128x16xf32, #tpu.memory_space<vmem>>
    %dma_wait3A_418 = tpu.memref_squeeze %dma_wait3A_417 : memref<1x128x16xf32, #tpu.memory_space<vmem>> -> memref<128x16xf32, #tpu.memory_space<vmem>>
    %dma_wait3A_419 = arith.constant 0 : i32
    %dma_wait3A_420 = tpu.memref_slice %arg8[%dma_wait3A_414, %dma_wait3A_419] : memref<79x128xi32, #tpu.memory_space<vmem>> -> memref<1x128xi32, #tpu.memory_space<vmem>>
    %dma_wait3A_421 = tpu.memref_squeeze %dma_wait3A_420 : memref<1x128xi32, #tpu.memory_space<vmem>> -> memref<128xi32, #tpu.memory_space<vmem>>
    %dma_wait3A_422 = arith.constant 0 : i32
    %dma_wait3A_423 = arith.constant 0 : i32
    %dma_wait3A_424 = tpu.memref_slice %arg10[%dma_wait3A_422, %dma_wait3A_423] : memref<10128x16xf32, #tpu.memory_space<vmem_shared>> -> memref<10128x16xf32, #tpu.memory_space<vmem_shared>>
    tpu.wait_indirect_dma semaphore(%arg16 : memref<!tpu.dma_semaphore, #tpu.memory_space<semaphore_mem>>) src(%dma_wait3A_418 : memref<128x16xf32, #tpu.memory_space<vmem>>) dst(%dma_wait3A_424 : memref<10128x16xf32, #tpu.memory_space<vmem_shared>>)
    %dma_start3A_425 = arith.constant 0 : i32
    %dma_start3A_426 = arith.constant 72 : i32
    %dma_start3A_427 = arith.constant 0 : i32
    %dma_start3A_428 = arith.constant 0 : i32
    %dma_start3A_429 = tpu.memref_slice %arg9[%dma_start3A_425, %dma_start3A_427, %dma_start3A_428] : memref<8x128x16xf32, #tpu.memory_space<vmem>> -> memref<1x128x16xf32, #tpu.memory_space<vmem>>
    %dma_start3A_430 = tpu.memref_squeeze %dma_start3A_429 : memref<1x128x16xf32, #tpu.memory_space<vmem>> -> memref<128x16xf32, #tpu.memory_space<vmem>>
    %dma_start3A_431 = arith.constant 0 : i32
    %dma_start3A_432 = tpu.memref_slice %arg8[%dma_start3A_426, %dma_start3A_431] : memref<79x128xi32, #tpu.memory_space<vmem>> -> memref<1x128xi32, #tpu.memory_space<vmem>>
    %dma_start3A_433 = tpu.memref_squeeze %dma_start3A_432 : memref<1x128xi32, #tpu.memory_space<vmem>> -> memref<128xi32, #tpu.memory_space<vmem>>
    %dma_start3A_434 = arith.constant 0 : i32
    %dma_start3A_435 = arith.constant 0 : i32
    %dma_start3A_436 = tpu.memref_slice %arg10[%dma_start3A_434, %dma_start3A_435] : memref<10128x16xf32, #tpu.memory_space<vmem_shared>> -> memref<10128x16xf32, #tpu.memory_space<vmem_shared>>
    tpu.enqueue_indirect_dma source(%dma_start3A_430 : memref<128x16xf32, #tpu.memory_space<vmem>>) target(%dma_start3A_436 : memref<10128x16xf32, #tpu.memory_space<vmem_shared>>) offsets(%dma_start3A_433 : memref<128xi32, #tpu.memory_space<vmem>>) semaphore(%arg16 : memref<!tpu.dma_semaphore, #tpu.memory_space<semaphore_mem>>) {add = true}
    %dma_start3A_437 = arith.constant 76 : i32
    %dma_start3A_438 = arith.constant 4 : i32
    %dma_start3A_439 = arith.constant 0 : i32
    %dma_start3A_440 = arith.constant 0 : i32
    %dma_start3A_441 = tpu.memref_slice %arg9[%dma_start3A_438, %dma_start3A_439, %dma_start3A_440] : memref<8x128x16xf32, #tpu.memory_space<vmem>> -> memref<1x128x16xf32, #tpu.memory_space<vmem>>
    %dma_start3A_442 = tpu.memref_squeeze %dma_start3A_441 : memref<1x128x16xf32, #tpu.memory_space<vmem>> -> memref<128x16xf32, #tpu.memory_space<vmem>>
    %dma_start3A_443 = arith.constant 0 : i32
    %dma_start3A_444 = tpu.memref_slice %arg7[%dma_start3A_437, %dma_start3A_443] : memref<79x128xi32, #tpu.memory_space<vmem>> -> memref<1x128xi32, #tpu.memory_space<vmem>>
    %dma_start3A_445 = tpu.memref_squeeze %dma_start3A_444 : memref<1x128xi32, #tpu.memory_space<vmem>> -> memref<128xi32, #tpu.memory_space<vmem>>
    %dma_start3A_446 = arith.constant 0 : i32
    %dma_start3A_447 = arith.constant 0 : i32
    %dma_start3A_448 = tpu.memref_slice %arg11[%dma_start3A_446, %dma_start3A_447] : memref<10000x16xf32, #tpu.memory_space<vmem_shared>> -> memref<10000x16xf32, #tpu.memory_space<vmem_shared>>
    tpu.enqueue_indirect_dma source(%dma_start3A_448 : memref<10000x16xf32, #tpu.memory_space<vmem_shared>>) target(%dma_start3A_442 : memref<128x16xf32, #tpu.memory_space<vmem>>) offsets(%dma_start3A_445 : memref<128xi32, #tpu.memory_space<vmem>>) semaphore(%arg12 : memref<!tpu.dma_semaphore, #tpu.memory_space<semaphore_mem>>)
    %dma_wait3A_449 = arith.constant 73 : i32
    %dma_wait3A_450 = arith.constant 1 : i32
    %dma_wait3A_451 = arith.constant 0 : i32
    %dma_wait3A_452 = arith.constant 0 : i32
    %dma_wait3A_453 = tpu.memref_slice %arg9[%dma_wait3A_450, %dma_wait3A_451, %dma_wait3A_452] : memref<8x128x16xf32, #tpu.memory_space<vmem>> -> memref<1x128x16xf32, #tpu.memory_space<vmem>>
    %dma_wait3A_454 = tpu.memref_squeeze %dma_wait3A_453 : memref<1x128x16xf32, #tpu.memory_space<vmem>> -> memref<128x16xf32, #tpu.memory_space<vmem>>
    %dma_wait3A_455 = arith.constant 0 : i32
    %dma_wait3A_456 = tpu.memref_slice %arg7[%dma_wait3A_449, %dma_wait3A_455] : memref<79x128xi32, #tpu.memory_space<vmem>> -> memref<1x128xi32, #tpu.memory_space<vmem>>
    %dma_wait3A_457 = tpu.memref_squeeze %dma_wait3A_456 : memref<1x128xi32, #tpu.memory_space<vmem>> -> memref<128xi32, #tpu.memory_space<vmem>>
    %dma_wait3A_458 = arith.constant 0 : i32
    %dma_wait3A_459 = arith.constant 0 : i32
    %dma_wait3A_460 = tpu.memref_slice %arg11[%dma_wait3A_458, %dma_wait3A_459] : memref<10000x16xf32, #tpu.memory_space<vmem_shared>> -> memref<10000x16xf32, #tpu.memory_space<vmem_shared>>
    tpu.wait_indirect_dma semaphore(%arg13 : memref<!tpu.dma_semaphore, #tpu.memory_space<semaphore_mem>>) src(%dma_wait3A_460 : memref<10000x16xf32, #tpu.memory_space<vmem_shared>>) dst(%dma_wait3A_454 : memref<128x16xf32, #tpu.memory_space<vmem>>)
    %dma_wait3A_461 = arith.constant 5 : i32
    %dma_wait3A_462 = arith.constant 69 : i32
    %dma_wait3A_463 = arith.constant 0 : i32
    %dma_wait3A_464 = arith.constant 0 : i32
    %dma_wait3A_465 = tpu.memref_slice %arg9[%dma_wait3A_461, %dma_wait3A_463, %dma_wait3A_464] : memref<8x128x16xf32, #tpu.memory_space<vmem>> -> memref<1x128x16xf32, #tpu.memory_space<vmem>>
    %dma_wait3A_466 = tpu.memref_squeeze %dma_wait3A_465 : memref<1x128x16xf32, #tpu.memory_space<vmem>> -> memref<128x16xf32, #tpu.memory_space<vmem>>
    %dma_wait3A_467 = arith.constant 0 : i32
    %dma_wait3A_468 = tpu.memref_slice %arg8[%dma_wait3A_462, %dma_wait3A_467] : memref<79x128xi32, #tpu.memory_space<vmem>> -> memref<1x128xi32, #tpu.memory_space<vmem>>
    %dma_wait3A_469 = tpu.memref_squeeze %dma_wait3A_468 : memref<1x128xi32, #tpu.memory_space<vmem>> -> memref<128xi32, #tpu.memory_space<vmem>>
    %dma_wait3A_470 = arith.constant 0 : i32
    %dma_wait3A_471 = arith.constant 0 : i32
    %dma_wait3A_472 = tpu.memref_slice %arg10[%dma_wait3A_470, %dma_wait3A_471] : memref<10128x16xf32, #tpu.memory_space<vmem_shared>> -> memref<10128x16xf32, #tpu.memory_space<vmem_shared>>
    tpu.wait_indirect_dma semaphore(%arg17 : memref<!tpu.dma_semaphore, #tpu.memory_space<semaphore_mem>>) src(%dma_wait3A_466 : memref<128x16xf32, #tpu.memory_space<vmem>>) dst(%dma_wait3A_472 : memref<10128x16xf32, #tpu.memory_space<vmem_shared>>)
    %dma_start3A_473 = arith.constant 1 : i32
    %dma_start3A_474 = arith.constant 73 : i32
    %dma_start3A_475 = arith.constant 0 : i32
    %dma_start3A_476 = arith.constant 0 : i32
    %dma_start3A_477 = tpu.memref_slice %arg9[%dma_start3A_473, %dma_start3A_475, %dma_start3A_476] : memref<8x128x16xf32, #tpu.memory_space<vmem>> -> memref<1x128x16xf32, #tpu.memory_space<vmem>>
    %dma_start3A_478 = tpu.memref_squeeze %dma_start3A_477 : memref<1x128x16xf32, #tpu.memory_space<vmem>> -> memref<128x16xf32, #tpu.memory_space<vmem>>
    %dma_start3A_479 = arith.constant 0 : i32
    %dma_start3A_480 = tpu.memref_slice %arg8[%dma_start3A_474, %dma_start3A_479] : memref<79x128xi32, #tpu.memory_space<vmem>> -> memref<1x128xi32, #tpu.memory_space<vmem>>
    %dma_start3A_481 = tpu.memref_squeeze %dma_start3A_480 : memref<1x128xi32, #tpu.memory_space<vmem>> -> memref<128xi32, #tpu.memory_space<vmem>>
    %dma_start3A_482 = arith.constant 0 : i32
    %dma_start3A_483 = arith.constant 0 : i32
    %dma_start3A_484 = tpu.memref_slice %arg10[%dma_start3A_482, %dma_start3A_483] : memref<10128x16xf32, #tpu.memory_space<vmem_shared>> -> memref<10128x16xf32, #tpu.memory_space<vmem_shared>>
    tpu.enqueue_indirect_dma source(%dma_start3A_478 : memref<128x16xf32, #tpu.memory_space<vmem>>) target(%dma_start3A_484 : memref<10128x16xf32, #tpu.memory_space<vmem_shared>>) offsets(%dma_start3A_481 : memref<128xi32, #tpu.memory_space<vmem>>) semaphore(%arg17 : memref<!tpu.dma_semaphore, #tpu.memory_space<semaphore_mem>>) {add = true}
    %dma_start3A_485 = arith.constant 77 : i32
    %dma_start3A_486 = arith.constant 5 : i32
    %dma_start3A_487 = arith.constant 0 : i32
    %dma_start3A_488 = arith.constant 0 : i32
    %dma_start3A_489 = tpu.memref_slice %arg9[%dma_start3A_486, %dma_start3A_487, %dma_start3A_488] : memref<8x128x16xf32, #tpu.memory_space<vmem>> -> memref<1x128x16xf32, #tpu.memory_space<vmem>>
    %dma_start3A_490 = tpu.memref_squeeze %dma_start3A_489 : memref<1x128x16xf32, #tpu.memory_space<vmem>> -> memref<128x16xf32, #tpu.memory_space<vmem>>
    %dma_start3A_491 = arith.constant 0 : i32
    %dma_start3A_492 = tpu.memref_slice %arg7[%dma_start3A_485, %dma_start3A_491] : memref<79x128xi32, #tpu.memory_space<vmem>> -> memref<1x128xi32, #tpu.memory_space<vmem>>
    %dma_start3A_493 = tpu.memref_squeeze %dma_start3A_492 : memref<1x128xi32, #tpu.memory_space<vmem>> -> memref<128xi32, #tpu.memory_space<vmem>>
    %dma_start3A_494 = arith.constant 0 : i32
    %dma_start3A_495 = arith.constant 0 : i32
    %dma_start3A_496 = tpu.memref_slice %arg11[%dma_start3A_494, %dma_start3A_495] : memref<10000x16xf32, #tpu.memory_space<vmem_shared>> -> memref<10000x16xf32, #tpu.memory_space<vmem_shared>>
    tpu.enqueue_indirect_dma source(%dma_start3A_496 : memref<10000x16xf32, #tpu.memory_space<vmem_shared>>) target(%dma_start3A_490 : memref<128x16xf32, #tpu.memory_space<vmem>>) offsets(%dma_start3A_493 : memref<128xi32, #tpu.memory_space<vmem>>) semaphore(%arg13 : memref<!tpu.dma_semaphore, #tpu.memory_space<semaphore_mem>>)
    %dma_wait3A_497 = arith.constant 74 : i32
    %dma_wait3A_498 = arith.constant 2 : i32
    %dma_wait3A_499 = arith.constant 0 : i32
    %dma_wait3A_500 = arith.constant 0 : i32
    %dma_wait3A_501 = tpu.memref_slice %arg9[%dma_wait3A_498, %dma_wait3A_499, %dma_wait3A_500] : memref<8x128x16xf32, #tpu.memory_space<vmem>> -> memref<1x128x16xf32, #tpu.memory_space<vmem>>
    %dma_wait3A_502 = tpu.memref_squeeze %dma_wait3A_501 : memref<1x128x16xf32, #tpu.memory_space<vmem>> -> memref<128x16xf32, #tpu.memory_space<vmem>>
    %dma_wait3A_503 = arith.constant 0 : i32
    %dma_wait3A_504 = tpu.memref_slice %arg7[%dma_wait3A_497, %dma_wait3A_503] : memref<79x128xi32, #tpu.memory_space<vmem>> -> memref<1x128xi32, #tpu.memory_space<vmem>>
    %dma_wait3A_505 = tpu.memref_squeeze %dma_wait3A_504 : memref<1x128xi32, #tpu.memory_space<vmem>> -> memref<128xi32, #tpu.memory_space<vmem>>
    %dma_wait3A_506 = arith.constant 0 : i32
    %dma_wait3A_507 = arith.constant 0 : i32
    %dma_wait3A_508 = tpu.memref_slice %arg11[%dma_wait3A_506, %dma_wait3A_507] : memref<10000x16xf32, #tpu.memory_space<vmem_shared>> -> memref<10000x16xf32, #tpu.memory_space<vmem_shared>>
    tpu.wait_indirect_dma semaphore(%arg14 : memref<!tpu.dma_semaphore, #tpu.memory_space<semaphore_mem>>) src(%dma_wait3A_508 : memref<10000x16xf32, #tpu.memory_space<vmem_shared>>) dst(%dma_wait3A_502 : memref<128x16xf32, #tpu.memory_space<vmem>>)
    %dma_wait3A_509 = arith.constant 6 : i32
    %dma_wait3A_510 = arith.constant 70 : i32
    %dma_wait3A_511 = arith.constant 0 : i32
    %dma_wait3A_512 = arith.constant 0 : i32
    %dma_wait3A_513 = tpu.memref_slice %arg9[%dma_wait3A_509, %dma_wait3A_511, %dma_wait3A_512] : memref<8x128x16xf32, #tpu.memory_space<vmem>> -> memref<1x128x16xf32, #tpu.memory_space<vmem>>
    %dma_wait3A_514 = tpu.memref_squeeze %dma_wait3A_513 : memref<1x128x16xf32, #tpu.memory_space<vmem>> -> memref<128x16xf32, #tpu.memory_space<vmem>>
    %dma_wait3A_515 = arith.constant 0 : i32
    %dma_wait3A_516 = tpu.memref_slice %arg8[%dma_wait3A_510, %dma_wait3A_515] : memref<79x128xi32, #tpu.memory_space<vmem>> -> memref<1x128xi32, #tpu.memory_space<vmem>>
    %dma_wait3A_517 = tpu.memref_squeeze %dma_wait3A_516 : memref<1x128xi32, #tpu.memory_space<vmem>> -> memref<128xi32, #tpu.memory_space<vmem>>
    %dma_wait3A_518 = arith.constant 0 : i32
    %dma_wait3A_519 = arith.constant 0 : i32
    %dma_wait3A_520 = tpu.memref_slice %arg10[%dma_wait3A_518, %dma_wait3A_519] : memref<10128x16xf32, #tpu.memory_space<vmem_shared>> -> memref<10128x16xf32, #tpu.memory_space<vmem_shared>>
    tpu.wait_indirect_dma semaphore(%arg18 : memref<!tpu.dma_semaphore, #tpu.memory_space<semaphore_mem>>) src(%dma_wait3A_514 : memref<128x16xf32, #tpu.memory_space<vmem>>) dst(%dma_wait3A_520 : memref<10128x16xf32, #tpu.memory_space<vmem_shared>>)
    %dma_start3A_521 = arith.constant 2 : i32
    %dma_start3A_522 = arith.constant 74 : i32
    %dma_start3A_523 = arith.constant 0 : i32
    %dma_start3A_524 = arith.constant 0 : i32
    %dma_start3A_525 = tpu.memref_slice %arg9[%dma_start3A_521, %dma_start3A_523, %dma_start3A_524] : memref<8x128x16xf32, #tpu.memory_space<vmem>> -> memref<1x128x16xf32, #tpu.memory_space<vmem>>
    %dma_start3A_526 = tpu.memref_squeeze %dma_start3A_525 : memref<1x128x16xf32, #tpu.memory_space<vmem>> -> memref<128x16xf32, #tpu.memory_space<vmem>>
    %dma_start3A_527 = arith.constant 0 : i32
    %dma_start3A_528 = tpu.memref_slice %arg8[%dma_start3A_522, %dma_start3A_527] : memref<79x128xi32, #tpu.memory_space<vmem>> -> memref<1x128xi32, #tpu.memory_space<vmem>>
    %dma_start3A_529 = tpu.memref_squeeze %dma_start3A_528 : memref<1x128xi32, #tpu.memory_space<vmem>> -> memref<128xi32, #tpu.memory_space<vmem>>
    %dma_start3A_530 = arith.constant 0 : i32
    %dma_start3A_531 = arith.constant 0 : i32
    %dma_start3A_532 = tpu.memref_slice %arg10[%dma_start3A_530, %dma_start3A_531] : memref<10128x16xf32, #tpu.memory_space<vmem_shared>> -> memref<10128x16xf32, #tpu.memory_space<vmem_shared>>
    tpu.enqueue_indirect_dma source(%dma_start3A_526 : memref<128x16xf32, #tpu.memory_space<vmem>>) target(%dma_start3A_532 : memref<10128x16xf32, #tpu.memory_space<vmem_shared>>) offsets(%dma_start3A_529 : memref<128xi32, #tpu.memory_space<vmem>>) semaphore(%arg18 : memref<!tpu.dma_semaphore, #tpu.memory_space<semaphore_mem>>) {add = true}
    %dma_start3A_533 = arith.constant 78 : i32
    %dma_start3A_534 = arith.constant 6 : i32
    %dma_start3A_535 = arith.constant 0 : i32
    %dma_start3A_536 = arith.constant 0 : i32
    %dma_start3A_537 = tpu.memref_slice %arg9[%dma_start3A_534, %dma_start3A_535, %dma_start3A_536] : memref<8x128x16xf32, #tpu.memory_space<vmem>> -> memref<1x128x16xf32, #tpu.memory_space<vmem>>
    %dma_start3A_538 = tpu.memref_squeeze %dma_start3A_537 : memref<1x128x16xf32, #tpu.memory_space<vmem>> -> memref<128x16xf32, #tpu.memory_space<vmem>>
    %dma_start3A_539 = arith.constant 0 : i32
    %dma_start3A_540 = tpu.memref_slice %arg7[%dma_start3A_533, %dma_start3A_539] : memref<79x128xi32, #tpu.memory_space<vmem>> -> memref<1x128xi32, #tpu.memory_space<vmem>>
    %dma_start3A_541 = tpu.memref_squeeze %dma_start3A_540 : memref<1x128xi32, #tpu.memory_space<vmem>> -> memref<128xi32, #tpu.memory_space<vmem>>
    %dma_start3A_542 = arith.constant 0 : i32
    %dma_start3A_543 = arith.constant 0 : i32
    %dma_start3A_544 = tpu.memref_slice %arg11[%dma_start3A_542, %dma_start3A_543] : memref<10000x16xf32, #tpu.memory_space<vmem_shared>> -> memref<10000x16xf32, #tpu.memory_space<vmem_shared>>
    tpu.enqueue_indirect_dma source(%dma_start3A_544 : memref<10000x16xf32, #tpu.memory_space<vmem_shared>>) target(%dma_start3A_538 : memref<128x16xf32, #tpu.memory_space<vmem>>) offsets(%dma_start3A_541 : memref<128xi32, #tpu.memory_space<vmem>>) semaphore(%arg14 : memref<!tpu.dma_semaphore, #tpu.memory_space<semaphore_mem>>)
    %dma_wait3A_545 = arith.constant 75 : i32
    %dma_wait3A_546 = arith.constant 3 : i32
    %dma_wait3A_547 = arith.constant 0 : i32
    %dma_wait3A_548 = arith.constant 0 : i32
    %dma_wait3A_549 = tpu.memref_slice %arg9[%dma_wait3A_546, %dma_wait3A_547, %dma_wait3A_548] : memref<8x128x16xf32, #tpu.memory_space<vmem>> -> memref<1x128x16xf32, #tpu.memory_space<vmem>>
    %dma_wait3A_550 = tpu.memref_squeeze %dma_wait3A_549 : memref<1x128x16xf32, #tpu.memory_space<vmem>> -> memref<128x16xf32, #tpu.memory_space<vmem>>
    %dma_wait3A_551 = arith.constant 0 : i32
    %dma_wait3A_552 = tpu.memref_slice %arg7[%dma_wait3A_545, %dma_wait3A_551] : memref<79x128xi32, #tpu.memory_space<vmem>> -> memref<1x128xi32, #tpu.memory_space<vmem>>
    %dma_wait3A_553 = tpu.memref_squeeze %dma_wait3A_552 : memref<1x128xi32, #tpu.memory_space<vmem>> -> memref<128xi32, #tpu.memory_space<vmem>>
    %dma_wait3A_554 = arith.constant 0 : i32
    %dma_wait3A_555 = arith.constant 0 : i32
    %dma_wait3A_556 = tpu.memref_slice %arg11[%dma_wait3A_554, %dma_wait3A_555] : memref<10000x16xf32, #tpu.memory_space<vmem_shared>> -> memref<10000x16xf32, #tpu.memory_space<vmem_shared>>
    tpu.wait_indirect_dma semaphore(%arg15 : memref<!tpu.dma_semaphore, #tpu.memory_space<semaphore_mem>>) src(%dma_wait3A_556 : memref<10000x16xf32, #tpu.memory_space<vmem_shared>>) dst(%dma_wait3A_550 : memref<128x16xf32, #tpu.memory_space<vmem>>)
    %dma_wait3A_557 = arith.constant 7 : i32
    %dma_wait3A_558 = arith.constant 71 : i32
    %dma_wait3A_559 = arith.constant 0 : i32
    %dma_wait3A_560 = arith.constant 0 : i32
    %dma_wait3A_561 = tpu.memref_slice %arg9[%dma_wait3A_557, %dma_wait3A_559, %dma_wait3A_560] : memref<8x128x16xf32, #tpu.memory_space<vmem>> -> memref<1x128x16xf32, #tpu.memory_space<vmem>>
    %dma_wait3A_562 = tpu.memref_squeeze %dma_wait3A_561 : memref<1x128x16xf32, #tpu.memory_space<vmem>> -> memref<128x16xf32, #tpu.memory_space<vmem>>
    %dma_wait3A_563 = arith.constant 0 : i32
    %dma_wait3A_564 = tpu.memref_slice %arg8[%dma_wait3A_558, %dma_wait3A_563] : memref<79x128xi32, #tpu.memory_space<vmem>> -> memref<1x128xi32, #tpu.memory_space<vmem>>
    %dma_wait3A_565 = tpu.memref_squeeze %dma_wait3A_564 : memref<1x128xi32, #tpu.memory_space<vmem>> -> memref<128xi32, #tpu.memory_space<vmem>>
    %dma_wait3A_566 = arith.constant 0 : i32
    %dma_wait3A_567 = arith.constant 0 : i32
    %dma_wait3A_568 = tpu.memref_slice %arg10[%dma_wait3A_566, %dma_wait3A_567] : memref<10128x16xf32, #tpu.memory_space<vmem_shared>> -> memref<10128x16xf32, #tpu.memory_space<vmem_shared>>
    tpu.wait_indirect_dma semaphore(%arg19 : memref<!tpu.dma_semaphore, #tpu.memory_space<semaphore_mem>>) src(%dma_wait3A_562 : memref<128x16xf32, #tpu.memory_space<vmem>>) dst(%dma_wait3A_568 : memref<10128x16xf32, #tpu.memory_space<vmem_shared>>)
    %dma_start3A_569 = arith.constant 3 : i32
    %dma_start3A_570 = arith.constant 75 : i32
    %dma_start3A_571 = arith.constant 0 : i32
    %dma_start3A_572 = arith.constant 0 : i32
    %dma_start3A_573 = tpu.memref_slice %arg9[%dma_start3A_569, %dma_start3A_571, %dma_start3A_572] : memref<8x128x16xf32, #tpu.memory_space<vmem>> -> memref<1x128x16xf32, #tpu.memory_space<vmem>>
    %dma_start3A_574 = tpu.memref_squeeze %dma_start3A_573 : memref<1x128x16xf32, #tpu.memory_space<vmem>> -> memref<128x16xf32, #tpu.memory_space<vmem>>
    %dma_start3A_575 = arith.constant 0 : i32
    %dma_start3A_576 = tpu.memref_slice %arg8[%dma_start3A_570, %dma_start3A_575] : memref<79x128xi32, #tpu.memory_space<vmem>> -> memref<1x128xi32, #tpu.memory_space<vmem>>
    %dma_start3A_577 = tpu.memref_squeeze %dma_start3A_576 : memref<1x128xi32, #tpu.memory_space<vmem>> -> memref<128xi32, #tpu.memory_space<vmem>>
    %dma_start3A_578 = arith.constant 0 : i32
    %dma_start3A_579 = arith.constant 0 : i32
    %dma_start3A_580 = tpu.memref_slice %arg10[%dma_start3A_578, %dma_start3A_579] : memref<10128x16xf32, #tpu.memory_space<vmem_shared>> -> memref<10128x16xf32, #tpu.memory_space<vmem_shared>>
    tpu.enqueue_indirect_dma source(%dma_start3A_574 : memref<128x16xf32, #tpu.memory_space<vmem>>) target(%dma_start3A_580 : memref<10128x16xf32, #tpu.memory_space<vmem_shared>>) offsets(%dma_start3A_577 : memref<128xi32, #tpu.memory_space<vmem>>) semaphore(%arg19 : memref<!tpu.dma_semaphore, #tpu.memory_space<semaphore_mem>>) {add = true}
    %dma_wait3A_581 = arith.constant 76 : i32
    %dma_wait3A_582 = arith.constant 4 : i32
    %dma_wait3A_583 = arith.constant 0 : i32
    %dma_wait3A_584 = arith.constant 0 : i32
    %dma_wait3A_585 = tpu.memref_slice %arg9[%dma_wait3A_582, %dma_wait3A_583, %dma_wait3A_584] : memref<8x128x16xf32, #tpu.memory_space<vmem>> -> memref<1x128x16xf32, #tpu.memory_space<vmem>>
    %dma_wait3A_586 = tpu.memref_squeeze %dma_wait3A_585 : memref<1x128x16xf32, #tpu.memory_space<vmem>> -> memref<128x16xf32, #tpu.memory_space<vmem>>
    %dma_wait3A_587 = arith.constant 0 : i32
    %dma_wait3A_588 = tpu.memref_slice %arg7[%dma_wait3A_581, %dma_wait3A_587] : memref<79x128xi32, #tpu.memory_space<vmem>> -> memref<1x128xi32, #tpu.memory_space<vmem>>
    %dma_wait3A_589 = tpu.memref_squeeze %dma_wait3A_588 : memref<1x128xi32, #tpu.memory_space<vmem>> -> memref<128xi32, #tpu.memory_space<vmem>>
    %dma_wait3A_590 = arith.constant 0 : i32
    %dma_wait3A_591 = arith.constant 0 : i32
    %dma_wait3A_592 = tpu.memref_slice %arg11[%dma_wait3A_590, %dma_wait3A_591] : memref<10000x16xf32, #tpu.memory_space<vmem_shared>> -> memref<10000x16xf32, #tpu.memory_space<vmem_shared>>
    tpu.wait_indirect_dma semaphore(%arg12 : memref<!tpu.dma_semaphore, #tpu.memory_space<semaphore_mem>>) src(%dma_wait3A_592 : memref<10000x16xf32, #tpu.memory_space<vmem_shared>>) dst(%dma_wait3A_586 : memref<128x16xf32, #tpu.memory_space<vmem>>)
    %dma_wait3A_593 = arith.constant 0 : i32
    %dma_wait3A_594 = arith.constant 72 : i32
    %dma_wait3A_595 = arith.constant 0 : i32
    %dma_wait3A_596 = arith.constant 0 : i32
    %dma_wait3A_597 = tpu.memref_slice %arg9[%dma_wait3A_593, %dma_wait3A_595, %dma_wait3A_596] : memref<8x128x16xf32, #tpu.memory_space<vmem>> -> memref<1x128x16xf32, #tpu.memory_space<vmem>>
    %dma_wait3A_598 = tpu.memref_squeeze %dma_wait3A_597 : memref<1x128x16xf32, #tpu.memory_space<vmem>> -> memref<128x16xf32, #tpu.memory_space<vmem>>
    %dma_wait3A_599 = arith.constant 0 : i32
    %dma_wait3A_600 = tpu.memref_slice %arg8[%dma_wait3A_594, %dma_wait3A_599] : memref<79x128xi32, #tpu.memory_space<vmem>> -> memref<1x128xi32, #tpu.memory_space<vmem>>
    %dma_wait3A_601 = tpu.memref_squeeze %dma_wait3A_600 : memref<1x128xi32, #tpu.memory_space<vmem>> -> memref<128xi32, #tpu.memory_space<vmem>>
    %dma_wait3A_602 = arith.constant 0 : i32
    %dma_wait3A_603 = arith.constant 0 : i32
    %dma_wait3A_604 = tpu.memref_slice %arg10[%dma_wait3A_602, %dma_wait3A_603] : memref<10128x16xf32, #tpu.memory_space<vmem_shared>> -> memref<10128x16xf32, #tpu.memory_space<vmem_shared>>
    tpu.wait_indirect_dma semaphore(%arg16 : memref<!tpu.dma_semaphore, #tpu.memory_space<semaphore_mem>>) src(%dma_wait3A_598 : memref<128x16xf32, #tpu.memory_space<vmem>>) dst(%dma_wait3A_604 : memref<10128x16xf32, #tpu.memory_space<vmem_shared>>)
    %dma_start3A_605 = arith.constant 4 : i32
    %dma_start3A_606 = arith.constant 76 : i32
    %dma_start3A_607 = arith.constant 0 : i32
    %dma_start3A_608 = arith.constant 0 : i32
    %dma_start3A_609 = tpu.memref_slice %arg9[%dma_start3A_605, %dma_start3A_607, %dma_start3A_608] : memref<8x128x16xf32, #tpu.memory_space<vmem>> -> memref<1x128x16xf32, #tpu.memory_space<vmem>>
    %dma_start3A_610 = tpu.memref_squeeze %dma_start3A_609 : memref<1x128x16xf32, #tpu.memory_space<vmem>> -> memref<128x16xf32, #tpu.memory_space<vmem>>
    %dma_start3A_611 = arith.constant 0 : i32
    %dma_start3A_612 = tpu.memref_slice %arg8[%dma_start3A_606, %dma_start3A_611] : memref<79x128xi32, #tpu.memory_space<vmem>> -> memref<1x128xi32, #tpu.memory_space<vmem>>
    %dma_start3A_613 = tpu.memref_squeeze %dma_start3A_612 : memref<1x128xi32, #tpu.memory_space<vmem>> -> memref<128xi32, #tpu.memory_space<vmem>>
    %dma_start3A_614 = arith.constant 0 : i32
    %dma_start3A_615 = arith.constant 0 : i32
    %dma_start3A_616 = tpu.memref_slice %arg10[%dma_start3A_614, %dma_start3A_615] : memref<10128x16xf32, #tpu.memory_space<vmem_shared>> -> memref<10128x16xf32, #tpu.memory_space<vmem_shared>>
    tpu.enqueue_indirect_dma source(%dma_start3A_610 : memref<128x16xf32, #tpu.memory_space<vmem>>) target(%dma_start3A_616 : memref<10128x16xf32, #tpu.memory_space<vmem_shared>>) offsets(%dma_start3A_613 : memref<128xi32, #tpu.memory_space<vmem>>) semaphore(%arg16 : memref<!tpu.dma_semaphore, #tpu.memory_space<semaphore_mem>>) {add = true}
    %dma_wait3A_617 = arith.constant 77 : i32
    %dma_wait3A_618 = arith.constant 5 : i32
    %dma_wait3A_619 = arith.constant 0 : i32
    %dma_wait3A_620 = arith.constant 0 : i32
    %dma_wait3A_621 = tpu.memref_slice %arg9[%dma_wait3A_618, %dma_wait3A_619, %dma_wait3A_620] : memref<8x128x16xf32, #tpu.memory_space<vmem>> -> memref<1x128x16xf32, #tpu.memory_space<vmem>>
    %dma_wait3A_622 = tpu.memref_squeeze %dma_wait3A_621 : memref<1x128x16xf32, #tpu.memory_space<vmem>> -> memref<128x16xf32, #tpu.memory_space<vmem>>
    %dma_wait3A_623 = arith.constant 0 : i32
    %dma_wait3A_624 = tpu.memref_slice %arg7[%dma_wait3A_617, %dma_wait3A_623] : memref<79x128xi32, #tpu.memory_space<vmem>> -> memref<1x128xi32, #tpu.memory_space<vmem>>
    %dma_wait3A_625 = tpu.memref_squeeze %dma_wait3A_624 : memref<1x128xi32, #tpu.memory_space<vmem>> -> memref<128xi32, #tpu.memory_space<vmem>>
    %dma_wait3A_626 = arith.constant 0 : i32
    %dma_wait3A_627 = arith.constant 0 : i32
    %dma_wait3A_628 = tpu.memref_slice %arg11[%dma_wait3A_626, %dma_wait3A_627] : memref<10000x16xf32, #tpu.memory_space<vmem_shared>> -> memref<10000x16xf32, #tpu.memory_space<vmem_shared>>
    tpu.wait_indirect_dma semaphore(%arg13 : memref<!tpu.dma_semaphore, #tpu.memory_space<semaphore_mem>>) src(%dma_wait3A_628 : memref<10000x16xf32, #tpu.memory_space<vmem_shared>>) dst(%dma_wait3A_622 : memref<128x16xf32, #tpu.memory_space<vmem>>)
    %dma_wait3A_629 = arith.constant 1 : i32
    %dma_wait3A_630 = arith.constant 73 : i32
    %dma_wait3A_631 = arith.constant 0 : i32
    %dma_wait3A_632 = arith.constant 0 : i32
    %dma_wait3A_633 = tpu.memref_slice %arg9[%dma_wait3A_629, %dma_wait3A_631, %dma_wait3A_632] : memref<8x128x16xf32, #tpu.memory_space<vmem>> -> memref<1x128x16xf32, #tpu.memory_space<vmem>>
    %dma_wait3A_634 = tpu.memref_squeeze %dma_wait3A_633 : memref<1x128x16xf32, #tpu.memory_space<vmem>> -> memref<128x16xf32, #tpu.memory_space<vmem>>
    %dma_wait3A_635 = arith.constant 0 : i32
    %dma_wait3A_636 = tpu.memref_slice %arg8[%dma_wait3A_630, %dma_wait3A_635] : memref<79x128xi32, #tpu.memory_space<vmem>> -> memref<1x128xi32, #tpu.memory_space<vmem>>
    %dma_wait3A_637 = tpu.memref_squeeze %dma_wait3A_636 : memref<1x128xi32, #tpu.memory_space<vmem>> -> memref<128xi32, #tpu.memory_space<vmem>>
    %dma_wait3A_638 = arith.constant 0 : i32
    %dma_wait3A_639 = arith.constant 0 : i32
    %dma_wait3A_640 = tpu.memref_slice %arg10[%dma_wait3A_638, %dma_wait3A_639] : memref<10128x16xf32, #tpu.memory_space<vmem_shared>> -> memref<10128x16xf32, #tpu.memory_space<vmem_shared>>
    tpu.wait_indirect_dma semaphore(%arg17 : memref<!tpu.dma_semaphore, #tpu.memory_space<semaphore_mem>>) src(%dma_wait3A_634 : memref<128x16xf32, #tpu.memory_space<vmem>>) dst(%dma_wait3A_640 : memref<10128x16xf32, #tpu.memory_space<vmem_shared>>)
    %dma_start3A_641 = arith.constant 5 : i32
    %dma_start3A_642 = arith.constant 77 : i32
    %dma_start3A_643 = arith.constant 0 : i32
    %dma_start3A_644 = arith.constant 0 : i32
    %dma_start3A_645 = tpu.memref_slice %arg9[%dma_start3A_641, %dma_start3A_643, %dma_start3A_644] : memref<8x128x16xf32, #tpu.memory_space<vmem>> -> memref<1x128x16xf32, #tpu.memory_space<vmem>>
    %dma_start3A_646 = tpu.memref_squeeze %dma_start3A_645 : memref<1x128x16xf32, #tpu.memory_space<vmem>> -> memref<128x16xf32, #tpu.memory_space<vmem>>
    %dma_start3A_647 = arith.constant 0 : i32
    %dma_start3A_648 = tpu.memref_slice %arg8[%dma_start3A_642, %dma_start3A_647] : memref<79x128xi32, #tpu.memory_space<vmem>> -> memref<1x128xi32, #tpu.memory_space<vmem>>
    %dma_start3A_649 = tpu.memref_squeeze %dma_start3A_648 : memref<1x128xi32, #tpu.memory_space<vmem>> -> memref<128xi32, #tpu.memory_space<vmem>>
    %dma_start3A_650 = arith.constant 0 : i32
    %dma_start3A_651 = arith.constant 0 : i32
    %dma_start3A_652 = tpu.memref_slice %arg10[%dma_start3A_650, %dma_start3A_651] : memref<10128x16xf32, #tpu.memory_space<vmem_shared>> -> memref<10128x16xf32, #tpu.memory_space<vmem_shared>>
    tpu.enqueue_indirect_dma source(%dma_start3A_646 : memref<128x16xf32, #tpu.memory_space<vmem>>) target(%dma_start3A_652 : memref<10128x16xf32, #tpu.memory_space<vmem_shared>>) offsets(%dma_start3A_649 : memref<128xi32, #tpu.memory_space<vmem>>) semaphore(%arg17 : memref<!tpu.dma_semaphore, #tpu.memory_space<semaphore_mem>>) {add = true}
    %dma_wait3A_653 = arith.constant 78 : i32
    %dma_wait3A_654 = arith.constant 6 : i32
    %dma_wait3A_655 = arith.constant 0 : i32
    %dma_wait3A_656 = arith.constant 0 : i32
    %dma_wait3A_657 = tpu.memref_slice %arg9[%dma_wait3A_654, %dma_wait3A_655, %dma_wait3A_656] : memref<8x128x16xf32, #tpu.memory_space<vmem>> -> memref<1x128x16xf32, #tpu.memory_space<vmem>>
    %dma_wait3A_658 = tpu.memref_squeeze %dma_wait3A_657 : memref<1x128x16xf32, #tpu.memory_space<vmem>> -> memref<128x16xf32, #tpu.memory_space<vmem>>
    %dma_wait3A_659 = arith.constant 0 : i32
    %dma_wait3A_660 = tpu.memref_slice %arg7[%dma_wait3A_653, %dma_wait3A_659] : memref<79x128xi32, #tpu.memory_space<vmem>> -> memref<1x128xi32, #tpu.memory_space<vmem>>
    %dma_wait3A_661 = tpu.memref_squeeze %dma_wait3A_660 : memref<1x128xi32, #tpu.memory_space<vmem>> -> memref<128xi32, #tpu.memory_space<vmem>>
    %dma_wait3A_662 = arith.constant 0 : i32
    %dma_wait3A_663 = arith.constant 0 : i32
    %dma_wait3A_664 = tpu.memref_slice %arg11[%dma_wait3A_662, %dma_wait3A_663] : memref<10000x16xf32, #tpu.memory_space<vmem_shared>> -> memref<10000x16xf32, #tpu.memory_space<vmem_shared>>
    tpu.wait_indirect_dma semaphore(%arg14 : memref<!tpu.dma_semaphore, #tpu.memory_space<semaphore_mem>>) src(%dma_wait3A_664 : memref<10000x16xf32, #tpu.memory_space<vmem_shared>>) dst(%dma_wait3A_658 : memref<128x16xf32, #tpu.memory_space<vmem>>)
    %dma_wait3A_665 = arith.constant 2 : i32
    %dma_wait3A_666 = arith.constant 74 : i32
    %dma_wait3A_667 = arith.constant 0 : i32
    %dma_wait3A_668 = arith.constant 0 : i32
    %dma_wait3A_669 = tpu.memref_slice %arg9[%dma_wait3A_665, %dma_wait3A_667, %dma_wait3A_668] : memref<8x128x16xf32, #tpu.memory_space<vmem>> -> memref<1x128x16xf32, #tpu.memory_space<vmem>>
    %dma_wait3A_670 = tpu.memref_squeeze %dma_wait3A_669 : memref<1x128x16xf32, #tpu.memory_space<vmem>> -> memref<128x16xf32, #tpu.memory_space<vmem>>
    %dma_wait3A_671 = arith.constant 0 : i32
    %dma_wait3A_672 = tpu.memref_slice %arg8[%dma_wait3A_666, %dma_wait3A_671] : memref<79x128xi32, #tpu.memory_space<vmem>> -> memref<1x128xi32, #tpu.memory_space<vmem>>
    %dma_wait3A_673 = tpu.memref_squeeze %dma_wait3A_672 : memref<1x128xi32, #tpu.memory_space<vmem>> -> memref<128xi32, #tpu.memory_space<vmem>>
    %dma_wait3A_674 = arith.constant 0 : i32
    %dma_wait3A_675 = arith.constant 0 : i32
    %dma_wait3A_676 = tpu.memref_slice %arg10[%dma_wait3A_674, %dma_wait3A_675] : memref<10128x16xf32, #tpu.memory_space<vmem_shared>> -> memref<10128x16xf32, #tpu.memory_space<vmem_shared>>
    tpu.wait_indirect_dma semaphore(%arg18 : memref<!tpu.dma_semaphore, #tpu.memory_space<semaphore_mem>>) src(%dma_wait3A_670 : memref<128x16xf32, #tpu.memory_space<vmem>>) dst(%dma_wait3A_676 : memref<10128x16xf32, #tpu.memory_space<vmem_shared>>)
    %dma_start3A_677 = arith.constant 6 : i32
    %dma_start3A_678 = arith.constant 78 : i32
    %dma_start3A_679 = arith.constant 0 : i32
    %dma_start3A_680 = arith.constant 0 : i32
    %dma_start3A_681 = tpu.memref_slice %arg9[%dma_start3A_677, %dma_start3A_679, %dma_start3A_680] : memref<8x128x16xf32, #tpu.memory_space<vmem>> -> memref<1x128x16xf32, #tpu.memory_space<vmem>>
    %dma_start3A_682 = tpu.memref_squeeze %dma_start3A_681 : memref<1x128x16xf32, #tpu.memory_space<vmem>> -> memref<128x16xf32, #tpu.memory_space<vmem>>
    %dma_start3A_683 = arith.constant 0 : i32
    %dma_start3A_684 = tpu.memref_slice %arg8[%dma_start3A_678, %dma_start3A_683] : memref<79x128xi32, #tpu.memory_space<vmem>> -> memref<1x128xi32, #tpu.memory_space<vmem>>
    %dma_start3A_685 = tpu.memref_squeeze %dma_start3A_684 : memref<1x128xi32, #tpu.memory_space<vmem>> -> memref<128xi32, #tpu.memory_space<vmem>>
    %dma_start3A_686 = arith.constant 0 : i32
    %dma_start3A_687 = arith.constant 0 : i32
    %dma_start3A_688 = tpu.memref_slice %arg10[%dma_start3A_686, %dma_start3A_687] : memref<10128x16xf32, #tpu.memory_space<vmem_shared>> -> memref<10128x16xf32, #tpu.memory_space<vmem_shared>>
    tpu.enqueue_indirect_dma source(%dma_start3A_682 : memref<128x16xf32, #tpu.memory_space<vmem>>) target(%dma_start3A_688 : memref<10128x16xf32, #tpu.memory_space<vmem_shared>>) offsets(%dma_start3A_685 : memref<128xi32, #tpu.memory_space<vmem>>) semaphore(%arg18 : memref<!tpu.dma_semaphore, #tpu.memory_space<semaphore_mem>>) {add = true}
    %dma_wait3A_689 = arith.constant 3 : i32
    %dma_wait3A_690 = arith.constant 75 : i32
    %dma_wait3A_691 = arith.constant 0 : i32
    %dma_wait3A_692 = arith.constant 0 : i32
    %dma_wait3A_693 = tpu.memref_slice %arg9[%dma_wait3A_689, %dma_wait3A_691, %dma_wait3A_692] : memref<8x128x16xf32, #tpu.memory_space<vmem>> -> memref<1x128x16xf32, #tpu.memory_space<vmem>>
    %dma_wait3A_694 = tpu.memref_squeeze %dma_wait3A_693 : memref<1x128x16xf32, #tpu.memory_space<vmem>> -> memref<128x16xf32, #tpu.memory_space<vmem>>
    %dma_wait3A_695 = arith.constant 0 : i32
    %dma_wait3A_696 = tpu.memref_slice %arg8[%dma_wait3A_690, %dma_wait3A_695] : memref<79x128xi32, #tpu.memory_space<vmem>> -> memref<1x128xi32, #tpu.memory_space<vmem>>
    %dma_wait3A_697 = tpu.memref_squeeze %dma_wait3A_696 : memref<1x128xi32, #tpu.memory_space<vmem>> -> memref<128xi32, #tpu.memory_space<vmem>>
    %dma_wait3A_698 = arith.constant 0 : i32
    %dma_wait3A_699 = arith.constant 0 : i32
    %dma_wait3A_700 = tpu.memref_slice %arg10[%dma_wait3A_698, %dma_wait3A_699] : memref<10128x16xf32, #tpu.memory_space<vmem_shared>> -> memref<10128x16xf32, #tpu.memory_space<vmem_shared>>
    tpu.wait_indirect_dma semaphore(%arg19 : memref<!tpu.dma_semaphore, #tpu.memory_space<semaphore_mem>>) src(%dma_wait3A_694 : memref<128x16xf32, #tpu.memory_space<vmem>>) dst(%dma_wait3A_700 : memref<10128x16xf32, #tpu.memory_space<vmem_shared>>)
    %dma_wait3A_701 = arith.constant 4 : i32
    %dma_wait3A_702 = arith.constant 76 : i32
    %dma_wait3A_703 = arith.constant 0 : i32
    %dma_wait3A_704 = arith.constant 0 : i32
    %dma_wait3A_705 = tpu.memref_slice %arg9[%dma_wait3A_701, %dma_wait3A_703, %dma_wait3A_704] : memref<8x128x16xf32, #tpu.memory_space<vmem>> -> memref<1x128x16xf32, #tpu.memory_space<vmem>>
    %dma_wait3A_706 = tpu.memref_squeeze %dma_wait3A_705 : memref<1x128x16xf32, #tpu.memory_space<vmem>> -> memref<128x16xf32, #tpu.memory_space<vmem>>
    %dma_wait3A_707 = arith.constant 0 : i32
    %dma_wait3A_708 = tpu.memref_slice %arg8[%dma_wait3A_702, %dma_wait3A_707] : memref<79x128xi32, #tpu.memory_space<vmem>> -> memref<1x128xi32, #tpu.memory_space<vmem>>
    %dma_wait3A_709 = tpu.memref_squeeze %dma_wait3A_708 : memref<1x128xi32, #tpu.memory_space<vmem>> -> memref<128xi32, #tpu.memory_space<vmem>>
    %dma_wait3A_710 = arith.constant 0 : i32
    %dma_wait3A_711 = arith.constant 0 : i32
    %dma_wait3A_712 = tpu.memref_slice %arg10[%dma_wait3A_710, %dma_wait3A_711] : memref<10128x16xf32, #tpu.memory_space<vmem_shared>> -> memref<10128x16xf32, #tpu.memory_space<vmem_shared>>
    tpu.wait_indirect_dma semaphore(%arg16 : memref<!tpu.dma_semaphore, #tpu.memory_space<semaphore_mem>>) src(%dma_wait3A_706 : memref<128x16xf32, #tpu.memory_space<vmem>>) dst(%dma_wait3A_712 : memref<10128x16xf32, #tpu.memory_space<vmem_shared>>)
    %dma_wait3A_713 = arith.constant 5 : i32
    %dma_wait3A_714 = arith.constant 77 : i32
    %dma_wait3A_715 = arith.constant 0 : i32
    %dma_wait3A_716 = arith.constant 0 : i32
    %dma_wait3A_717 = tpu.memref_slice %arg9[%dma_wait3A_713, %dma_wait3A_715, %dma_wait3A_716] : memref<8x128x16xf32, #tpu.memory_space<vmem>> -> memref<1x128x16xf32, #tpu.memory_space<vmem>>
    %dma_wait3A_718 = tpu.memref_squeeze %dma_wait3A_717 : memref<1x128x16xf32, #tpu.memory_space<vmem>> -> memref<128x16xf32, #tpu.memory_space<vmem>>
    %dma_wait3A_719 = arith.constant 0 : i32
    %dma_wait3A_720 = tpu.memref_slice %arg8[%dma_wait3A_714, %dma_wait3A_719] : memref<79x128xi32, #tpu.memory_space<vmem>> -> memref<1x128xi32, #tpu.memory_space<vmem>>
    %dma_wait3A_721 = tpu.memref_squeeze %dma_wait3A_720 : memref<1x128xi32, #tpu.memory_space<vmem>> -> memref<128xi32, #tpu.memory_space<vmem>>
    %dma_wait3A_722 = arith.constant 0 : i32
    %dma_wait3A_723 = arith.constant 0 : i32
    %dma_wait3A_724 = tpu.memref_slice %arg10[%dma_wait3A_722, %dma_wait3A_723] : memref<10128x16xf32, #tpu.memory_space<vmem_shared>> -> memref<10128x16xf32, #tpu.memory_space<vmem_shared>>
    tpu.wait_indirect_dma semaphore(%arg17 : memref<!tpu.dma_semaphore, #tpu.memory_space<semaphore_mem>>) src(%dma_wait3A_718 : memref<128x16xf32, #tpu.memory_space<vmem>>) dst(%dma_wait3A_724 : memref<10128x16xf32, #tpu.memory_space<vmem_shared>>)
    %dma_wait3A_725 = arith.constant 6 : i32
    %dma_wait3A_726 = arith.constant 78 : i32
    %dma_wait3A_727 = arith.constant 0 : i32
    %dma_wait3A_728 = arith.constant 0 : i32
    %dma_wait3A_729 = tpu.memref_slice %arg9[%dma_wait3A_725, %dma_wait3A_727, %dma_wait3A_728] : memref<8x128x16xf32, #tpu.memory_space<vmem>> -> memref<1x128x16xf32, #tpu.memory_space<vmem>>
    %dma_wait3A_730 = tpu.memref_squeeze %dma_wait3A_729 : memref<1x128x16xf32, #tpu.memory_space<vmem>> -> memref<128x16xf32, #tpu.memory_space<vmem>>
    %dma_wait3A_731 = arith.constant 0 : i32
    %dma_wait3A_732 = tpu.memref_slice %arg8[%dma_wait3A_726, %dma_wait3A_731] : memref<79x128xi32, #tpu.memory_space<vmem>> -> memref<1x128xi32, #tpu.memory_space<vmem>>
    %dma_wait3A_733 = tpu.memref_squeeze %dma_wait3A_732 : memref<1x128xi32, #tpu.memory_space<vmem>> -> memref<128xi32, #tpu.memory_space<vmem>>
    %dma_wait3A_734 = arith.constant 0 : i32
    %dma_wait3A_735 = arith.constant 0 : i32
    %dma_wait3A_736 = tpu.memref_slice %arg10[%dma_wait3A_734, %dma_wait3A_735] : memref<10128x16xf32, #tpu.memory_space<vmem_shared>> -> memref<10128x16xf32, #tpu.memory_space<vmem_shared>>
    tpu.wait_indirect_dma semaphore(%arg18 : memref<!tpu.dma_semaphore, #tpu.memory_space<semaphore_mem>>) src(%dma_wait3A_730 : memref<128x16xf32, #tpu.memory_space<vmem>>) dst(%dma_wait3A_736 : memref<10128x16xf32, #tpu.memory_space<vmem_shared>>)
    %barrier3A_737 = arith.constant 0 : index
    tpu.barrier barrier_id(%barrier3A_737)
    %mul3A_738 = arith.constant 624 : i32
    %mul3A_739 = arith.muli %arg1, %mul3A_738 : i32
    "tpu.region"() ({
      %run_scoped3A = tpu.sem_alloc : memref<!tpu.dma_semaphore, #tpu.memory_space<semaphore_mem>>
      %dma_start3A_745 = arith.constant 0 : i32
      %dma_start3A_746 = tpu.memref_slice %arg6[%arg0, %mul3A_739, %dma_start3A_745] : memref<2x10000x16xf32, #tpu.memory_space<hbm>> -> memref<1x624x16xf32, #tpu.memory_space<hbm>>
      %dma_start3A_747 = tpu.memref_squeeze %dma_start3A_746 : memref<1x624x16xf32, #tpu.memory_space<hbm>> -> memref<624x16xf32, #tpu.memory_space<hbm>>
      %dma_start3A_748 = arith.constant 0 : i32
      %dma_start3A_749 = tpu.memref_slice %arg10[%mul3A_739, %dma_start3A_748] : memref<10128x16xf32, #tpu.memory_space<vmem_shared>> -> memref<624x16xf32, #tpu.memory_space<vmem_shared>>
      tpu.enqueue_dma source(%dma_start3A_749 : memref<624x16xf32, #tpu.memory_space<vmem_shared>>) target(%dma_start3A_747 : memref<624x16xf32, #tpu.memory_space<hbm>>) target_semaphore(%run_scoped3A : memref<!tpu.dma_semaphore, #tpu.memory_space<semaphore_mem>>)
      %dma_wait3A_750 = arith.constant 0 : i32
      %dma_wait3A_751 = tpu.memref_slice %arg6[%arg0, %mul3A_739, %dma_wait3A_750] : memref<2x10000x16xf32, #tpu.memory_space<hbm>> -> memref<1x624x16xf32, #tpu.memory_space<hbm>>
      %dma_wait3A_752 = tpu.memref_squeeze %dma_wait3A_751 : memref<1x624x16xf32, #tpu.memory_space<hbm>> -> memref<624x16xf32, #tpu.memory_space<hbm>>
      %dma_wait3A_753 = arith.constant 0 : i32
      %dma_wait3A_754 = tpu.memref_slice %arg10[%mul3A_739, %dma_wait3A_753] : memref<10128x16xf32, #tpu.memory_space<vmem_shared>> -> memref<624x16xf32, #tpu.memory_space<vmem_shared>>
      tpu.wait_dma2 semaphore(%run_scoped3A : memref<!tpu.dma_semaphore, #tpu.memory_space<semaphore_mem>>) src(%dma_wait3A_754 : memref<624x16xf32, #tpu.memory_space<vmem_shared>>) dst(%dma_wait3A_752 : memref<624x16xf32, #tpu.memory_space<hbm>>)
      tpu.yield
    }) : () -> ()
    %eq3A_740 = arith.constant 15 : i32
    %eq3A_741 = arith.cmpi eq, %arg1, %eq3A_740 : i32
    %convert_element_type3A_742 = arith.extui %eq3A_741 : i1 to i32
    %cond3A_743 = arith.constant 0 : i32
    %cond3A_744 = arith.cmpi ne, %convert_element_type3A_742, %cond3A_743 : i32
    scf.if %cond3A_744 {
      "tpu.region"() ({
        %run_scoped3A = tpu.sem_alloc : memref<!tpu.dma_semaphore, #tpu.memory_space<semaphore_mem>>
        %dma_start3A_745 = arith.constant 9984 : i32
        %dma_start3A_746 = arith.constant 0 : i32
        %dma_start3A_747 = tpu.memref_slice %arg6[%arg0, %dma_start3A_745, %dma_start3A_746] : memref<2x10000x16xf32, #tpu.memory_space<hbm>> -> memref<1x16x16xf32, #tpu.memory_space<hbm>>
        %dma_start3A_748 = tpu.memref_squeeze %dma_start3A_747 : memref<1x16x16xf32, #tpu.memory_space<hbm>> -> memref<16x16xf32, #tpu.memory_space<hbm>>
        %dma_start3A_749 = arith.constant 9984 : i32
        %dma_start3A_750 = arith.constant 0 : i32
        %dma_start3A_751 = tpu.memref_slice %arg10[%dma_start3A_749, %dma_start3A_750] : memref<10128x16xf32, #tpu.memory_space<vmem_shared>> -> memref<16x16xf32, #tpu.memory_space<vmem_shared>>
        tpu.enqueue_dma source(%dma_start3A_751 : memref<16x16xf32, #tpu.memory_space<vmem_shared>>) target(%dma_start3A_748 : memref<16x16xf32, #tpu.memory_space<hbm>>) target_semaphore(%run_scoped3A : memref<!tpu.dma_semaphore, #tpu.memory_space<semaphore_mem>>)
        %dma_wait3A_752 = arith.constant 9984 : i32
        %dma_wait3A_753 = arith.constant 0 : i32
        %dma_wait3A_754 = tpu.memref_slice %arg6[%arg0, %dma_wait3A_752, %dma_wait3A_753] : memref<2x10000x16xf32, #tpu.memory_space<hbm>> -> memref<1x16x16xf32, #tpu.memory_space<hbm>>
        %dma_wait3A_755 = tpu.memref_squeeze %dma_wait3A_754 : memref<1x16x16xf32, #tpu.memory_space<hbm>> -> memref<16x16xf32, #tpu.memory_space<hbm>>
        %dma_wait3A_756 = arith.constant 9984 : i32
        %dma_wait3A_757 = arith.constant 0 : i32
        %dma_wait3A_758 = tpu.memref_slice %arg10[%dma_wait3A_756, %dma_wait3A_757] : memref<10128x16xf32, #tpu.memory_space<vmem_shared>> -> memref<16x16xf32, #tpu.memory_space<vmem_shared>>
        tpu.wait_dma2 semaphore(%run_scoped3A : memref<!tpu.dma_semaphore, #tpu.memory_space<semaphore_mem>>) src(%dma_wait3A_758 : memref<16x16xf32, #tpu.memory_space<vmem_shared>>) dst(%dma_wait3A_755 : memref<16x16xf32, #tpu.memory_space<hbm>>)
        tpu.yield
      }) : () -> ()
    } else {
    }
    return
  }
}

#map = affine_map<(d0, d1) -> (0, 0)>
#map1 = affine_map<(d0, d1) -> (0, 0, 0)>
module attributes {stable_mosaic.version = 14 : i64} {
  func.func @gcn_deg(%arg0: i32, %arg1: i32, %arg2: memref<128x8xf32, #tpu.memory_space<hbm>>, %arg3: memref<128x8xf32, #tpu.memory_space<hbm>>, %arg4: memref<32x79x128xi32, #tpu.memory_space<hbm>>, %arg5: memref<2x10000x8xf32, #tpu.memory_space<hbm>>, %arg6: memref<79x128xi32, #tpu.memory_space<vmem>>, %arg7: memref<128x8xf32, #tpu.memory_space<vmem>>, %arg8: memref<10128x8xf32, #tpu.memory_space<vmem_shared>>, %arg9: memref<!tpu.dma_semaphore, #tpu.memory_space<semaphore_mem>>, %arg10: memref<!tpu.dma_semaphore, #tpu.memory_space<semaphore_mem>>, %arg11: memref<!tpu.dma_semaphore, #tpu.memory_space<semaphore_mem>>, %arg12: memref<!tpu.dma_semaphore, #tpu.memory_space<semaphore_mem>>, %arg13: memref<!tpu.dma_semaphore, #tpu.memory_space<semaphore_mem>>, %arg14: memref<!tpu.dma_semaphore, #tpu.memory_space<semaphore_mem>>, %arg15: memref<!tpu.dma_semaphore, #tpu.memory_space<semaphore_mem>>, %arg16: memref<!tpu.dma_semaphore, #tpu.memory_space<semaphore_mem>>) attributes {dimension_semantics = [#tpu.dimension_semantics<core_parallel>, #tpu.dimension_semantics<subcore_parallel>], iteration_bounds = array<i64: 2, 16>, scalar_prefetch = 0 : i64, scratch_operands = 11 : i64, tpu.core_type = #tpu.core_type<sc_vector_subcore>, window_params = [{transform_indices = #map}, {transform_indices = #map}, {transform_indices = #map1}, {transform_indices = #map1}]} {
    %mul3A = arith.constant 2 : i32
    %mul3A_0 = arith.muli %arg1, %mul3A : i32
    %add3A = arith.addi %mul3A_0, %arg0 : i32
    "tpu.region"() ({
      %run_scoped3A = tpu.sem_alloc : memref<!tpu.dma_semaphore, #tpu.memory_space<semaphore_mem>>
      %dma_start3A_236 = arith.constant 0 : i32
      %dma_start3A_237 = arith.constant 0 : i32
      %dma_start3A_238 = tpu.memref_slice %arg4[%add3A, %dma_start3A_236, %dma_start3A_237] : memref<32x79x128xi32, #tpu.memory_space<hbm>> -> memref<1x79x128xi32, #tpu.memory_space<hbm>>
      %dma_start3A_239 = tpu.memref_squeeze %dma_start3A_238 : memref<1x79x128xi32, #tpu.memory_space<hbm>> -> memref<79x128xi32, #tpu.memory_space<hbm>>
      %dma_start3A_240 = arith.constant 0 : i32
      %dma_start3A_241 = arith.constant 0 : i32
      %dma_start3A_242 = tpu.memref_slice %arg4[%add3A, %dma_start3A_240, %dma_start3A_241] : memref<32x79x128xi32, #tpu.memory_space<hbm>> -> memref<1x79x128xi32, #tpu.memory_space<hbm>>
      %dma_start3A_243 = tpu.memref_squeeze %dma_start3A_242 : memref<1x79x128xi32, #tpu.memory_space<hbm>> -> memref<79x128xi32, #tpu.memory_space<hbm>>
      tpu.enqueue_dma source(%dma_start3A_243 : memref<79x128xi32, #tpu.memory_space<hbm>>) target(%arg6 : memref<79x128xi32, #tpu.memory_space<vmem>>) target_semaphore(%run_scoped3A : memref<!tpu.dma_semaphore, #tpu.memory_space<semaphore_mem>>)
      %dma_wait3A_244 = arith.constant 0 : i32
      %dma_wait3A_245 = arith.constant 0 : i32
      %dma_wait3A_246 = tpu.memref_slice %arg4[%add3A, %dma_wait3A_244, %dma_wait3A_245] : memref<32x79x128xi32, #tpu.memory_space<hbm>> -> memref<1x79x128xi32, #tpu.memory_space<hbm>>
      %dma_wait3A_247 = tpu.memref_squeeze %dma_wait3A_246 : memref<1x79x128xi32, #tpu.memory_space<hbm>> -> memref<79x128xi32, #tpu.memory_space<hbm>>
      %dma_wait3A_248 = arith.constant 0 : i32
      %dma_wait3A_249 = arith.constant 0 : i32
      %dma_wait3A_250 = tpu.memref_slice %arg4[%add3A, %dma_wait3A_248, %dma_wait3A_249] : memref<32x79x128xi32, #tpu.memory_space<hbm>> -> memref<1x79x128xi32, #tpu.memory_space<hbm>>
      %dma_wait3A_251 = tpu.memref_squeeze %dma_wait3A_250 : memref<1x79x128xi32, #tpu.memory_space<hbm>> -> memref<79x128xi32, #tpu.memory_space<hbm>>
      tpu.wait_dma2 semaphore(%run_scoped3A : memref<!tpu.dma_semaphore, #tpu.memory_space<semaphore_mem>>) src(%dma_wait3A_251 : memref<79x128xi32, #tpu.memory_space<hbm>>) dst(%arg6 : memref<79x128xi32, #tpu.memory_space<vmem>>)
      tpu.yield
    }) : () -> ()
    %mul3A_1 = arith.constant 624 : i32
    %mul3A_2 = arith.muli %arg1, %mul3A_1 : i32
    %add3A_3 = arith.constant 0 : i32
    %add3A_4 = arith.addi %mul3A_2, %add3A_3 : i32
    "tpu.region"() ({
      %run_scoped3A = tpu.sem_alloc : memref<!tpu.dma_semaphore, #tpu.memory_space<semaphore_mem>>
      %dma_start3A_236 = arith.constant 0 : i32
      %dma_start3A_237 = tpu.memref_slice %arg8[%add3A_4, %dma_start3A_236] : memref<10128x8xf32, #tpu.memory_space<vmem_shared>> -> memref<128x8xf32, #tpu.memory_space<vmem_shared>>
      %dma_start3A_238 = arith.constant 0 : i32
      %dma_start3A_239 = arith.constant 0 : i32
      %dma_start3A_240 = tpu.memref_slice %arg3[%dma_start3A_238, %dma_start3A_239] : memref<128x8xf32, #tpu.memory_space<hbm>> -> memref<128x8xf32, #tpu.memory_space<hbm>>
      tpu.enqueue_dma source(%dma_start3A_240 : memref<128x8xf32, #tpu.memory_space<hbm>>) target(%dma_start3A_237 : memref<128x8xf32, #tpu.memory_space<vmem_shared>>) target_semaphore(%run_scoped3A : memref<!tpu.dma_semaphore, #tpu.memory_space<semaphore_mem>>)
      %dma_wait3A_241 = arith.constant 0 : i32
      %dma_wait3A_242 = tpu.memref_slice %arg8[%add3A_4, %dma_wait3A_241] : memref<10128x8xf32, #tpu.memory_space<vmem_shared>> -> memref<128x8xf32, #tpu.memory_space<vmem_shared>>
      %dma_wait3A_243 = arith.constant 0 : i32
      %dma_wait3A_244 = arith.constant 0 : i32
      %dma_wait3A_245 = tpu.memref_slice %arg3[%dma_wait3A_243, %dma_wait3A_244] : memref<128x8xf32, #tpu.memory_space<hbm>> -> memref<128x8xf32, #tpu.memory_space<hbm>>
      tpu.wait_dma2 semaphore(%run_scoped3A : memref<!tpu.dma_semaphore, #tpu.memory_space<semaphore_mem>>) src(%dma_wait3A_245 : memref<128x8xf32, #tpu.memory_space<hbm>>) dst(%dma_wait3A_242 : memref<128x8xf32, #tpu.memory_space<vmem_shared>>)
      tpu.yield
    }) : () -> ()
    %add3A_5 = arith.constant 128 : i32
    %add3A_6 = arith.addi %mul3A_2, %add3A_5 : i32
    "tpu.region"() ({
      %run_scoped3A = tpu.sem_alloc : memref<!tpu.dma_semaphore, #tpu.memory_space<semaphore_mem>>
      %dma_start3A_236 = arith.constant 0 : i32
      %dma_start3A_237 = tpu.memref_slice %arg8[%add3A_6, %dma_start3A_236] : memref<10128x8xf32, #tpu.memory_space<vmem_shared>> -> memref<128x8xf32, #tpu.memory_space<vmem_shared>>
      %dma_start3A_238 = arith.constant 0 : i32
      %dma_start3A_239 = arith.constant 0 : i32
      %dma_start3A_240 = tpu.memref_slice %arg3[%dma_start3A_238, %dma_start3A_239] : memref<128x8xf32, #tpu.memory_space<hbm>> -> memref<128x8xf32, #tpu.memory_space<hbm>>
      tpu.enqueue_dma source(%dma_start3A_240 : memref<128x8xf32, #tpu.memory_space<hbm>>) target(%dma_start3A_237 : memref<128x8xf32, #tpu.memory_space<vmem_shared>>) target_semaphore(%run_scoped3A : memref<!tpu.dma_semaphore, #tpu.memory_space<semaphore_mem>>)
      %dma_wait3A_241 = arith.constant 0 : i32
      %dma_wait3A_242 = tpu.memref_slice %arg8[%add3A_6, %dma_wait3A_241] : memref<10128x8xf32, #tpu.memory_space<vmem_shared>> -> memref<128x8xf32, #tpu.memory_space<vmem_shared>>
      %dma_wait3A_243 = arith.constant 0 : i32
      %dma_wait3A_244 = arith.constant 0 : i32
      %dma_wait3A_245 = tpu.memref_slice %arg3[%dma_wait3A_243, %dma_wait3A_244] : memref<128x8xf32, #tpu.memory_space<hbm>> -> memref<128x8xf32, #tpu.memory_space<hbm>>
      tpu.wait_dma2 semaphore(%run_scoped3A : memref<!tpu.dma_semaphore, #tpu.memory_space<semaphore_mem>>) src(%dma_wait3A_245 : memref<128x8xf32, #tpu.memory_space<hbm>>) dst(%dma_wait3A_242 : memref<128x8xf32, #tpu.memory_space<vmem_shared>>)
      tpu.yield
    }) : () -> ()
    %add3A_7 = arith.constant 256 : i32
    %add3A_8 = arith.addi %mul3A_2, %add3A_7 : i32
    "tpu.region"() ({
      %run_scoped3A = tpu.sem_alloc : memref<!tpu.dma_semaphore, #tpu.memory_space<semaphore_mem>>
      %dma_start3A_236 = arith.constant 0 : i32
      %dma_start3A_237 = tpu.memref_slice %arg8[%add3A_8, %dma_start3A_236] : memref<10128x8xf32, #tpu.memory_space<vmem_shared>> -> memref<128x8xf32, #tpu.memory_space<vmem_shared>>
      %dma_start3A_238 = arith.constant 0 : i32
      %dma_start3A_239 = arith.constant 0 : i32
      %dma_start3A_240 = tpu.memref_slice %arg3[%dma_start3A_238, %dma_start3A_239] : memref<128x8xf32, #tpu.memory_space<hbm>> -> memref<128x8xf32, #tpu.memory_space<hbm>>
      tpu.enqueue_dma source(%dma_start3A_240 : memref<128x8xf32, #tpu.memory_space<hbm>>) target(%dma_start3A_237 : memref<128x8xf32, #tpu.memory_space<vmem_shared>>) target_semaphore(%run_scoped3A : memref<!tpu.dma_semaphore, #tpu.memory_space<semaphore_mem>>)
      %dma_wait3A_241 = arith.constant 0 : i32
      %dma_wait3A_242 = tpu.memref_slice %arg8[%add3A_8, %dma_wait3A_241] : memref<10128x8xf32, #tpu.memory_space<vmem_shared>> -> memref<128x8xf32, #tpu.memory_space<vmem_shared>>
      %dma_wait3A_243 = arith.constant 0 : i32
      %dma_wait3A_244 = arith.constant 0 : i32
      %dma_wait3A_245 = tpu.memref_slice %arg3[%dma_wait3A_243, %dma_wait3A_244] : memref<128x8xf32, #tpu.memory_space<hbm>> -> memref<128x8xf32, #tpu.memory_space<hbm>>
      tpu.wait_dma2 semaphore(%run_scoped3A : memref<!tpu.dma_semaphore, #tpu.memory_space<semaphore_mem>>) src(%dma_wait3A_245 : memref<128x8xf32, #tpu.memory_space<hbm>>) dst(%dma_wait3A_242 : memref<128x8xf32, #tpu.memory_space<vmem_shared>>)
      tpu.yield
    }) : () -> ()
    %add3A_9 = arith.constant 384 : i32
    %add3A_10 = arith.addi %mul3A_2, %add3A_9 : i32
    "tpu.region"() ({
      %run_scoped3A = tpu.sem_alloc : memref<!tpu.dma_semaphore, #tpu.memory_space<semaphore_mem>>
      %dma_start3A_236 = arith.constant 0 : i32
      %dma_start3A_237 = tpu.memref_slice %arg8[%add3A_10, %dma_start3A_236] : memref<10128x8xf32, #tpu.memory_space<vmem_shared>> -> memref<128x8xf32, #tpu.memory_space<vmem_shared>>
      %dma_start3A_238 = arith.constant 0 : i32
      %dma_start3A_239 = arith.constant 0 : i32
      %dma_start3A_240 = tpu.memref_slice %arg3[%dma_start3A_238, %dma_start3A_239] : memref<128x8xf32, #tpu.memory_space<hbm>> -> memref<128x8xf32, #tpu.memory_space<hbm>>
      tpu.enqueue_dma source(%dma_start3A_240 : memref<128x8xf32, #tpu.memory_space<hbm>>) target(%dma_start3A_237 : memref<128x8xf32, #tpu.memory_space<vmem_shared>>) target_semaphore(%run_scoped3A : memref<!tpu.dma_semaphore, #tpu.memory_space<semaphore_mem>>)
      %dma_wait3A_241 = arith.constant 0 : i32
      %dma_wait3A_242 = tpu.memref_slice %arg8[%add3A_10, %dma_wait3A_241] : memref<10128x8xf32, #tpu.memory_space<vmem_shared>> -> memref<128x8xf32, #tpu.memory_space<vmem_shared>>
      %dma_wait3A_243 = arith.constant 0 : i32
      %dma_wait3A_244 = arith.constant 0 : i32
      %dma_wait3A_245 = tpu.memref_slice %arg3[%dma_wait3A_243, %dma_wait3A_244] : memref<128x8xf32, #tpu.memory_space<hbm>> -> memref<128x8xf32, #tpu.memory_space<hbm>>
      tpu.wait_dma2 semaphore(%run_scoped3A : memref<!tpu.dma_semaphore, #tpu.memory_space<semaphore_mem>>) src(%dma_wait3A_245 : memref<128x8xf32, #tpu.memory_space<hbm>>) dst(%dma_wait3A_242 : memref<128x8xf32, #tpu.memory_space<vmem_shared>>)
      tpu.yield
    }) : () -> ()
    %add3A_11 = arith.constant 512 : i32
    %add3A_12 = arith.addi %mul3A_2, %add3A_11 : i32
    "tpu.region"() ({
      %run_scoped3A = tpu.sem_alloc : memref<!tpu.dma_semaphore, #tpu.memory_space<semaphore_mem>>
      %dma_start3A_236 = arith.constant 0 : i32
      %dma_start3A_237 = tpu.memref_slice %arg8[%add3A_12, %dma_start3A_236] : memref<10128x8xf32, #tpu.memory_space<vmem_shared>> -> memref<112x8xf32, #tpu.memory_space<vmem_shared>>
      %dma_start3A_238 = arith.constant 0 : i32
      %dma_start3A_239 = arith.constant 0 : i32
      %dma_start3A_240 = tpu.memref_slice %arg3[%dma_start3A_238, %dma_start3A_239] : memref<128x8xf32, #tpu.memory_space<hbm>> -> memref<112x8xf32, #tpu.memory_space<hbm>>
      tpu.enqueue_dma source(%dma_start3A_240 : memref<112x8xf32, #tpu.memory_space<hbm>>) target(%dma_start3A_237 : memref<112x8xf32, #tpu.memory_space<vmem_shared>>) target_semaphore(%run_scoped3A : memref<!tpu.dma_semaphore, #tpu.memory_space<semaphore_mem>>)
      %dma_wait3A_241 = arith.constant 0 : i32
      %dma_wait3A_242 = tpu.memref_slice %arg8[%add3A_12, %dma_wait3A_241] : memref<10128x8xf32, #tpu.memory_space<vmem_shared>> -> memref<112x8xf32, #tpu.memory_space<vmem_shared>>
      %dma_wait3A_243 = arith.constant 0 : i32
      %dma_wait3A_244 = arith.constant 0 : i32
      %dma_wait3A_245 = tpu.memref_slice %arg3[%dma_wait3A_243, %dma_wait3A_244] : memref<128x8xf32, #tpu.memory_space<hbm>> -> memref<112x8xf32, #tpu.memory_space<hbm>>
      tpu.wait_dma2 semaphore(%run_scoped3A : memref<!tpu.dma_semaphore, #tpu.memory_space<semaphore_mem>>) src(%dma_wait3A_245 : memref<112x8xf32, #tpu.memory_space<hbm>>) dst(%dma_wait3A_242 : memref<112x8xf32, #tpu.memory_space<vmem_shared>>)
      tpu.yield
    }) : () -> ()
    %eq3A = arith.constant 15 : i32
    %eq3A_13 = arith.cmpi eq, %arg1, %eq3A : i32
    %convert_element_type3A = arith.extui %eq3A_13 : i1 to i32
    %cond3A = arith.constant 0 : i32
    %cond3A_14 = arith.cmpi ne, %convert_element_type3A, %cond3A : i32
    scf.if %cond3A_14 {
      "tpu.region"() ({
        %run_scoped3A = tpu.sem_alloc : memref<!tpu.dma_semaphore, #tpu.memory_space<semaphore_mem>>
        %dma_start3A_236 = arith.constant 9984 : i32
        %dma_start3A_237 = arith.constant 0 : i32
        %dma_start3A_238 = tpu.memref_slice %arg8[%dma_start3A_236, %dma_start3A_237] : memref<10128x8xf32, #tpu.memory_space<vmem_shared>> -> memref<16x8xf32, #tpu.memory_space<vmem_shared>>
        %dma_start3A_239 = arith.constant 0 : i32
        %dma_start3A_240 = arith.constant 0 : i32
        %dma_start3A_241 = tpu.memref_slice %arg3[%dma_start3A_239, %dma_start3A_240] : memref<128x8xf32, #tpu.memory_space<hbm>> -> memref<16x8xf32, #tpu.memory_space<hbm>>
        tpu.enqueue_dma source(%dma_start3A_241 : memref<16x8xf32, #tpu.memory_space<hbm>>) target(%dma_start3A_238 : memref<16x8xf32, #tpu.memory_space<vmem_shared>>) target_semaphore(%run_scoped3A : memref<!tpu.dma_semaphore, #tpu.memory_space<semaphore_mem>>)
        %dma_wait3A_242 = arith.constant 9984 : i32
        %dma_wait3A_243 = arith.constant 0 : i32
        %dma_wait3A_244 = tpu.memref_slice %arg8[%dma_wait3A_242, %dma_wait3A_243] : memref<10128x8xf32, #tpu.memory_space<vmem_shared>> -> memref<16x8xf32, #tpu.memory_space<vmem_shared>>
        %dma_wait3A_245 = arith.constant 0 : i32
        %dma_wait3A_246 = arith.constant 0 : i32
        %dma_wait3A_247 = tpu.memref_slice %arg3[%dma_wait3A_245, %dma_wait3A_246] : memref<128x8xf32, #tpu.memory_space<hbm>> -> memref<16x8xf32, #tpu.memory_space<hbm>>
        tpu.wait_dma2 semaphore(%run_scoped3A : memref<!tpu.dma_semaphore, #tpu.memory_space<semaphore_mem>>) src(%dma_wait3A_247 : memref<16x8xf32, #tpu.memory_space<hbm>>) dst(%dma_wait3A_244 : memref<16x8xf32, #tpu.memory_space<vmem_shared>>)
        tpu.yield
      }) : () -> ()
    } else {
    }
    "tpu.region"() ({
      %run_scoped3A = tpu.sem_alloc : memref<!tpu.dma_semaphore, #tpu.memory_space<semaphore_mem>>
      tpu.enqueue_dma source(%arg2 : memref<128x8xf32, #tpu.memory_space<hbm>>) target(%arg7 : memref<128x8xf32, #tpu.memory_space<vmem>>) target_semaphore(%run_scoped3A : memref<!tpu.dma_semaphore, #tpu.memory_space<semaphore_mem>>)
      tpu.wait_dma2 semaphore(%run_scoped3A : memref<!tpu.dma_semaphore, #tpu.memory_space<semaphore_mem>>) src(%arg2 : memref<128x8xf32, #tpu.memory_space<hbm>>) dst(%arg7 : memref<128x8xf32, #tpu.memory_space<vmem>>)
      tpu.yield
    }) : () -> ()
    %barrier3A = arith.constant 0 : index
    tpu.barrier barrier_id(%barrier3A)
    %dma_start3A = arith.constant 0 : i32
    %dma_start3A_15 = arith.constant 0 : i32
    %dma_start3A_16 = tpu.memref_slice %arg6[%dma_start3A, %dma_start3A_15] : memref<79x128xi32, #tpu.memory_space<vmem>> -> memref<1x128xi32, #tpu.memory_space<vmem>>
    %dma_start3A_17 = tpu.memref_squeeze %dma_start3A_16 : memref<1x128xi32, #tpu.memory_space<vmem>> -> memref<128xi32, #tpu.memory_space<vmem>>
    %dma_start3A_18 = arith.constant 0 : i32
    %dma_start3A_19 = arith.constant 0 : i32
    %dma_start3A_20 = tpu.memref_slice %arg8[%dma_start3A_18, %dma_start3A_19] : memref<10128x8xf32, #tpu.memory_space<vmem_shared>> -> memref<10128x8xf32, #tpu.memory_space<vmem_shared>>
    tpu.enqueue_indirect_dma source(%arg7 : memref<128x8xf32, #tpu.memory_space<vmem>>) target(%dma_start3A_20 : memref<10128x8xf32, #tpu.memory_space<vmem_shared>>) offsets(%dma_start3A_17 : memref<128xi32, #tpu.memory_space<vmem>>) semaphore(%arg9 : memref<!tpu.dma_semaphore, #tpu.memory_space<semaphore_mem>>) {add = true}
    %dma_start3A_21 = arith.constant 1 : i32
    %dma_start3A_22 = arith.constant 0 : i32
    %dma_start3A_23 = tpu.memref_slice %arg6[%dma_start3A_21, %dma_start3A_22] : memref<79x128xi32, #tpu.memory_space<vmem>> -> memref<1x128xi32, #tpu.memory_space<vmem>>
    %dma_start3A_24 = tpu.memref_squeeze %dma_start3A_23 : memref<1x128xi32, #tpu.memory_space<vmem>> -> memref<128xi32, #tpu.memory_space<vmem>>
    %dma_start3A_25 = arith.constant 0 : i32
    %dma_start3A_26 = arith.constant 0 : i32
    %dma_start3A_27 = tpu.memref_slice %arg8[%dma_start3A_25, %dma_start3A_26] : memref<10128x8xf32, #tpu.memory_space<vmem_shared>> -> memref<10128x8xf32, #tpu.memory_space<vmem_shared>>
    tpu.enqueue_indirect_dma source(%arg7 : memref<128x8xf32, #tpu.memory_space<vmem>>) target(%dma_start3A_27 : memref<10128x8xf32, #tpu.memory_space<vmem_shared>>) offsets(%dma_start3A_24 : memref<128xi32, #tpu.memory_space<vmem>>) semaphore(%arg10 : memref<!tpu.dma_semaphore, #tpu.memory_space<semaphore_mem>>) {add = true}
    %dma_start3A_28 = arith.constant 2 : i32
    %dma_start3A_29 = arith.constant 0 : i32
    %dma_start3A_30 = tpu.memref_slice %arg6[%dma_start3A_28, %dma_start3A_29] : memref<79x128xi32, #tpu.memory_space<vmem>> -> memref<1x128xi32, #tpu.memory_space<vmem>>
    %dma_start3A_31 = tpu.memref_squeeze %dma_start3A_30 : memref<1x128xi32, #tpu.memory_space<vmem>> -> memref<128xi32, #tpu.memory_space<vmem>>
    %dma_start3A_32 = arith.constant 0 : i32
    %dma_start3A_33 = arith.constant 0 : i32
    %dma_start3A_34 = tpu.memref_slice %arg8[%dma_start3A_32, %dma_start3A_33] : memref<10128x8xf32, #tpu.memory_space<vmem_shared>> -> memref<10128x8xf32, #tpu.memory_space<vmem_shared>>
    tpu.enqueue_indirect_dma source(%arg7 : memref<128x8xf32, #tpu.memory_space<vmem>>) target(%dma_start3A_34 : memref<10128x8xf32, #tpu.memory_space<vmem_shared>>) offsets(%dma_start3A_31 : memref<128xi32, #tpu.memory_space<vmem>>) semaphore(%arg11 : memref<!tpu.dma_semaphore, #tpu.memory_space<semaphore_mem>>) {add = true}
    %dma_start3A_35 = arith.constant 3 : i32
    %dma_start3A_36 = arith.constant 0 : i32
    %dma_start3A_37 = tpu.memref_slice %arg6[%dma_start3A_35, %dma_start3A_36] : memref<79x128xi32, #tpu.memory_space<vmem>> -> memref<1x128xi32, #tpu.memory_space<vmem>>
    %dma_start3A_38 = tpu.memref_squeeze %dma_start3A_37 : memref<1x128xi32, #tpu.memory_space<vmem>> -> memref<128xi32, #tpu.memory_space<vmem>>
    %dma_start3A_39 = arith.constant 0 : i32
    %dma_start3A_40 = arith.constant 0 : i32
    %dma_start3A_41 = tpu.memref_slice %arg8[%dma_start3A_39, %dma_start3A_40] : memref<10128x8xf32, #tpu.memory_space<vmem_shared>> -> memref<10128x8xf32, #tpu.memory_space<vmem_shared>>
    tpu.enqueue_indirect_dma source(%arg7 : memref<128x8xf32, #tpu.memory_space<vmem>>) target(%dma_start3A_41 : memref<10128x8xf32, #tpu.memory_space<vmem_shared>>) offsets(%dma_start3A_38 : memref<128xi32, #tpu.memory_space<vmem>>) semaphore(%arg12 : memref<!tpu.dma_semaphore, #tpu.memory_space<semaphore_mem>>) {add = true}
    %dma_start3A_42 = arith.constant 4 : i32
    %dma_start3A_43 = arith.constant 0 : i32
    %dma_start3A_44 = tpu.memref_slice %arg6[%dma_start3A_42, %dma_start3A_43] : memref<79x128xi32, #tpu.memory_space<vmem>> -> memref<1x128xi32, #tpu.memory_space<vmem>>
    %dma_start3A_45 = tpu.memref_squeeze %dma_start3A_44 : memref<1x128xi32, #tpu.memory_space<vmem>> -> memref<128xi32, #tpu.memory_space<vmem>>
    %dma_start3A_46 = arith.constant 0 : i32
    %dma_start3A_47 = arith.constant 0 : i32
    %dma_start3A_48 = tpu.memref_slice %arg8[%dma_start3A_46, %dma_start3A_47] : memref<10128x8xf32, #tpu.memory_space<vmem_shared>> -> memref<10128x8xf32, #tpu.memory_space<vmem_shared>>
    tpu.enqueue_indirect_dma source(%arg7 : memref<128x8xf32, #tpu.memory_space<vmem>>) target(%dma_start3A_48 : memref<10128x8xf32, #tpu.memory_space<vmem_shared>>) offsets(%dma_start3A_45 : memref<128xi32, #tpu.memory_space<vmem>>) semaphore(%arg13 : memref<!tpu.dma_semaphore, #tpu.memory_space<semaphore_mem>>) {add = true}
    %dma_start3A_49 = arith.constant 5 : i32
    %dma_start3A_50 = arith.constant 0 : i32
    %dma_start3A_51 = tpu.memref_slice %arg6[%dma_start3A_49, %dma_start3A_50] : memref<79x128xi32, #tpu.memory_space<vmem>> -> memref<1x128xi32, #tpu.memory_space<vmem>>
    %dma_start3A_52 = tpu.memref_squeeze %dma_start3A_51 : memref<1x128xi32, #tpu.memory_space<vmem>> -> memref<128xi32, #tpu.memory_space<vmem>>
    %dma_start3A_53 = arith.constant 0 : i32
    %dma_start3A_54 = arith.constant 0 : i32
    %dma_start3A_55 = tpu.memref_slice %arg8[%dma_start3A_53, %dma_start3A_54] : memref<10128x8xf32, #tpu.memory_space<vmem_shared>> -> memref<10128x8xf32, #tpu.memory_space<vmem_shared>>
    tpu.enqueue_indirect_dma source(%arg7 : memref<128x8xf32, #tpu.memory_space<vmem>>) target(%dma_start3A_55 : memref<10128x8xf32, #tpu.memory_space<vmem_shared>>) offsets(%dma_start3A_52 : memref<128xi32, #tpu.memory_space<vmem>>) semaphore(%arg14 : memref<!tpu.dma_semaphore, #tpu.memory_space<semaphore_mem>>) {add = true}
    %dma_start3A_56 = arith.constant 6 : i32
    %dma_start3A_57 = arith.constant 0 : i32
    %dma_start3A_58 = tpu.memref_slice %arg6[%dma_start3A_56, %dma_start3A_57] : memref<79x128xi32, #tpu.memory_space<vmem>> -> memref<1x128xi32, #tpu.memory_space<vmem>>
    %dma_start3A_59 = tpu.memref_squeeze %dma_start3A_58 : memref<1x128xi32, #tpu.memory_space<vmem>> -> memref<128xi32, #tpu.memory_space<vmem>>
    %dma_start3A_60 = arith.constant 0 : i32
    %dma_start3A_61 = arith.constant 0 : i32
    %dma_start3A_62 = tpu.memref_slice %arg8[%dma_start3A_60, %dma_start3A_61] : memref<10128x8xf32, #tpu.memory_space<vmem_shared>> -> memref<10128x8xf32, #tpu.memory_space<vmem_shared>>
    tpu.enqueue_indirect_dma source(%arg7 : memref<128x8xf32, #tpu.memory_space<vmem>>) target(%dma_start3A_62 : memref<10128x8xf32, #tpu.memory_space<vmem_shared>>) offsets(%dma_start3A_59 : memref<128xi32, #tpu.memory_space<vmem>>) semaphore(%arg15 : memref<!tpu.dma_semaphore, #tpu.memory_space<semaphore_mem>>) {add = true}
    %dma_start3A_63 = arith.constant 7 : i32
    %dma_start3A_64 = arith.constant 0 : i32
    %dma_start3A_65 = tpu.memref_slice %arg6[%dma_start3A_63, %dma_start3A_64] : memref<79x128xi32, #tpu.memory_space<vmem>> -> memref<1x128xi32, #tpu.memory_space<vmem>>
    %dma_start3A_66 = tpu.memref_squeeze %dma_start3A_65 : memref<1x128xi32, #tpu.memory_space<vmem>> -> memref<128xi32, #tpu.memory_space<vmem>>
    %dma_start3A_67 = arith.constant 0 : i32
    %dma_start3A_68 = arith.constant 0 : i32
    %dma_start3A_69 = tpu.memref_slice %arg8[%dma_start3A_67, %dma_start3A_68] : memref<10128x8xf32, #tpu.memory_space<vmem_shared>> -> memref<10128x8xf32, #tpu.memory_space<vmem_shared>>
    tpu.enqueue_indirect_dma source(%arg7 : memref<128x8xf32, #tpu.memory_space<vmem>>) target(%dma_start3A_69 : memref<10128x8xf32, #tpu.memory_space<vmem_shared>>) offsets(%dma_start3A_66 : memref<128xi32, #tpu.memory_space<vmem>>) semaphore(%arg16 : memref<!tpu.dma_semaphore, #tpu.memory_space<semaphore_mem>>) {add = true}
    %scan3A = arith.constant 0 : i32
    %scan3A_70 = arith.constant 1 : i32
    %scan3A_71 = arith.constant 8 : i32
    %scan3A_72 = arith.addi %scan3A_70, %scan3A_71 : i32
    %scan3A_73 = arith.constant 1 : i32
    scf.for %scan3A_236 = %scan3A_70 to %scan3A_72 step %scan3A_73  : i32 {
      %mul3A_237 = arith.constant 8 : i32
      %mul3A_238 = arith.muli %scan3A_236, %mul3A_237 : i32
      %add3A_239 = arith.constant 0 : i32
      %add3A_240 = arith.addi %mul3A_238, %add3A_239 : i32
      %sub3A = arith.constant 8 : i32
      %sub3A_241 = arith.subi %add3A_240, %sub3A : i32
      %dma_wait3A_242 = arith.constant 0 : i32
      %dma_wait3A_243 = tpu.memref_slice %arg6[%sub3A_241, %dma_wait3A_242] : memref<79x128xi32, #tpu.memory_space<vmem>> -> memref<1x128xi32, #tpu.memory_space<vmem>>
      %dma_wait3A_244 = tpu.memref_squeeze %dma_wait3A_243 : memref<1x128xi32, #tpu.memory_space<vmem>> -> memref<128xi32, #tpu.memory_space<vmem>>
      %dma_wait3A_245 = arith.constant 0 : i32
      %dma_wait3A_246 = arith.constant 0 : i32
      %dma_wait3A_247 = tpu.memref_slice %arg8[%dma_wait3A_245, %dma_wait3A_246] : memref<10128x8xf32, #tpu.memory_space<vmem_shared>> -> memref<10128x8xf32, #tpu.memory_space<vmem_shared>>
      tpu.wait_indirect_dma semaphore(%arg9 : memref<!tpu.dma_semaphore, #tpu.memory_space<semaphore_mem>>) src(%arg7 : memref<128x8xf32, #tpu.memory_space<vmem>>) dst(%dma_wait3A_247 : memref<10128x8xf32, #tpu.memory_space<vmem_shared>>)
      %dma_start3A_248 = arith.constant 0 : i32
      %dma_start3A_249 = tpu.memref_slice %arg6[%add3A_240, %dma_start3A_248] : memref<79x128xi32, #tpu.memory_space<vmem>> -> memref<1x128xi32, #tpu.memory_space<vmem>>
      %dma_start3A_250 = tpu.memref_squeeze %dma_start3A_249 : memref<1x128xi32, #tpu.memory_space<vmem>> -> memref<128xi32, #tpu.memory_space<vmem>>
      %dma_start3A_251 = arith.constant 0 : i32
      %dma_start3A_252 = arith.constant 0 : i32
      %dma_start3A_253 = tpu.memref_slice %arg8[%dma_start3A_251, %dma_start3A_252] : memref<10128x8xf32, #tpu.memory_space<vmem_shared>> -> memref<10128x8xf32, #tpu.memory_space<vmem_shared>>
      tpu.enqueue_indirect_dma source(%arg7 : memref<128x8xf32, #tpu.memory_space<vmem>>) target(%dma_start3A_253 : memref<10128x8xf32, #tpu.memory_space<vmem_shared>>) offsets(%dma_start3A_250 : memref<128xi32, #tpu.memory_space<vmem>>) semaphore(%arg9 : memref<!tpu.dma_semaphore, #tpu.memory_space<semaphore_mem>>) {add = true}
      %add3A_254 = arith.constant 1 : i32
      %add3A_255 = arith.addi %mul3A_238, %add3A_254 : i32
      %sub3A_256 = arith.constant 8 : i32
      %sub3A_257 = arith.subi %add3A_255, %sub3A_256 : i32
      %dma_wait3A_258 = arith.constant 0 : i32
      %dma_wait3A_259 = tpu.memref_slice %arg6[%sub3A_257, %dma_wait3A_258] : memref<79x128xi32, #tpu.memory_space<vmem>> -> memref<1x128xi32, #tpu.memory_space<vmem>>
      %dma_wait3A_260 = tpu.memref_squeeze %dma_wait3A_259 : memref<1x128xi32, #tpu.memory_space<vmem>> -> memref<128xi32, #tpu.memory_space<vmem>>
      %dma_wait3A_261 = arith.constant 0 : i32
      %dma_wait3A_262 = arith.constant 0 : i32
      %dma_wait3A_263 = tpu.memref_slice %arg8[%dma_wait3A_261, %dma_wait3A_262] : memref<10128x8xf32, #tpu.memory_space<vmem_shared>> -> memref<10128x8xf32, #tpu.memory_space<vmem_shared>>
      tpu.wait_indirect_dma semaphore(%arg10 : memref<!tpu.dma_semaphore, #tpu.memory_space<semaphore_mem>>) src(%arg7 : memref<128x8xf32, #tpu.memory_space<vmem>>) dst(%dma_wait3A_263 : memref<10128x8xf32, #tpu.memory_space<vmem_shared>>)
      %dma_start3A_264 = arith.constant 0 : i32
      %dma_start3A_265 = tpu.memref_slice %arg6[%add3A_255, %dma_start3A_264] : memref<79x128xi32, #tpu.memory_space<vmem>> -> memref<1x128xi32, #tpu.memory_space<vmem>>
      %dma_start3A_266 = tpu.memref_squeeze %dma_start3A_265 : memref<1x128xi32, #tpu.memory_space<vmem>> -> memref<128xi32, #tpu.memory_space<vmem>>
      %dma_start3A_267 = arith.constant 0 : i32
      %dma_start3A_268 = arith.constant 0 : i32
      %dma_start3A_269 = tpu.memref_slice %arg8[%dma_start3A_267, %dma_start3A_268] : memref<10128x8xf32, #tpu.memory_space<vmem_shared>> -> memref<10128x8xf32, #tpu.memory_space<vmem_shared>>
      tpu.enqueue_indirect_dma source(%arg7 : memref<128x8xf32, #tpu.memory_space<vmem>>) target(%dma_start3A_269 : memref<10128x8xf32, #tpu.memory_space<vmem_shared>>) offsets(%dma_start3A_266 : memref<128xi32, #tpu.memory_space<vmem>>) semaphore(%arg10 : memref<!tpu.dma_semaphore, #tpu.memory_space<semaphore_mem>>) {add = true}
      %add3A_270 = arith.constant 2 : i32
      %add3A_271 = arith.addi %mul3A_238, %add3A_270 : i32
      %sub3A_272 = arith.constant 8 : i32
      %sub3A_273 = arith.subi %add3A_271, %sub3A_272 : i32
      %dma_wait3A_274 = arith.constant 0 : i32
      %dma_wait3A_275 = tpu.memref_slice %arg6[%sub3A_273, %dma_wait3A_274] : memref<79x128xi32, #tpu.memory_space<vmem>> -> memref<1x128xi32, #tpu.memory_space<vmem>>
      %dma_wait3A_276 = tpu.memref_squeeze %dma_wait3A_275 : memref<1x128xi32, #tpu.memory_space<vmem>> -> memref<128xi32, #tpu.memory_space<vmem>>
      %dma_wait3A_277 = arith.constant 0 : i32
      %dma_wait3A_278 = arith.constant 0 : i32
      %dma_wait3A_279 = tpu.memref_slice %arg8[%dma_wait3A_277, %dma_wait3A_278] : memref<10128x8xf32, #tpu.memory_space<vmem_shared>> -> memref<10128x8xf32, #tpu.memory_space<vmem_shared>>
      tpu.wait_indirect_dma semaphore(%arg11 : memref<!tpu.dma_semaphore, #tpu.memory_space<semaphore_mem>>) src(%arg7 : memref<128x8xf32, #tpu.memory_space<vmem>>) dst(%dma_wait3A_279 : memref<10128x8xf32, #tpu.memory_space<vmem_shared>>)
      %dma_start3A_280 = arith.constant 0 : i32
      %dma_start3A_281 = tpu.memref_slice %arg6[%add3A_271, %dma_start3A_280] : memref<79x128xi32, #tpu.memory_space<vmem>> -> memref<1x128xi32, #tpu.memory_space<vmem>>
      %dma_start3A_282 = tpu.memref_squeeze %dma_start3A_281 : memref<1x128xi32, #tpu.memory_space<vmem>> -> memref<128xi32, #tpu.memory_space<vmem>>
      %dma_start3A_283 = arith.constant 0 : i32
      %dma_start3A_284 = arith.constant 0 : i32
      %dma_start3A_285 = tpu.memref_slice %arg8[%dma_start3A_283, %dma_start3A_284] : memref<10128x8xf32, #tpu.memory_space<vmem_shared>> -> memref<10128x8xf32, #tpu.memory_space<vmem_shared>>
      tpu.enqueue_indirect_dma source(%arg7 : memref<128x8xf32, #tpu.memory_space<vmem>>) target(%dma_start3A_285 : memref<10128x8xf32, #tpu.memory_space<vmem_shared>>) offsets(%dma_start3A_282 : memref<128xi32, #tpu.memory_space<vmem>>) semaphore(%arg11 : memref<!tpu.dma_semaphore, #tpu.memory_space<semaphore_mem>>) {add = true}
      %add3A_286 = arith.constant 3 : i32
      %add3A_287 = arith.addi %mul3A_238, %add3A_286 : i32
      %sub3A_288 = arith.constant 8 : i32
      %sub3A_289 = arith.subi %add3A_287, %sub3A_288 : i32
      %dma_wait3A_290 = arith.constant 0 : i32
      %dma_wait3A_291 = tpu.memref_slice %arg6[%sub3A_289, %dma_wait3A_290] : memref<79x128xi32, #tpu.memory_space<vmem>> -> memref<1x128xi32, #tpu.memory_space<vmem>>
      %dma_wait3A_292 = tpu.memref_squeeze %dma_wait3A_291 : memref<1x128xi32, #tpu.memory_space<vmem>> -> memref<128xi32, #tpu.memory_space<vmem>>
      %dma_wait3A_293 = arith.constant 0 : i32
      %dma_wait3A_294 = arith.constant 0 : i32
      %dma_wait3A_295 = tpu.memref_slice %arg8[%dma_wait3A_293, %dma_wait3A_294] : memref<10128x8xf32, #tpu.memory_space<vmem_shared>> -> memref<10128x8xf32, #tpu.memory_space<vmem_shared>>
      tpu.wait_indirect_dma semaphore(%arg12 : memref<!tpu.dma_semaphore, #tpu.memory_space<semaphore_mem>>) src(%arg7 : memref<128x8xf32, #tpu.memory_space<vmem>>) dst(%dma_wait3A_295 : memref<10128x8xf32, #tpu.memory_space<vmem_shared>>)
      %dma_start3A_296 = arith.constant 0 : i32
      %dma_start3A_297 = tpu.memref_slice %arg6[%add3A_287, %dma_start3A_296] : memref<79x128xi32, #tpu.memory_space<vmem>> -> memref<1x128xi32, #tpu.memory_space<vmem>>
      %dma_start3A_298 = tpu.memref_squeeze %dma_start3A_297 : memref<1x128xi32, #tpu.memory_space<vmem>> -> memref<128xi32, #tpu.memory_space<vmem>>
      %dma_start3A_299 = arith.constant 0 : i32
      %dma_start3A_300 = arith.constant 0 : i32
      %dma_start3A_301 = tpu.memref_slice %arg8[%dma_start3A_299, %dma_start3A_300] : memref<10128x8xf32, #tpu.memory_space<vmem_shared>> -> memref<10128x8xf32, #tpu.memory_space<vmem_shared>>
      tpu.enqueue_indirect_dma source(%arg7 : memref<128x8xf32, #tpu.memory_space<vmem>>) target(%dma_start3A_301 : memref<10128x8xf32, #tpu.memory_space<vmem_shared>>) offsets(%dma_start3A_298 : memref<128xi32, #tpu.memory_space<vmem>>) semaphore(%arg12 : memref<!tpu.dma_semaphore, #tpu.memory_space<semaphore_mem>>) {add = true}
      %add3A_302 = arith.constant 4 : i32
      %add3A_303 = arith.addi %mul3A_238, %add3A_302 : i32
      %sub3A_304 = arith.constant 8 : i32
      %sub3A_305 = arith.subi %add3A_303, %sub3A_304 : i32
      %dma_wait3A_306 = arith.constant 0 : i32
      %dma_wait3A_307 = tpu.memref_slice %arg6[%sub3A_305, %dma_wait3A_306] : memref<79x128xi32, #tpu.memory_space<vmem>> -> memref<1x128xi32, #tpu.memory_space<vmem>>
      %dma_wait3A_308 = tpu.memref_squeeze %dma_wait3A_307 : memref<1x128xi32, #tpu.memory_space<vmem>> -> memref<128xi32, #tpu.memory_space<vmem>>
      %dma_wait3A_309 = arith.constant 0 : i32
      %dma_wait3A_310 = arith.constant 0 : i32
      %dma_wait3A_311 = tpu.memref_slice %arg8[%dma_wait3A_309, %dma_wait3A_310] : memref<10128x8xf32, #tpu.memory_space<vmem_shared>> -> memref<10128x8xf32, #tpu.memory_space<vmem_shared>>
      tpu.wait_indirect_dma semaphore(%arg13 : memref<!tpu.dma_semaphore, #tpu.memory_space<semaphore_mem>>) src(%arg7 : memref<128x8xf32, #tpu.memory_space<vmem>>) dst(%dma_wait3A_311 : memref<10128x8xf32, #tpu.memory_space<vmem_shared>>)
      %dma_start3A_312 = arith.constant 0 : i32
      %dma_start3A_313 = tpu.memref_slice %arg6[%add3A_303, %dma_start3A_312] : memref<79x128xi32, #tpu.memory_space<vmem>> -> memref<1x128xi32, #tpu.memory_space<vmem>>
      %dma_start3A_314 = tpu.memref_squeeze %dma_start3A_313 : memref<1x128xi32, #tpu.memory_space<vmem>> -> memref<128xi32, #tpu.memory_space<vmem>>
      %dma_start3A_315 = arith.constant 0 : i32
      %dma_start3A_316 = arith.constant 0 : i32
      %dma_start3A_317 = tpu.memref_slice %arg8[%dma_start3A_315, %dma_start3A_316] : memref<10128x8xf32, #tpu.memory_space<vmem_shared>> -> memref<10128x8xf32, #tpu.memory_space<vmem_shared>>
      tpu.enqueue_indirect_dma source(%arg7 : memref<128x8xf32, #tpu.memory_space<vmem>>) target(%dma_start3A_317 : memref<10128x8xf32, #tpu.memory_space<vmem_shared>>) offsets(%dma_start3A_314 : memref<128xi32, #tpu.memory_space<vmem>>) semaphore(%arg13 : memref<!tpu.dma_semaphore, #tpu.memory_space<semaphore_mem>>) {add = true}
      %add3A_318 = arith.constant 5 : i32
      %add3A_319 = arith.addi %mul3A_238, %add3A_318 : i32
      %sub3A_320 = arith.constant 8 : i32
      %sub3A_321 = arith.subi %add3A_319, %sub3A_320 : i32
      %dma_wait3A_322 = arith.constant 0 : i32
      %dma_wait3A_323 = tpu.memref_slice %arg6[%sub3A_321, %dma_wait3A_322] : memref<79x128xi32, #tpu.memory_space<vmem>> -> memref<1x128xi32, #tpu.memory_space<vmem>>
      %dma_wait3A_324 = tpu.memref_squeeze %dma_wait3A_323 : memref<1x128xi32, #tpu.memory_space<vmem>> -> memref<128xi32, #tpu.memory_space<vmem>>
      %dma_wait3A_325 = arith.constant 0 : i32
      %dma_wait3A_326 = arith.constant 0 : i32
      %dma_wait3A_327 = tpu.memref_slice %arg8[%dma_wait3A_325, %dma_wait3A_326] : memref<10128x8xf32, #tpu.memory_space<vmem_shared>> -> memref<10128x8xf32, #tpu.memory_space<vmem_shared>>
      tpu.wait_indirect_dma semaphore(%arg14 : memref<!tpu.dma_semaphore, #tpu.memory_space<semaphore_mem>>) src(%arg7 : memref<128x8xf32, #tpu.memory_space<vmem>>) dst(%dma_wait3A_327 : memref<10128x8xf32, #tpu.memory_space<vmem_shared>>)
      %dma_start3A_328 = arith.constant 0 : i32
      %dma_start3A_329 = tpu.memref_slice %arg6[%add3A_319, %dma_start3A_328] : memref<79x128xi32, #tpu.memory_space<vmem>> -> memref<1x128xi32, #tpu.memory_space<vmem>>
      %dma_start3A_330 = tpu.memref_squeeze %dma_start3A_329 : memref<1x128xi32, #tpu.memory_space<vmem>> -> memref<128xi32, #tpu.memory_space<vmem>>
      %dma_start3A_331 = arith.constant 0 : i32
      %dma_start3A_332 = arith.constant 0 : i32
      %dma_start3A_333 = tpu.memref_slice %arg8[%dma_start3A_331, %dma_start3A_332] : memref<10128x8xf32, #tpu.memory_space<vmem_shared>> -> memref<10128x8xf32, #tpu.memory_space<vmem_shared>>
      tpu.enqueue_indirect_dma source(%arg7 : memref<128x8xf32, #tpu.memory_space<vmem>>) target(%dma_start3A_333 : memref<10128x8xf32, #tpu.memory_space<vmem_shared>>) offsets(%dma_start3A_330 : memref<128xi32, #tpu.memory_space<vmem>>) semaphore(%arg14 : memref<!tpu.dma_semaphore, #tpu.memory_space<semaphore_mem>>) {add = true}
      %add3A_334 = arith.constant 6 : i32
      %add3A_335 = arith.addi %mul3A_238, %add3A_334 : i32
      %sub3A_336 = arith.constant 8 : i32
      %sub3A_337 = arith.subi %add3A_335, %sub3A_336 : i32
      %dma_wait3A_338 = arith.constant 0 : i32
      %dma_wait3A_339 = tpu.memref_slice %arg6[%sub3A_337, %dma_wait3A_338] : memref<79x128xi32, #tpu.memory_space<vmem>> -> memref<1x128xi32, #tpu.memory_space<vmem>>
      %dma_wait3A_340 = tpu.memref_squeeze %dma_wait3A_339 : memref<1x128xi32, #tpu.memory_space<vmem>> -> memref<128xi32, #tpu.memory_space<vmem>>
      %dma_wait3A_341 = arith.constant 0 : i32
      %dma_wait3A_342 = arith.constant 0 : i32
      %dma_wait3A_343 = tpu.memref_slice %arg8[%dma_wait3A_341, %dma_wait3A_342] : memref<10128x8xf32, #tpu.memory_space<vmem_shared>> -> memref<10128x8xf32, #tpu.memory_space<vmem_shared>>
      tpu.wait_indirect_dma semaphore(%arg15 : memref<!tpu.dma_semaphore, #tpu.memory_space<semaphore_mem>>) src(%arg7 : memref<128x8xf32, #tpu.memory_space<vmem>>) dst(%dma_wait3A_343 : memref<10128x8xf32, #tpu.memory_space<vmem_shared>>)
      %dma_start3A_344 = arith.constant 0 : i32
      %dma_start3A_345 = tpu.memref_slice %arg6[%add3A_335, %dma_start3A_344] : memref<79x128xi32, #tpu.memory_space<vmem>> -> memref<1x128xi32, #tpu.memory_space<vmem>>
      %dma_start3A_346 = tpu.memref_squeeze %dma_start3A_345 : memref<1x128xi32, #tpu.memory_space<vmem>> -> memref<128xi32, #tpu.memory_space<vmem>>
      %dma_start3A_347 = arith.constant 0 : i32
      %dma_start3A_348 = arith.constant 0 : i32
      %dma_start3A_349 = tpu.memref_slice %arg8[%dma_start3A_347, %dma_start3A_348] : memref<10128x8xf32, #tpu.memory_space<vmem_shared>> -> memref<10128x8xf32, #tpu.memory_space<vmem_shared>>
      tpu.enqueue_indirect_dma source(%arg7 : memref<128x8xf32, #tpu.memory_space<vmem>>) target(%dma_start3A_349 : memref<10128x8xf32, #tpu.memory_space<vmem_shared>>) offsets(%dma_start3A_346 : memref<128xi32, #tpu.memory_space<vmem>>) semaphore(%arg15 : memref<!tpu.dma_semaphore, #tpu.memory_space<semaphore_mem>>) {add = true}
      %add3A_350 = arith.constant 7 : i32
      %add3A_351 = arith.addi %mul3A_238, %add3A_350 : i32
      %sub3A_352 = arith.constant 8 : i32
      %sub3A_353 = arith.subi %add3A_351, %sub3A_352 : i32
      %dma_wait3A_354 = arith.constant 0 : i32
      %dma_wait3A_355 = tpu.memref_slice %arg6[%sub3A_353, %dma_wait3A_354] : memref<79x128xi32, #tpu.memory_space<vmem>> -> memref<1x128xi32, #tpu.memory_space<vmem>>
      %dma_wait3A_356 = tpu.memref_squeeze %dma_wait3A_355 : memref<1x128xi32, #tpu.memory_space<vmem>> -> memref<128xi32, #tpu.memory_space<vmem>>
      %dma_wait3A_357 = arith.constant 0 : i32
      %dma_wait3A_358 = arith.constant 0 : i32
      %dma_wait3A_359 = tpu.memref_slice %arg8[%dma_wait3A_357, %dma_wait3A_358] : memref<10128x8xf32, #tpu.memory_space<vmem_shared>> -> memref<10128x8xf32, #tpu.memory_space<vmem_shared>>
      tpu.wait_indirect_dma semaphore(%arg16 : memref<!tpu.dma_semaphore, #tpu.memory_space<semaphore_mem>>) src(%arg7 : memref<128x8xf32, #tpu.memory_space<vmem>>) dst(%dma_wait3A_359 : memref<10128x8xf32, #tpu.memory_space<vmem_shared>>)
      %dma_start3A_360 = arith.constant 0 : i32
      %dma_start3A_361 = tpu.memref_slice %arg6[%add3A_351, %dma_start3A_360] : memref<79x128xi32, #tpu.memory_space<vmem>> -> memref<1x128xi32, #tpu.memory_space<vmem>>
      %dma_start3A_362 = tpu.memref_squeeze %dma_start3A_361 : memref<1x128xi32, #tpu.memory_space<vmem>> -> memref<128xi32, #tpu.memory_space<vmem>>
      %dma_start3A_363 = arith.constant 0 : i32
      %dma_start3A_364 = arith.constant 0 : i32
      %dma_start3A_365 = tpu.memref_slice %arg8[%dma_start3A_363, %dma_start3A_364] : memref<10128x8xf32, #tpu.memory_space<vmem_shared>> -> memref<10128x8xf32, #tpu.memory_space<vmem_shared>>
      tpu.enqueue_indirect_dma source(%arg7 : memref<128x8xf32, #tpu.memory_space<vmem>>) target(%dma_start3A_365 : memref<10128x8xf32, #tpu.memory_space<vmem_shared>>) offsets(%dma_start3A_362 : memref<128xi32, #tpu.memory_space<vmem>>) semaphore(%arg16 : memref<!tpu.dma_semaphore, #tpu.memory_space<semaphore_mem>>) {add = true}
    }
    %scan3A_74 = arith.constant 8 : i32
    %dma_wait3A = arith.constant 64 : i32
    %dma_wait3A_75 = arith.constant 0 : i32
    %dma_wait3A_76 = tpu.memref_slice %arg6[%dma_wait3A, %dma_wait3A_75] : memref<79x128xi32, #tpu.memory_space<vmem>> -> memref<1x128xi32, #tpu.memory_space<vmem>>
    %dma_wait3A_77 = tpu.memref_squeeze %dma_wait3A_76 : memref<1x128xi32, #tpu.memory_space<vmem>> -> memref<128xi32, #tpu.memory_space<vmem>>
    %dma_wait3A_78 = arith.constant 0 : i32
    %dma_wait3A_79 = arith.constant 0 : i32
    %dma_wait3A_80 = tpu.memref_slice %arg8[%dma_wait3A_78, %dma_wait3A_79] : memref<10128x8xf32, #tpu.memory_space<vmem_shared>> -> memref<10128x8xf32, #tpu.memory_space<vmem_shared>>
    tpu.wait_indirect_dma semaphore(%arg9 : memref<!tpu.dma_semaphore, #tpu.memory_space<semaphore_mem>>) src(%arg7 : memref<128x8xf32, #tpu.memory_space<vmem>>) dst(%dma_wait3A_80 : memref<10128x8xf32, #tpu.memory_space<vmem_shared>>)
    %dma_start3A_81 = arith.constant 72 : i32
    %dma_start3A_82 = arith.constant 0 : i32
    %dma_start3A_83 = tpu.memref_slice %arg6[%dma_start3A_81, %dma_start3A_82] : memref<79x128xi32, #tpu.memory_space<vmem>> -> memref<1x128xi32, #tpu.memory_space<vmem>>
    %dma_start3A_84 = tpu.memref_squeeze %dma_start3A_83 : memref<1x128xi32, #tpu.memory_space<vmem>> -> memref<128xi32, #tpu.memory_space<vmem>>
    %dma_start3A_85 = arith.constant 0 : i32
    %dma_start3A_86 = arith.constant 0 : i32
    %dma_start3A_87 = tpu.memref_slice %arg8[%dma_start3A_85, %dma_start3A_86] : memref<10128x8xf32, #tpu.memory_space<vmem_shared>> -> memref<10128x8xf32, #tpu.memory_space<vmem_shared>>
    tpu.enqueue_indirect_dma source(%arg7 : memref<128x8xf32, #tpu.memory_space<vmem>>) target(%dma_start3A_87 : memref<10128x8xf32, #tpu.memory_space<vmem_shared>>) offsets(%dma_start3A_84 : memref<128xi32, #tpu.memory_space<vmem>>) semaphore(%arg9 : memref<!tpu.dma_semaphore, #tpu.memory_space<semaphore_mem>>) {add = true}
    %dma_wait3A_88 = arith.constant 65 : i32
    %dma_wait3A_89 = arith.constant 0 : i32
    %dma_wait3A_90 = tpu.memref_slice %arg6[%dma_wait3A_88, %dma_wait3A_89] : memref<79x128xi32, #tpu.memory_space<vmem>> -> memref<1x128xi32, #tpu.memory_space<vmem>>
    %dma_wait3A_91 = tpu.memref_squeeze %dma_wait3A_90 : memref<1x128xi32, #tpu.memory_space<vmem>> -> memref<128xi32, #tpu.memory_space<vmem>>
    %dma_wait3A_92 = arith.constant 0 : i32
    %dma_wait3A_93 = arith.constant 0 : i32
    %dma_wait3A_94 = tpu.memref_slice %arg8[%dma_wait3A_92, %dma_wait3A_93] : memref<10128x8xf32, #tpu.memory_space<vmem_shared>> -> memref<10128x8xf32, #tpu.memory_space<vmem_shared>>
    tpu.wait_indirect_dma semaphore(%arg10 : memref<!tpu.dma_semaphore, #tpu.memory_space<semaphore_mem>>) src(%arg7 : memref<128x8xf32, #tpu.memory_space<vmem>>) dst(%dma_wait3A_94 : memref<10128x8xf32, #tpu.memory_space<vmem_shared>>)
    %dma_start3A_95 = arith.constant 73 : i32
    %dma_start3A_96 = arith.constant 0 : i32
    %dma_start3A_97 = tpu.memref_slice %arg6[%dma_start3A_95, %dma_start3A_96] : memref<79x128xi32, #tpu.memory_space<vmem>> -> memref<1x128xi32, #tpu.memory_space<vmem>>
    %dma_start3A_98 = tpu.memref_squeeze %dma_start3A_97 : memref<1x128xi32, #tpu.memory_space<vmem>> -> memref<128xi32, #tpu.memory_space<vmem>>
    %dma_start3A_99 = arith.constant 0 : i32
    %dma_start3A_100 = arith.constant 0 : i32
    %dma_start3A_101 = tpu.memref_slice %arg8[%dma_start3A_99, %dma_start3A_100] : memref<10128x8xf32, #tpu.memory_space<vmem_shared>> -> memref<10128x8xf32, #tpu.memory_space<vmem_shared>>
    tpu.enqueue_indirect_dma source(%arg7 : memref<128x8xf32, #tpu.memory_space<vmem>>) target(%dma_start3A_101 : memref<10128x8xf32, #tpu.memory_space<vmem_shared>>) offsets(%dma_start3A_98 : memref<128xi32, #tpu.memory_space<vmem>>) semaphore(%arg10 : memref<!tpu.dma_semaphore, #tpu.memory_space<semaphore_mem>>) {add = true}
    %dma_wait3A_102 = arith.constant 66 : i32
    %dma_wait3A_103 = arith.constant 0 : i32
    %dma_wait3A_104 = tpu.memref_slice %arg6[%dma_wait3A_102, %dma_wait3A_103] : memref<79x128xi32, #tpu.memory_space<vmem>> -> memref<1x128xi32, #tpu.memory_space<vmem>>
    %dma_wait3A_105 = tpu.memref_squeeze %dma_wait3A_104 : memref<1x128xi32, #tpu.memory_space<vmem>> -> memref<128xi32, #tpu.memory_space<vmem>>
    %dma_wait3A_106 = arith.constant 0 : i32
    %dma_wait3A_107 = arith.constant 0 : i32
    %dma_wait3A_108 = tpu.memref_slice %arg8[%dma_wait3A_106, %dma_wait3A_107] : memref<10128x8xf32, #tpu.memory_space<vmem_shared>> -> memref<10128x8xf32, #tpu.memory_space<vmem_shared>>
    tpu.wait_indirect_dma semaphore(%arg11 : memref<!tpu.dma_semaphore, #tpu.memory_space<semaphore_mem>>) src(%arg7 : memref<128x8xf32, #tpu.memory_space<vmem>>) dst(%dma_wait3A_108 : memref<10128x8xf32, #tpu.memory_space<vmem_shared>>)
    %dma_start3A_109 = arith.constant 74 : i32
    %dma_start3A_110 = arith.constant 0 : i32
    %dma_start3A_111 = tpu.memref_slice %arg6[%dma_start3A_109, %dma_start3A_110] : memref<79x128xi32, #tpu.memory_space<vmem>> -> memref<1x128xi32, #tpu.memory_space<vmem>>
    %dma_start3A_112 = tpu.memref_squeeze %dma_start3A_111 : memref<1x128xi32, #tpu.memory_space<vmem>> -> memref<128xi32, #tpu.memory_space<vmem>>
    %dma_start3A_113 = arith.constant 0 : i32
    %dma_start3A_114 = arith.constant 0 : i32
    %dma_start3A_115 = tpu.memref_slice %arg8[%dma_start3A_113, %dma_start3A_114] : memref<10128x8xf32, #tpu.memory_space<vmem_shared>> -> memref<10128x8xf32, #tpu.memory_space<vmem_shared>>
    tpu.enqueue_indirect_dma source(%arg7 : memref<128x8xf32, #tpu.memory_space<vmem>>) target(%dma_start3A_115 : memref<10128x8xf32, #tpu.memory_space<vmem_shared>>) offsets(%dma_start3A_112 : memref<128xi32, #tpu.memory_space<vmem>>) semaphore(%arg11 : memref<!tpu.dma_semaphore, #tpu.memory_space<semaphore_mem>>) {add = true}
    %dma_wait3A_116 = arith.constant 67 : i32
    %dma_wait3A_117 = arith.constant 0 : i32
    %dma_wait3A_118 = tpu.memref_slice %arg6[%dma_wait3A_116, %dma_wait3A_117] : memref<79x128xi32, #tpu.memory_space<vmem>> -> memref<1x128xi32, #tpu.memory_space<vmem>>
    %dma_wait3A_119 = tpu.memref_squeeze %dma_wait3A_118 : memref<1x128xi32, #tpu.memory_space<vmem>> -> memref<128xi32, #tpu.memory_space<vmem>>
    %dma_wait3A_120 = arith.constant 0 : i32
    %dma_wait3A_121 = arith.constant 0 : i32
    %dma_wait3A_122 = tpu.memref_slice %arg8[%dma_wait3A_120, %dma_wait3A_121] : memref<10128x8xf32, #tpu.memory_space<vmem_shared>> -> memref<10128x8xf32, #tpu.memory_space<vmem_shared>>
    tpu.wait_indirect_dma semaphore(%arg12 : memref<!tpu.dma_semaphore, #tpu.memory_space<semaphore_mem>>) src(%arg7 : memref<128x8xf32, #tpu.memory_space<vmem>>) dst(%dma_wait3A_122 : memref<10128x8xf32, #tpu.memory_space<vmem_shared>>)
    %dma_start3A_123 = arith.constant 75 : i32
    %dma_start3A_124 = arith.constant 0 : i32
    %dma_start3A_125 = tpu.memref_slice %arg6[%dma_start3A_123, %dma_start3A_124] : memref<79x128xi32, #tpu.memory_space<vmem>> -> memref<1x128xi32, #tpu.memory_space<vmem>>
    %dma_start3A_126 = tpu.memref_squeeze %dma_start3A_125 : memref<1x128xi32, #tpu.memory_space<vmem>> -> memref<128xi32, #tpu.memory_space<vmem>>
    %dma_start3A_127 = arith.constant 0 : i32
    %dma_start3A_128 = arith.constant 0 : i32
    %dma_start3A_129 = tpu.memref_slice %arg8[%dma_start3A_127, %dma_start3A_128] : memref<10128x8xf32, #tpu.memory_space<vmem_shared>> -> memref<10128x8xf32, #tpu.memory_space<vmem_shared>>
    tpu.enqueue_indirect_dma source(%arg7 : memref<128x8xf32, #tpu.memory_space<vmem>>) target(%dma_start3A_129 : memref<10128x8xf32, #tpu.memory_space<vmem_shared>>) offsets(%dma_start3A_126 : memref<128xi32, #tpu.memory_space<vmem>>) semaphore(%arg12 : memref<!tpu.dma_semaphore, #tpu.memory_space<semaphore_mem>>) {add = true}
    %dma_wait3A_130 = arith.constant 68 : i32
    %dma_wait3A_131 = arith.constant 0 : i32
    %dma_wait3A_132 = tpu.memref_slice %arg6[%dma_wait3A_130, %dma_wait3A_131] : memref<79x128xi32, #tpu.memory_space<vmem>> -> memref<1x128xi32, #tpu.memory_space<vmem>>
    %dma_wait3A_133 = tpu.memref_squeeze %dma_wait3A_132 : memref<1x128xi32, #tpu.memory_space<vmem>> -> memref<128xi32, #tpu.memory_space<vmem>>
    %dma_wait3A_134 = arith.constant 0 : i32
    %dma_wait3A_135 = arith.constant 0 : i32
    %dma_wait3A_136 = tpu.memref_slice %arg8[%dma_wait3A_134, %dma_wait3A_135] : memref<10128x8xf32, #tpu.memory_space<vmem_shared>> -> memref<10128x8xf32, #tpu.memory_space<vmem_shared>>
    tpu.wait_indirect_dma semaphore(%arg13 : memref<!tpu.dma_semaphore, #tpu.memory_space<semaphore_mem>>) src(%arg7 : memref<128x8xf32, #tpu.memory_space<vmem>>) dst(%dma_wait3A_136 : memref<10128x8xf32, #tpu.memory_space<vmem_shared>>)
    %dma_start3A_137 = arith.constant 76 : i32
    %dma_start3A_138 = arith.constant 0 : i32
    %dma_start3A_139 = tpu.memref_slice %arg6[%dma_start3A_137, %dma_start3A_138] : memref<79x128xi32, #tpu.memory_space<vmem>> -> memref<1x128xi32, #tpu.memory_space<vmem>>
    %dma_start3A_140 = tpu.memref_squeeze %dma_start3A_139 : memref<1x128xi32, #tpu.memory_space<vmem>> -> memref<128xi32, #tpu.memory_space<vmem>>
    %dma_start3A_141 = arith.constant 0 : i32
    %dma_start3A_142 = arith.constant 0 : i32
    %dma_start3A_143 = tpu.memref_slice %arg8[%dma_start3A_141, %dma_start3A_142] : memref<10128x8xf32, #tpu.memory_space<vmem_shared>> -> memref<10128x8xf32, #tpu.memory_space<vmem_shared>>
    tpu.enqueue_indirect_dma source(%arg7 : memref<128x8xf32, #tpu.memory_space<vmem>>) target(%dma_start3A_143 : memref<10128x8xf32, #tpu.memory_space<vmem_shared>>) offsets(%dma_start3A_140 : memref<128xi32, #tpu.memory_space<vmem>>) semaphore(%arg13 : memref<!tpu.dma_semaphore, #tpu.memory_space<semaphore_mem>>) {add = true}
    %dma_wait3A_144 = arith.constant 69 : i32
    %dma_wait3A_145 = arith.constant 0 : i32
    %dma_wait3A_146 = tpu.memref_slice %arg6[%dma_wait3A_144, %dma_wait3A_145] : memref<79x128xi32, #tpu.memory_space<vmem>> -> memref<1x128xi32, #tpu.memory_space<vmem>>
    %dma_wait3A_147 = tpu.memref_squeeze %dma_wait3A_146 : memref<1x128xi32, #tpu.memory_space<vmem>> -> memref<128xi32, #tpu.memory_space<vmem>>
    %dma_wait3A_148 = arith.constant 0 : i32
    %dma_wait3A_149 = arith.constant 0 : i32
    %dma_wait3A_150 = tpu.memref_slice %arg8[%dma_wait3A_148, %dma_wait3A_149] : memref<10128x8xf32, #tpu.memory_space<vmem_shared>> -> memref<10128x8xf32, #tpu.memory_space<vmem_shared>>
    tpu.wait_indirect_dma semaphore(%arg14 : memref<!tpu.dma_semaphore, #tpu.memory_space<semaphore_mem>>) src(%arg7 : memref<128x8xf32, #tpu.memory_space<vmem>>) dst(%dma_wait3A_150 : memref<10128x8xf32, #tpu.memory_space<vmem_shared>>)
    %dma_start3A_151 = arith.constant 77 : i32
    %dma_start3A_152 = arith.constant 0 : i32
    %dma_start3A_153 = tpu.memref_slice %arg6[%dma_start3A_151, %dma_start3A_152] : memref<79x128xi32, #tpu.memory_space<vmem>> -> memref<1x128xi32, #tpu.memory_space<vmem>>
    %dma_start3A_154 = tpu.memref_squeeze %dma_start3A_153 : memref<1x128xi32, #tpu.memory_space<vmem>> -> memref<128xi32, #tpu.memory_space<vmem>>
    %dma_start3A_155 = arith.constant 0 : i32
    %dma_start3A_156 = arith.constant 0 : i32
    %dma_start3A_157 = tpu.memref_slice %arg8[%dma_start3A_155, %dma_start3A_156] : memref<10128x8xf32, #tpu.memory_space<vmem_shared>> -> memref<10128x8xf32, #tpu.memory_space<vmem_shared>>
    tpu.enqueue_indirect_dma source(%arg7 : memref<128x8xf32, #tpu.memory_space<vmem>>) target(%dma_start3A_157 : memref<10128x8xf32, #tpu.memory_space<vmem_shared>>) offsets(%dma_start3A_154 : memref<128xi32, #tpu.memory_space<vmem>>) semaphore(%arg14 : memref<!tpu.dma_semaphore, #tpu.memory_space<semaphore_mem>>) {add = true}
    %dma_wait3A_158 = arith.constant 70 : i32
    %dma_wait3A_159 = arith.constant 0 : i32
    %dma_wait3A_160 = tpu.memref_slice %arg6[%dma_wait3A_158, %dma_wait3A_159] : memref<79x128xi32, #tpu.memory_space<vmem>> -> memref<1x128xi32, #tpu.memory_space<vmem>>
    %dma_wait3A_161 = tpu.memref_squeeze %dma_wait3A_160 : memref<1x128xi32, #tpu.memory_space<vmem>> -> memref<128xi32, #tpu.memory_space<vmem>>
    %dma_wait3A_162 = arith.constant 0 : i32
    %dma_wait3A_163 = arith.constant 0 : i32
    %dma_wait3A_164 = tpu.memref_slice %arg8[%dma_wait3A_162, %dma_wait3A_163] : memref<10128x8xf32, #tpu.memory_space<vmem_shared>> -> memref<10128x8xf32, #tpu.memory_space<vmem_shared>>
    tpu.wait_indirect_dma semaphore(%arg15 : memref<!tpu.dma_semaphore, #tpu.memory_space<semaphore_mem>>) src(%arg7 : memref<128x8xf32, #tpu.memory_space<vmem>>) dst(%dma_wait3A_164 : memref<10128x8xf32, #tpu.memory_space<vmem_shared>>)
    %dma_start3A_165 = arith.constant 78 : i32
    %dma_start3A_166 = arith.constant 0 : i32
    %dma_start3A_167 = tpu.memref_slice %arg6[%dma_start3A_165, %dma_start3A_166] : memref<79x128xi32, #tpu.memory_space<vmem>> -> memref<1x128xi32, #tpu.memory_space<vmem>>
    %dma_start3A_168 = tpu.memref_squeeze %dma_start3A_167 : memref<1x128xi32, #tpu.memory_space<vmem>> -> memref<128xi32, #tpu.memory_space<vmem>>
    %dma_start3A_169 = arith.constant 0 : i32
    %dma_start3A_170 = arith.constant 0 : i32
    %dma_start3A_171 = tpu.memref_slice %arg8[%dma_start3A_169, %dma_start3A_170] : memref<10128x8xf32, #tpu.memory_space<vmem_shared>> -> memref<10128x8xf32, #tpu.memory_space<vmem_shared>>
    tpu.enqueue_indirect_dma source(%arg7 : memref<128x8xf32, #tpu.memory_space<vmem>>) target(%dma_start3A_171 : memref<10128x8xf32, #tpu.memory_space<vmem_shared>>) offsets(%dma_start3A_168 : memref<128xi32, #tpu.memory_space<vmem>>) semaphore(%arg15 : memref<!tpu.dma_semaphore, #tpu.memory_space<semaphore_mem>>) {add = true}
    %dma_wait3A_172 = arith.constant 71 : i32
    %dma_wait3A_173 = arith.constant 0 : i32
    %dma_wait3A_174 = tpu.memref_slice %arg6[%dma_wait3A_172, %dma_wait3A_173] : memref<79x128xi32, #tpu.memory_space<vmem>> -> memref<1x128xi32, #tpu.memory_space<vmem>>
    %dma_wait3A_175 = tpu.memref_squeeze %dma_wait3A_174 : memref<1x128xi32, #tpu.memory_space<vmem>> -> memref<128xi32, #tpu.memory_space<vmem>>
    %dma_wait3A_176 = arith.constant 0 : i32
    %dma_wait3A_177 = arith.constant 0 : i32
    %dma_wait3A_178 = tpu.memref_slice %arg8[%dma_wait3A_176, %dma_wait3A_177] : memref<10128x8xf32, #tpu.memory_space<vmem_shared>> -> memref<10128x8xf32, #tpu.memory_space<vmem_shared>>
    tpu.wait_indirect_dma semaphore(%arg16 : memref<!tpu.dma_semaphore, #tpu.memory_space<semaphore_mem>>) src(%arg7 : memref<128x8xf32, #tpu.memory_space<vmem>>) dst(%dma_wait3A_178 : memref<10128x8xf32, #tpu.memory_space<vmem_shared>>)
    %dma_wait3A_179 = arith.constant 72 : i32
    %dma_wait3A_180 = arith.constant 0 : i32
    %dma_wait3A_181 = tpu.memref_slice %arg6[%dma_wait3A_179, %dma_wait3A_180] : memref<79x128xi32, #tpu.memory_space<vmem>> -> memref<1x128xi32, #tpu.memory_space<vmem>>
    %dma_wait3A_182 = tpu.memref_squeeze %dma_wait3A_181 : memref<1x128xi32, #tpu.memory_space<vmem>> -> memref<128xi32, #tpu.memory_space<vmem>>
    %dma_wait3A_183 = arith.constant 0 : i32
    %dma_wait3A_184 = arith.constant 0 : i32
    %dma_wait3A_185 = tpu.memref_slice %arg8[%dma_wait3A_183, %dma_wait3A_184] : memref<10128x8xf32, #tpu.memory_space<vmem_shared>> -> memref<10128x8xf32, #tpu.memory_space<vmem_shared>>
    tpu.wait_indirect_dma semaphore(%arg9 : memref<!tpu.dma_semaphore, #tpu.memory_space<semaphore_mem>>) src(%arg7 : memref<128x8xf32, #tpu.memory_space<vmem>>) dst(%dma_wait3A_185 : memref<10128x8xf32, #tpu.memory_space<vmem_shared>>)
    %dma_wait3A_186 = arith.constant 73 : i32
    %dma_wait3A_187 = arith.constant 0 : i32
    %dma_wait3A_188 = tpu.memref_slice %arg6[%dma_wait3A_186, %dma_wait3A_187] : memref<79x128xi32, #tpu.memory_space<vmem>> -> memref<1x128xi32, #tpu.memory_space<vmem>>
    %dma_wait3A_189 = tpu.memref_squeeze %dma_wait3A_188 : memref<1x128xi32, #tpu.memory_space<vmem>> -> memref<128xi32, #tpu.memory_space<vmem>>
    %dma_wait3A_190 = arith.constant 0 : i32
    %dma_wait3A_191 = arith.constant 0 : i32
    %dma_wait3A_192 = tpu.memref_slice %arg8[%dma_wait3A_190, %dma_wait3A_191] : memref<10128x8xf32, #tpu.memory_space<vmem_shared>> -> memref<10128x8xf32, #tpu.memory_space<vmem_shared>>
    tpu.wait_indirect_dma semaphore(%arg10 : memref<!tpu.dma_semaphore, #tpu.memory_space<semaphore_mem>>) src(%arg7 : memref<128x8xf32, #tpu.memory_space<vmem>>) dst(%dma_wait3A_192 : memref<10128x8xf32, #tpu.memory_space<vmem_shared>>)
    %dma_wait3A_193 = arith.constant 74 : i32
    %dma_wait3A_194 = arith.constant 0 : i32
    %dma_wait3A_195 = tpu.memref_slice %arg6[%dma_wait3A_193, %dma_wait3A_194] : memref<79x128xi32, #tpu.memory_space<vmem>> -> memref<1x128xi32, #tpu.memory_space<vmem>>
    %dma_wait3A_196 = tpu.memref_squeeze %dma_wait3A_195 : memref<1x128xi32, #tpu.memory_space<vmem>> -> memref<128xi32, #tpu.memory_space<vmem>>
    %dma_wait3A_197 = arith.constant 0 : i32
    %dma_wait3A_198 = arith.constant 0 : i32
    %dma_wait3A_199 = tpu.memref_slice %arg8[%dma_wait3A_197, %dma_wait3A_198] : memref<10128x8xf32, #tpu.memory_space<vmem_shared>> -> memref<10128x8xf32, #tpu.memory_space<vmem_shared>>
    tpu.wait_indirect_dma semaphore(%arg11 : memref<!tpu.dma_semaphore, #tpu.memory_space<semaphore_mem>>) src(%arg7 : memref<128x8xf32, #tpu.memory_space<vmem>>) dst(%dma_wait3A_199 : memref<10128x8xf32, #tpu.memory_space<vmem_shared>>)
    %dma_wait3A_200 = arith.constant 75 : i32
    %dma_wait3A_201 = arith.constant 0 : i32
    %dma_wait3A_202 = tpu.memref_slice %arg6[%dma_wait3A_200, %dma_wait3A_201] : memref<79x128xi32, #tpu.memory_space<vmem>> -> memref<1x128xi32, #tpu.memory_space<vmem>>
    %dma_wait3A_203 = tpu.memref_squeeze %dma_wait3A_202 : memref<1x128xi32, #tpu.memory_space<vmem>> -> memref<128xi32, #tpu.memory_space<vmem>>
    %dma_wait3A_204 = arith.constant 0 : i32
    %dma_wait3A_205 = arith.constant 0 : i32
    %dma_wait3A_206 = tpu.memref_slice %arg8[%dma_wait3A_204, %dma_wait3A_205] : memref<10128x8xf32, #tpu.memory_space<vmem_shared>> -> memref<10128x8xf32, #tpu.memory_space<vmem_shared>>
    tpu.wait_indirect_dma semaphore(%arg12 : memref<!tpu.dma_semaphore, #tpu.memory_space<semaphore_mem>>) src(%arg7 : memref<128x8xf32, #tpu.memory_space<vmem>>) dst(%dma_wait3A_206 : memref<10128x8xf32, #tpu.memory_space<vmem_shared>>)
    %dma_wait3A_207 = arith.constant 76 : i32
    %dma_wait3A_208 = arith.constant 0 : i32
    %dma_wait3A_209 = tpu.memref_slice %arg6[%dma_wait3A_207, %dma_wait3A_208] : memref<79x128xi32, #tpu.memory_space<vmem>> -> memref<1x128xi32, #tpu.memory_space<vmem>>
    %dma_wait3A_210 = tpu.memref_squeeze %dma_wait3A_209 : memref<1x128xi32, #tpu.memory_space<vmem>> -> memref<128xi32, #tpu.memory_space<vmem>>
    %dma_wait3A_211 = arith.constant 0 : i32
    %dma_wait3A_212 = arith.constant 0 : i32
    %dma_wait3A_213 = tpu.memref_slice %arg8[%dma_wait3A_211, %dma_wait3A_212] : memref<10128x8xf32, #tpu.memory_space<vmem_shared>> -> memref<10128x8xf32, #tpu.memory_space<vmem_shared>>
    tpu.wait_indirect_dma semaphore(%arg13 : memref<!tpu.dma_semaphore, #tpu.memory_space<semaphore_mem>>) src(%arg7 : memref<128x8xf32, #tpu.memory_space<vmem>>) dst(%dma_wait3A_213 : memref<10128x8xf32, #tpu.memory_space<vmem_shared>>)
    %dma_wait3A_214 = arith.constant 77 : i32
    %dma_wait3A_215 = arith.constant 0 : i32
    %dma_wait3A_216 = tpu.memref_slice %arg6[%dma_wait3A_214, %dma_wait3A_215] : memref<79x128xi32, #tpu.memory_space<vmem>> -> memref<1x128xi32, #tpu.memory_space<vmem>>
    %dma_wait3A_217 = tpu.memref_squeeze %dma_wait3A_216 : memref<1x128xi32, #tpu.memory_space<vmem>> -> memref<128xi32, #tpu.memory_space<vmem>>
    %dma_wait3A_218 = arith.constant 0 : i32
    %dma_wait3A_219 = arith.constant 0 : i32
    %dma_wait3A_220 = tpu.memref_slice %arg8[%dma_wait3A_218, %dma_wait3A_219] : memref<10128x8xf32, #tpu.memory_space<vmem_shared>> -> memref<10128x8xf32, #tpu.memory_space<vmem_shared>>
    tpu.wait_indirect_dma semaphore(%arg14 : memref<!tpu.dma_semaphore, #tpu.memory_space<semaphore_mem>>) src(%arg7 : memref<128x8xf32, #tpu.memory_space<vmem>>) dst(%dma_wait3A_220 : memref<10128x8xf32, #tpu.memory_space<vmem_shared>>)
    %dma_wait3A_221 = arith.constant 78 : i32
    %dma_wait3A_222 = arith.constant 0 : i32
    %dma_wait3A_223 = tpu.memref_slice %arg6[%dma_wait3A_221, %dma_wait3A_222] : memref<79x128xi32, #tpu.memory_space<vmem>> -> memref<1x128xi32, #tpu.memory_space<vmem>>
    %dma_wait3A_224 = tpu.memref_squeeze %dma_wait3A_223 : memref<1x128xi32, #tpu.memory_space<vmem>> -> memref<128xi32, #tpu.memory_space<vmem>>
    %dma_wait3A_225 = arith.constant 0 : i32
    %dma_wait3A_226 = arith.constant 0 : i32
    %dma_wait3A_227 = tpu.memref_slice %arg8[%dma_wait3A_225, %dma_wait3A_226] : memref<10128x8xf32, #tpu.memory_space<vmem_shared>> -> memref<10128x8xf32, #tpu.memory_space<vmem_shared>>
    tpu.wait_indirect_dma semaphore(%arg15 : memref<!tpu.dma_semaphore, #tpu.memory_space<semaphore_mem>>) src(%arg7 : memref<128x8xf32, #tpu.memory_space<vmem>>) dst(%dma_wait3A_227 : memref<10128x8xf32, #tpu.memory_space<vmem_shared>>)
    %barrier3A_228 = arith.constant 0 : index
    tpu.barrier barrier_id(%barrier3A_228)
    %mul3A_229 = arith.constant 624 : i32
    %mul3A_230 = arith.muli %arg1, %mul3A_229 : i32
    "tpu.region"() ({
      %run_scoped3A = tpu.sem_alloc : memref<!tpu.dma_semaphore, #tpu.memory_space<semaphore_mem>>
      %dma_start3A_236 = arith.constant 0 : i32
      %dma_start3A_237 = tpu.memref_slice %arg5[%arg0, %mul3A_230, %dma_start3A_236] : memref<2x10000x8xf32, #tpu.memory_space<hbm>> -> memref<1x624x8xf32, #tpu.memory_space<hbm>>
      %dma_start3A_238 = tpu.memref_squeeze %dma_start3A_237 : memref<1x624x8xf32, #tpu.memory_space<hbm>> -> memref<624x8xf32, #tpu.memory_space<hbm>>
      %dma_start3A_239 = arith.constant 0 : i32
      %dma_start3A_240 = tpu.memref_slice %arg8[%mul3A_230, %dma_start3A_239] : memref<10128x8xf32, #tpu.memory_space<vmem_shared>> -> memref<624x8xf32, #tpu.memory_space<vmem_shared>>
      tpu.enqueue_dma source(%dma_start3A_240 : memref<624x8xf32, #tpu.memory_space<vmem_shared>>) target(%dma_start3A_238 : memref<624x8xf32, #tpu.memory_space<hbm>>) target_semaphore(%run_scoped3A : memref<!tpu.dma_semaphore, #tpu.memory_space<semaphore_mem>>)
      %dma_wait3A_241 = arith.constant 0 : i32
      %dma_wait3A_242 = tpu.memref_slice %arg5[%arg0, %mul3A_230, %dma_wait3A_241] : memref<2x10000x8xf32, #tpu.memory_space<hbm>> -> memref<1x624x8xf32, #tpu.memory_space<hbm>>
      %dma_wait3A_243 = tpu.memref_squeeze %dma_wait3A_242 : memref<1x624x8xf32, #tpu.memory_space<hbm>> -> memref<624x8xf32, #tpu.memory_space<hbm>>
      %dma_wait3A_244 = arith.constant 0 : i32
      %dma_wait3A_245 = tpu.memref_slice %arg8[%mul3A_230, %dma_wait3A_244] : memref<10128x8xf32, #tpu.memory_space<vmem_shared>> -> memref<624x8xf32, #tpu.memory_space<vmem_shared>>
      tpu.wait_dma2 semaphore(%run_scoped3A : memref<!tpu.dma_semaphore, #tpu.memory_space<semaphore_mem>>) src(%dma_wait3A_245 : memref<624x8xf32, #tpu.memory_space<vmem_shared>>) dst(%dma_wait3A_243 : memref<624x8xf32, #tpu.memory_space<hbm>>)
      tpu.yield
    }) : () -> ()
    %eq3A_231 = arith.constant 15 : i32
    %eq3A_232 = arith.cmpi eq, %arg1, %eq3A_231 : i32
    %convert_element_type3A_233 = arith.extui %eq3A_232 : i1 to i32
    %cond3A_234 = arith.constant 0 : i32
    %cond3A_235 = arith.cmpi ne, %convert_element_type3A_233, %cond3A_234 : i32
    scf.if %cond3A_235 {
      "tpu.region"() ({
        %run_scoped3A = tpu.sem_alloc : memref<!tpu.dma_semaphore, #tpu.memory_space<semaphore_mem>>
        %dma_start3A_236 = arith.constant 9984 : i32
        %dma_start3A_237 = arith.constant 0 : i32
        %dma_start3A_238 = tpu.memref_slice %arg5[%arg0, %dma_start3A_236, %dma_start3A_237] : memref<2x10000x8xf32, #tpu.memory_space<hbm>> -> memref<1x16x8xf32, #tpu.memory_space<hbm>>
        %dma_start3A_239 = tpu.memref_squeeze %dma_start3A_238 : memref<1x16x8xf32, #tpu.memory_space<hbm>> -> memref<16x8xf32, #tpu.memory_space<hbm>>
        %dma_start3A_240 = arith.constant 9984 : i32
        %dma_start3A_241 = arith.constant 0 : i32
        %dma_start3A_242 = tpu.memref_slice %arg8[%dma_start3A_240, %dma_start3A_241] : memref<10128x8xf32, #tpu.memory_space<vmem_shared>> -> memref<16x8xf32, #tpu.memory_space<vmem_shared>>
        tpu.enqueue_dma source(%dma_start3A_242 : memref<16x8xf32, #tpu.memory_space<vmem_shared>>) target(%dma_start3A_239 : memref<16x8xf32, #tpu.memory_space<hbm>>) target_semaphore(%run_scoped3A : memref<!tpu.dma_semaphore, #tpu.memory_space<semaphore_mem>>)
        %dma_wait3A_243 = arith.constant 9984 : i32
        %dma_wait3A_244 = arith.constant 0 : i32
        %dma_wait3A_245 = tpu.memref_slice %arg5[%arg0, %dma_wait3A_243, %dma_wait3A_244] : memref<2x10000x8xf32, #tpu.memory_space<hbm>> -> memref<1x16x8xf32, #tpu.memory_space<hbm>>
        %dma_wait3A_246 = tpu.memref_squeeze %dma_wait3A_245 : memref<1x16x8xf32, #tpu.memory_space<hbm>> -> memref<16x8xf32, #tpu.memory_space<hbm>>
        %dma_wait3A_247 = arith.constant 9984 : i32
        %dma_wait3A_248 = arith.constant 0 : i32
        %dma_wait3A_249 = tpu.memref_slice %arg8[%dma_wait3A_247, %dma_wait3A_248] : memref<10128x8xf32, #tpu.memory_space<vmem_shared>> -> memref<16x8xf32, #tpu.memory_space<vmem_shared>>
        tpu.wait_dma2 semaphore(%run_scoped3A : memref<!tpu.dma_semaphore, #tpu.memory_space<semaphore_mem>>) src(%dma_wait3A_249 : memref<16x8xf32, #tpu.memory_space<vmem_shared>>) dst(%dma_wait3A_246 : memref<16x8xf32, #tpu.memory_space<hbm>>)
        tpu.yield
      }) : () -> ()
    } else {
    }
    return
  }
}

#map = affine_map<(d0, d1) -> (0, 0)>
#map1 = affine_map<(d0, d1) -> (0, 0, 0)>
module attributes {stable_mosaic.version = 14 : i64} {
  func.func @gcn_seg_sum(%arg0: i32, %arg1: i32, %arg2: memref<10000x16xf32, #tpu.memory_space<hbm>>, %arg3: memref<128x16xf32, #tpu.memory_space<hbm>>, %arg4: memref<32x79x128xi32, #tpu.memory_space<hbm>>, %arg5: memref<32x79x128xi32, #tpu.memory_space<hbm>>, %arg6: memref<2x10000x16xf32, #tpu.memory_space<hbm>>, %arg7: memref<79x128xi32, #tpu.memory_space<vmem>>, %arg8: memref<79x128xi32, #tpu.memory_space<vmem>>, %arg9: memref<8x128x16xf32, #tpu.memory_space<vmem>>, %arg10: memref<10128x16xf32, #tpu.memory_space<vmem_shared>>, %arg11: memref<10000x16xf32, #tpu.memory_space<vmem_shared>>, %arg12: memref<!tpu.dma_semaphore, #tpu.memory_space<semaphore_mem>>, %arg13: memref<!tpu.dma_semaphore, #tpu.memory_space<semaphore_mem>>, %arg14: memref<!tpu.dma_semaphore, #tpu.memory_space<semaphore_mem>>, %arg15: memref<!tpu.dma_semaphore, #tpu.memory_space<semaphore_mem>>, %arg16: memref<!tpu.dma_semaphore, #tpu.memory_space<semaphore_mem>>, %arg17: memref<!tpu.dma_semaphore, #tpu.memory_space<semaphore_mem>>, %arg18: memref<!tpu.dma_semaphore, #tpu.memory_space<semaphore_mem>>, %arg19: memref<!tpu.dma_semaphore, #tpu.memory_space<semaphore_mem>>) attributes {dimension_semantics = [#tpu.dimension_semantics<core_parallel>, #tpu.dimension_semantics<subcore_parallel>], iteration_bounds = array<i64: 2, 16>, scalar_prefetch = 0 : i64, scratch_operands = 13 : i64, tpu.core_type = #tpu.core_type<sc_vector_subcore>, window_params = [{transform_indices = #map}, {transform_indices = #map}, {transform_indices = #map1}, {transform_indices = #map1}, {transform_indices = #map1}]} {
    %mul3A = arith.constant 2 : i32
    %mul3A_0 = arith.muli %arg1, %mul3A : i32
    %add3A = arith.addi %mul3A_0, %arg0 : i32
    "tpu.region"() ({
      %run_scoped3A = tpu.sem_alloc : memref<!tpu.dma_semaphore, #tpu.memory_space<semaphore_mem>>
      %dma_start3A_745 = arith.constant 0 : i32
      %dma_start3A_746 = arith.constant 0 : i32
      %dma_start3A_747 = tpu.memref_slice %arg4[%add3A, %dma_start3A_745, %dma_start3A_746] : memref<32x79x128xi32, #tpu.memory_space<hbm>> -> memref<1x79x128xi32, #tpu.memory_space<hbm>>
      %dma_start3A_748 = tpu.memref_squeeze %dma_start3A_747 : memref<1x79x128xi32, #tpu.memory_space<hbm>> -> memref<79x128xi32, #tpu.memory_space<hbm>>
      %dma_start3A_749 = arith.constant 0 : i32
      %dma_start3A_750 = arith.constant 0 : i32
      %dma_start3A_751 = tpu.memref_slice %arg4[%add3A, %dma_start3A_749, %dma_start3A_750] : memref<32x79x128xi32, #tpu.memory_space<hbm>> -> memref<1x79x128xi32, #tpu.memory_space<hbm>>
      %dma_start3A_752 = tpu.memref_squeeze %dma_start3A_751 : memref<1x79x128xi32, #tpu.memory_space<hbm>> -> memref<79x128xi32, #tpu.memory_space<hbm>>
      tpu.enqueue_dma source(%dma_start3A_752 : memref<79x128xi32, #tpu.memory_space<hbm>>) target(%arg7 : memref<79x128xi32, #tpu.memory_space<vmem>>) target_semaphore(%run_scoped3A : memref<!tpu.dma_semaphore, #tpu.memory_space<semaphore_mem>>)
      %dma_wait3A_753 = arith.constant 0 : i32
      %dma_wait3A_754 = arith.constant 0 : i32
      %dma_wait3A_755 = tpu.memref_slice %arg4[%add3A, %dma_wait3A_753, %dma_wait3A_754] : memref<32x79x128xi32, #tpu.memory_space<hbm>> -> memref<1x79x128xi32, #tpu.memory_space<hbm>>
      %dma_wait3A_756 = tpu.memref_squeeze %dma_wait3A_755 : memref<1x79x128xi32, #tpu.memory_space<hbm>> -> memref<79x128xi32, #tpu.memory_space<hbm>>
      %dma_wait3A_757 = arith.constant 0 : i32
      %dma_wait3A_758 = arith.constant 0 : i32
      %dma_wait3A_759 = tpu.memref_slice %arg4[%add3A, %dma_wait3A_757, %dma_wait3A_758] : memref<32x79x128xi32, #tpu.memory_space<hbm>> -> memref<1x79x128xi32, #tpu.memory_space<hbm>>
      %dma_wait3A_760 = tpu.memref_squeeze %dma_wait3A_759 : memref<1x79x128xi32, #tpu.memory_space<hbm>> -> memref<79x128xi32, #tpu.memory_space<hbm>>
      tpu.wait_dma2 semaphore(%run_scoped3A : memref<!tpu.dma_semaphore, #tpu.memory_space<semaphore_mem>>) src(%dma_wait3A_760 : memref<79x128xi32, #tpu.memory_space<hbm>>) dst(%arg7 : memref<79x128xi32, #tpu.memory_space<vmem>>)
      tpu.yield
    }) : () -> ()
    "tpu.region"() ({
      %run_scoped3A = tpu.sem_alloc : memref<!tpu.dma_semaphore, #tpu.memory_space<semaphore_mem>>
      %dma_start3A_745 = arith.constant 0 : i32
      %dma_start3A_746 = arith.constant 0 : i32
      %dma_start3A_747 = tpu.memref_slice %arg5[%add3A, %dma_start3A_745, %dma_start3A_746] : memref<32x79x128xi32, #tpu.memory_space<hbm>> -> memref<1x79x128xi32, #tpu.memory_space<hbm>>
      %dma_start3A_748 = tpu.memref_squeeze %dma_start3A_747 : memref<1x79x128xi32, #tpu.memory_space<hbm>> -> memref<79x128xi32, #tpu.memory_space<hbm>>
      %dma_start3A_749 = arith.constant 0 : i32
      %dma_start3A_750 = arith.constant 0 : i32
      %dma_start3A_751 = tpu.memref_slice %arg5[%add3A, %dma_start3A_749, %dma_start3A_750] : memref<32x79x128xi32, #tpu.memory_space<hbm>> -> memref<1x79x128xi32, #tpu.memory_space<hbm>>
      %dma_start3A_752 = tpu.memref_squeeze %dma_start3A_751 : memref<1x79x128xi32, #tpu.memory_space<hbm>> -> memref<79x128xi32, #tpu.memory_space<hbm>>
      tpu.enqueue_dma source(%dma_start3A_752 : memref<79x128xi32, #tpu.memory_space<hbm>>) target(%arg8 : memref<79x128xi32, #tpu.memory_space<vmem>>) target_semaphore(%run_scoped3A : memref<!tpu.dma_semaphore, #tpu.memory_space<semaphore_mem>>)
      %dma_wait3A_753 = arith.constant 0 : i32
      %dma_wait3A_754 = arith.constant 0 : i32
      %dma_wait3A_755 = tpu.memref_slice %arg5[%add3A, %dma_wait3A_753, %dma_wait3A_754] : memref<32x79x128xi32, #tpu.memory_space<hbm>> -> memref<1x79x128xi32, #tpu.memory_space<hbm>>
      %dma_wait3A_756 = tpu.memref_squeeze %dma_wait3A_755 : memref<1x79x128xi32, #tpu.memory_space<hbm>> -> memref<79x128xi32, #tpu.memory_space<hbm>>
      %dma_wait3A_757 = arith.constant 0 : i32
      %dma_wait3A_758 = arith.constant 0 : i32
      %dma_wait3A_759 = tpu.memref_slice %arg5[%add3A, %dma_wait3A_757, %dma_wait3A_758] : memref<32x79x128xi32, #tpu.memory_space<hbm>> -> memref<1x79x128xi32, #tpu.memory_space<hbm>>
      %dma_wait3A_760 = tpu.memref_squeeze %dma_wait3A_759 : memref<1x79x128xi32, #tpu.memory_space<hbm>> -> memref<79x128xi32, #tpu.memory_space<hbm>>
      tpu.wait_dma2 semaphore(%run_scoped3A : memref<!tpu.dma_semaphore, #tpu.memory_space<semaphore_mem>>) src(%dma_wait3A_760 : memref<79x128xi32, #tpu.memory_space<hbm>>) dst(%arg8 : memref<79x128xi32, #tpu.memory_space<vmem>>)
      tpu.yield
    }) : () -> ()
    %mul3A_1 = arith.constant 624 : i32
    %mul3A_2 = arith.muli %arg1, %mul3A_1 : i32
    "tpu.region"() ({
      %run_scoped3A = tpu.sem_alloc : memref<!tpu.dma_semaphore, #tpu.memory_space<semaphore_mem>>
      %dma_start3A_745 = arith.constant 0 : i32
      %dma_start3A_746 = tpu.memref_slice %arg11[%mul3A_2, %dma_start3A_745] : memref<10000x16xf32, #tpu.memory_space<vmem_shared>> -> memref<624x16xf32, #tpu.memory_space<vmem_shared>>
      %dma_start3A_747 = arith.constant 0 : i32
      %dma_start3A_748 = tpu.memref_slice %arg2[%mul3A_2, %dma_start3A_747] : memref<10000x16xf32, #tpu.memory_space<hbm>> -> memref<624x16xf32, #tpu.memory_space<hbm>>
      tpu.enqueue_dma source(%dma_start3A_748 : memref<624x16xf32, #tpu.memory_space<hbm>>) target(%dma_start3A_746 : memref<624x16xf32, #tpu.memory_space<vmem_shared>>) target_semaphore(%run_scoped3A : memref<!tpu.dma_semaphore, #tpu.memory_space<semaphore_mem>>)
      %dma_wait3A_749 = arith.constant 0 : i32
      %dma_wait3A_750 = tpu.memref_slice %arg11[%mul3A_2, %dma_wait3A_749] : memref<10000x16xf32, #tpu.memory_space<vmem_shared>> -> memref<624x16xf32, #tpu.memory_space<vmem_shared>>
      %dma_wait3A_751 = arith.constant 0 : i32
      %dma_wait3A_752 = tpu.memref_slice %arg2[%mul3A_2, %dma_wait3A_751] : memref<10000x16xf32, #tpu.memory_space<hbm>> -> memref<624x16xf32, #tpu.memory_space<hbm>>
      tpu.wait_dma2 semaphore(%run_scoped3A : memref<!tpu.dma_semaphore, #tpu.memory_space<semaphore_mem>>) src(%dma_wait3A_752 : memref<624x16xf32, #tpu.memory_space<hbm>>) dst(%dma_wait3A_750 : memref<624x16xf32, #tpu.memory_space<vmem_shared>>)
      tpu.yield
    }) : () -> ()
    %eq3A = arith.constant 15 : i32
    %eq3A_3 = arith.cmpi eq, %arg1, %eq3A : i32
    %convert_element_type3A = arith.extui %eq3A_3 : i1 to i32
    %cond3A = arith.constant 0 : i32
    %cond3A_4 = arith.cmpi ne, %convert_element_type3A, %cond3A : i32
    scf.if %cond3A_4 {
      "tpu.region"() ({
        %run_scoped3A = tpu.sem_alloc : memref<!tpu.dma_semaphore, #tpu.memory_space<semaphore_mem>>
        %dma_start3A_745 = arith.constant 9984 : i32
        %dma_start3A_746 = arith.constant 0 : i32
        %dma_start3A_747 = tpu.memref_slice %arg11[%dma_start3A_745, %dma_start3A_746] : memref<10000x16xf32, #tpu.memory_space<vmem_shared>> -> memref<16x16xf32, #tpu.memory_space<vmem_shared>>
        %dma_start3A_748 = arith.constant 9984 : i32
        %dma_start3A_749 = arith.constant 0 : i32
        %dma_start3A_750 = tpu.memref_slice %arg2[%dma_start3A_748, %dma_start3A_749] : memref<10000x16xf32, #tpu.memory_space<hbm>> -> memref<16x16xf32, #tpu.memory_space<hbm>>
        tpu.enqueue_dma source(%dma_start3A_750 : memref<16x16xf32, #tpu.memory_space<hbm>>) target(%dma_start3A_747 : memref<16x16xf32, #tpu.memory_space<vmem_shared>>) target_semaphore(%run_scoped3A : memref<!tpu.dma_semaphore, #tpu.memory_space<semaphore_mem>>)
        %dma_wait3A_751 = arith.constant 9984 : i32
        %dma_wait3A_752 = arith.constant 0 : i32
        %dma_wait3A_753 = tpu.memref_slice %arg11[%dma_wait3A_751, %dma_wait3A_752] : memref<10000x16xf32, #tpu.memory_space<vmem_shared>> -> memref<16x16xf32, #tpu.memory_space<vmem_shared>>
        %dma_wait3A_754 = arith.constant 9984 : i32
        %dma_wait3A_755 = arith.constant 0 : i32
        %dma_wait3A_756 = tpu.memref_slice %arg2[%dma_wait3A_754, %dma_wait3A_755] : memref<10000x16xf32, #tpu.memory_space<hbm>> -> memref<16x16xf32, #tpu.memory_space<hbm>>
        tpu.wait_dma2 semaphore(%run_scoped3A : memref<!tpu.dma_semaphore, #tpu.memory_space<semaphore_mem>>) src(%dma_wait3A_756 : memref<16x16xf32, #tpu.memory_space<hbm>>) dst(%dma_wait3A_753 : memref<16x16xf32, #tpu.memory_space<vmem_shared>>)
        tpu.yield
      }) : () -> ()
    } else {
    }
    %eq3A_5 = arith.constant 0 : i32
    %eq3A_6 = arith.cmpi eq, %arg0, %eq3A_5 : i32
    %convert_element_type3A_7 = arith.extui %eq3A_6 : i1 to i32
    %cond3A_8 = arith.constant 0 : i32
    %cond3A_9 = arith.cmpi ne, %convert_element_type3A_7, %cond3A_8 : i32
    scf.if %cond3A_9 {
      %mul3A_745 = arith.constant 624 : i32
      %mul3A_746 = arith.muli %arg1, %mul3A_745 : i32
      "tpu.region"() ({
        %run_scoped3A = tpu.sem_alloc : memref<!tpu.dma_semaphore, #tpu.memory_space<semaphore_mem>>
        %dma_start3A_752 = arith.constant 0 : i32
        %dma_start3A_753 = tpu.memref_slice %arg10[%mul3A_746, %dma_start3A_752] : memref<10128x16xf32, #tpu.memory_space<vmem_shared>> -> memref<624x16xf32, #tpu.memory_space<vmem_shared>>
        %dma_start3A_754 = arith.constant 0 : i32
        %dma_start3A_755 = tpu.memref_slice %arg2[%mul3A_746, %dma_start3A_754] : memref<10000x16xf32, #tpu.memory_space<hbm>> -> memref<624x16xf32, #tpu.memory_space<hbm>>
        tpu.enqueue_dma source(%dma_start3A_755 : memref<624x16xf32, #tpu.memory_space<hbm>>) target(%dma_start3A_753 : memref<624x16xf32, #tpu.memory_space<vmem_shared>>) target_semaphore(%run_scoped3A : memref<!tpu.dma_semaphore, #tpu.memory_space<semaphore_mem>>)
        %dma_wait3A_756 = arith.constant 0 : i32
        %dma_wait3A_757 = tpu.memref_slice %arg10[%mul3A_746, %dma_wait3A_756] : memref<10128x16xf32, #tpu.memory_space<vmem_shared>> -> memref<624x16xf32, #tpu.memory_space<vmem_shared>>
        %dma_wait3A_758 = arith.constant 0 : i32
        %dma_wait3A_759 = tpu.memref_slice %arg2[%mul3A_746, %dma_wait3A_758] : memref<10000x16xf32, #tpu.memory_space<hbm>> -> memref<624x16xf32, #tpu.memory_space<hbm>>
        tpu.wait_dma2 semaphore(%run_scoped3A : memref<!tpu.dma_semaphore, #tpu.memory_space<semaphore_mem>>) src(%dma_wait3A_759 : memref<624x16xf32, #tpu.memory_space<hbm>>) dst(%dma_wait3A_757 : memref<624x16xf32, #tpu.memory_space<vmem_shared>>)
        tpu.yield
      }) : () -> ()
      %eq3A_747 = arith.constant 15 : i32
      %eq3A_748 = arith.cmpi eq, %arg1, %eq3A_747 : i32
      %convert_element_type3A_749 = arith.extui %eq3A_748 : i1 to i32
      %cond3A_750 = arith.constant 0 : i32
      %cond3A_751 = arith.cmpi ne, %convert_element_type3A_749, %cond3A_750 : i32
      scf.if %cond3A_751 {
        "tpu.region"() ({
          %run_scoped3A = tpu.sem_alloc : memref<!tpu.dma_semaphore, #tpu.memory_space<semaphore_mem>>
          %dma_start3A_752 = arith.constant 9984 : i32
          %dma_start3A_753 = arith.constant 0 : i32
          %dma_start3A_754 = tpu.memref_slice %arg10[%dma_start3A_752, %dma_start3A_753] : memref<10128x16xf32, #tpu.memory_space<vmem_shared>> -> memref<16x16xf32, #tpu.memory_space<vmem_shared>>
          %dma_start3A_755 = arith.constant 9984 : i32
          %dma_start3A_756 = arith.constant 0 : i32
          %dma_start3A_757 = tpu.memref_slice %arg2[%dma_start3A_755, %dma_start3A_756] : memref<10000x16xf32, #tpu.memory_space<hbm>> -> memref<16x16xf32, #tpu.memory_space<hbm>>
          tpu.enqueue_dma source(%dma_start3A_757 : memref<16x16xf32, #tpu.memory_space<hbm>>) target(%dma_start3A_754 : memref<16x16xf32, #tpu.memory_space<vmem_shared>>) target_semaphore(%run_scoped3A : memref<!tpu.dma_semaphore, #tpu.memory_space<semaphore_mem>>)
          %dma_wait3A_758 = arith.constant 9984 : i32
          %dma_wait3A_759 = arith.constant 0 : i32
          %dma_wait3A_760 = tpu.memref_slice %arg10[%dma_wait3A_758, %dma_wait3A_759] : memref<10128x16xf32, #tpu.memory_space<vmem_shared>> -> memref<16x16xf32, #tpu.memory_space<vmem_shared>>
          %dma_wait3A_761 = arith.constant 9984 : i32
          %dma_wait3A_762 = arith.constant 0 : i32
          %dma_wait3A_763 = tpu.memref_slice %arg2[%dma_wait3A_761, %dma_wait3A_762] : memref<10000x16xf32, #tpu.memory_space<hbm>> -> memref<16x16xf32, #tpu.memory_space<hbm>>
          tpu.wait_dma2 semaphore(%run_scoped3A : memref<!tpu.dma_semaphore, #tpu.memory_space<semaphore_mem>>) src(%dma_wait3A_763 : memref<16x16xf32, #tpu.memory_space<hbm>>) dst(%dma_wait3A_760 : memref<16x16xf32, #tpu.memory_space<vmem_shared>>)
          tpu.yield
        }) : () -> ()
      } else {
      }
    } else {
    }
    %ne3A = arith.constant 0 : i32
    %ne3A_10 = arith.cmpi ne, %arg0, %ne3A : i32
    %convert_element_type3A_11 = arith.extui %ne3A_10 : i1 to i32
    %cond3A_12 = arith.constant 0 : i32
    %cond3A_13 = arith.cmpi ne, %convert_element_type3A_11, %cond3A_12 : i32
    scf.if %cond3A_13 {
      %mul3A_745 = arith.constant 624 : i32
      %mul3A_746 = arith.muli %arg1, %mul3A_745 : i32
      %add3A_747 = arith.constant 0 : i32
      %add3A_748 = arith.addi %mul3A_746, %add3A_747 : i32
      "tpu.region"() ({
        %run_scoped3A = tpu.sem_alloc : memref<!tpu.dma_semaphore, #tpu.memory_space<semaphore_mem>>
        %dma_start3A_762 = arith.constant 0 : i32
        %dma_start3A_763 = tpu.memref_slice %arg10[%add3A_748, %dma_start3A_762] : memref<10128x16xf32, #tpu.memory_space<vmem_shared>> -> memref<128x16xf32, #tpu.memory_space<vmem_shared>>
        %dma_start3A_764 = arith.constant 0 : i32
        %dma_start3A_765 = arith.constant 0 : i32
        %dma_start3A_766 = tpu.memref_slice %arg3[%dma_start3A_764, %dma_start3A_765] : memref<128x16xf32, #tpu.memory_space<hbm>> -> memref<128x16xf32, #tpu.memory_space<hbm>>
        tpu.enqueue_dma source(%dma_start3A_766 : memref<128x16xf32, #tpu.memory_space<hbm>>) target(%dma_start3A_763 : memref<128x16xf32, #tpu.memory_space<vmem_shared>>) target_semaphore(%run_scoped3A : memref<!tpu.dma_semaphore, #tpu.memory_space<semaphore_mem>>)
        %dma_wait3A_767 = arith.constant 0 : i32
        %dma_wait3A_768 = tpu.memref_slice %arg10[%add3A_748, %dma_wait3A_767] : memref<10128x16xf32, #tpu.memory_space<vmem_shared>> -> memref<128x16xf32, #tpu.memory_space<vmem_shared>>
        %dma_wait3A_769 = arith.constant 0 : i32
        %dma_wait3A_770 = arith.constant 0 : i32
        %dma_wait3A_771 = tpu.memref_slice %arg3[%dma_wait3A_769, %dma_wait3A_770] : memref<128x16xf32, #tpu.memory_space<hbm>> -> memref<128x16xf32, #tpu.memory_space<hbm>>
        tpu.wait_dma2 semaphore(%run_scoped3A : memref<!tpu.dma_semaphore, #tpu.memory_space<semaphore_mem>>) src(%dma_wait3A_771 : memref<128x16xf32, #tpu.memory_space<hbm>>) dst(%dma_wait3A_768 : memref<128x16xf32, #tpu.memory_space<vmem_shared>>)
        tpu.yield
      }) : () -> ()
      %add3A_749 = arith.constant 128 : i32
      %add3A_750 = arith.addi %mul3A_746, %add3A_749 : i32
      "tpu.region"() ({
        %run_scoped3A = tpu.sem_alloc : memref<!tpu.dma_semaphore, #tpu.memory_space<semaphore_mem>>
        %dma_start3A_762 = arith.constant 0 : i32
        %dma_start3A_763 = tpu.memref_slice %arg10[%add3A_750, %dma_start3A_762] : memref<10128x16xf32, #tpu.memory_space<vmem_shared>> -> memref<128x16xf32, #tpu.memory_space<vmem_shared>>
        %dma_start3A_764 = arith.constant 0 : i32
        %dma_start3A_765 = arith.constant 0 : i32
        %dma_start3A_766 = tpu.memref_slice %arg3[%dma_start3A_764, %dma_start3A_765] : memref<128x16xf32, #tpu.memory_space<hbm>> -> memref<128x16xf32, #tpu.memory_space<hbm>>
        tpu.enqueue_dma source(%dma_start3A_766 : memref<128x16xf32, #tpu.memory_space<hbm>>) target(%dma_start3A_763 : memref<128x16xf32, #tpu.memory_space<vmem_shared>>) target_semaphore(%run_scoped3A : memref<!tpu.dma_semaphore, #tpu.memory_space<semaphore_mem>>)
        %dma_wait3A_767 = arith.constant 0 : i32
        %dma_wait3A_768 = tpu.memref_slice %arg10[%add3A_750, %dma_wait3A_767] : memref<10128x16xf32, #tpu.memory_space<vmem_shared>> -> memref<128x16xf32, #tpu.memory_space<vmem_shared>>
        %dma_wait3A_769 = arith.constant 0 : i32
        %dma_wait3A_770 = arith.constant 0 : i32
        %dma_wait3A_771 = tpu.memref_slice %arg3[%dma_wait3A_769, %dma_wait3A_770] : memref<128x16xf32, #tpu.memory_space<hbm>> -> memref<128x16xf32, #tpu.memory_space<hbm>>
        tpu.wait_dma2 semaphore(%run_scoped3A : memref<!tpu.dma_semaphore, #tpu.memory_space<semaphore_mem>>) src(%dma_wait3A_771 : memref<128x16xf32, #tpu.memory_space<hbm>>) dst(%dma_wait3A_768 : memref<128x16xf32, #tpu.memory_space<vmem_shared>>)
        tpu.yield
      }) : () -> ()
      %add3A_751 = arith.constant 256 : i32
      %add3A_752 = arith.addi %mul3A_746, %add3A_751 : i32
      "tpu.region"() ({
        %run_scoped3A = tpu.sem_alloc : memref<!tpu.dma_semaphore, #tpu.memory_space<semaphore_mem>>
        %dma_start3A_762 = arith.constant 0 : i32
        %dma_start3A_763 = tpu.memref_slice %arg10[%add3A_752, %dma_start3A_762] : memref<10128x16xf32, #tpu.memory_space<vmem_shared>> -> memref<128x16xf32, #tpu.memory_space<vmem_shared>>
        %dma_start3A_764 = arith.constant 0 : i32
        %dma_start3A_765 = arith.constant 0 : i32
        %dma_start3A_766 = tpu.memref_slice %arg3[%dma_start3A_764, %dma_start3A_765] : memref<128x16xf32, #tpu.memory_space<hbm>> -> memref<128x16xf32, #tpu.memory_space<hbm>>
        tpu.enqueue_dma source(%dma_start3A_766 : memref<128x16xf32, #tpu.memory_space<hbm>>) target(%dma_start3A_763 : memref<128x16xf32, #tpu.memory_space<vmem_shared>>) target_semaphore(%run_scoped3A : memref<!tpu.dma_semaphore, #tpu.memory_space<semaphore_mem>>)
        %dma_wait3A_767 = arith.constant 0 : i32
        %dma_wait3A_768 = tpu.memref_slice %arg10[%add3A_752, %dma_wait3A_767] : memref<10128x16xf32, #tpu.memory_space<vmem_shared>> -> memref<128x16xf32, #tpu.memory_space<vmem_shared>>
        %dma_wait3A_769 = arith.constant 0 : i32
        %dma_wait3A_770 = arith.constant 0 : i32
        %dma_wait3A_771 = tpu.memref_slice %arg3[%dma_wait3A_769, %dma_wait3A_770] : memref<128x16xf32, #tpu.memory_space<hbm>> -> memref<128x16xf32, #tpu.memory_space<hbm>>
        tpu.wait_dma2 semaphore(%run_scoped3A : memref<!tpu.dma_semaphore, #tpu.memory_space<semaphore_mem>>) src(%dma_wait3A_771 : memref<128x16xf32, #tpu.memory_space<hbm>>) dst(%dma_wait3A_768 : memref<128x16xf32, #tpu.memory_space<vmem_shared>>)
        tpu.yield
      }) : () -> ()
      %add3A_753 = arith.constant 384 : i32
      %add3A_754 = arith.addi %mul3A_746, %add3A_753 : i32
      "tpu.region"() ({
        %run_scoped3A = tpu.sem_alloc : memref<!tpu.dma_semaphore, #tpu.memory_space<semaphore_mem>>
        %dma_start3A_762 = arith.constant 0 : i32
        %dma_start3A_763 = tpu.memref_slice %arg10[%add3A_754, %dma_start3A_762] : memref<10128x16xf32, #tpu.memory_space<vmem_shared>> -> memref<128x16xf32, #tpu.memory_space<vmem_shared>>
        %dma_start3A_764 = arith.constant 0 : i32
        %dma_start3A_765 = arith.constant 0 : i32
        %dma_start3A_766 = tpu.memref_slice %arg3[%dma_start3A_764, %dma_start3A_765] : memref<128x16xf32, #tpu.memory_space<hbm>> -> memref<128x16xf32, #tpu.memory_space<hbm>>
        tpu.enqueue_dma source(%dma_start3A_766 : memref<128x16xf32, #tpu.memory_space<hbm>>) target(%dma_start3A_763 : memref<128x16xf32, #tpu.memory_space<vmem_shared>>) target_semaphore(%run_scoped3A : memref<!tpu.dma_semaphore, #tpu.memory_space<semaphore_mem>>)
        %dma_wait3A_767 = arith.constant 0 : i32
        %dma_wait3A_768 = tpu.memref_slice %arg10[%add3A_754, %dma_wait3A_767] : memref<10128x16xf32, #tpu.memory_space<vmem_shared>> -> memref<128x16xf32, #tpu.memory_space<vmem_shared>>
        %dma_wait3A_769 = arith.constant 0 : i32
        %dma_wait3A_770 = arith.constant 0 : i32
        %dma_wait3A_771 = tpu.memref_slice %arg3[%dma_wait3A_769, %dma_wait3A_770] : memref<128x16xf32, #tpu.memory_space<hbm>> -> memref<128x16xf32, #tpu.memory_space<hbm>>
        tpu.wait_dma2 semaphore(%run_scoped3A : memref<!tpu.dma_semaphore, #tpu.memory_space<semaphore_mem>>) src(%dma_wait3A_771 : memref<128x16xf32, #tpu.memory_space<hbm>>) dst(%dma_wait3A_768 : memref<128x16xf32, #tpu.memory_space<vmem_shared>>)
        tpu.yield
      }) : () -> ()
      %add3A_755 = arith.constant 512 : i32
      %add3A_756 = arith.addi %mul3A_746, %add3A_755 : i32
      "tpu.region"() ({
        %run_scoped3A = tpu.sem_alloc : memref<!tpu.dma_semaphore, #tpu.memory_space<semaphore_mem>>
        %dma_start3A_762 = arith.constant 0 : i32
        %dma_start3A_763 = tpu.memref_slice %arg10[%add3A_756, %dma_start3A_762] : memref<10128x16xf32, #tpu.memory_space<vmem_shared>> -> memref<112x16xf32, #tpu.memory_space<vmem_shared>>
        %dma_start3A_764 = arith.constant 0 : i32
        %dma_start3A_765 = arith.constant 0 : i32
        %dma_start3A_766 = tpu.memref_slice %arg3[%dma_start3A_764, %dma_start3A_765] : memref<128x16xf32, #tpu.memory_space<hbm>> -> memref<112x16xf32, #tpu.memory_space<hbm>>
        tpu.enqueue_dma source(%dma_start3A_766 : memref<112x16xf32, #tpu.memory_space<hbm>>) target(%dma_start3A_763 : memref<112x16xf32, #tpu.memory_space<vmem_shared>>) target_semaphore(%run_scoped3A : memref<!tpu.dma_semaphore, #tpu.memory_space<semaphore_mem>>)
        %dma_wait3A_767 = arith.constant 0 : i32
        %dma_wait3A_768 = tpu.memref_slice %arg10[%add3A_756, %dma_wait3A_767] : memref<10128x16xf32, #tpu.memory_space<vmem_shared>> -> memref<112x16xf32, #tpu.memory_space<vmem_shared>>
        %dma_wait3A_769 = arith.constant 0 : i32
        %dma_wait3A_770 = arith.constant 0 : i32
        %dma_wait3A_771 = tpu.memref_slice %arg3[%dma_wait3A_769, %dma_wait3A_770] : memref<128x16xf32, #tpu.memory_space<hbm>> -> memref<112x16xf32, #tpu.memory_space<hbm>>
        tpu.wait_dma2 semaphore(%run_scoped3A : memref<!tpu.dma_semaphore, #tpu.memory_space<semaphore_mem>>) src(%dma_wait3A_771 : memref<112x16xf32, #tpu.memory_space<hbm>>) dst(%dma_wait3A_768 : memref<112x16xf32, #tpu.memory_space<vmem_shared>>)
        tpu.yield
      }) : () -> ()
      %eq3A_757 = arith.constant 15 : i32
      %eq3A_758 = arith.cmpi eq, %arg1, %eq3A_757 : i32
      %convert_element_type3A_759 = arith.extui %eq3A_758 : i1 to i32
      %cond3A_760 = arith.constant 0 : i32
      %cond3A_761 = arith.cmpi ne, %convert_element_type3A_759, %cond3A_760 : i32
      scf.if %cond3A_761 {
        "tpu.region"() ({
          %run_scoped3A = tpu.sem_alloc : memref<!tpu.dma_semaphore, #tpu.memory_space<semaphore_mem>>
          %dma_start3A_762 = arith.constant 9984 : i32
          %dma_start3A_763 = arith.constant 0 : i32
          %dma_start3A_764 = tpu.memref_slice %arg10[%dma_start3A_762, %dma_start3A_763] : memref<10128x16xf32, #tpu.memory_space<vmem_shared>> -> memref<16x16xf32, #tpu.memory_space<vmem_shared>>
          %dma_start3A_765 = arith.constant 0 : i32
          %dma_start3A_766 = arith.constant 0 : i32
          %dma_start3A_767 = tpu.memref_slice %arg3[%dma_start3A_765, %dma_start3A_766] : memref<128x16xf32, #tpu.memory_space<hbm>> -> memref<16x16xf32, #tpu.memory_space<hbm>>
          tpu.enqueue_dma source(%dma_start3A_767 : memref<16x16xf32, #tpu.memory_space<hbm>>) target(%dma_start3A_764 : memref<16x16xf32, #tpu.memory_space<vmem_shared>>) target_semaphore(%run_scoped3A : memref<!tpu.dma_semaphore, #tpu.memory_space<semaphore_mem>>)
          %dma_wait3A_768 = arith.constant 9984 : i32
          %dma_wait3A_769 = arith.constant 0 : i32
          %dma_wait3A_770 = tpu.memref_slice %arg10[%dma_wait3A_768, %dma_wait3A_769] : memref<10128x16xf32, #tpu.memory_space<vmem_shared>> -> memref<16x16xf32, #tpu.memory_space<vmem_shared>>
          %dma_wait3A_771 = arith.constant 0 : i32
          %dma_wait3A_772 = arith.constant 0 : i32
          %dma_wait3A_773 = tpu.memref_slice %arg3[%dma_wait3A_771, %dma_wait3A_772] : memref<128x16xf32, #tpu.memory_space<hbm>> -> memref<16x16xf32, #tpu.memory_space<hbm>>
          tpu.wait_dma2 semaphore(%run_scoped3A : memref<!tpu.dma_semaphore, #tpu.memory_space<semaphore_mem>>) src(%dma_wait3A_773 : memref<16x16xf32, #tpu.memory_space<hbm>>) dst(%dma_wait3A_770 : memref<16x16xf32, #tpu.memory_space<vmem_shared>>)
          tpu.yield
        }) : () -> ()
      } else {
      }
    } else {
    }
    %barrier3A = arith.constant 0 : index
    tpu.barrier barrier_id(%barrier3A)
    %dma_start3A = arith.constant 0 : i32
    %dma_start3A_14 = arith.constant 0 : i32
    %dma_start3A_15 = arith.constant 0 : i32
    %dma_start3A_16 = arith.constant 0 : i32
    %dma_start3A_17 = tpu.memref_slice %arg9[%dma_start3A_14, %dma_start3A_15, %dma_start3A_16] : memref<8x128x16xf32, #tpu.memory_space<vmem>> -> memref<1x128x16xf32, #tpu.memory_space<vmem>>
    %dma_start3A_18 = tpu.memref_squeeze %dma_start3A_17 : memref<1x128x16xf32, #tpu.memory_space<vmem>> -> memref<128x16xf32, #tpu.memory_space<vmem>>
    %dma_start3A_19 = arith.constant 0 : i32
    %dma_start3A_20 = tpu.memref_slice %arg7[%dma_start3A, %dma_start3A_19] : memref<79x128xi32, #tpu.memory_space<vmem>> -> memref<1x128xi32, #tpu.memory_space<vmem>>
    %dma_start3A_21 = tpu.memref_squeeze %dma_start3A_20 : memref<1x128xi32, #tpu.memory_space<vmem>> -> memref<128xi32, #tpu.memory_space<vmem>>
    %dma_start3A_22 = arith.constant 0 : i32
    %dma_start3A_23 = arith.constant 0 : i32
    %dma_start3A_24 = tpu.memref_slice %arg11[%dma_start3A_22, %dma_start3A_23] : memref<10000x16xf32, #tpu.memory_space<vmem_shared>> -> memref<10000x16xf32, #tpu.memory_space<vmem_shared>>
    tpu.enqueue_indirect_dma source(%dma_start3A_24 : memref<10000x16xf32, #tpu.memory_space<vmem_shared>>) target(%dma_start3A_18 : memref<128x16xf32, #tpu.memory_space<vmem>>) offsets(%dma_start3A_21 : memref<128xi32, #tpu.memory_space<vmem>>) semaphore(%arg12 : memref<!tpu.dma_semaphore, #tpu.memory_space<semaphore_mem>>)
    %dma_start3A_25 = arith.constant 1 : i32
    %dma_start3A_26 = arith.constant 1 : i32
    %dma_start3A_27 = arith.constant 0 : i32
    %dma_start3A_28 = arith.constant 0 : i32
    %dma_start3A_29 = tpu.memref_slice %arg9[%dma_start3A_26, %dma_start3A_27, %dma_start3A_28] : memref<8x128x16xf32, #tpu.memory_space<vmem>> -> memref<1x128x16xf32, #tpu.memory_space<vmem>>
    %dma_start3A_30 = tpu.memref_squeeze %dma_start3A_29 : memref<1x128x16xf32, #tpu.memory_space<vmem>> -> memref<128x16xf32, #tpu.memory_space<vmem>>
    %dma_start3A_31 = arith.constant 0 : i32
    %dma_start3A_32 = tpu.memref_slice %arg7[%dma_start3A_25, %dma_start3A_31] : memref<79x128xi32, #tpu.memory_space<vmem>> -> memref<1x128xi32, #tpu.memory_space<vmem>>
    %dma_start3A_33 = tpu.memref_squeeze %dma_start3A_32 : memref<1x128xi32, #tpu.memory_space<vmem>> -> memref<128xi32, #tpu.memory_space<vmem>>
    %dma_start3A_34 = arith.constant 0 : i32
    %dma_start3A_35 = arith.constant 0 : i32
    %dma_start3A_36 = tpu.memref_slice %arg11[%dma_start3A_34, %dma_start3A_35] : memref<10000x16xf32, #tpu.memory_space<vmem_shared>> -> memref<10000x16xf32, #tpu.memory_space<vmem_shared>>
    tpu.enqueue_indirect_dma source(%dma_start3A_36 : memref<10000x16xf32, #tpu.memory_space<vmem_shared>>) target(%dma_start3A_30 : memref<128x16xf32, #tpu.memory_space<vmem>>) offsets(%dma_start3A_33 : memref<128xi32, #tpu.memory_space<vmem>>) semaphore(%arg13 : memref<!tpu.dma_semaphore, #tpu.memory_space<semaphore_mem>>)
    %dma_start3A_37 = arith.constant 2 : i32
    %dma_start3A_38 = arith.constant 2 : i32
    %dma_start3A_39 = arith.constant 0 : i32
    %dma_start3A_40 = arith.constant 0 : i32
    %dma_start3A_41 = tpu.memref_slice %arg9[%dma_start3A_38, %dma_start3A_39, %dma_start3A_40] : memref<8x128x16xf32, #tpu.memory_space<vmem>> -> memref<1x128x16xf32, #tpu.memory_space<vmem>>
    %dma_start3A_42 = tpu.memref_squeeze %dma_start3A_41 : memref<1x128x16xf32, #tpu.memory_space<vmem>> -> memref<128x16xf32, #tpu.memory_space<vmem>>
    %dma_start3A_43 = arith.constant 0 : i32
    %dma_start3A_44 = tpu.memref_slice %arg7[%dma_start3A_37, %dma_start3A_43] : memref<79x128xi32, #tpu.memory_space<vmem>> -> memref<1x128xi32, #tpu.memory_space<vmem>>
    %dma_start3A_45 = tpu.memref_squeeze %dma_start3A_44 : memref<1x128xi32, #tpu.memory_space<vmem>> -> memref<128xi32, #tpu.memory_space<vmem>>
    %dma_start3A_46 = arith.constant 0 : i32
    %dma_start3A_47 = arith.constant 0 : i32
    %dma_start3A_48 = tpu.memref_slice %arg11[%dma_start3A_46, %dma_start3A_47] : memref<10000x16xf32, #tpu.memory_space<vmem_shared>> -> memref<10000x16xf32, #tpu.memory_space<vmem_shared>>
    tpu.enqueue_indirect_dma source(%dma_start3A_48 : memref<10000x16xf32, #tpu.memory_space<vmem_shared>>) target(%dma_start3A_42 : memref<128x16xf32, #tpu.memory_space<vmem>>) offsets(%dma_start3A_45 : memref<128xi32, #tpu.memory_space<vmem>>) semaphore(%arg14 : memref<!tpu.dma_semaphore, #tpu.memory_space<semaphore_mem>>)
    %dma_start3A_49 = arith.constant 3 : i32
    %dma_start3A_50 = arith.constant 3 : i32
    %dma_start3A_51 = arith.constant 0 : i32
    %dma_start3A_52 = arith.constant 0 : i32
    %dma_start3A_53 = tpu.memref_slice %arg9[%dma_start3A_50, %dma_start3A_51, %dma_start3A_52] : memref<8x128x16xf32, #tpu.memory_space<vmem>> -> memref<1x128x16xf32, #tpu.memory_space<vmem>>
    %dma_start3A_54 = tpu.memref_squeeze %dma_start3A_53 : memref<1x128x16xf32, #tpu.memory_space<vmem>> -> memref<128x16xf32, #tpu.memory_space<vmem>>
    %dma_start3A_55 = arith.constant 0 : i32
    %dma_start3A_56 = tpu.memref_slice %arg7[%dma_start3A_49, %dma_start3A_55] : memref<79x128xi32, #tpu.memory_space<vmem>> -> memref<1x128xi32, #tpu.memory_space<vmem>>
    %dma_start3A_57 = tpu.memref_squeeze %dma_start3A_56 : memref<1x128xi32, #tpu.memory_space<vmem>> -> memref<128xi32, #tpu.memory_space<vmem>>
    %dma_start3A_58 = arith.constant 0 : i32
    %dma_start3A_59 = arith.constant 0 : i32
    %dma_start3A_60 = tpu.memref_slice %arg11[%dma_start3A_58, %dma_start3A_59] : memref<10000x16xf32, #tpu.memory_space<vmem_shared>> -> memref<10000x16xf32, #tpu.memory_space<vmem_shared>>
    tpu.enqueue_indirect_dma source(%dma_start3A_60 : memref<10000x16xf32, #tpu.memory_space<vmem_shared>>) target(%dma_start3A_54 : memref<128x16xf32, #tpu.memory_space<vmem>>) offsets(%dma_start3A_57 : memref<128xi32, #tpu.memory_space<vmem>>) semaphore(%arg15 : memref<!tpu.dma_semaphore, #tpu.memory_space<semaphore_mem>>)
    %dma_wait3A = arith.constant 0 : i32
    %dma_wait3A_61 = arith.constant 0 : i32
    %dma_wait3A_62 = arith.constant 0 : i32
    %dma_wait3A_63 = arith.constant 0 : i32
    %dma_wait3A_64 = tpu.memref_slice %arg9[%dma_wait3A_61, %dma_wait3A_62, %dma_wait3A_63] : memref<8x128x16xf32, #tpu.memory_space<vmem>> -> memref<1x128x16xf32, #tpu.memory_space<vmem>>
    %dma_wait3A_65 = tpu.memref_squeeze %dma_wait3A_64 : memref<1x128x16xf32, #tpu.memory_space<vmem>> -> memref<128x16xf32, #tpu.memory_space<vmem>>
    %dma_wait3A_66 = arith.constant 0 : i32
    %dma_wait3A_67 = tpu.memref_slice %arg7[%dma_wait3A, %dma_wait3A_66] : memref<79x128xi32, #tpu.memory_space<vmem>> -> memref<1x128xi32, #tpu.memory_space<vmem>>
    %dma_wait3A_68 = tpu.memref_squeeze %dma_wait3A_67 : memref<1x128xi32, #tpu.memory_space<vmem>> -> memref<128xi32, #tpu.memory_space<vmem>>
    %dma_wait3A_69 = arith.constant 0 : i32
    %dma_wait3A_70 = arith.constant 0 : i32
    %dma_wait3A_71 = tpu.memref_slice %arg11[%dma_wait3A_69, %dma_wait3A_70] : memref<10000x16xf32, #tpu.memory_space<vmem_shared>> -> memref<10000x16xf32, #tpu.memory_space<vmem_shared>>
    tpu.wait_indirect_dma semaphore(%arg12 : memref<!tpu.dma_semaphore, #tpu.memory_space<semaphore_mem>>) src(%dma_wait3A_71 : memref<10000x16xf32, #tpu.memory_space<vmem_shared>>) dst(%dma_wait3A_65 : memref<128x16xf32, #tpu.memory_space<vmem>>)
    %dma_start3A_72 = arith.constant 0 : i32
    %dma_start3A_73 = arith.constant 0 : i32
    %dma_start3A_74 = arith.constant 0 : i32
    %dma_start3A_75 = arith.constant 0 : i32
    %dma_start3A_76 = tpu.memref_slice %arg9[%dma_start3A_72, %dma_start3A_74, %dma_start3A_75] : memref<8x128x16xf32, #tpu.memory_space<vmem>> -> memref<1x128x16xf32, #tpu.memory_space<vmem>>
    %dma_start3A_77 = tpu.memref_squeeze %dma_start3A_76 : memref<1x128x16xf32, #tpu.memory_space<vmem>> -> memref<128x16xf32, #tpu.memory_space<vmem>>
    %dma_start3A_78 = arith.constant 0 : i32
    %dma_start3A_79 = tpu.memref_slice %arg8[%dma_start3A_73, %dma_start3A_78] : memref<79x128xi32, #tpu.memory_space<vmem>> -> memref<1x128xi32, #tpu.memory_space<vmem>>
    %dma_start3A_80 = tpu.memref_squeeze %dma_start3A_79 : memref<1x128xi32, #tpu.memory_space<vmem>> -> memref<128xi32, #tpu.memory_space<vmem>>
    %dma_start3A_81 = arith.constant 0 : i32
    %dma_start3A_82 = arith.constant 0 : i32
    %dma_start3A_83 = tpu.memref_slice %arg10[%dma_start3A_81, %dma_start3A_82] : memref<10128x16xf32, #tpu.memory_space<vmem_shared>> -> memref<10128x16xf32, #tpu.memory_space<vmem_shared>>
    tpu.enqueue_indirect_dma source(%dma_start3A_77 : memref<128x16xf32, #tpu.memory_space<vmem>>) target(%dma_start3A_83 : memref<10128x16xf32, #tpu.memory_space<vmem_shared>>) offsets(%dma_start3A_80 : memref<128xi32, #tpu.memory_space<vmem>>) semaphore(%arg16 : memref<!tpu.dma_semaphore, #tpu.memory_space<semaphore_mem>>) {add = true}
    %dma_start3A_84 = arith.constant 4 : i32
    %dma_start3A_85 = arith.constant 4 : i32
    %dma_start3A_86 = arith.constant 0 : i32
    %dma_start3A_87 = arith.constant 0 : i32
    %dma_start3A_88 = tpu.memref_slice %arg9[%dma_start3A_85, %dma_start3A_86, %dma_start3A_87] : memref<8x128x16xf32, #tpu.memory_space<vmem>> -> memref<1x128x16xf32, #tpu.memory_space<vmem>>
    %dma_start3A_89 = tpu.memref_squeeze %dma_start3A_88 : memref<1x128x16xf32, #tpu.memory_space<vmem>> -> memref<128x16xf32, #tpu.memory_space<vmem>>
    %dma_start3A_90 = arith.constant 0 : i32
    %dma_start3A_91 = tpu.memref_slice %arg7[%dma_start3A_84, %dma_start3A_90] : memref<79x128xi32, #tpu.memory_space<vmem>> -> memref<1x128xi32, #tpu.memory_space<vmem>>
    %dma_start3A_92 = tpu.memref_squeeze %dma_start3A_91 : memref<1x128xi32, #tpu.memory_space<vmem>> -> memref<128xi32, #tpu.memory_space<vmem>>
    %dma_start3A_93 = arith.constant 0 : i32
    %dma_start3A_94 = arith.constant 0 : i32
    %dma_start3A_95 = tpu.memref_slice %arg11[%dma_start3A_93, %dma_start3A_94] : memref<10000x16xf32, #tpu.memory_space<vmem_shared>> -> memref<10000x16xf32, #tpu.memory_space<vmem_shared>>
    tpu.enqueue_indirect_dma source(%dma_start3A_95 : memref<10000x16xf32, #tpu.memory_space<vmem_shared>>) target(%dma_start3A_89 : memref<128x16xf32, #tpu.memory_space<vmem>>) offsets(%dma_start3A_92 : memref<128xi32, #tpu.memory_space<vmem>>) semaphore(%arg12 : memref<!tpu.dma_semaphore, #tpu.memory_space<semaphore_mem>>)
    %dma_wait3A_96 = arith.constant 1 : i32
    %dma_wait3A_97 = arith.constant 1 : i32
    %dma_wait3A_98 = arith.constant 0 : i32
    %dma_wait3A_99 = arith.constant 0 : i32
    %dma_wait3A_100 = tpu.memref_slice %arg9[%dma_wait3A_97, %dma_wait3A_98, %dma_wait3A_99] : memref<8x128x16xf32, #tpu.memory_space<vmem>> -> memref<1x128x16xf32, #tpu.memory_space<vmem>>
    %dma_wait3A_101 = tpu.memref_squeeze %dma_wait3A_100 : memref<1x128x16xf32, #tpu.memory_space<vmem>> -> memref<128x16xf32, #tpu.memory_space<vmem>>
    %dma_wait3A_102 = arith.constant 0 : i32
    %dma_wait3A_103 = tpu.memref_slice %arg7[%dma_wait3A_96, %dma_wait3A_102] : memref<79x128xi32, #tpu.memory_space<vmem>> -> memref<1x128xi32, #tpu.memory_space<vmem>>
    %dma_wait3A_104 = tpu.memref_squeeze %dma_wait3A_103 : memref<1x128xi32, #tpu.memory_space<vmem>> -> memref<128xi32, #tpu.memory_space<vmem>>
    %dma_wait3A_105 = arith.constant 0 : i32
    %dma_wait3A_106 = arith.constant 0 : i32
    %dma_wait3A_107 = tpu.memref_slice %arg11[%dma_wait3A_105, %dma_wait3A_106] : memref<10000x16xf32, #tpu.memory_space<vmem_shared>> -> memref<10000x16xf32, #tpu.memory_space<vmem_shared>>
    tpu.wait_indirect_dma semaphore(%arg13 : memref<!tpu.dma_semaphore, #tpu.memory_space<semaphore_mem>>) src(%dma_wait3A_107 : memref<10000x16xf32, #tpu.memory_space<vmem_shared>>) dst(%dma_wait3A_101 : memref<128x16xf32, #tpu.memory_space<vmem>>)
    %dma_start3A_108 = arith.constant 1 : i32
    %dma_start3A_109 = arith.constant 1 : i32
    %dma_start3A_110 = arith.constant 0 : i32
    %dma_start3A_111 = arith.constant 0 : i32
    %dma_start3A_112 = tpu.memref_slice %arg9[%dma_start3A_108, %dma_start3A_110, %dma_start3A_111] : memref<8x128x16xf32, #tpu.memory_space<vmem>> -> memref<1x128x16xf32, #tpu.memory_space<vmem>>
    %dma_start3A_113 = tpu.memref_squeeze %dma_start3A_112 : memref<1x128x16xf32, #tpu.memory_space<vmem>> -> memref<128x16xf32, #tpu.memory_space<vmem>>
    %dma_start3A_114 = arith.constant 0 : i32
    %dma_start3A_115 = tpu.memref_slice %arg8[%dma_start3A_109, %dma_start3A_114] : memref<79x128xi32, #tpu.memory_space<vmem>> -> memref<1x128xi32, #tpu.memory_space<vmem>>
    %dma_start3A_116 = tpu.memref_squeeze %dma_start3A_115 : memref<1x128xi32, #tpu.memory_space<vmem>> -> memref<128xi32, #tpu.memory_space<vmem>>
    %dma_start3A_117 = arith.constant 0 : i32
    %dma_start3A_118 = arith.constant 0 : i32
    %dma_start3A_119 = tpu.memref_slice %arg10[%dma_start3A_117, %dma_start3A_118] : memref<10128x16xf32, #tpu.memory_space<vmem_shared>> -> memref<10128x16xf32, #tpu.memory_space<vmem_shared>>
    tpu.enqueue_indirect_dma source(%dma_start3A_113 : memref<128x16xf32, #tpu.memory_space<vmem>>) target(%dma_start3A_119 : memref<10128x16xf32, #tpu.memory_space<vmem_shared>>) offsets(%dma_start3A_116 : memref<128xi32, #tpu.memory_space<vmem>>) semaphore(%arg17 : memref<!tpu.dma_semaphore, #tpu.memory_space<semaphore_mem>>) {add = true}
    %dma_start3A_120 = arith.constant 5 : i32
    %dma_start3A_121 = arith.constant 5 : i32
    %dma_start3A_122 = arith.constant 0 : i32
    %dma_start3A_123 = arith.constant 0 : i32
    %dma_start3A_124 = tpu.memref_slice %arg9[%dma_start3A_121, %dma_start3A_122, %dma_start3A_123] : memref<8x128x16xf32, #tpu.memory_space<vmem>> -> memref<1x128x16xf32, #tpu.memory_space<vmem>>
    %dma_start3A_125 = tpu.memref_squeeze %dma_start3A_124 : memref<1x128x16xf32, #tpu.memory_space<vmem>> -> memref<128x16xf32, #tpu.memory_space<vmem>>
    %dma_start3A_126 = arith.constant 0 : i32
    %dma_start3A_127 = tpu.memref_slice %arg7[%dma_start3A_120, %dma_start3A_126] : memref<79x128xi32, #tpu.memory_space<vmem>> -> memref<1x128xi32, #tpu.memory_space<vmem>>
    %dma_start3A_128 = tpu.memref_squeeze %dma_start3A_127 : memref<1x128xi32, #tpu.memory_space<vmem>> -> memref<128xi32, #tpu.memory_space<vmem>>
    %dma_start3A_129 = arith.constant 0 : i32
    %dma_start3A_130 = arith.constant 0 : i32
    %dma_start3A_131 = tpu.memref_slice %arg11[%dma_start3A_129, %dma_start3A_130] : memref<10000x16xf32, #tpu.memory_space<vmem_shared>> -> memref<10000x16xf32, #tpu.memory_space<vmem_shared>>
    tpu.enqueue_indirect_dma source(%dma_start3A_131 : memref<10000x16xf32, #tpu.memory_space<vmem_shared>>) target(%dma_start3A_125 : memref<128x16xf32, #tpu.memory_space<vmem>>) offsets(%dma_start3A_128 : memref<128xi32, #tpu.memory_space<vmem>>) semaphore(%arg13 : memref<!tpu.dma_semaphore, #tpu.memory_space<semaphore_mem>>)
    %dma_wait3A_132 = arith.constant 2 : i32
    %dma_wait3A_133 = arith.constant 2 : i32
    %dma_wait3A_134 = arith.constant 0 : i32
    %dma_wait3A_135 = arith.constant 0 : i32
    %dma_wait3A_136 = tpu.memref_slice %arg9[%dma_wait3A_133, %dma_wait3A_134, %dma_wait3A_135] : memref<8x128x16xf32, #tpu.memory_space<vmem>> -> memref<1x128x16xf32, #tpu.memory_space<vmem>>
    %dma_wait3A_137 = tpu.memref_squeeze %dma_wait3A_136 : memref<1x128x16xf32, #tpu.memory_space<vmem>> -> memref<128x16xf32, #tpu.memory_space<vmem>>
    %dma_wait3A_138 = arith.constant 0 : i32
    %dma_wait3A_139 = tpu.memref_slice %arg7[%dma_wait3A_132, %dma_wait3A_138] : memref<79x128xi32, #tpu.memory_space<vmem>> -> memref<1x128xi32, #tpu.memory_space<vmem>>
    %dma_wait3A_140 = tpu.memref_squeeze %dma_wait3A_139 : memref<1x128xi32, #tpu.memory_space<vmem>> -> memref<128xi32, #tpu.memory_space<vmem>>
    %dma_wait3A_141 = arith.constant 0 : i32
    %dma_wait3A_142 = arith.constant 0 : i32
    %dma_wait3A_143 = tpu.memref_slice %arg11[%dma_wait3A_141, %dma_wait3A_142] : memref<10000x16xf32, #tpu.memory_space<vmem_shared>> -> memref<10000x16xf32, #tpu.memory_space<vmem_shared>>
    tpu.wait_indirect_dma semaphore(%arg14 : memref<!tpu.dma_semaphore, #tpu.memory_space<semaphore_mem>>) src(%dma_wait3A_143 : memref<10000x16xf32, #tpu.memory_space<vmem_shared>>) dst(%dma_wait3A_137 : memref<128x16xf32, #tpu.memory_space<vmem>>)
    %dma_start3A_144 = arith.constant 2 : i32
    %dma_start3A_145 = arith.constant 2 : i32
    %dma_start3A_146 = arith.constant 0 : i32
    %dma_start3A_147 = arith.constant 0 : i32
    %dma_start3A_148 = tpu.memref_slice %arg9[%dma_start3A_144, %dma_start3A_146, %dma_start3A_147] : memref<8x128x16xf32, #tpu.memory_space<vmem>> -> memref<1x128x16xf32, #tpu.memory_space<vmem>>
    %dma_start3A_149 = tpu.memref_squeeze %dma_start3A_148 : memref<1x128x16xf32, #tpu.memory_space<vmem>> -> memref<128x16xf32, #tpu.memory_space<vmem>>
    %dma_start3A_150 = arith.constant 0 : i32
    %dma_start3A_151 = tpu.memref_slice %arg8[%dma_start3A_145, %dma_start3A_150] : memref<79x128xi32, #tpu.memory_space<vmem>> -> memref<1x128xi32, #tpu.memory_space<vmem>>
    %dma_start3A_152 = tpu.memref_squeeze %dma_start3A_151 : memref<1x128xi32, #tpu.memory_space<vmem>> -> memref<128xi32, #tpu.memory_space<vmem>>
    %dma_start3A_153 = arith.constant 0 : i32
    %dma_start3A_154 = arith.constant 0 : i32
    %dma_start3A_155 = tpu.memref_slice %arg10[%dma_start3A_153, %dma_start3A_154] : memref<10128x16xf32, #tpu.memory_space<vmem_shared>> -> memref<10128x16xf32, #tpu.memory_space<vmem_shared>>
    tpu.enqueue_indirect_dma source(%dma_start3A_149 : memref<128x16xf32, #tpu.memory_space<vmem>>) target(%dma_start3A_155 : memref<10128x16xf32, #tpu.memory_space<vmem_shared>>) offsets(%dma_start3A_152 : memref<128xi32, #tpu.memory_space<vmem>>) semaphore(%arg18 : memref<!tpu.dma_semaphore, #tpu.memory_space<semaphore_mem>>) {add = true}
    %dma_start3A_156 = arith.constant 6 : i32
    %dma_start3A_157 = arith.constant 6 : i32
    %dma_start3A_158 = arith.constant 0 : i32
    %dma_start3A_159 = arith.constant 0 : i32
    %dma_start3A_160 = tpu.memref_slice %arg9[%dma_start3A_157, %dma_start3A_158, %dma_start3A_159] : memref<8x128x16xf32, #tpu.memory_space<vmem>> -> memref<1x128x16xf32, #tpu.memory_space<vmem>>
    %dma_start3A_161 = tpu.memref_squeeze %dma_start3A_160 : memref<1x128x16xf32, #tpu.memory_space<vmem>> -> memref<128x16xf32, #tpu.memory_space<vmem>>
    %dma_start3A_162 = arith.constant 0 : i32
    %dma_start3A_163 = tpu.memref_slice %arg7[%dma_start3A_156, %dma_start3A_162] : memref<79x128xi32, #tpu.memory_space<vmem>> -> memref<1x128xi32, #tpu.memory_space<vmem>>
    %dma_start3A_164 = tpu.memref_squeeze %dma_start3A_163 : memref<1x128xi32, #tpu.memory_space<vmem>> -> memref<128xi32, #tpu.memory_space<vmem>>
    %dma_start3A_165 = arith.constant 0 : i32
    %dma_start3A_166 = arith.constant 0 : i32
    %dma_start3A_167 = tpu.memref_slice %arg11[%dma_start3A_165, %dma_start3A_166] : memref<10000x16xf32, #tpu.memory_space<vmem_shared>> -> memref<10000x16xf32, #tpu.memory_space<vmem_shared>>
    tpu.enqueue_indirect_dma source(%dma_start3A_167 : memref<10000x16xf32, #tpu.memory_space<vmem_shared>>) target(%dma_start3A_161 : memref<128x16xf32, #tpu.memory_space<vmem>>) offsets(%dma_start3A_164 : memref<128xi32, #tpu.memory_space<vmem>>) semaphore(%arg14 : memref<!tpu.dma_semaphore, #tpu.memory_space<semaphore_mem>>)
    %dma_wait3A_168 = arith.constant 3 : i32
    %dma_wait3A_169 = arith.constant 3 : i32
    %dma_wait3A_170 = arith.constant 0 : i32
    %dma_wait3A_171 = arith.constant 0 : i32
    %dma_wait3A_172 = tpu.memref_slice %arg9[%dma_wait3A_169, %dma_wait3A_170, %dma_wait3A_171] : memref<8x128x16xf32, #tpu.memory_space<vmem>> -> memref<1x128x16xf32, #tpu.memory_space<vmem>>
    %dma_wait3A_173 = tpu.memref_squeeze %dma_wait3A_172 : memref<1x128x16xf32, #tpu.memory_space<vmem>> -> memref<128x16xf32, #tpu.memory_space<vmem>>
    %dma_wait3A_174 = arith.constant 0 : i32
    %dma_wait3A_175 = tpu.memref_slice %arg7[%dma_wait3A_168, %dma_wait3A_174] : memref<79x128xi32, #tpu.memory_space<vmem>> -> memref<1x128xi32, #tpu.memory_space<vmem>>
    %dma_wait3A_176 = tpu.memref_squeeze %dma_wait3A_175 : memref<1x128xi32, #tpu.memory_space<vmem>> -> memref<128xi32, #tpu.memory_space<vmem>>
    %dma_wait3A_177 = arith.constant 0 : i32
    %dma_wait3A_178 = arith.constant 0 : i32
    %dma_wait3A_179 = tpu.memref_slice %arg11[%dma_wait3A_177, %dma_wait3A_178] : memref<10000x16xf32, #tpu.memory_space<vmem_shared>> -> memref<10000x16xf32, #tpu.memory_space<vmem_shared>>
    tpu.wait_indirect_dma semaphore(%arg15 : memref<!tpu.dma_semaphore, #tpu.memory_space<semaphore_mem>>) src(%dma_wait3A_179 : memref<10000x16xf32, #tpu.memory_space<vmem_shared>>) dst(%dma_wait3A_173 : memref<128x16xf32, #tpu.memory_space<vmem>>)
    %dma_start3A_180 = arith.constant 3 : i32
    %dma_start3A_181 = arith.constant 3 : i32
    %dma_start3A_182 = arith.constant 0 : i32
    %dma_start3A_183 = arith.constant 0 : i32
    %dma_start3A_184 = tpu.memref_slice %arg9[%dma_start3A_180, %dma_start3A_182, %dma_start3A_183] : memref<8x128x16xf32, #tpu.memory_space<vmem>> -> memref<1x128x16xf32, #tpu.memory_space<vmem>>
    %dma_start3A_185 = tpu.memref_squeeze %dma_start3A_184 : memref<1x128x16xf32, #tpu.memory_space<vmem>> -> memref<128x16xf32, #tpu.memory_space<vmem>>
    %dma_start3A_186 = arith.constant 0 : i32
    %dma_start3A_187 = tpu.memref_slice %arg8[%dma_start3A_181, %dma_start3A_186] : memref<79x128xi32, #tpu.memory_space<vmem>> -> memref<1x128xi32, #tpu.memory_space<vmem>>
    %dma_start3A_188 = tpu.memref_squeeze %dma_start3A_187 : memref<1x128xi32, #tpu.memory_space<vmem>> -> memref<128xi32, #tpu.memory_space<vmem>>
    %dma_start3A_189 = arith.constant 0 : i32
    %dma_start3A_190 = arith.constant 0 : i32
    %dma_start3A_191 = tpu.memref_slice %arg10[%dma_start3A_189, %dma_start3A_190] : memref<10128x16xf32, #tpu.memory_space<vmem_shared>> -> memref<10128x16xf32, #tpu.memory_space<vmem_shared>>
    tpu.enqueue_indirect_dma source(%dma_start3A_185 : memref<128x16xf32, #tpu.memory_space<vmem>>) target(%dma_start3A_191 : memref<10128x16xf32, #tpu.memory_space<vmem_shared>>) offsets(%dma_start3A_188 : memref<128xi32, #tpu.memory_space<vmem>>) semaphore(%arg19 : memref<!tpu.dma_semaphore, #tpu.memory_space<semaphore_mem>>) {add = true}
    %dma_start3A_192 = arith.constant 7 : i32
    %dma_start3A_193 = arith.constant 7 : i32
    %dma_start3A_194 = arith.constant 0 : i32
    %dma_start3A_195 = arith.constant 0 : i32
    %dma_start3A_196 = tpu.memref_slice %arg9[%dma_start3A_193, %dma_start3A_194, %dma_start3A_195] : memref<8x128x16xf32, #tpu.memory_space<vmem>> -> memref<1x128x16xf32, #tpu.memory_space<vmem>>
    %dma_start3A_197 = tpu.memref_squeeze %dma_start3A_196 : memref<1x128x16xf32, #tpu.memory_space<vmem>> -> memref<128x16xf32, #tpu.memory_space<vmem>>
    %dma_start3A_198 = arith.constant 0 : i32
    %dma_start3A_199 = tpu.memref_slice %arg7[%dma_start3A_192, %dma_start3A_198] : memref<79x128xi32, #tpu.memory_space<vmem>> -> memref<1x128xi32, #tpu.memory_space<vmem>>
    %dma_start3A_200 = tpu.memref_squeeze %dma_start3A_199 : memref<1x128xi32, #tpu.memory_space<vmem>> -> memref<128xi32, #tpu.memory_space<vmem>>
    %dma_start3A_201 = arith.constant 0 : i32
    %dma_start3A_202 = arith.constant 0 : i32
    %dma_start3A_203 = tpu.memref_slice %arg11[%dma_start3A_201, %dma_start3A_202] : memref<10000x16xf32, #tpu.memory_space<vmem_shared>> -> memref<10000x16xf32, #tpu.memory_space<vmem_shared>>
    tpu.enqueue_indirect_dma source(%dma_start3A_203 : memref<10000x16xf32, #tpu.memory_space<vmem_shared>>) target(%dma_start3A_197 : memref<128x16xf32, #tpu.memory_space<vmem>>) offsets(%dma_start3A_200 : memref<128xi32, #tpu.memory_space<vmem>>) semaphore(%arg15 : memref<!tpu.dma_semaphore, #tpu.memory_space<semaphore_mem>>)
    %scan3A = arith.constant 0 : i32
    %scan3A_204 = arith.constant 0 : i32
    %scan3A_205 = arith.constant 8 : i32
    %scan3A_206 = arith.addi %scan3A_204, %scan3A_205 : i32
    %scan3A_207 = arith.constant 1 : i32
    scf.for %scan3A_745 = %scan3A_204 to %scan3A_206 step %scan3A_207  : i32 {
      %mul3A_746 = arith.constant 8 : i32
      %mul3A_747 = arith.muli %scan3A_745, %mul3A_746 : i32
      %add3A_748 = arith.constant 4 : i32
      %add3A_749 = arith.addi %mul3A_747, %add3A_748 : i32
      %add3A_750 = arith.constant 0 : i32
      %add3A_751 = arith.addi %add3A_749, %add3A_750 : i32
      %dma_wait3A_752 = arith.constant 4 : i32
      %dma_wait3A_753 = arith.constant 0 : i32
      %dma_wait3A_754 = arith.constant 0 : i32
      %dma_wait3A_755 = tpu.memref_slice %arg9[%dma_wait3A_752, %dma_wait3A_753, %dma_wait3A_754] : memref<8x128x16xf32, #tpu.memory_space<vmem>> -> memref<1x128x16xf32, #tpu.memory_space<vmem>>
      %dma_wait3A_756 = tpu.memref_squeeze %dma_wait3A_755 : memref<1x128x16xf32, #tpu.memory_space<vmem>> -> memref<128x16xf32, #tpu.memory_space<vmem>>
      %dma_wait3A_757 = arith.constant 0 : i32
      %dma_wait3A_758 = tpu.memref_slice %arg7[%add3A_751, %dma_wait3A_757] : memref<79x128xi32, #tpu.memory_space<vmem>> -> memref<1x128xi32, #tpu.memory_space<vmem>>
      %dma_wait3A_759 = tpu.memref_squeeze %dma_wait3A_758 : memref<1x128xi32, #tpu.memory_space<vmem>> -> memref<128xi32, #tpu.memory_space<vmem>>
      %dma_wait3A_760 = arith.constant 0 : i32
      %dma_wait3A_761 = arith.constant 0 : i32
      %dma_wait3A_762 = tpu.memref_slice %arg11[%dma_wait3A_760, %dma_wait3A_761] : memref<10000x16xf32, #tpu.memory_space<vmem_shared>> -> memref<10000x16xf32, #tpu.memory_space<vmem_shared>>
      tpu.wait_indirect_dma semaphore(%arg12 : memref<!tpu.dma_semaphore, #tpu.memory_space<semaphore_mem>>) src(%dma_wait3A_762 : memref<10000x16xf32, #tpu.memory_space<vmem_shared>>) dst(%dma_wait3A_756 : memref<128x16xf32, #tpu.memory_space<vmem>>)
      %sub3A = arith.constant 4 : i32
      %sub3A_763 = arith.subi %add3A_751, %sub3A : i32
      %dma_wait3A_764 = arith.constant 0 : i32
      %dma_wait3A_765 = arith.constant 0 : i32
      %dma_wait3A_766 = arith.constant 0 : i32
      %dma_wait3A_767 = tpu.memref_slice %arg9[%dma_wait3A_764, %dma_wait3A_765, %dma_wait3A_766] : memref<8x128x16xf32, #tpu.memory_space<vmem>> -> memref<1x128x16xf32, #tpu.memory_space<vmem>>
      %dma_wait3A_768 = tpu.memref_squeeze %dma_wait3A_767 : memref<1x128x16xf32, #tpu.memory_space<vmem>> -> memref<128x16xf32, #tpu.memory_space<vmem>>
      %dma_wait3A_769 = arith.constant 0 : i32
      %dma_wait3A_770 = tpu.memref_slice %arg8[%sub3A_763, %dma_wait3A_769] : memref<79x128xi32, #tpu.memory_space<vmem>> -> memref<1x128xi32, #tpu.memory_space<vmem>>
      %dma_wait3A_771 = tpu.memref_squeeze %dma_wait3A_770 : memref<1x128xi32, #tpu.memory_space<vmem>> -> memref<128xi32, #tpu.memory_space<vmem>>
      %dma_wait3A_772 = arith.constant 0 : i32
      %dma_wait3A_773 = arith.constant 0 : i32
      %dma_wait3A_774 = tpu.memref_slice %arg10[%dma_wait3A_772, %dma_wait3A_773] : memref<10128x16xf32, #tpu.memory_space<vmem_shared>> -> memref<10128x16xf32, #tpu.memory_space<vmem_shared>>
      tpu.wait_indirect_dma semaphore(%arg16 : memref<!tpu.dma_semaphore, #tpu.memory_space<semaphore_mem>>) src(%dma_wait3A_768 : memref<128x16xf32, #tpu.memory_space<vmem>>) dst(%dma_wait3A_774 : memref<10128x16xf32, #tpu.memory_space<vmem_shared>>)
      %dma_start3A_775 = arith.constant 4 : i32
      %dma_start3A_776 = arith.constant 0 : i32
      %dma_start3A_777 = arith.constant 0 : i32
      %dma_start3A_778 = tpu.memref_slice %arg9[%dma_start3A_775, %dma_start3A_776, %dma_start3A_777] : memref<8x128x16xf32, #tpu.memory_space<vmem>> -> memref<1x128x16xf32, #tpu.memory_space<vmem>>
      %dma_start3A_779 = tpu.memref_squeeze %dma_start3A_778 : memref<1x128x16xf32, #tpu.memory_space<vmem>> -> memref<128x16xf32, #tpu.memory_space<vmem>>
      %dma_start3A_780 = arith.constant 0 : i32
      %dma_start3A_781 = tpu.memref_slice %arg8[%add3A_751, %dma_start3A_780] : memref<79x128xi32, #tpu.memory_space<vmem>> -> memref<1x128xi32, #tpu.memory_space<vmem>>
      %dma_start3A_782 = tpu.memref_squeeze %dma_start3A_781 : memref<1x128xi32, #tpu.memory_space<vmem>> -> memref<128xi32, #tpu.memory_space<vmem>>
      %dma_start3A_783 = arith.constant 0 : i32
      %dma_start3A_784 = arith.constant 0 : i32
      %dma_start3A_785 = tpu.memref_slice %arg10[%dma_start3A_783, %dma_start3A_784] : memref<10128x16xf32, #tpu.memory_space<vmem_shared>> -> memref<10128x16xf32, #tpu.memory_space<vmem_shared>>
      tpu.enqueue_indirect_dma source(%dma_start3A_779 : memref<128x16xf32, #tpu.memory_space<vmem>>) target(%dma_start3A_785 : memref<10128x16xf32, #tpu.memory_space<vmem_shared>>) offsets(%dma_start3A_782 : memref<128xi32, #tpu.memory_space<vmem>>) semaphore(%arg16 : memref<!tpu.dma_semaphore, #tpu.memory_space<semaphore_mem>>) {add = true}
      %add3A_786 = arith.constant 4 : i32
      %add3A_787 = arith.addi %add3A_751, %add3A_786 : i32
      %dma_start3A_788 = arith.constant 0 : i32
      %dma_start3A_789 = arith.constant 0 : i32
      %dma_start3A_790 = arith.constant 0 : i32
      %dma_start3A_791 = tpu.memref_slice %arg9[%dma_start3A_788, %dma_start3A_789, %dma_start3A_790] : memref<8x128x16xf32, #tpu.memory_space<vmem>> -> memref<1x128x16xf32, #tpu.memory_space<vmem>>
      %dma_start3A_792 = tpu.memref_squeeze %dma_start3A_791 : memref<1x128x16xf32, #tpu.memory_space<vmem>> -> memref<128x16xf32, #tpu.memory_space<vmem>>
      %dma_start3A_793 = arith.constant 0 : i32
      %dma_start3A_794 = tpu.memref_slice %arg7[%add3A_787, %dma_start3A_793] : memref<79x128xi32, #tpu.memory_space<vmem>> -> memref<1x128xi32, #tpu.memory_space<vmem>>
      %dma_start3A_795 = tpu.memref_squeeze %dma_start3A_794 : memref<1x128xi32, #tpu.memory_space<vmem>> -> memref<128xi32, #tpu.memory_space<vmem>>
      %dma_start3A_796 = arith.constant 0 : i32
      %dma_start3A_797 = arith.constant 0 : i32
      %dma_start3A_798 = tpu.memref_slice %arg11[%dma_start3A_796, %dma_start3A_797] : memref<10000x16xf32, #tpu.memory_space<vmem_shared>> -> memref<10000x16xf32, #tpu.memory_space<vmem_shared>>
      tpu.enqueue_indirect_dma source(%dma_start3A_798 : memref<10000x16xf32, #tpu.memory_space<vmem_shared>>) target(%dma_start3A_792 : memref<128x16xf32, #tpu.memory_space<vmem>>) offsets(%dma_start3A_795 : memref<128xi32, #tpu.memory_space<vmem>>) semaphore(%arg12 : memref<!tpu.dma_semaphore, #tpu.memory_space<semaphore_mem>>)
      %add3A_799 = arith.constant 1 : i32
      %add3A_800 = arith.addi %add3A_749, %add3A_799 : i32
      %dma_wait3A_801 = arith.constant 5 : i32
      %dma_wait3A_802 = arith.constant 0 : i32
      %dma_wait3A_803 = arith.constant 0 : i32
      %dma_wait3A_804 = tpu.memref_slice %arg9[%dma_wait3A_801, %dma_wait3A_802, %dma_wait3A_803] : memref<8x128x16xf32, #tpu.memory_space<vmem>> -> memref<1x128x16xf32, #tpu.memory_space<vmem>>
      %dma_wait3A_805 = tpu.memref_squeeze %dma_wait3A_804 : memref<1x128x16xf32, #tpu.memory_space<vmem>> -> memref<128x16xf32, #tpu.memory_space<vmem>>
      %dma_wait3A_806 = arith.constant 0 : i32
      %dma_wait3A_807 = tpu.memref_slice %arg7[%add3A_800, %dma_wait3A_806] : memref<79x128xi32, #tpu.memory_space<vmem>> -> memref<1x128xi32, #tpu.memory_space<vmem>>
      %dma_wait3A_808 = tpu.memref_squeeze %dma_wait3A_807 : memref<1x128xi32, #tpu.memory_space<vmem>> -> memref<128xi32, #tpu.memory_space<vmem>>
      %dma_wait3A_809 = arith.constant 0 : i32
      %dma_wait3A_810 = arith.constant 0 : i32
      %dma_wait3A_811 = tpu.memref_slice %arg11[%dma_wait3A_809, %dma_wait3A_810] : memref<10000x16xf32, #tpu.memory_space<vmem_shared>> -> memref<10000x16xf32, #tpu.memory_space<vmem_shared>>
      tpu.wait_indirect_dma semaphore(%arg13 : memref<!tpu.dma_semaphore, #tpu.memory_space<semaphore_mem>>) src(%dma_wait3A_811 : memref<10000x16xf32, #tpu.memory_space<vmem_shared>>) dst(%dma_wait3A_805 : memref<128x16xf32, #tpu.memory_space<vmem>>)
      %sub3A_812 = arith.constant 4 : i32
      %sub3A_813 = arith.subi %add3A_800, %sub3A_812 : i32
      %dma_wait3A_814 = arith.constant 1 : i32
      %dma_wait3A_815 = arith.constant 0 : i32
      %dma_wait3A_816 = arith.constant 0 : i32
      %dma_wait3A_817 = tpu.memref_slice %arg9[%dma_wait3A_814, %dma_wait3A_815, %dma_wait3A_816] : memref<8x128x16xf32, #tpu.memory_space<vmem>> -> memref<1x128x16xf32, #tpu.memory_space<vmem>>
      %dma_wait3A_818 = tpu.memref_squeeze %dma_wait3A_817 : memref<1x128x16xf32, #tpu.memory_space<vmem>> -> memref<128x16xf32, #tpu.memory_space<vmem>>
      %dma_wait3A_819 = arith.constant 0 : i32
      %dma_wait3A_820 = tpu.memref_slice %arg8[%sub3A_813, %dma_wait3A_819] : memref<79x128xi32, #tpu.memory_space<vmem>> -> memref<1x128xi32, #tpu.memory_space<vmem>>
      %dma_wait3A_821 = tpu.memref_squeeze %dma_wait3A_820 : memref<1x128xi32, #tpu.memory_space<vmem>> -> memref<128xi32, #tpu.memory_space<vmem>>
      %dma_wait3A_822 = arith.constant 0 : i32
      %dma_wait3A_823 = arith.constant 0 : i32
      %dma_wait3A_824 = tpu.memref_slice %arg10[%dma_wait3A_822, %dma_wait3A_823] : memref<10128x16xf32, #tpu.memory_space<vmem_shared>> -> memref<10128x16xf32, #tpu.memory_space<vmem_shared>>
      tpu.wait_indirect_dma semaphore(%arg17 : memref<!tpu.dma_semaphore, #tpu.memory_space<semaphore_mem>>) src(%dma_wait3A_818 : memref<128x16xf32, #tpu.memory_space<vmem>>) dst(%dma_wait3A_824 : memref<10128x16xf32, #tpu.memory_space<vmem_shared>>)
      %dma_start3A_825 = arith.constant 5 : i32
      %dma_start3A_826 = arith.constant 0 : i32
      %dma_start3A_827 = arith.constant 0 : i32
      %dma_start3A_828 = tpu.memref_slice %arg9[%dma_start3A_825, %dma_start3A_826, %dma_start3A_827] : memref<8x128x16xf32, #tpu.memory_space<vmem>> -> memref<1x128x16xf32, #tpu.memory_space<vmem>>
      %dma_start3A_829 = tpu.memref_squeeze %dma_start3A_828 : memref<1x128x16xf32, #tpu.memory_space<vmem>> -> memref<128x16xf32, #tpu.memory_space<vmem>>
      %dma_start3A_830 = arith.constant 0 : i32
      %dma_start3A_831 = tpu.memref_slice %arg8[%add3A_800, %dma_start3A_830] : memref<79x128xi32, #tpu.memory_space<vmem>> -> memref<1x128xi32, #tpu.memory_space<vmem>>
      %dma_start3A_832 = tpu.memref_squeeze %dma_start3A_831 : memref<1x128xi32, #tpu.memory_space<vmem>> -> memref<128xi32, #tpu.memory_space<vmem>>
      %dma_start3A_833 = arith.constant 0 : i32
      %dma_start3A_834 = arith.constant 0 : i32
      %dma_start3A_835 = tpu.memref_slice %arg10[%dma_start3A_833, %dma_start3A_834] : memref<10128x16xf32, #tpu.memory_space<vmem_shared>> -> memref<10128x16xf32, #tpu.memory_space<vmem_shared>>
      tpu.enqueue_indirect_dma source(%dma_start3A_829 : memref<128x16xf32, #tpu.memory_space<vmem>>) target(%dma_start3A_835 : memref<10128x16xf32, #tpu.memory_space<vmem_shared>>) offsets(%dma_start3A_832 : memref<128xi32, #tpu.memory_space<vmem>>) semaphore(%arg17 : memref<!tpu.dma_semaphore, #tpu.memory_space<semaphore_mem>>) {add = true}
      %add3A_836 = arith.constant 4 : i32
      %add3A_837 = arith.addi %add3A_800, %add3A_836 : i32
      %dma_start3A_838 = arith.constant 1 : i32
      %dma_start3A_839 = arith.constant 0 : i32
      %dma_start3A_840 = arith.constant 0 : i32
      %dma_start3A_841 = tpu.memref_slice %arg9[%dma_start3A_838, %dma_start3A_839, %dma_start3A_840] : memref<8x128x16xf32, #tpu.memory_space<vmem>> -> memref<1x128x16xf32, #tpu.memory_space<vmem>>
      %dma_start3A_842 = tpu.memref_squeeze %dma_start3A_841 : memref<1x128x16xf32, #tpu.memory_space<vmem>> -> memref<128x16xf32, #tpu.memory_space<vmem>>
      %dma_start3A_843 = arith.constant 0 : i32
      %dma_start3A_844 = tpu.memref_slice %arg7[%add3A_837, %dma_start3A_843] : memref<79x128xi32, #tpu.memory_space<vmem>> -> memref<1x128xi32, #tpu.memory_space<vmem>>
      %dma_start3A_845 = tpu.memref_squeeze %dma_start3A_844 : memref<1x128xi32, #tpu.memory_space<vmem>> -> memref<128xi32, #tpu.memory_space<vmem>>
      %dma_start3A_846 = arith.constant 0 : i32
      %dma_start3A_847 = arith.constant 0 : i32
      %dma_start3A_848 = tpu.memref_slice %arg11[%dma_start3A_846, %dma_start3A_847] : memref<10000x16xf32, #tpu.memory_space<vmem_shared>> -> memref<10000x16xf32, #tpu.memory_space<vmem_shared>>
      tpu.enqueue_indirect_dma source(%dma_start3A_848 : memref<10000x16xf32, #tpu.memory_space<vmem_shared>>) target(%dma_start3A_842 : memref<128x16xf32, #tpu.memory_space<vmem>>) offsets(%dma_start3A_845 : memref<128xi32, #tpu.memory_space<vmem>>) semaphore(%arg13 : memref<!tpu.dma_semaphore, #tpu.memory_space<semaphore_mem>>)
      %add3A_849 = arith.constant 2 : i32
      %add3A_850 = arith.addi %add3A_749, %add3A_849 : i32
      %dma_wait3A_851 = arith.constant 6 : i32
      %dma_wait3A_852 = arith.constant 0 : i32
      %dma_wait3A_853 = arith.constant 0 : i32
      %dma_wait3A_854 = tpu.memref_slice %arg9[%dma_wait3A_851, %dma_wait3A_852, %dma_wait3A_853] : memref<8x128x16xf32, #tpu.memory_space<vmem>> -> memref<1x128x16xf32, #tpu.memory_space<vmem>>
      %dma_wait3A_855 = tpu.memref_squeeze %dma_wait3A_854 : memref<1x128x16xf32, #tpu.memory_space<vmem>> -> memref<128x16xf32, #tpu.memory_space<vmem>>
      %dma_wait3A_856 = arith.constant 0 : i32
      %dma_wait3A_857 = tpu.memref_slice %arg7[%add3A_850, %dma_wait3A_856] : memref<79x128xi32, #tpu.memory_space<vmem>> -> memref<1x128xi32, #tpu.memory_space<vmem>>
      %dma_wait3A_858 = tpu.memref_squeeze %dma_wait3A_857 : memref<1x128xi32, #tpu.memory_space<vmem>> -> memref<128xi32, #tpu.memory_space<vmem>>
      %dma_wait3A_859 = arith.constant 0 : i32
      %dma_wait3A_860 = arith.constant 0 : i32
      %dma_wait3A_861 = tpu.memref_slice %arg11[%dma_wait3A_859, %dma_wait3A_860] : memref<10000x16xf32, #tpu.memory_space<vmem_shared>> -> memref<10000x16xf32, #tpu.memory_space<vmem_shared>>
      tpu.wait_indirect_dma semaphore(%arg14 : memref<!tpu.dma_semaphore, #tpu.memory_space<semaphore_mem>>) src(%dma_wait3A_861 : memref<10000x16xf32, #tpu.memory_space<vmem_shared>>) dst(%dma_wait3A_855 : memref<128x16xf32, #tpu.memory_space<vmem>>)
      %sub3A_862 = arith.constant 4 : i32
      %sub3A_863 = arith.subi %add3A_850, %sub3A_862 : i32
      %dma_wait3A_864 = arith.constant 2 : i32
      %dma_wait3A_865 = arith.constant 0 : i32
      %dma_wait3A_866 = arith.constant 0 : i32
      %dma_wait3A_867 = tpu.memref_slice %arg9[%dma_wait3A_864, %dma_wait3A_865, %dma_wait3A_866] : memref<8x128x16xf32, #tpu.memory_space<vmem>> -> memref<1x128x16xf32, #tpu.memory_space<vmem>>
      %dma_wait3A_868 = tpu.memref_squeeze %dma_wait3A_867 : memref<1x128x16xf32, #tpu.memory_space<vmem>> -> memref<128x16xf32, #tpu.memory_space<vmem>>
      %dma_wait3A_869 = arith.constant 0 : i32
      %dma_wait3A_870 = tpu.memref_slice %arg8[%sub3A_863, %dma_wait3A_869] : memref<79x128xi32, #tpu.memory_space<vmem>> -> memref<1x128xi32, #tpu.memory_space<vmem>>
      %dma_wait3A_871 = tpu.memref_squeeze %dma_wait3A_870 : memref<1x128xi32, #tpu.memory_space<vmem>> -> memref<128xi32, #tpu.memory_space<vmem>>
      %dma_wait3A_872 = arith.constant 0 : i32
      %dma_wait3A_873 = arith.constant 0 : i32
      %dma_wait3A_874 = tpu.memref_slice %arg10[%dma_wait3A_872, %dma_wait3A_873] : memref<10128x16xf32, #tpu.memory_space<vmem_shared>> -> memref<10128x16xf32, #tpu.memory_space<vmem_shared>>
      tpu.wait_indirect_dma semaphore(%arg18 : memref<!tpu.dma_semaphore, #tpu.memory_space<semaphore_mem>>) src(%dma_wait3A_868 : memref<128x16xf32, #tpu.memory_space<vmem>>) dst(%dma_wait3A_874 : memref<10128x16xf32, #tpu.memory_space<vmem_shared>>)
      %dma_start3A_875 = arith.constant 6 : i32
      %dma_start3A_876 = arith.constant 0 : i32
      %dma_start3A_877 = arith.constant 0 : i32
      %dma_start3A_878 = tpu.memref_slice %arg9[%dma_start3A_875, %dma_start3A_876, %dma_start3A_877] : memref<8x128x16xf32, #tpu.memory_space<vmem>> -> memref<1x128x16xf32, #tpu.memory_space<vmem>>
      %dma_start3A_879 = tpu.memref_squeeze %dma_start3A_878 : memref<1x128x16xf32, #tpu.memory_space<vmem>> -> memref<128x16xf32, #tpu.memory_space<vmem>>
      %dma_start3A_880 = arith.constant 0 : i32
      %dma_start3A_881 = tpu.memref_slice %arg8[%add3A_850, %dma_start3A_880] : memref<79x128xi32, #tpu.memory_space<vmem>> -> memref<1x128xi32, #tpu.memory_space<vmem>>
      %dma_start3A_882 = tpu.memref_squeeze %dma_start3A_881 : memref<1x128xi32, #tpu.memory_space<vmem>> -> memref<128xi32, #tpu.memory_space<vmem>>
      %dma_start3A_883 = arith.constant 0 : i32
      %dma_start3A_884 = arith.constant 0 : i32
      %dma_start3A_885 = tpu.memref_slice %arg10[%dma_start3A_883, %dma_start3A_884] : memref<10128x16xf32, #tpu.memory_space<vmem_shared>> -> memref<10128x16xf32, #tpu.memory_space<vmem_shared>>
      tpu.enqueue_indirect_dma source(%dma_start3A_879 : memref<128x16xf32, #tpu.memory_space<vmem>>) target(%dma_start3A_885 : memref<10128x16xf32, #tpu.memory_space<vmem_shared>>) offsets(%dma_start3A_882 : memref<128xi32, #tpu.memory_space<vmem>>) semaphore(%arg18 : memref<!tpu.dma_semaphore, #tpu.memory_space<semaphore_mem>>) {add = true}
      %add3A_886 = arith.constant 4 : i32
      %add3A_887 = arith.addi %add3A_850, %add3A_886 : i32
      %dma_start3A_888 = arith.constant 2 : i32
      %dma_start3A_889 = arith.constant 0 : i32
      %dma_start3A_890 = arith.constant 0 : i32
      %dma_start3A_891 = tpu.memref_slice %arg9[%dma_start3A_888, %dma_start3A_889, %dma_start3A_890] : memref<8x128x16xf32, #tpu.memory_space<vmem>> -> memref<1x128x16xf32, #tpu.memory_space<vmem>>
      %dma_start3A_892 = tpu.memref_squeeze %dma_start3A_891 : memref<1x128x16xf32, #tpu.memory_space<vmem>> -> memref<128x16xf32, #tpu.memory_space<vmem>>
      %dma_start3A_893 = arith.constant 0 : i32
      %dma_start3A_894 = tpu.memref_slice %arg7[%add3A_887, %dma_start3A_893] : memref<79x128xi32, #tpu.memory_space<vmem>> -> memref<1x128xi32, #tpu.memory_space<vmem>>
      %dma_start3A_895 = tpu.memref_squeeze %dma_start3A_894 : memref<1x128xi32, #tpu.memory_space<vmem>> -> memref<128xi32, #tpu.memory_space<vmem>>
      %dma_start3A_896 = arith.constant 0 : i32
      %dma_start3A_897 = arith.constant 0 : i32
      %dma_start3A_898 = tpu.memref_slice %arg11[%dma_start3A_896, %dma_start3A_897] : memref<10000x16xf32, #tpu.memory_space<vmem_shared>> -> memref<10000x16xf32, #tpu.memory_space<vmem_shared>>
      tpu.enqueue_indirect_dma source(%dma_start3A_898 : memref<10000x16xf32, #tpu.memory_space<vmem_shared>>) target(%dma_start3A_892 : memref<128x16xf32, #tpu.memory_space<vmem>>) offsets(%dma_start3A_895 : memref<128xi32, #tpu.memory_space<vmem>>) semaphore(%arg14 : memref<!tpu.dma_semaphore, #tpu.memory_space<semaphore_mem>>)
      %add3A_899 = arith.constant 3 : i32
      %add3A_900 = arith.addi %add3A_749, %add3A_899 : i32
      %dma_wait3A_901 = arith.constant 7 : i32
      %dma_wait3A_902 = arith.constant 0 : i32
      %dma_wait3A_903 = arith.constant 0 : i32
      %dma_wait3A_904 = tpu.memref_slice %arg9[%dma_wait3A_901, %dma_wait3A_902, %dma_wait3A_903] : memref<8x128x16xf32, #tpu.memory_space<vmem>> -> memref<1x128x16xf32, #tpu.memory_space<vmem>>
      %dma_wait3A_905 = tpu.memref_squeeze %dma_wait3A_904 : memref<1x128x16xf32, #tpu.memory_space<vmem>> -> memref<128x16xf32, #tpu.memory_space<vmem>>
      %dma_wait3A_906 = arith.constant 0 : i32
      %dma_wait3A_907 = tpu.memref_slice %arg7[%add3A_900, %dma_wait3A_906] : memref<79x128xi32, #tpu.memory_space<vmem>> -> memref<1x128xi32, #tpu.memory_space<vmem>>
      %dma_wait3A_908 = tpu.memref_squeeze %dma_wait3A_907 : memref<1x128xi32, #tpu.memory_space<vmem>> -> memref<128xi32, #tpu.memory_space<vmem>>
      %dma_wait3A_909 = arith.constant 0 : i32
      %dma_wait3A_910 = arith.constant 0 : i32
      %dma_wait3A_911 = tpu.memref_slice %arg11[%dma_wait3A_909, %dma_wait3A_910] : memref<10000x16xf32, #tpu.memory_space<vmem_shared>> -> memref<10000x16xf32, #tpu.memory_space<vmem_shared>>
      tpu.wait_indirect_dma semaphore(%arg15 : memref<!tpu.dma_semaphore, #tpu.memory_space<semaphore_mem>>) src(%dma_wait3A_911 : memref<10000x16xf32, #tpu.memory_space<vmem_shared>>) dst(%dma_wait3A_905 : memref<128x16xf32, #tpu.memory_space<vmem>>)
      %sub3A_912 = arith.constant 4 : i32
      %sub3A_913 = arith.subi %add3A_900, %sub3A_912 : i32
      %dma_wait3A_914 = arith.constant 3 : i32
      %dma_wait3A_915 = arith.constant 0 : i32
      %dma_wait3A_916 = arith.constant 0 : i32
      %dma_wait3A_917 = tpu.memref_slice %arg9[%dma_wait3A_914, %dma_wait3A_915, %dma_wait3A_916] : memref<8x128x16xf32, #tpu.memory_space<vmem>> -> memref<1x128x16xf32, #tpu.memory_space<vmem>>
      %dma_wait3A_918 = tpu.memref_squeeze %dma_wait3A_917 : memref<1x128x16xf32, #tpu.memory_space<vmem>> -> memref<128x16xf32, #tpu.memory_space<vmem>>
      %dma_wait3A_919 = arith.constant 0 : i32
      %dma_wait3A_920 = tpu.memref_slice %arg8[%sub3A_913, %dma_wait3A_919] : memref<79x128xi32, #tpu.memory_space<vmem>> -> memref<1x128xi32, #tpu.memory_space<vmem>>
      %dma_wait3A_921 = tpu.memref_squeeze %dma_wait3A_920 : memref<1x128xi32, #tpu.memory_space<vmem>> -> memref<128xi32, #tpu.memory_space<vmem>>
      %dma_wait3A_922 = arith.constant 0 : i32
      %dma_wait3A_923 = arith.constant 0 : i32
      %dma_wait3A_924 = tpu.memref_slice %arg10[%dma_wait3A_922, %dma_wait3A_923] : memref<10128x16xf32, #tpu.memory_space<vmem_shared>> -> memref<10128x16xf32, #tpu.memory_space<vmem_shared>>
      tpu.wait_indirect_dma semaphore(%arg19 : memref<!tpu.dma_semaphore, #tpu.memory_space<semaphore_mem>>) src(%dma_wait3A_918 : memref<128x16xf32, #tpu.memory_space<vmem>>) dst(%dma_wait3A_924 : memref<10128x16xf32, #tpu.memory_space<vmem_shared>>)
      %dma_start3A_925 = arith.constant 7 : i32
      %dma_start3A_926 = arith.constant 0 : i32
      %dma_start3A_927 = arith.constant 0 : i32
      %dma_start3A_928 = tpu.memref_slice %arg9[%dma_start3A_925, %dma_start3A_926, %dma_start3A_927] : memref<8x128x16xf32, #tpu.memory_space<vmem>> -> memref<1x128x16xf32, #tpu.memory_space<vmem>>
      %dma_start3A_929 = tpu.memref_squeeze %dma_start3A_928 : memref<1x128x16xf32, #tpu.memory_space<vmem>> -> memref<128x16xf32, #tpu.memory_space<vmem>>
      %dma_start3A_930 = arith.constant 0 : i32
      %dma_start3A_931 = tpu.memref_slice %arg8[%add3A_900, %dma_start3A_930] : memref<79x128xi32, #tpu.memory_space<vmem>> -> memref<1x128xi32, #tpu.memory_space<vmem>>
      %dma_start3A_932 = tpu.memref_squeeze %dma_start3A_931 : memref<1x128xi32, #tpu.memory_space<vmem>> -> memref<128xi32, #tpu.memory_space<vmem>>
      %dma_start3A_933 = arith.constant 0 : i32
      %dma_start3A_934 = arith.constant 0 : i32
      %dma_start3A_935 = tpu.memref_slice %arg10[%dma_start3A_933, %dma_start3A_934] : memref<10128x16xf32, #tpu.memory_space<vmem_shared>> -> memref<10128x16xf32, #tpu.memory_space<vmem_shared>>
      tpu.enqueue_indirect_dma source(%dma_start3A_929 : memref<128x16xf32, #tpu.memory_space<vmem>>) target(%dma_start3A_935 : memref<10128x16xf32, #tpu.memory_space<vmem_shared>>) offsets(%dma_start3A_932 : memref<128xi32, #tpu.memory_space<vmem>>) semaphore(%arg19 : memref<!tpu.dma_semaphore, #tpu.memory_space<semaphore_mem>>) {add = true}
      %add3A_936 = arith.constant 4 : i32
      %add3A_937 = arith.addi %add3A_900, %add3A_936 : i32
      %dma_start3A_938 = arith.constant 3 : i32
      %dma_start3A_939 = arith.constant 0 : i32
      %dma_start3A_940 = arith.constant 0 : i32
      %dma_start3A_941 = tpu.memref_slice %arg9[%dma_start3A_938, %dma_start3A_939, %dma_start3A_940] : memref<8x128x16xf32, #tpu.memory_space<vmem>> -> memref<1x128x16xf32, #tpu.memory_space<vmem>>
      %dma_start3A_942 = tpu.memref_squeeze %dma_start3A_941 : memref<1x128x16xf32, #tpu.memory_space<vmem>> -> memref<128x16xf32, #tpu.memory_space<vmem>>
      %dma_start3A_943 = arith.constant 0 : i32
      %dma_start3A_944 = tpu.memref_slice %arg7[%add3A_937, %dma_start3A_943] : memref<79x128xi32, #tpu.memory_space<vmem>> -> memref<1x128xi32, #tpu.memory_space<vmem>>
      %dma_start3A_945 = tpu.memref_squeeze %dma_start3A_944 : memref<1x128xi32, #tpu.memory_space<vmem>> -> memref<128xi32, #tpu.memory_space<vmem>>
      %dma_start3A_946 = arith.constant 0 : i32
      %dma_start3A_947 = arith.constant 0 : i32
      %dma_start3A_948 = tpu.memref_slice %arg11[%dma_start3A_946, %dma_start3A_947] : memref<10000x16xf32, #tpu.memory_space<vmem_shared>> -> memref<10000x16xf32, #tpu.memory_space<vmem_shared>>
      tpu.enqueue_indirect_dma source(%dma_start3A_948 : memref<10000x16xf32, #tpu.memory_space<vmem_shared>>) target(%dma_start3A_942 : memref<128x16xf32, #tpu.memory_space<vmem>>) offsets(%dma_start3A_945 : memref<128xi32, #tpu.memory_space<vmem>>) semaphore(%arg15 : memref<!tpu.dma_semaphore, #tpu.memory_space<semaphore_mem>>)
      %add3A_949 = arith.constant 4 : i32
      %add3A_950 = arith.addi %add3A_749, %add3A_949 : i32
      %dma_wait3A_951 = arith.constant 0 : i32
      %dma_wait3A_952 = arith.constant 0 : i32
      %dma_wait3A_953 = arith.constant 0 : i32
      %dma_wait3A_954 = tpu.memref_slice %arg9[%dma_wait3A_951, %dma_wait3A_952, %dma_wait3A_953] : memref<8x128x16xf32, #tpu.memory_space<vmem>> -> memref<1x128x16xf32, #tpu.memory_space<vmem>>
      %dma_wait3A_955 = tpu.memref_squeeze %dma_wait3A_954 : memref<1x128x16xf32, #tpu.memory_space<vmem>> -> memref<128x16xf32, #tpu.memory_space<vmem>>
      %dma_wait3A_956 = arith.constant 0 : i32
      %dma_wait3A_957 = tpu.memref_slice %arg7[%add3A_950, %dma_wait3A_956] : memref<79x128xi32, #tpu.memory_space<vmem>> -> memref<1x128xi32, #tpu.memory_space<vmem>>
      %dma_wait3A_958 = tpu.memref_squeeze %dma_wait3A_957 : memref<1x128xi32, #tpu.memory_space<vmem>> -> memref<128xi32, #tpu.memory_space<vmem>>
      %dma_wait3A_959 = arith.constant 0 : i32
      %dma_wait3A_960 = arith.constant 0 : i32
      %dma_wait3A_961 = tpu.memref_slice %arg11[%dma_wait3A_959, %dma_wait3A_960] : memref<10000x16xf32, #tpu.memory_space<vmem_shared>> -> memref<10000x16xf32, #tpu.memory_space<vmem_shared>>
      tpu.wait_indirect_dma semaphore(%arg12 : memref<!tpu.dma_semaphore, #tpu.memory_space<semaphore_mem>>) src(%dma_wait3A_961 : memref<10000x16xf32, #tpu.memory_space<vmem_shared>>) dst(%dma_wait3A_955 : memref<128x16xf32, #tpu.memory_space<vmem>>)
      %sub3A_962 = arith.constant 4 : i32
      %sub3A_963 = arith.subi %add3A_950, %sub3A_962 : i32
      %dma_wait3A_964 = arith.constant 4 : i32
      %dma_wait3A_965 = arith.constant 0 : i32
      %dma_wait3A_966 = arith.constant 0 : i32
      %dma_wait3A_967 = tpu.memref_slice %arg9[%dma_wait3A_964, %dma_wait3A_965, %dma_wait3A_966] : memref<8x128x16xf32, #tpu.memory_space<vmem>> -> memref<1x128x16xf32, #tpu.memory_space<vmem>>
      %dma_wait3A_968 = tpu.memref_squeeze %dma_wait3A_967 : memref<1x128x16xf32, #tpu.memory_space<vmem>> -> memref<128x16xf32, #tpu.memory_space<vmem>>
      %dma_wait3A_969 = arith.constant 0 : i32
      %dma_wait3A_970 = tpu.memref_slice %arg8[%sub3A_963, %dma_wait3A_969] : memref<79x128xi32, #tpu.memory_space<vmem>> -> memref<1x128xi32, #tpu.memory_space<vmem>>
      %dma_wait3A_971 = tpu.memref_squeeze %dma_wait3A_970 : memref<1x128xi32, #tpu.memory_space<vmem>> -> memref<128xi32, #tpu.memory_space<vmem>>
      %dma_wait3A_972 = arith.constant 0 : i32
      %dma_wait3A_973 = arith.constant 0 : i32
      %dma_wait3A_974 = tpu.memref_slice %arg10[%dma_wait3A_972, %dma_wait3A_973] : memref<10128x16xf32, #tpu.memory_space<vmem_shared>> -> memref<10128x16xf32, #tpu.memory_space<vmem_shared>>
      tpu.wait_indirect_dma semaphore(%arg16 : memref<!tpu.dma_semaphore, #tpu.memory_space<semaphore_mem>>) src(%dma_wait3A_968 : memref<128x16xf32, #tpu.memory_space<vmem>>) dst(%dma_wait3A_974 : memref<10128x16xf32, #tpu.memory_space<vmem_shared>>)
      %dma_start3A_975 = arith.constant 0 : i32
      %dma_start3A_976 = arith.constant 0 : i32
      %dma_start3A_977 = arith.constant 0 : i32
      %dma_start3A_978 = tpu.memref_slice %arg9[%dma_start3A_975, %dma_start3A_976, %dma_start3A_977] : memref<8x128x16xf32, #tpu.memory_space<vmem>> -> memref<1x128x16xf32, #tpu.memory_space<vmem>>
      %dma_start3A_979 = tpu.memref_squeeze %dma_start3A_978 : memref<1x128x16xf32, #tpu.memory_space<vmem>> -> memref<128x16xf32, #tpu.memory_space<vmem>>
      %dma_start3A_980 = arith.constant 0 : i32
      %dma_start3A_981 = tpu.memref_slice %arg8[%add3A_950, %dma_start3A_980] : memref<79x128xi32, #tpu.memory_space<vmem>> -> memref<1x128xi32, #tpu.memory_space<vmem>>
      %dma_start3A_982 = tpu.memref_squeeze %dma_start3A_981 : memref<1x128xi32, #tpu.memory_space<vmem>> -> memref<128xi32, #tpu.memory_space<vmem>>
      %dma_start3A_983 = arith.constant 0 : i32
      %dma_start3A_984 = arith.constant 0 : i32
      %dma_start3A_985 = tpu.memref_slice %arg10[%dma_start3A_983, %dma_start3A_984] : memref<10128x16xf32, #tpu.memory_space<vmem_shared>> -> memref<10128x16xf32, #tpu.memory_space<vmem_shared>>
      tpu.enqueue_indirect_dma source(%dma_start3A_979 : memref<128x16xf32, #tpu.memory_space<vmem>>) target(%dma_start3A_985 : memref<10128x16xf32, #tpu.memory_space<vmem_shared>>) offsets(%dma_start3A_982 : memref<128xi32, #tpu.memory_space<vmem>>) semaphore(%arg16 : memref<!tpu.dma_semaphore, #tpu.memory_space<semaphore_mem>>) {add = true}
      %add3A_986 = arith.constant 4 : i32
      %add3A_987 = arith.addi %add3A_950, %add3A_986 : i32
      %dma_start3A_988 = arith.constant 4 : i32
      %dma_start3A_989 = arith.constant 0 : i32
      %dma_start3A_990 = arith.constant 0 : i32
      %dma_start3A_991 = tpu.memref_slice %arg9[%dma_start3A_988, %dma_start3A_989, %dma_start3A_990] : memref<8x128x16xf32, #tpu.memory_space<vmem>> -> memref<1x128x16xf32, #tpu.memory_space<vmem>>
      %dma_start3A_992 = tpu.memref_squeeze %dma_start3A_991 : memref<1x128x16xf32, #tpu.memory_space<vmem>> -> memref<128x16xf32, #tpu.memory_space<vmem>>
      %dma_start3A_993 = arith.constant 0 : i32
      %dma_start3A_994 = tpu.memref_slice %arg7[%add3A_987, %dma_start3A_993] : memref<79x128xi32, #tpu.memory_space<vmem>> -> memref<1x128xi32, #tpu.memory_space<vmem>>
      %dma_start3A_995 = tpu.memref_squeeze %dma_start3A_994 : memref<1x128xi32, #tpu.memory_space<vmem>> -> memref<128xi32, #tpu.memory_space<vmem>>
      %dma_start3A_996 = arith.constant 0 : i32
      %dma_start3A_997 = arith.constant 0 : i32
      %dma_start3A_998 = tpu.memref_slice %arg11[%dma_start3A_996, %dma_start3A_997] : memref<10000x16xf32, #tpu.memory_space<vmem_shared>> -> memref<10000x16xf32, #tpu.memory_space<vmem_shared>>
      tpu.enqueue_indirect_dma source(%dma_start3A_998 : memref<10000x16xf32, #tpu.memory_space<vmem_shared>>) target(%dma_start3A_992 : memref<128x16xf32, #tpu.memory_space<vmem>>) offsets(%dma_start3A_995 : memref<128xi32, #tpu.memory_space<vmem>>) semaphore(%arg12 : memref<!tpu.dma_semaphore, #tpu.memory_space<semaphore_mem>>)
      %add3A_999 = arith.constant 5 : i32
      %add3A_1000 = arith.addi %add3A_749, %add3A_999 : i32
      %dma_wait3A_1001 = arith.constant 1 : i32
      %dma_wait3A_1002 = arith.constant 0 : i32
      %dma_wait3A_1003 = arith.constant 0 : i32
      %dma_wait3A_1004 = tpu.memref_slice %arg9[%dma_wait3A_1001, %dma_wait3A_1002, %dma_wait3A_1003] : memref<8x128x16xf32, #tpu.memory_space<vmem>> -> memref<1x128x16xf32, #tpu.memory_space<vmem>>
      %dma_wait3A_1005 = tpu.memref_squeeze %dma_wait3A_1004 : memref<1x128x16xf32, #tpu.memory_space<vmem>> -> memref<128x16xf32, #tpu.memory_space<vmem>>
      %dma_wait3A_1006 = arith.constant 0 : i32
      %dma_wait3A_1007 = tpu.memref_slice %arg7[%add3A_1000, %dma_wait3A_1006] : memref<79x128xi32, #tpu.memory_space<vmem>> -> memref<1x128xi32, #tpu.memory_space<vmem>>
      %dma_wait3A_1008 = tpu.memref_squeeze %dma_wait3A_1007 : memref<1x128xi32, #tpu.memory_space<vmem>> -> memref<128xi32, #tpu.memory_space<vmem>>
      %dma_wait3A_1009 = arith.constant 0 : i32
      %dma_wait3A_1010 = arith.constant 0 : i32
      %dma_wait3A_1011 = tpu.memref_slice %arg11[%dma_wait3A_1009, %dma_wait3A_1010] : memref<10000x16xf32, #tpu.memory_space<vmem_shared>> -> memref<10000x16xf32, #tpu.memory_space<vmem_shared>>
      tpu.wait_indirect_dma semaphore(%arg13 : memref<!tpu.dma_semaphore, #tpu.memory_space<semaphore_mem>>) src(%dma_wait3A_1011 : memref<10000x16xf32, #tpu.memory_space<vmem_shared>>) dst(%dma_wait3A_1005 : memref<128x16xf32, #tpu.memory_space<vmem>>)
      %sub3A_1012 = arith.constant 4 : i32
      %sub3A_1013 = arith.subi %add3A_1000, %sub3A_1012 : i32
      %dma_wait3A_1014 = arith.constant 5 : i32
      %dma_wait3A_1015 = arith.constant 0 : i32
      %dma_wait3A_1016 = arith.constant 0 : i32
      %dma_wait3A_1017 = tpu.memref_slice %arg9[%dma_wait3A_1014, %dma_wait3A_1015, %dma_wait3A_1016] : memref<8x128x16xf32, #tpu.memory_space<vmem>> -> memref<1x128x16xf32, #tpu.memory_space<vmem>>
      %dma_wait3A_1018 = tpu.memref_squeeze %dma_wait3A_1017 : memref<1x128x16xf32, #tpu.memory_space<vmem>> -> memref<128x16xf32, #tpu.memory_space<vmem>>
      %dma_wait3A_1019 = arith.constant 0 : i32
      %dma_wait3A_1020 = tpu.memref_slice %arg8[%sub3A_1013, %dma_wait3A_1019] : memref<79x128xi32, #tpu.memory_space<vmem>> -> memref<1x128xi32, #tpu.memory_space<vmem>>
      %dma_wait3A_1021 = tpu.memref_squeeze %dma_wait3A_1020 : memref<1x128xi32, #tpu.memory_space<vmem>> -> memref<128xi32, #tpu.memory_space<vmem>>
      %dma_wait3A_1022 = arith.constant 0 : i32
      %dma_wait3A_1023 = arith.constant 0 : i32
      %dma_wait3A_1024 = tpu.memref_slice %arg10[%dma_wait3A_1022, %dma_wait3A_1023] : memref<10128x16xf32, #tpu.memory_space<vmem_shared>> -> memref<10128x16xf32, #tpu.memory_space<vmem_shared>>
      tpu.wait_indirect_dma semaphore(%arg17 : memref<!tpu.dma_semaphore, #tpu.memory_space<semaphore_mem>>) src(%dma_wait3A_1018 : memref<128x16xf32, #tpu.memory_space<vmem>>) dst(%dma_wait3A_1024 : memref<10128x16xf32, #tpu.memory_space<vmem_shared>>)
      %dma_start3A_1025 = arith.constant 1 : i32
      %dma_start3A_1026 = arith.constant 0 : i32
      %dma_start3A_1027 = arith.constant 0 : i32
      %dma_start3A_1028 = tpu.memref_slice %arg9[%dma_start3A_1025, %dma_start3A_1026, %dma_start3A_1027] : memref<8x128x16xf32, #tpu.memory_space<vmem>> -> memref<1x128x16xf32, #tpu.memory_space<vmem>>
      %dma_start3A_1029 = tpu.memref_squeeze %dma_start3A_1028 : memref<1x128x16xf32, #tpu.memory_space<vmem>> -> memref<128x16xf32, #tpu.memory_space<vmem>>
      %dma_start3A_1030 = arith.constant 0 : i32
      %dma_start3A_1031 = tpu.memref_slice %arg8[%add3A_1000, %dma_start3A_1030] : memref<79x128xi32, #tpu.memory_space<vmem>> -> memref<1x128xi32, #tpu.memory_space<vmem>>
      %dma_start3A_1032 = tpu.memref_squeeze %dma_start3A_1031 : memref<1x128xi32, #tpu.memory_space<vmem>> -> memref<128xi32, #tpu.memory_space<vmem>>
      %dma_start3A_1033 = arith.constant 0 : i32
      %dma_start3A_1034 = arith.constant 0 : i32
      %dma_start3A_1035 = tpu.memref_slice %arg10[%dma_start3A_1033, %dma_start3A_1034] : memref<10128x16xf32, #tpu.memory_space<vmem_shared>> -> memref<10128x16xf32, #tpu.memory_space<vmem_shared>>
      tpu.enqueue_indirect_dma source(%dma_start3A_1029 : memref<128x16xf32, #tpu.memory_space<vmem>>) target(%dma_start3A_1035 : memref<10128x16xf32, #tpu.memory_space<vmem_shared>>) offsets(%dma_start3A_1032 : memref<128xi32, #tpu.memory_space<vmem>>) semaphore(%arg17 : memref<!tpu.dma_semaphore, #tpu.memory_space<semaphore_mem>>) {add = true}
      %add3A_1036 = arith.constant 4 : i32
      %add3A_1037 = arith.addi %add3A_1000, %add3A_1036 : i32
      %dma_start3A_1038 = arith.constant 5 : i32
      %dma_start3A_1039 = arith.constant 0 : i32
      %dma_start3A_1040 = arith.constant 0 : i32
      %dma_start3A_1041 = tpu.memref_slice %arg9[%dma_start3A_1038, %dma_start3A_1039, %dma_start3A_1040] : memref<8x128x16xf32, #tpu.memory_space<vmem>> -> memref<1x128x16xf32, #tpu.memory_space<vmem>>
      %dma_start3A_1042 = tpu.memref_squeeze %dma_start3A_1041 : memref<1x128x16xf32, #tpu.memory_space<vmem>> -> memref<128x16xf32, #tpu.memory_space<vmem>>
      %dma_start3A_1043 = arith.constant 0 : i32
      %dma_start3A_1044 = tpu.memref_slice %arg7[%add3A_1037, %dma_start3A_1043] : memref<79x128xi32, #tpu.memory_space<vmem>> -> memref<1x128xi32, #tpu.memory_space<vmem>>
      %dma_start3A_1045 = tpu.memref_squeeze %dma_start3A_1044 : memref<1x128xi32, #tpu.memory_space<vmem>> -> memref<128xi32, #tpu.memory_space<vmem>>
      %dma_start3A_1046 = arith.constant 0 : i32
      %dma_start3A_1047 = arith.constant 0 : i32
      %dma_start3A_1048 = tpu.memref_slice %arg11[%dma_start3A_1046, %dma_start3A_1047] : memref<10000x16xf32, #tpu.memory_space<vmem_shared>> -> memref<10000x16xf32, #tpu.memory_space<vmem_shared>>
      tpu.enqueue_indirect_dma source(%dma_start3A_1048 : memref<10000x16xf32, #tpu.memory_space<vmem_shared>>) target(%dma_start3A_1042 : memref<128x16xf32, #tpu.memory_space<vmem>>) offsets(%dma_start3A_1045 : memref<128xi32, #tpu.memory_space<vmem>>) semaphore(%arg13 : memref<!tpu.dma_semaphore, #tpu.memory_space<semaphore_mem>>)
      %add3A_1049 = arith.constant 6 : i32
      %add3A_1050 = arith.addi %add3A_749, %add3A_1049 : i32
      %dma_wait3A_1051 = arith.constant 2 : i32
      %dma_wait3A_1052 = arith.constant 0 : i32
      %dma_wait3A_1053 = arith.constant 0 : i32
      %dma_wait3A_1054 = tpu.memref_slice %arg9[%dma_wait3A_1051, %dma_wait3A_1052, %dma_wait3A_1053] : memref<8x128x16xf32, #tpu.memory_space<vmem>> -> memref<1x128x16xf32, #tpu.memory_space<vmem>>
      %dma_wait3A_1055 = tpu.memref_squeeze %dma_wait3A_1054 : memref<1x128x16xf32, #tpu.memory_space<vmem>> -> memref<128x16xf32, #tpu.memory_space<vmem>>
      %dma_wait3A_1056 = arith.constant 0 : i32
      %dma_wait3A_1057 = tpu.memref_slice %arg7[%add3A_1050, %dma_wait3A_1056] : memref<79x128xi32, #tpu.memory_space<vmem>> -> memref<1x128xi32, #tpu.memory_space<vmem>>
      %dma_wait3A_1058 = tpu.memref_squeeze %dma_wait3A_1057 : memref<1x128xi32, #tpu.memory_space<vmem>> -> memref<128xi32, #tpu.memory_space<vmem>>
      %dma_wait3A_1059 = arith.constant 0 : i32
      %dma_wait3A_1060 = arith.constant 0 : i32
      %dma_wait3A_1061 = tpu.memref_slice %arg11[%dma_wait3A_1059, %dma_wait3A_1060] : memref<10000x16xf32, #tpu.memory_space<vmem_shared>> -> memref<10000x16xf32, #tpu.memory_space<vmem_shared>>
      tpu.wait_indirect_dma semaphore(%arg14 : memref<!tpu.dma_semaphore, #tpu.memory_space<semaphore_mem>>) src(%dma_wait3A_1061 : memref<10000x16xf32, #tpu.memory_space<vmem_shared>>) dst(%dma_wait3A_1055 : memref<128x16xf32, #tpu.memory_space<vmem>>)
      %sub3A_1062 = arith.constant 4 : i32
      %sub3A_1063 = arith.subi %add3A_1050, %sub3A_1062 : i32
      %dma_wait3A_1064 = arith.constant 6 : i32
      %dma_wait3A_1065 = arith.constant 0 : i32
      %dma_wait3A_1066 = arith.constant 0 : i32
      %dma_wait3A_1067 = tpu.memref_slice %arg9[%dma_wait3A_1064, %dma_wait3A_1065, %dma_wait3A_1066] : memref<8x128x16xf32, #tpu.memory_space<vmem>> -> memref<1x128x16xf32, #tpu.memory_space<vmem>>
      %dma_wait3A_1068 = tpu.memref_squeeze %dma_wait3A_1067 : memref<1x128x16xf32, #tpu.memory_space<vmem>> -> memref<128x16xf32, #tpu.memory_space<vmem>>
      %dma_wait3A_1069 = arith.constant 0 : i32
      %dma_wait3A_1070 = tpu.memref_slice %arg8[%sub3A_1063, %dma_wait3A_1069] : memref<79x128xi32, #tpu.memory_space<vmem>> -> memref<1x128xi32, #tpu.memory_space<vmem>>
      %dma_wait3A_1071 = tpu.memref_squeeze %dma_wait3A_1070 : memref<1x128xi32, #tpu.memory_space<vmem>> -> memref<128xi32, #tpu.memory_space<vmem>>
      %dma_wait3A_1072 = arith.constant 0 : i32
      %dma_wait3A_1073 = arith.constant 0 : i32
      %dma_wait3A_1074 = tpu.memref_slice %arg10[%dma_wait3A_1072, %dma_wait3A_1073] : memref<10128x16xf32, #tpu.memory_space<vmem_shared>> -> memref<10128x16xf32, #tpu.memory_space<vmem_shared>>
      tpu.wait_indirect_dma semaphore(%arg18 : memref<!tpu.dma_semaphore, #tpu.memory_space<semaphore_mem>>) src(%dma_wait3A_1068 : memref<128x16xf32, #tpu.memory_space<vmem>>) dst(%dma_wait3A_1074 : memref<10128x16xf32, #tpu.memory_space<vmem_shared>>)
      %dma_start3A_1075 = arith.constant 2 : i32
      %dma_start3A_1076 = arith.constant 0 : i32
      %dma_start3A_1077 = arith.constant 0 : i32
      %dma_start3A_1078 = tpu.memref_slice %arg9[%dma_start3A_1075, %dma_start3A_1076, %dma_start3A_1077] : memref<8x128x16xf32, #tpu.memory_space<vmem>> -> memref<1x128x16xf32, #tpu.memory_space<vmem>>
      %dma_start3A_1079 = tpu.memref_squeeze %dma_start3A_1078 : memref<1x128x16xf32, #tpu.memory_space<vmem>> -> memref<128x16xf32, #tpu.memory_space<vmem>>
      %dma_start3A_1080 = arith.constant 0 : i32
      %dma_start3A_1081 = tpu.memref_slice %arg8[%add3A_1050, %dma_start3A_1080] : memref<79x128xi32, #tpu.memory_space<vmem>> -> memref<1x128xi32, #tpu.memory_space<vmem>>
      %dma_start3A_1082 = tpu.memref_squeeze %dma_start3A_1081 : memref<1x128xi32, #tpu.memory_space<vmem>> -> memref<128xi32, #tpu.memory_space<vmem>>
      %dma_start3A_1083 = arith.constant 0 : i32
      %dma_start3A_1084 = arith.constant 0 : i32
      %dma_start3A_1085 = tpu.memref_slice %arg10[%dma_start3A_1083, %dma_start3A_1084] : memref<10128x16xf32, #tpu.memory_space<vmem_shared>> -> memref<10128x16xf32, #tpu.memory_space<vmem_shared>>
      tpu.enqueue_indirect_dma source(%dma_start3A_1079 : memref<128x16xf32, #tpu.memory_space<vmem>>) target(%dma_start3A_1085 : memref<10128x16xf32, #tpu.memory_space<vmem_shared>>) offsets(%dma_start3A_1082 : memref<128xi32, #tpu.memory_space<vmem>>) semaphore(%arg18 : memref<!tpu.dma_semaphore, #tpu.memory_space<semaphore_mem>>) {add = true}
      %add3A_1086 = arith.constant 4 : i32
      %add3A_1087 = arith.addi %add3A_1050, %add3A_1086 : i32
      %dma_start3A_1088 = arith.constant 6 : i32
      %dma_start3A_1089 = arith.constant 0 : i32
      %dma_start3A_1090 = arith.constant 0 : i32
      %dma_start3A_1091 = tpu.memref_slice %arg9[%dma_start3A_1088, %dma_start3A_1089, %dma_start3A_1090] : memref<8x128x16xf32, #tpu.memory_space<vmem>> -> memref<1x128x16xf32, #tpu.memory_space<vmem>>
      %dma_start3A_1092 = tpu.memref_squeeze %dma_start3A_1091 : memref<1x128x16xf32, #tpu.memory_space<vmem>> -> memref<128x16xf32, #tpu.memory_space<vmem>>
      %dma_start3A_1093 = arith.constant 0 : i32
      %dma_start3A_1094 = tpu.memref_slice %arg7[%add3A_1087, %dma_start3A_1093] : memref<79x128xi32, #tpu.memory_space<vmem>> -> memref<1x128xi32, #tpu.memory_space<vmem>>
      %dma_start3A_1095 = tpu.memref_squeeze %dma_start3A_1094 : memref<1x128xi32, #tpu.memory_space<vmem>> -> memref<128xi32, #tpu.memory_space<vmem>>
      %dma_start3A_1096 = arith.constant 0 : i32
      %dma_start3A_1097 = arith.constant 0 : i32
      %dma_start3A_1098 = tpu.memref_slice %arg11[%dma_start3A_1096, %dma_start3A_1097] : memref<10000x16xf32, #tpu.memory_space<vmem_shared>> -> memref<10000x16xf32, #tpu.memory_space<vmem_shared>>
      tpu.enqueue_indirect_dma source(%dma_start3A_1098 : memref<10000x16xf32, #tpu.memory_space<vmem_shared>>) target(%dma_start3A_1092 : memref<128x16xf32, #tpu.memory_space<vmem>>) offsets(%dma_start3A_1095 : memref<128xi32, #tpu.memory_space<vmem>>) semaphore(%arg14 : memref<!tpu.dma_semaphore, #tpu.memory_space<semaphore_mem>>)
      %add3A_1099 = arith.constant 7 : i32
      %add3A_1100 = arith.addi %add3A_749, %add3A_1099 : i32
      %dma_wait3A_1101 = arith.constant 3 : i32
      %dma_wait3A_1102 = arith.constant 0 : i32
      %dma_wait3A_1103 = arith.constant 0 : i32
      %dma_wait3A_1104 = tpu.memref_slice %arg9[%dma_wait3A_1101, %dma_wait3A_1102, %dma_wait3A_1103] : memref<8x128x16xf32, #tpu.memory_space<vmem>> -> memref<1x128x16xf32, #tpu.memory_space<vmem>>
      %dma_wait3A_1105 = tpu.memref_squeeze %dma_wait3A_1104 : memref<1x128x16xf32, #tpu.memory_space<vmem>> -> memref<128x16xf32, #tpu.memory_space<vmem>>
      %dma_wait3A_1106 = arith.constant 0 : i32
      %dma_wait3A_1107 = tpu.memref_slice %arg7[%add3A_1100, %dma_wait3A_1106] : memref<79x128xi32, #tpu.memory_space<vmem>> -> memref<1x128xi32, #tpu.memory_space<vmem>>
      %dma_wait3A_1108 = tpu.memref_squeeze %dma_wait3A_1107 : memref<1x128xi32, #tpu.memory_space<vmem>> -> memref<128xi32, #tpu.memory_space<vmem>>
      %dma_wait3A_1109 = arith.constant 0 : i32
      %dma_wait3A_1110 = arith.constant 0 : i32
      %dma_wait3A_1111 = tpu.memref_slice %arg11[%dma_wait3A_1109, %dma_wait3A_1110] : memref<10000x16xf32, #tpu.memory_space<vmem_shared>> -> memref<10000x16xf32, #tpu.memory_space<vmem_shared>>
      tpu.wait_indirect_dma semaphore(%arg15 : memref<!tpu.dma_semaphore, #tpu.memory_space<semaphore_mem>>) src(%dma_wait3A_1111 : memref<10000x16xf32, #tpu.memory_space<vmem_shared>>) dst(%dma_wait3A_1105 : memref<128x16xf32, #tpu.memory_space<vmem>>)
      %sub3A_1112 = arith.constant 4 : i32
      %sub3A_1113 = arith.subi %add3A_1100, %sub3A_1112 : i32
      %dma_wait3A_1114 = arith.constant 7 : i32
      %dma_wait3A_1115 = arith.constant 0 : i32
      %dma_wait3A_1116 = arith.constant 0 : i32
      %dma_wait3A_1117 = tpu.memref_slice %arg9[%dma_wait3A_1114, %dma_wait3A_1115, %dma_wait3A_1116] : memref<8x128x16xf32, #tpu.memory_space<vmem>> -> memref<1x128x16xf32, #tpu.memory_space<vmem>>
      %dma_wait3A_1118 = tpu.memref_squeeze %dma_wait3A_1117 : memref<1x128x16xf32, #tpu.memory_space<vmem>> -> memref<128x16xf32, #tpu.memory_space<vmem>>
      %dma_wait3A_1119 = arith.constant 0 : i32
      %dma_wait3A_1120 = tpu.memref_slice %arg8[%sub3A_1113, %dma_wait3A_1119] : memref<79x128xi32, #tpu.memory_space<vmem>> -> memref<1x128xi32, #tpu.memory_space<vmem>>
      %dma_wait3A_1121 = tpu.memref_squeeze %dma_wait3A_1120 : memref<1x128xi32, #tpu.memory_space<vmem>> -> memref<128xi32, #tpu.memory_space<vmem>>
      %dma_wait3A_1122 = arith.constant 0 : i32
      %dma_wait3A_1123 = arith.constant 0 : i32
      %dma_wait3A_1124 = tpu.memref_slice %arg10[%dma_wait3A_1122, %dma_wait3A_1123] : memref<10128x16xf32, #tpu.memory_space<vmem_shared>> -> memref<10128x16xf32, #tpu.memory_space<vmem_shared>>
      tpu.wait_indirect_dma semaphore(%arg19 : memref<!tpu.dma_semaphore, #tpu.memory_space<semaphore_mem>>) src(%dma_wait3A_1118 : memref<128x16xf32, #tpu.memory_space<vmem>>) dst(%dma_wait3A_1124 : memref<10128x16xf32, #tpu.memory_space<vmem_shared>>)
      %dma_start3A_1125 = arith.constant 3 : i32
      %dma_start3A_1126 = arith.constant 0 : i32
      %dma_start3A_1127 = arith.constant 0 : i32
      %dma_start3A_1128 = tpu.memref_slice %arg9[%dma_start3A_1125, %dma_start3A_1126, %dma_start3A_1127] : memref<8x128x16xf32, #tpu.memory_space<vmem>> -> memref<1x128x16xf32, #tpu.memory_space<vmem>>
      %dma_start3A_1129 = tpu.memref_squeeze %dma_start3A_1128 : memref<1x128x16xf32, #tpu.memory_space<vmem>> -> memref<128x16xf32, #tpu.memory_space<vmem>>
      %dma_start3A_1130 = arith.constant 0 : i32
      %dma_start3A_1131 = tpu.memref_slice %arg8[%add3A_1100, %dma_start3A_1130] : memref<79x128xi32, #tpu.memory_space<vmem>> -> memref<1x128xi32, #tpu.memory_space<vmem>>
      %dma_start3A_1132 = tpu.memref_squeeze %dma_start3A_1131 : memref<1x128xi32, #tpu.memory_space<vmem>> -> memref<128xi32, #tpu.memory_space<vmem>>
      %dma_start3A_1133 = arith.constant 0 : i32
      %dma_start3A_1134 = arith.constant 0 : i32
      %dma_start3A_1135 = tpu.memref_slice %arg10[%dma_start3A_1133, %dma_start3A_1134] : memref<10128x16xf32, #tpu.memory_space<vmem_shared>> -> memref<10128x16xf32, #tpu.memory_space<vmem_shared>>
      tpu.enqueue_indirect_dma source(%dma_start3A_1129 : memref<128x16xf32, #tpu.memory_space<vmem>>) target(%dma_start3A_1135 : memref<10128x16xf32, #tpu.memory_space<vmem_shared>>) offsets(%dma_start3A_1132 : memref<128xi32, #tpu.memory_space<vmem>>) semaphore(%arg19 : memref<!tpu.dma_semaphore, #tpu.memory_space<semaphore_mem>>) {add = true}
      %add3A_1136 = arith.constant 4 : i32
      %add3A_1137 = arith.addi %add3A_1100, %add3A_1136 : i32
      %dma_start3A_1138 = arith.constant 7 : i32
      %dma_start3A_1139 = arith.constant 0 : i32
      %dma_start3A_1140 = arith.constant 0 : i32
      %dma_start3A_1141 = tpu.memref_slice %arg9[%dma_start3A_1138, %dma_start3A_1139, %dma_start3A_1140] : memref<8x128x16xf32, #tpu.memory_space<vmem>> -> memref<1x128x16xf32, #tpu.memory_space<vmem>>
      %dma_start3A_1142 = tpu.memref_squeeze %dma_start3A_1141 : memref<1x128x16xf32, #tpu.memory_space<vmem>> -> memref<128x16xf32, #tpu.memory_space<vmem>>
      %dma_start3A_1143 = arith.constant 0 : i32
      %dma_start3A_1144 = tpu.memref_slice %arg7[%add3A_1137, %dma_start3A_1143] : memref<79x128xi32, #tpu.memory_space<vmem>> -> memref<1x128xi32, #tpu.memory_space<vmem>>
      %dma_start3A_1145 = tpu.memref_squeeze %dma_start3A_1144 : memref<1x128xi32, #tpu.memory_space<vmem>> -> memref<128xi32, #tpu.memory_space<vmem>>
      %dma_start3A_1146 = arith.constant 0 : i32
      %dma_start3A_1147 = arith.constant 0 : i32
      %dma_start3A_1148 = tpu.memref_slice %arg11[%dma_start3A_1146, %dma_start3A_1147] : memref<10000x16xf32, #tpu.memory_space<vmem_shared>> -> memref<10000x16xf32, #tpu.memory_space<vmem_shared>>
      tpu.enqueue_indirect_dma source(%dma_start3A_1148 : memref<10000x16xf32, #tpu.memory_space<vmem_shared>>) target(%dma_start3A_1142 : memref<128x16xf32, #tpu.memory_space<vmem>>) offsets(%dma_start3A_1145 : memref<128xi32, #tpu.memory_space<vmem>>) semaphore(%arg15 : memref<!tpu.dma_semaphore, #tpu.memory_space<semaphore_mem>>)
    }
    %scan3A_208 = arith.constant 8 : i32
    %dma_wait3A_209 = arith.constant 68 : i32
    %dma_wait3A_210 = arith.constant 4 : i32
    %dma_wait3A_211 = arith.constant 0 : i32
    %dma_wait3A_212 = arith.constant 0 : i32
    %dma_wait3A_213 = tpu.memref_slice %arg9[%dma_wait3A_210, %dma_wait3A_211, %dma_wait3A_212] : memref<8x128x16xf32, #tpu.memory_space<vmem>> -> memref<1x128x16xf32, #tpu.memory_space<vmem>>
    %dma_wait3A_214 = tpu.memref_squeeze %dma_wait3A_213 : memref<1x128x16xf32, #tpu.memory_space<vmem>> -> memref<128x16xf32, #tpu.memory_space<vmem>>
    %dma_wait3A_215 = arith.constant 0 : i32
    %dma_wait3A_216 = tpu.memref_slice %arg7[%dma_wait3A_209, %dma_wait3A_215] : memref<79x128xi32, #tpu.memory_space<vmem>> -> memref<1x128xi32, #tpu.memory_space<vmem>>
    %dma_wait3A_217 = tpu.memref_squeeze %dma_wait3A_216 : memref<1x128xi32, #tpu.memory_space<vmem>> -> memref<128xi32, #tpu.memory_space<vmem>>
    %dma_wait3A_218 = arith.constant 0 : i32
    %dma_wait3A_219 = arith.constant 0 : i32
    %dma_wait3A_220 = tpu.memref_slice %arg11[%dma_wait3A_218, %dma_wait3A_219] : memref<10000x16xf32, #tpu.memory_space<vmem_shared>> -> memref<10000x16xf32, #tpu.memory_space<vmem_shared>>
    tpu.wait_indirect_dma semaphore(%arg12 : memref<!tpu.dma_semaphore, #tpu.memory_space<semaphore_mem>>) src(%dma_wait3A_220 : memref<10000x16xf32, #tpu.memory_space<vmem_shared>>) dst(%dma_wait3A_214 : memref<128x16xf32, #tpu.memory_space<vmem>>)
    %dma_wait3A_221 = arith.constant 0 : i32
    %dma_wait3A_222 = arith.constant 64 : i32
    %dma_wait3A_223 = arith.constant 0 : i32
    %dma_wait3A_224 = arith.constant 0 : i32
    %dma_wait3A_225 = tpu.memref_slice %arg9[%dma_wait3A_221, %dma_wait3A_223, %dma_wait3A_224] : memref<8x128x16xf32, #tpu.memory_space<vmem>> -> memref<1x128x16xf32, #tpu.memory_space<vmem>>
    %dma_wait3A_226 = tpu.memref_squeeze %dma_wait3A_225 : memref<1x128x16xf32, #tpu.memory_space<vmem>> -> memref<128x16xf32, #tpu.memory_space<vmem>>
    %dma_wait3A_227 = arith.constant 0 : i32
    %dma_wait3A_228 = tpu.memref_slice %arg8[%dma_wait3A_222, %dma_wait3A_227] : memref<79x128xi32, #tpu.memory_space<vmem>> -> memref<1x128xi32, #tpu.memory_space<vmem>>
    %dma_wait3A_229 = tpu.memref_squeeze %dma_wait3A_228 : memref<1x128xi32, #tpu.memory_space<vmem>> -> memref<128xi32, #tpu.memory_space<vmem>>
    %dma_wait3A_230 = arith.constant 0 : i32
    %dma_wait3A_231 = arith.constant 0 : i32
    %dma_wait3A_232 = tpu.memref_slice %arg10[%dma_wait3A_230, %dma_wait3A_231] : memref<10128x16xf32, #tpu.memory_space<vmem_shared>> -> memref<10128x16xf32, #tpu.memory_space<vmem_shared>>
    tpu.wait_indirect_dma semaphore(%arg16 : memref<!tpu.dma_semaphore, #tpu.memory_space<semaphore_mem>>) src(%dma_wait3A_226 : memref<128x16xf32, #tpu.memory_space<vmem>>) dst(%dma_wait3A_232 : memref<10128x16xf32, #tpu.memory_space<vmem_shared>>)
    %dma_start3A_233 = arith.constant 4 : i32
    %dma_start3A_234 = arith.constant 68 : i32
    %dma_start3A_235 = arith.constant 0 : i32
    %dma_start3A_236 = arith.constant 0 : i32
    %dma_start3A_237 = tpu.memref_slice %arg9[%dma_start3A_233, %dma_start3A_235, %dma_start3A_236] : memref<8x128x16xf32, #tpu.memory_space<vmem>> -> memref<1x128x16xf32, #tpu.memory_space<vmem>>
    %dma_start3A_238 = tpu.memref_squeeze %dma_start3A_237 : memref<1x128x16xf32, #tpu.memory_space<vmem>> -> memref<128x16xf32, #tpu.memory_space<vmem>>
    %dma_start3A_239 = arith.constant 0 : i32
    %dma_start3A_240 = tpu.memref_slice %arg8[%dma_start3A_234, %dma_start3A_239] : memref<79x128xi32, #tpu.memory_space<vmem>> -> memref<1x128xi32, #tpu.memory_space<vmem>>
    %dma_start3A_241 = tpu.memref_squeeze %dma_start3A_240 : memref<1x128xi32, #tpu.memory_space<vmem>> -> memref<128xi32, #tpu.memory_space<vmem>>
    %dma_start3A_242 = arith.constant 0 : i32
    %dma_start3A_243 = arith.constant 0 : i32
    %dma_start3A_244 = tpu.memref_slice %arg10[%dma_start3A_242, %dma_start3A_243] : memref<10128x16xf32, #tpu.memory_space<vmem_shared>> -> memref<10128x16xf32, #tpu.memory_space<vmem_shared>>
    tpu.enqueue_indirect_dma source(%dma_start3A_238 : memref<128x16xf32, #tpu.memory_space<vmem>>) target(%dma_start3A_244 : memref<10128x16xf32, #tpu.memory_space<vmem_shared>>) offsets(%dma_start3A_241 : memref<128xi32, #tpu.memory_space<vmem>>) semaphore(%arg16 : memref<!tpu.dma_semaphore, #tpu.memory_space<semaphore_mem>>) {add = true}
    %dma_start3A_245 = arith.constant 72 : i32
    %dma_start3A_246 = arith.constant 0 : i32
    %dma_start3A_247 = arith.constant 0 : i32
    %dma_start3A_248 = arith.constant 0 : i32
    %dma_start3A_249 = tpu.memref_slice %arg9[%dma_start3A_246, %dma_start3A_247, %dma_start3A_248] : memref<8x128x16xf32, #tpu.memory_space<vmem>> -> memref<1x128x16xf32, #tpu.memory_space<vmem>>
    %dma_start3A_250 = tpu.memref_squeeze %dma_start3A_249 : memref<1x128x16xf32, #tpu.memory_space<vmem>> -> memref<128x16xf32, #tpu.memory_space<vmem>>
    %dma_start3A_251 = arith.constant 0 : i32
    %dma_start3A_252 = tpu.memref_slice %arg7[%dma_start3A_245, %dma_start3A_251] : memref<79x128xi32, #tpu.memory_space<vmem>> -> memref<1x128xi32, #tpu.memory_space<vmem>>
    %dma_start3A_253 = tpu.memref_squeeze %dma_start3A_252 : memref<1x128xi32, #tpu.memory_space<vmem>> -> memref<128xi32, #tpu.memory_space<vmem>>
    %dma_start3A_254 = arith.constant 0 : i32
    %dma_start3A_255 = arith.constant 0 : i32
    %dma_start3A_256 = tpu.memref_slice %arg11[%dma_start3A_254, %dma_start3A_255] : memref<10000x16xf32, #tpu.memory_space<vmem_shared>> -> memref<10000x16xf32, #tpu.memory_space<vmem_shared>>
    tpu.enqueue_indirect_dma source(%dma_start3A_256 : memref<10000x16xf32, #tpu.memory_space<vmem_shared>>) target(%dma_start3A_250 : memref<128x16xf32, #tpu.memory_space<vmem>>) offsets(%dma_start3A_253 : memref<128xi32, #tpu.memory_space<vmem>>) semaphore(%arg12 : memref<!tpu.dma_semaphore, #tpu.memory_space<semaphore_mem>>)
    %dma_wait3A_257 = arith.constant 69 : i32
    %dma_wait3A_258 = arith.constant 5 : i32
    %dma_wait3A_259 = arith.constant 0 : i32
    %dma_wait3A_260 = arith.constant 0 : i32
    %dma_wait3A_261 = tpu.memref_slice %arg9[%dma_wait3A_258, %dma_wait3A_259, %dma_wait3A_260] : memref<8x128x16xf32, #tpu.memory_space<vmem>> -> memref<1x128x16xf32, #tpu.memory_space<vmem>>
    %dma_wait3A_262 = tpu.memref_squeeze %dma_wait3A_261 : memref<1x128x16xf32, #tpu.memory_space<vmem>> -> memref<128x16xf32, #tpu.memory_space<vmem>>
    %dma_wait3A_263 = arith.constant 0 : i32
    %dma_wait3A_264 = tpu.memref_slice %arg7[%dma_wait3A_257, %dma_wait3A_263] : memref<79x128xi32, #tpu.memory_space<vmem>> -> memref<1x128xi32, #tpu.memory_space<vmem>>
    %dma_wait3A_265 = tpu.memref_squeeze %dma_wait3A_264 : memref<1x128xi32, #tpu.memory_space<vmem>> -> memref<128xi32, #tpu.memory_space<vmem>>
    %dma_wait3A_266 = arith.constant 0 : i32
    %dma_wait3A_267 = arith.constant 0 : i32
    %dma_wait3A_268 = tpu.memref_slice %arg11[%dma_wait3A_266, %dma_wait3A_267] : memref<10000x16xf32, #tpu.memory_space<vmem_shared>> -> memref<10000x16xf32, #tpu.memory_space<vmem_shared>>
    tpu.wait_indirect_dma semaphore(%arg13 : memref<!tpu.dma_semaphore, #tpu.memory_space<semaphore_mem>>) src(%dma_wait3A_268 : memref<10000x16xf32, #tpu.memory_space<vmem_shared>>) dst(%dma_wait3A_262 : memref<128x16xf32, #tpu.memory_space<vmem>>)
    %dma_wait3A_269 = arith.constant 1 : i32
    %dma_wait3A_270 = arith.constant 65 : i32
    %dma_wait3A_271 = arith.constant 0 : i32
    %dma_wait3A_272 = arith.constant 0 : i32
    %dma_wait3A_273 = tpu.memref_slice %arg9[%dma_wait3A_269, %dma_wait3A_271, %dma_wait3A_272] : memref<8x128x16xf32, #tpu.memory_space<vmem>> -> memref<1x128x16xf32, #tpu.memory_space<vmem>>
    %dma_wait3A_274 = tpu.memref_squeeze %dma_wait3A_273 : memref<1x128x16xf32, #tpu.memory_space<vmem>> -> memref<128x16xf32, #tpu.memory_space<vmem>>
    %dma_wait3A_275 = arith.constant 0 : i32
    %dma_wait3A_276 = tpu.memref_slice %arg8[%dma_wait3A_270, %dma_wait3A_275] : memref<79x128xi32, #tpu.memory_space<vmem>> -> memref<1x128xi32, #tpu.memory_space<vmem>>
    %dma_wait3A_277 = tpu.memref_squeeze %dma_wait3A_276 : memref<1x128xi32, #tpu.memory_space<vmem>> -> memref<128xi32, #tpu.memory_space<vmem>>
    %dma_wait3A_278 = arith.constant 0 : i32
    %dma_wait3A_279 = arith.constant 0 : i32
    %dma_wait3A_280 = tpu.memref_slice %arg10[%dma_wait3A_278, %dma_wait3A_279] : memref<10128x16xf32, #tpu.memory_space<vmem_shared>> -> memref<10128x16xf32, #tpu.memory_space<vmem_shared>>
    tpu.wait_indirect_dma semaphore(%arg17 : memref<!tpu.dma_semaphore, #tpu.memory_space<semaphore_mem>>) src(%dma_wait3A_274 : memref<128x16xf32, #tpu.memory_space<vmem>>) dst(%dma_wait3A_280 : memref<10128x16xf32, #tpu.memory_space<vmem_shared>>)
    %dma_start3A_281 = arith.constant 5 : i32
    %dma_start3A_282 = arith.constant 69 : i32
    %dma_start3A_283 = arith.constant 0 : i32
    %dma_start3A_284 = arith.constant 0 : i32
    %dma_start3A_285 = tpu.memref_slice %arg9[%dma_start3A_281, %dma_start3A_283, %dma_start3A_284] : memref<8x128x16xf32, #tpu.memory_space<vmem>> -> memref<1x128x16xf32, #tpu.memory_space<vmem>>
    %dma_start3A_286 = tpu.memref_squeeze %dma_start3A_285 : memref<1x128x16xf32, #tpu.memory_space<vmem>> -> memref<128x16xf32, #tpu.memory_space<vmem>>
    %dma_start3A_287 = arith.constant 0 : i32
    %dma_start3A_288 = tpu.memref_slice %arg8[%dma_start3A_282, %dma_start3A_287] : memref<79x128xi32, #tpu.memory_space<vmem>> -> memref<1x128xi32, #tpu.memory_space<vmem>>
    %dma_start3A_289 = tpu.memref_squeeze %dma_start3A_288 : memref<1x128xi32, #tpu.memory_space<vmem>> -> memref<128xi32, #tpu.memory_space<vmem>>
    %dma_start3A_290 = arith.constant 0 : i32
    %dma_start3A_291 = arith.constant 0 : i32
    %dma_start3A_292 = tpu.memref_slice %arg10[%dma_start3A_290, %dma_start3A_291] : memref<10128x16xf32, #tpu.memory_space<vmem_shared>> -> memref<10128x16xf32, #tpu.memory_space<vmem_shared>>
    tpu.enqueue_indirect_dma source(%dma_start3A_286 : memref<128x16xf32, #tpu.memory_space<vmem>>) target(%dma_start3A_292 : memref<10128x16xf32, #tpu.memory_space<vmem_shared>>) offsets(%dma_start3A_289 : memref<128xi32, #tpu.memory_space<vmem>>) semaphore(%arg17 : memref<!tpu.dma_semaphore, #tpu.memory_space<semaphore_mem>>) {add = true}
    %dma_start3A_293 = arith.constant 73 : i32
    %dma_start3A_294 = arith.constant 1 : i32
    %dma_start3A_295 = arith.constant 0 : i32
    %dma_start3A_296 = arith.constant 0 : i32
    %dma_start3A_297 = tpu.memref_slice %arg9[%dma_start3A_294, %dma_start3A_295, %dma_start3A_296] : memref<8x128x16xf32, #tpu.memory_space<vmem>> -> memref<1x128x16xf32, #tpu.memory_space<vmem>>
    %dma_start3A_298 = tpu.memref_squeeze %dma_start3A_297 : memref<1x128x16xf32, #tpu.memory_space<vmem>> -> memref<128x16xf32, #tpu.memory_space<vmem>>
    %dma_start3A_299 = arith.constant 0 : i32
    %dma_start3A_300 = tpu.memref_slice %arg7[%dma_start3A_293, %dma_start3A_299] : memref<79x128xi32, #tpu.memory_space<vmem>> -> memref<1x128xi32, #tpu.memory_space<vmem>>
    %dma_start3A_301 = tpu.memref_squeeze %dma_start3A_300 : memref<1x128xi32, #tpu.memory_space<vmem>> -> memref<128xi32, #tpu.memory_space<vmem>>
    %dma_start3A_302 = arith.constant 0 : i32
    %dma_start3A_303 = arith.constant 0 : i32
    %dma_start3A_304 = tpu.memref_slice %arg11[%dma_start3A_302, %dma_start3A_303] : memref<10000x16xf32, #tpu.memory_space<vmem_shared>> -> memref<10000x16xf32, #tpu.memory_space<vmem_shared>>
    tpu.enqueue_indirect_dma source(%dma_start3A_304 : memref<10000x16xf32, #tpu.memory_space<vmem_shared>>) target(%dma_start3A_298 : memref<128x16xf32, #tpu.memory_space<vmem>>) offsets(%dma_start3A_301 : memref<128xi32, #tpu.memory_space<vmem>>) semaphore(%arg13 : memref<!tpu.dma_semaphore, #tpu.memory_space<semaphore_mem>>)
    %dma_wait3A_305 = arith.constant 70 : i32
    %dma_wait3A_306 = arith.constant 6 : i32
    %dma_wait3A_307 = arith.constant 0 : i32
    %dma_wait3A_308 = arith.constant 0 : i32
    %dma_wait3A_309 = tpu.memref_slice %arg9[%dma_wait3A_306, %dma_wait3A_307, %dma_wait3A_308] : memref<8x128x16xf32, #tpu.memory_space<vmem>> -> memref<1x128x16xf32, #tpu.memory_space<vmem>>
    %dma_wait3A_310 = tpu.memref_squeeze %dma_wait3A_309 : memref<1x128x16xf32, #tpu.memory_space<vmem>> -> memref<128x16xf32, #tpu.memory_space<vmem>>
    %dma_wait3A_311 = arith.constant 0 : i32
    %dma_wait3A_312 = tpu.memref_slice %arg7[%dma_wait3A_305, %dma_wait3A_311] : memref<79x128xi32, #tpu.memory_space<vmem>> -> memref<1x128xi32, #tpu.memory_space<vmem>>
    %dma_wait3A_313 = tpu.memref_squeeze %dma_wait3A_312 : memref<1x128xi32, #tpu.memory_space<vmem>> -> memref<128xi32, #tpu.memory_space<vmem>>
    %dma_wait3A_314 = arith.constant 0 : i32
    %dma_wait3A_315 = arith.constant 0 : i32
    %dma_wait3A_316 = tpu.memref_slice %arg11[%dma_wait3A_314, %dma_wait3A_315] : memref<10000x16xf32, #tpu.memory_space<vmem_shared>> -> memref<10000x16xf32, #tpu.memory_space<vmem_shared>>
    tpu.wait_indirect_dma semaphore(%arg14 : memref<!tpu.dma_semaphore, #tpu.memory_space<semaphore_mem>>) src(%dma_wait3A_316 : memref<10000x16xf32, #tpu.memory_space<vmem_shared>>) dst(%dma_wait3A_310 : memref<128x16xf32, #tpu.memory_space<vmem>>)
    %dma_wait3A_317 = arith.constant 2 : i32
    %dma_wait3A_318 = arith.constant 66 : i32
    %dma_wait3A_319 = arith.constant 0 : i32
    %dma_wait3A_320 = arith.constant 0 : i32
    %dma_wait3A_321 = tpu.memref_slice %arg9[%dma_wait3A_317, %dma_wait3A_319, %dma_wait3A_320] : memref<8x128x16xf32, #tpu.memory_space<vmem>> -> memref<1x128x16xf32, #tpu.memory_space<vmem>>
    %dma_wait3A_322 = tpu.memref_squeeze %dma_wait3A_321 : memref<1x128x16xf32, #tpu.memory_space<vmem>> -> memref<128x16xf32, #tpu.memory_space<vmem>>
    %dma_wait3A_323 = arith.constant 0 : i32
    %dma_wait3A_324 = tpu.memref_slice %arg8[%dma_wait3A_318, %dma_wait3A_323] : memref<79x128xi32, #tpu.memory_space<vmem>> -> memref<1x128xi32, #tpu.memory_space<vmem>>
    %dma_wait3A_325 = tpu.memref_squeeze %dma_wait3A_324 : memref<1x128xi32, #tpu.memory_space<vmem>> -> memref<128xi32, #tpu.memory_space<vmem>>
    %dma_wait3A_326 = arith.constant 0 : i32
    %dma_wait3A_327 = arith.constant 0 : i32
    %dma_wait3A_328 = tpu.memref_slice %arg10[%dma_wait3A_326, %dma_wait3A_327] : memref<10128x16xf32, #tpu.memory_space<vmem_shared>> -> memref<10128x16xf32, #tpu.memory_space<vmem_shared>>
    tpu.wait_indirect_dma semaphore(%arg18 : memref<!tpu.dma_semaphore, #tpu.memory_space<semaphore_mem>>) src(%dma_wait3A_322 : memref<128x16xf32, #tpu.memory_space<vmem>>) dst(%dma_wait3A_328 : memref<10128x16xf32, #tpu.memory_space<vmem_shared>>)
    %dma_start3A_329 = arith.constant 6 : i32
    %dma_start3A_330 = arith.constant 70 : i32
    %dma_start3A_331 = arith.constant 0 : i32
    %dma_start3A_332 = arith.constant 0 : i32
    %dma_start3A_333 = tpu.memref_slice %arg9[%dma_start3A_329, %dma_start3A_331, %dma_start3A_332] : memref<8x128x16xf32, #tpu.memory_space<vmem>> -> memref<1x128x16xf32, #tpu.memory_space<vmem>>
    %dma_start3A_334 = tpu.memref_squeeze %dma_start3A_333 : memref<1x128x16xf32, #tpu.memory_space<vmem>> -> memref<128x16xf32, #tpu.memory_space<vmem>>
    %dma_start3A_335 = arith.constant 0 : i32
    %dma_start3A_336 = tpu.memref_slice %arg8[%dma_start3A_330, %dma_start3A_335] : memref<79x128xi32, #tpu.memory_space<vmem>> -> memref<1x128xi32, #tpu.memory_space<vmem>>
    %dma_start3A_337 = tpu.memref_squeeze %dma_start3A_336 : memref<1x128xi32, #tpu.memory_space<vmem>> -> memref<128xi32, #tpu.memory_space<vmem>>
    %dma_start3A_338 = arith.constant 0 : i32
    %dma_start3A_339 = arith.constant 0 : i32
    %dma_start3A_340 = tpu.memref_slice %arg10[%dma_start3A_338, %dma_start3A_339] : memref<10128x16xf32, #tpu.memory_space<vmem_shared>> -> memref<10128x16xf32, #tpu.memory_space<vmem_shared>>
    tpu.enqueue_indirect_dma source(%dma_start3A_334 : memref<128x16xf32, #tpu.memory_space<vmem>>) target(%dma_start3A_340 : memref<10128x16xf32, #tpu.memory_space<vmem_shared>>) offsets(%dma_start3A_337 : memref<128xi32, #tpu.memory_space<vmem>>) semaphore(%arg18 : memref<!tpu.dma_semaphore, #tpu.memory_space<semaphore_mem>>) {add = true}
    %dma_start3A_341 = arith.constant 74 : i32
    %dma_start3A_342 = arith.constant 2 : i32
    %dma_start3A_343 = arith.constant 0 : i32
    %dma_start3A_344 = arith.constant 0 : i32
    %dma_start3A_345 = tpu.memref_slice %arg9[%dma_start3A_342, %dma_start3A_343, %dma_start3A_344] : memref<8x128x16xf32, #tpu.memory_space<vmem>> -> memref<1x128x16xf32, #tpu.memory_space<vmem>>
    %dma_start3A_346 = tpu.memref_squeeze %dma_start3A_345 : memref<1x128x16xf32, #tpu.memory_space<vmem>> -> memref<128x16xf32, #tpu.memory_space<vmem>>
    %dma_start3A_347 = arith.constant 0 : i32
    %dma_start3A_348 = tpu.memref_slice %arg7[%dma_start3A_341, %dma_start3A_347] : memref<79x128xi32, #tpu.memory_space<vmem>> -> memref<1x128xi32, #tpu.memory_space<vmem>>
    %dma_start3A_349 = tpu.memref_squeeze %dma_start3A_348 : memref<1x128xi32, #tpu.memory_space<vmem>> -> memref<128xi32, #tpu.memory_space<vmem>>
    %dma_start3A_350 = arith.constant 0 : i32
    %dma_start3A_351 = arith.constant 0 : i32
    %dma_start3A_352 = tpu.memref_slice %arg11[%dma_start3A_350, %dma_start3A_351] : memref<10000x16xf32, #tpu.memory_space<vmem_shared>> -> memref<10000x16xf32, #tpu.memory_space<vmem_shared>>
    tpu.enqueue_indirect_dma source(%dma_start3A_352 : memref<10000x16xf32, #tpu.memory_space<vmem_shared>>) target(%dma_start3A_346 : memref<128x16xf32, #tpu.memory_space<vmem>>) offsets(%dma_start3A_349 : memref<128xi32, #tpu.memory_space<vmem>>) semaphore(%arg14 : memref<!tpu.dma_semaphore, #tpu.memory_space<semaphore_mem>>)
    %dma_wait3A_353 = arith.constant 71 : i32
    %dma_wait3A_354 = arith.constant 7 : i32
    %dma_wait3A_355 = arith.constant 0 : i32
    %dma_wait3A_356 = arith.constant 0 : i32
    %dma_wait3A_357 = tpu.memref_slice %arg9[%dma_wait3A_354, %dma_wait3A_355, %dma_wait3A_356] : memref<8x128x16xf32, #tpu.memory_space<vmem>> -> memref<1x128x16xf32, #tpu.memory_space<vmem>>
    %dma_wait3A_358 = tpu.memref_squeeze %dma_wait3A_357 : memref<1x128x16xf32, #tpu.memory_space<vmem>> -> memref<128x16xf32, #tpu.memory_space<vmem>>
    %dma_wait3A_359 = arith.constant 0 : i32
    %dma_wait3A_360 = tpu.memref_slice %arg7[%dma_wait3A_353, %dma_wait3A_359] : memref<79x128xi32, #tpu.memory_space<vmem>> -> memref<1x128xi32, #tpu.memory_space<vmem>>
    %dma_wait3A_361 = tpu.memref_squeeze %dma_wait3A_360 : memref<1x128xi32, #tpu.memory_space<vmem>> -> memref<128xi32, #tpu.memory_space<vmem>>
    %dma_wait3A_362 = arith.constant 0 : i32
    %dma_wait3A_363 = arith.constant 0 : i32
    %dma_wait3A_364 = tpu.memref_slice %arg11[%dma_wait3A_362, %dma_wait3A_363] : memref<10000x16xf32, #tpu.memory_space<vmem_shared>> -> memref<10000x16xf32, #tpu.memory_space<vmem_shared>>
    tpu.wait_indirect_dma semaphore(%arg15 : memref<!tpu.dma_semaphore, #tpu.memory_space<semaphore_mem>>) src(%dma_wait3A_364 : memref<10000x16xf32, #tpu.memory_space<vmem_shared>>) dst(%dma_wait3A_358 : memref<128x16xf32, #tpu.memory_space<vmem>>)
    %dma_wait3A_365 = arith.constant 3 : i32
    %dma_wait3A_366 = arith.constant 67 : i32
    %dma_wait3A_367 = arith.constant 0 : i32
    %dma_wait3A_368 = arith.constant 0 : i32
    %dma_wait3A_369 = tpu.memref_slice %arg9[%dma_wait3A_365, %dma_wait3A_367, %dma_wait3A_368] : memref<8x128x16xf32, #tpu.memory_space<vmem>> -> memref<1x128x16xf32, #tpu.memory_space<vmem>>
    %dma_wait3A_370 = tpu.memref_squeeze %dma_wait3A_369 : memref<1x128x16xf32, #tpu.memory_space<vmem>> -> memref<128x16xf32, #tpu.memory_space<vmem>>
    %dma_wait3A_371 = arith.constant 0 : i32
    %dma_wait3A_372 = tpu.memref_slice %arg8[%dma_wait3A_366, %dma_wait3A_371] : memref<79x128xi32, #tpu.memory_space<vmem>> -> memref<1x128xi32, #tpu.memory_space<vmem>>
    %dma_wait3A_373 = tpu.memref_squeeze %dma_wait3A_372 : memref<1x128xi32, #tpu.memory_space<vmem>> -> memref<128xi32, #tpu.memory_space<vmem>>
    %dma_wait3A_374 = arith.constant 0 : i32
    %dma_wait3A_375 = arith.constant 0 : i32
    %dma_wait3A_376 = tpu.memref_slice %arg10[%dma_wait3A_374, %dma_wait3A_375] : memref<10128x16xf32, #tpu.memory_space<vmem_shared>> -> memref<10128x16xf32, #tpu.memory_space<vmem_shared>>
    tpu.wait_indirect_dma semaphore(%arg19 : memref<!tpu.dma_semaphore, #tpu.memory_space<semaphore_mem>>) src(%dma_wait3A_370 : memref<128x16xf32, #tpu.memory_space<vmem>>) dst(%dma_wait3A_376 : memref<10128x16xf32, #tpu.memory_space<vmem_shared>>)
    %dma_start3A_377 = arith.constant 7 : i32
    %dma_start3A_378 = arith.constant 71 : i32
    %dma_start3A_379 = arith.constant 0 : i32
    %dma_start3A_380 = arith.constant 0 : i32
    %dma_start3A_381 = tpu.memref_slice %arg9[%dma_start3A_377, %dma_start3A_379, %dma_start3A_380] : memref<8x128x16xf32, #tpu.memory_space<vmem>> -> memref<1x128x16xf32, #tpu.memory_space<vmem>>
    %dma_start3A_382 = tpu.memref_squeeze %dma_start3A_381 : memref<1x128x16xf32, #tpu.memory_space<vmem>> -> memref<128x16xf32, #tpu.memory_space<vmem>>
    %dma_start3A_383 = arith.constant 0 : i32
    %dma_start3A_384 = tpu.memref_slice %arg8[%dma_start3A_378, %dma_start3A_383] : memref<79x128xi32, #tpu.memory_space<vmem>> -> memref<1x128xi32, #tpu.memory_space<vmem>>
    %dma_start3A_385 = tpu.memref_squeeze %dma_start3A_384 : memref<1x128xi32, #tpu.memory_space<vmem>> -> memref<128xi32, #tpu.memory_space<vmem>>
    %dma_start3A_386 = arith.constant 0 : i32
    %dma_start3A_387 = arith.constant 0 : i32
    %dma_start3A_388 = tpu.memref_slice %arg10[%dma_start3A_386, %dma_start3A_387] : memref<10128x16xf32, #tpu.memory_space<vmem_shared>> -> memref<10128x16xf32, #tpu.memory_space<vmem_shared>>
    tpu.enqueue_indirect_dma source(%dma_start3A_382 : memref<128x16xf32, #tpu.memory_space<vmem>>) target(%dma_start3A_388 : memref<10128x16xf32, #tpu.memory_space<vmem_shared>>) offsets(%dma_start3A_385 : memref<128xi32, #tpu.memory_space<vmem>>) semaphore(%arg19 : memref<!tpu.dma_semaphore, #tpu.memory_space<semaphore_mem>>) {add = true}
    %dma_start3A_389 = arith.constant 75 : i32
    %dma_start3A_390 = arith.constant 3 : i32
    %dma_start3A_391 = arith.constant 0 : i32
    %dma_start3A_392 = arith.constant 0 : i32
    %dma_start3A_393 = tpu.memref_slice %arg9[%dma_start3A_390, %dma_start3A_391, %dma_start3A_392] : memref<8x128x16xf32, #tpu.memory_space<vmem>> -> memref<1x128x16xf32, #tpu.memory_space<vmem>>
    %dma_start3A_394 = tpu.memref_squeeze %dma_start3A_393 : memref<1x128x16xf32, #tpu.memory_space<vmem>> -> memref<128x16xf32, #tpu.memory_space<vmem>>
    %dma_start3A_395 = arith.constant 0 : i32
    %dma_start3A_396 = tpu.memref_slice %arg7[%dma_start3A_389, %dma_start3A_395] : memref<79x128xi32, #tpu.memory_space<vmem>> -> memref<1x128xi32, #tpu.memory_space<vmem>>
    %dma_start3A_397 = tpu.memref_squeeze %dma_start3A_396 : memref<1x128xi32, #tpu.memory_space<vmem>> -> memref<128xi32, #tpu.memory_space<vmem>>
    %dma_start3A_398 = arith.constant 0 : i32
    %dma_start3A_399 = arith.constant 0 : i32
    %dma_start3A_400 = tpu.memref_slice %arg11[%dma_start3A_398, %dma_start3A_399] : memref<10000x16xf32, #tpu.memory_space<vmem_shared>> -> memref<10000x16xf32, #tpu.memory_space<vmem_shared>>
    tpu.enqueue_indirect_dma source(%dma_start3A_400 : memref<10000x16xf32, #tpu.memory_space<vmem_shared>>) target(%dma_start3A_394 : memref<128x16xf32, #tpu.memory_space<vmem>>) offsets(%dma_start3A_397 : memref<128xi32, #tpu.memory_space<vmem>>) semaphore(%arg15 : memref<!tpu.dma_semaphore, #tpu.memory_space<semaphore_mem>>)
    %dma_wait3A_401 = arith.constant 72 : i32
    %dma_wait3A_402 = arith.constant 0 : i32
    %dma_wait3A_403 = arith.constant 0 : i32
    %dma_wait3A_404 = arith.constant 0 : i32
    %dma_wait3A_405 = tpu.memref_slice %arg9[%dma_wait3A_402, %dma_wait3A_403, %dma_wait3A_404] : memref<8x128x16xf32, #tpu.memory_space<vmem>> -> memref<1x128x16xf32, #tpu.memory_space<vmem>>
    %dma_wait3A_406 = tpu.memref_squeeze %dma_wait3A_405 : memref<1x128x16xf32, #tpu.memory_space<vmem>> -> memref<128x16xf32, #tpu.memory_space<vmem>>
    %dma_wait3A_407 = arith.constant 0 : i32
    %dma_wait3A_408 = tpu.memref_slice %arg7[%dma_wait3A_401, %dma_wait3A_407] : memref<79x128xi32, #tpu.memory_space<vmem>> -> memref<1x128xi32, #tpu.memory_space<vmem>>
    %dma_wait3A_409 = tpu.memref_squeeze %dma_wait3A_408 : memref<1x128xi32, #tpu.memory_space<vmem>> -> memref<128xi32, #tpu.memory_space<vmem>>
    %dma_wait3A_410 = arith.constant 0 : i32
    %dma_wait3A_411 = arith.constant 0 : i32
    %dma_wait3A_412 = tpu.memref_slice %arg11[%dma_wait3A_410, %dma_wait3A_411] : memref<10000x16xf32, #tpu.memory_space<vmem_shared>> -> memref<10000x16xf32, #tpu.memory_space<vmem_shared>>
    tpu.wait_indirect_dma semaphore(%arg12 : memref<!tpu.dma_semaphore, #tpu.memory_space<semaphore_mem>>) src(%dma_wait3A_412 : memref<10000x16xf32, #tpu.memory_space<vmem_shared>>) dst(%dma_wait3A_406 : memref<128x16xf32, #tpu.memory_space<vmem>>)
    %dma_wait3A_413 = arith.constant 4 : i32
    %dma_wait3A_414 = arith.constant 68 : i32
    %dma_wait3A_415 = arith.constant 0 : i32
    %dma_wait3A_416 = arith.constant 0 : i32
    %dma_wait3A_417 = tpu.memref_slice %arg9[%dma_wait3A_413, %dma_wait3A_415, %dma_wait3A_416] : memref<8x128x16xf32, #tpu.memory_space<vmem>> -> memref<1x128x16xf32, #tpu.memory_space<vmem>>
    %dma_wait3A_418 = tpu.memref_squeeze %dma_wait3A_417 : memref<1x128x16xf32, #tpu.memory_space<vmem>> -> memref<128x16xf32, #tpu.memory_space<vmem>>
    %dma_wait3A_419 = arith.constant 0 : i32
    %dma_wait3A_420 = tpu.memref_slice %arg8[%dma_wait3A_414, %dma_wait3A_419] : memref<79x128xi32, #tpu.memory_space<vmem>> -> memref<1x128xi32, #tpu.memory_space<vmem>>
    %dma_wait3A_421 = tpu.memref_squeeze %dma_wait3A_420 : memref<1x128xi32, #tpu.memory_space<vmem>> -> memref<128xi32, #tpu.memory_space<vmem>>
    %dma_wait3A_422 = arith.constant 0 : i32
    %dma_wait3A_423 = arith.constant 0 : i32
    %dma_wait3A_424 = tpu.memref_slice %arg10[%dma_wait3A_422, %dma_wait3A_423] : memref<10128x16xf32, #tpu.memory_space<vmem_shared>> -> memref<10128x16xf32, #tpu.memory_space<vmem_shared>>
    tpu.wait_indirect_dma semaphore(%arg16 : memref<!tpu.dma_semaphore, #tpu.memory_space<semaphore_mem>>) src(%dma_wait3A_418 : memref<128x16xf32, #tpu.memory_space<vmem>>) dst(%dma_wait3A_424 : memref<10128x16xf32, #tpu.memory_space<vmem_shared>>)
    %dma_start3A_425 = arith.constant 0 : i32
    %dma_start3A_426 = arith.constant 72 : i32
    %dma_start3A_427 = arith.constant 0 : i32
    %dma_start3A_428 = arith.constant 0 : i32
    %dma_start3A_429 = tpu.memref_slice %arg9[%dma_start3A_425, %dma_start3A_427, %dma_start3A_428] : memref<8x128x16xf32, #tpu.memory_space<vmem>> -> memref<1x128x16xf32, #tpu.memory_space<vmem>>
    %dma_start3A_430 = tpu.memref_squeeze %dma_start3A_429 : memref<1x128x16xf32, #tpu.memory_space<vmem>> -> memref<128x16xf32, #tpu.memory_space<vmem>>
    %dma_start3A_431 = arith.constant 0 : i32
    %dma_start3A_432 = tpu.memref_slice %arg8[%dma_start3A_426, %dma_start3A_431] : memref<79x128xi32, #tpu.memory_space<vmem>> -> memref<1x128xi32, #tpu.memory_space<vmem>>
    %dma_start3A_433 = tpu.memref_squeeze %dma_start3A_432 : memref<1x128xi32, #tpu.memory_space<vmem>> -> memref<128xi32, #tpu.memory_space<vmem>>
    %dma_start3A_434 = arith.constant 0 : i32
    %dma_start3A_435 = arith.constant 0 : i32
    %dma_start3A_436 = tpu.memref_slice %arg10[%dma_start3A_434, %dma_start3A_435] : memref<10128x16xf32, #tpu.memory_space<vmem_shared>> -> memref<10128x16xf32, #tpu.memory_space<vmem_shared>>
    tpu.enqueue_indirect_dma source(%dma_start3A_430 : memref<128x16xf32, #tpu.memory_space<vmem>>) target(%dma_start3A_436 : memref<10128x16xf32, #tpu.memory_space<vmem_shared>>) offsets(%dma_start3A_433 : memref<128xi32, #tpu.memory_space<vmem>>) semaphore(%arg16 : memref<!tpu.dma_semaphore, #tpu.memory_space<semaphore_mem>>) {add = true}
    %dma_start3A_437 = arith.constant 76 : i32
    %dma_start3A_438 = arith.constant 4 : i32
    %dma_start3A_439 = arith.constant 0 : i32
    %dma_start3A_440 = arith.constant 0 : i32
    %dma_start3A_441 = tpu.memref_slice %arg9[%dma_start3A_438, %dma_start3A_439, %dma_start3A_440] : memref<8x128x16xf32, #tpu.memory_space<vmem>> -> memref<1x128x16xf32, #tpu.memory_space<vmem>>
    %dma_start3A_442 = tpu.memref_squeeze %dma_start3A_441 : memref<1x128x16xf32, #tpu.memory_space<vmem>> -> memref<128x16xf32, #tpu.memory_space<vmem>>
    %dma_start3A_443 = arith.constant 0 : i32
    %dma_start3A_444 = tpu.memref_slice %arg7[%dma_start3A_437, %dma_start3A_443] : memref<79x128xi32, #tpu.memory_space<vmem>> -> memref<1x128xi32, #tpu.memory_space<vmem>>
    %dma_start3A_445 = tpu.memref_squeeze %dma_start3A_444 : memref<1x128xi32, #tpu.memory_space<vmem>> -> memref<128xi32, #tpu.memory_space<vmem>>
    %dma_start3A_446 = arith.constant 0 : i32
    %dma_start3A_447 = arith.constant 0 : i32
    %dma_start3A_448 = tpu.memref_slice %arg11[%dma_start3A_446, %dma_start3A_447] : memref<10000x16xf32, #tpu.memory_space<vmem_shared>> -> memref<10000x16xf32, #tpu.memory_space<vmem_shared>>
    tpu.enqueue_indirect_dma source(%dma_start3A_448 : memref<10000x16xf32, #tpu.memory_space<vmem_shared>>) target(%dma_start3A_442 : memref<128x16xf32, #tpu.memory_space<vmem>>) offsets(%dma_start3A_445 : memref<128xi32, #tpu.memory_space<vmem>>) semaphore(%arg12 : memref<!tpu.dma_semaphore, #tpu.memory_space<semaphore_mem>>)
    %dma_wait3A_449 = arith.constant 73 : i32
    %dma_wait3A_450 = arith.constant 1 : i32
    %dma_wait3A_451 = arith.constant 0 : i32
    %dma_wait3A_452 = arith.constant 0 : i32
    %dma_wait3A_453 = tpu.memref_slice %arg9[%dma_wait3A_450, %dma_wait3A_451, %dma_wait3A_452] : memref<8x128x16xf32, #tpu.memory_space<vmem>> -> memref<1x128x16xf32, #tpu.memory_space<vmem>>
    %dma_wait3A_454 = tpu.memref_squeeze %dma_wait3A_453 : memref<1x128x16xf32, #tpu.memory_space<vmem>> -> memref<128x16xf32, #tpu.memory_space<vmem>>
    %dma_wait3A_455 = arith.constant 0 : i32
    %dma_wait3A_456 = tpu.memref_slice %arg7[%dma_wait3A_449, %dma_wait3A_455] : memref<79x128xi32, #tpu.memory_space<vmem>> -> memref<1x128xi32, #tpu.memory_space<vmem>>
    %dma_wait3A_457 = tpu.memref_squeeze %dma_wait3A_456 : memref<1x128xi32, #tpu.memory_space<vmem>> -> memref<128xi32, #tpu.memory_space<vmem>>
    %dma_wait3A_458 = arith.constant 0 : i32
    %dma_wait3A_459 = arith.constant 0 : i32
    %dma_wait3A_460 = tpu.memref_slice %arg11[%dma_wait3A_458, %dma_wait3A_459] : memref<10000x16xf32, #tpu.memory_space<vmem_shared>> -> memref<10000x16xf32, #tpu.memory_space<vmem_shared>>
    tpu.wait_indirect_dma semaphore(%arg13 : memref<!tpu.dma_semaphore, #tpu.memory_space<semaphore_mem>>) src(%dma_wait3A_460 : memref<10000x16xf32, #tpu.memory_space<vmem_shared>>) dst(%dma_wait3A_454 : memref<128x16xf32, #tpu.memory_space<vmem>>)
    %dma_wait3A_461 = arith.constant 5 : i32
    %dma_wait3A_462 = arith.constant 69 : i32
    %dma_wait3A_463 = arith.constant 0 : i32
    %dma_wait3A_464 = arith.constant 0 : i32
    %dma_wait3A_465 = tpu.memref_slice %arg9[%dma_wait3A_461, %dma_wait3A_463, %dma_wait3A_464] : memref<8x128x16xf32, #tpu.memory_space<vmem>> -> memref<1x128x16xf32, #tpu.memory_space<vmem>>
    %dma_wait3A_466 = tpu.memref_squeeze %dma_wait3A_465 : memref<1x128x16xf32, #tpu.memory_space<vmem>> -> memref<128x16xf32, #tpu.memory_space<vmem>>
    %dma_wait3A_467 = arith.constant 0 : i32
    %dma_wait3A_468 = tpu.memref_slice %arg8[%dma_wait3A_462, %dma_wait3A_467] : memref<79x128xi32, #tpu.memory_space<vmem>> -> memref<1x128xi32, #tpu.memory_space<vmem>>
    %dma_wait3A_469 = tpu.memref_squeeze %dma_wait3A_468 : memref<1x128xi32, #tpu.memory_space<vmem>> -> memref<128xi32, #tpu.memory_space<vmem>>
    %dma_wait3A_470 = arith.constant 0 : i32
    %dma_wait3A_471 = arith.constant 0 : i32
    %dma_wait3A_472 = tpu.memref_slice %arg10[%dma_wait3A_470, %dma_wait3A_471] : memref<10128x16xf32, #tpu.memory_space<vmem_shared>> -> memref<10128x16xf32, #tpu.memory_space<vmem_shared>>
    tpu.wait_indirect_dma semaphore(%arg17 : memref<!tpu.dma_semaphore, #tpu.memory_space<semaphore_mem>>) src(%dma_wait3A_466 : memref<128x16xf32, #tpu.memory_space<vmem>>) dst(%dma_wait3A_472 : memref<10128x16xf32, #tpu.memory_space<vmem_shared>>)
    %dma_start3A_473 = arith.constant 1 : i32
    %dma_start3A_474 = arith.constant 73 : i32
    %dma_start3A_475 = arith.constant 0 : i32
    %dma_start3A_476 = arith.constant 0 : i32
    %dma_start3A_477 = tpu.memref_slice %arg9[%dma_start3A_473, %dma_start3A_475, %dma_start3A_476] : memref<8x128x16xf32, #tpu.memory_space<vmem>> -> memref<1x128x16xf32, #tpu.memory_space<vmem>>
    %dma_start3A_478 = tpu.memref_squeeze %dma_start3A_477 : memref<1x128x16xf32, #tpu.memory_space<vmem>> -> memref<128x16xf32, #tpu.memory_space<vmem>>
    %dma_start3A_479 = arith.constant 0 : i32
    %dma_start3A_480 = tpu.memref_slice %arg8[%dma_start3A_474, %dma_start3A_479] : memref<79x128xi32, #tpu.memory_space<vmem>> -> memref<1x128xi32, #tpu.memory_space<vmem>>
    %dma_start3A_481 = tpu.memref_squeeze %dma_start3A_480 : memref<1x128xi32, #tpu.memory_space<vmem>> -> memref<128xi32, #tpu.memory_space<vmem>>
    %dma_start3A_482 = arith.constant 0 : i32
    %dma_start3A_483 = arith.constant 0 : i32
    %dma_start3A_484 = tpu.memref_slice %arg10[%dma_start3A_482, %dma_start3A_483] : memref<10128x16xf32, #tpu.memory_space<vmem_shared>> -> memref<10128x16xf32, #tpu.memory_space<vmem_shared>>
    tpu.enqueue_indirect_dma source(%dma_start3A_478 : memref<128x16xf32, #tpu.memory_space<vmem>>) target(%dma_start3A_484 : memref<10128x16xf32, #tpu.memory_space<vmem_shared>>) offsets(%dma_start3A_481 : memref<128xi32, #tpu.memory_space<vmem>>) semaphore(%arg17 : memref<!tpu.dma_semaphore, #tpu.memory_space<semaphore_mem>>) {add = true}
    %dma_start3A_485 = arith.constant 77 : i32
    %dma_start3A_486 = arith.constant 5 : i32
    %dma_start3A_487 = arith.constant 0 : i32
    %dma_start3A_488 = arith.constant 0 : i32
    %dma_start3A_489 = tpu.memref_slice %arg9[%dma_start3A_486, %dma_start3A_487, %dma_start3A_488] : memref<8x128x16xf32, #tpu.memory_space<vmem>> -> memref<1x128x16xf32, #tpu.memory_space<vmem>>
    %dma_start3A_490 = tpu.memref_squeeze %dma_start3A_489 : memref<1x128x16xf32, #tpu.memory_space<vmem>> -> memref<128x16xf32, #tpu.memory_space<vmem>>
    %dma_start3A_491 = arith.constant 0 : i32
    %dma_start3A_492 = tpu.memref_slice %arg7[%dma_start3A_485, %dma_start3A_491] : memref<79x128xi32, #tpu.memory_space<vmem>> -> memref<1x128xi32, #tpu.memory_space<vmem>>
    %dma_start3A_493 = tpu.memref_squeeze %dma_start3A_492 : memref<1x128xi32, #tpu.memory_space<vmem>> -> memref<128xi32, #tpu.memory_space<vmem>>
    %dma_start3A_494 = arith.constant 0 : i32
    %dma_start3A_495 = arith.constant 0 : i32
    %dma_start3A_496 = tpu.memref_slice %arg11[%dma_start3A_494, %dma_start3A_495] : memref<10000x16xf32, #tpu.memory_space<vmem_shared>> -> memref<10000x16xf32, #tpu.memory_space<vmem_shared>>
    tpu.enqueue_indirect_dma source(%dma_start3A_496 : memref<10000x16xf32, #tpu.memory_space<vmem_shared>>) target(%dma_start3A_490 : memref<128x16xf32, #tpu.memory_space<vmem>>) offsets(%dma_start3A_493 : memref<128xi32, #tpu.memory_space<vmem>>) semaphore(%arg13 : memref<!tpu.dma_semaphore, #tpu.memory_space<semaphore_mem>>)
    %dma_wait3A_497 = arith.constant 74 : i32
    %dma_wait3A_498 = arith.constant 2 : i32
    %dma_wait3A_499 = arith.constant 0 : i32
    %dma_wait3A_500 = arith.constant 0 : i32
    %dma_wait3A_501 = tpu.memref_slice %arg9[%dma_wait3A_498, %dma_wait3A_499, %dma_wait3A_500] : memref<8x128x16xf32, #tpu.memory_space<vmem>> -> memref<1x128x16xf32, #tpu.memory_space<vmem>>
    %dma_wait3A_502 = tpu.memref_squeeze %dma_wait3A_501 : memref<1x128x16xf32, #tpu.memory_space<vmem>> -> memref<128x16xf32, #tpu.memory_space<vmem>>
    %dma_wait3A_503 = arith.constant 0 : i32
    %dma_wait3A_504 = tpu.memref_slice %arg7[%dma_wait3A_497, %dma_wait3A_503] : memref<79x128xi32, #tpu.memory_space<vmem>> -> memref<1x128xi32, #tpu.memory_space<vmem>>
    %dma_wait3A_505 = tpu.memref_squeeze %dma_wait3A_504 : memref<1x128xi32, #tpu.memory_space<vmem>> -> memref<128xi32, #tpu.memory_space<vmem>>
    %dma_wait3A_506 = arith.constant 0 : i32
    %dma_wait3A_507 = arith.constant 0 : i32
    %dma_wait3A_508 = tpu.memref_slice %arg11[%dma_wait3A_506, %dma_wait3A_507] : memref<10000x16xf32, #tpu.memory_space<vmem_shared>> -> memref<10000x16xf32, #tpu.memory_space<vmem_shared>>
    tpu.wait_indirect_dma semaphore(%arg14 : memref<!tpu.dma_semaphore, #tpu.memory_space<semaphore_mem>>) src(%dma_wait3A_508 : memref<10000x16xf32, #tpu.memory_space<vmem_shared>>) dst(%dma_wait3A_502 : memref<128x16xf32, #tpu.memory_space<vmem>>)
    %dma_wait3A_509 = arith.constant 6 : i32
    %dma_wait3A_510 = arith.constant 70 : i32
    %dma_wait3A_511 = arith.constant 0 : i32
    %dma_wait3A_512 = arith.constant 0 : i32
    %dma_wait3A_513 = tpu.memref_slice %arg9[%dma_wait3A_509, %dma_wait3A_511, %dma_wait3A_512] : memref<8x128x16xf32, #tpu.memory_space<vmem>> -> memref<1x128x16xf32, #tpu.memory_space<vmem>>
    %dma_wait3A_514 = tpu.memref_squeeze %dma_wait3A_513 : memref<1x128x16xf32, #tpu.memory_space<vmem>> -> memref<128x16xf32, #tpu.memory_space<vmem>>
    %dma_wait3A_515 = arith.constant 0 : i32
    %dma_wait3A_516 = tpu.memref_slice %arg8[%dma_wait3A_510, %dma_wait3A_515] : memref<79x128xi32, #tpu.memory_space<vmem>> -> memref<1x128xi32, #tpu.memory_space<vmem>>
    %dma_wait3A_517 = tpu.memref_squeeze %dma_wait3A_516 : memref<1x128xi32, #tpu.memory_space<vmem>> -> memref<128xi32, #tpu.memory_space<vmem>>
    %dma_wait3A_518 = arith.constant 0 : i32
    %dma_wait3A_519 = arith.constant 0 : i32
    %dma_wait3A_520 = tpu.memref_slice %arg10[%dma_wait3A_518, %dma_wait3A_519] : memref<10128x16xf32, #tpu.memory_space<vmem_shared>> -> memref<10128x16xf32, #tpu.memory_space<vmem_shared>>
    tpu.wait_indirect_dma semaphore(%arg18 : memref<!tpu.dma_semaphore, #tpu.memory_space<semaphore_mem>>) src(%dma_wait3A_514 : memref<128x16xf32, #tpu.memory_space<vmem>>) dst(%dma_wait3A_520 : memref<10128x16xf32, #tpu.memory_space<vmem_shared>>)
    %dma_start3A_521 = arith.constant 2 : i32
    %dma_start3A_522 = arith.constant 74 : i32
    %dma_start3A_523 = arith.constant 0 : i32
    %dma_start3A_524 = arith.constant 0 : i32
    %dma_start3A_525 = tpu.memref_slice %arg9[%dma_start3A_521, %dma_start3A_523, %dma_start3A_524] : memref<8x128x16xf32, #tpu.memory_space<vmem>> -> memref<1x128x16xf32, #tpu.memory_space<vmem>>
    %dma_start3A_526 = tpu.memref_squeeze %dma_start3A_525 : memref<1x128x16xf32, #tpu.memory_space<vmem>> -> memref<128x16xf32, #tpu.memory_space<vmem>>
    %dma_start3A_527 = arith.constant 0 : i32
    %dma_start3A_528 = tpu.memref_slice %arg8[%dma_start3A_522, %dma_start3A_527] : memref<79x128xi32, #tpu.memory_space<vmem>> -> memref<1x128xi32, #tpu.memory_space<vmem>>
    %dma_start3A_529 = tpu.memref_squeeze %dma_start3A_528 : memref<1x128xi32, #tpu.memory_space<vmem>> -> memref<128xi32, #tpu.memory_space<vmem>>
    %dma_start3A_530 = arith.constant 0 : i32
    %dma_start3A_531 = arith.constant 0 : i32
    %dma_start3A_532 = tpu.memref_slice %arg10[%dma_start3A_530, %dma_start3A_531] : memref<10128x16xf32, #tpu.memory_space<vmem_shared>> -> memref<10128x16xf32, #tpu.memory_space<vmem_shared>>
    tpu.enqueue_indirect_dma source(%dma_start3A_526 : memref<128x16xf32, #tpu.memory_space<vmem>>) target(%dma_start3A_532 : memref<10128x16xf32, #tpu.memory_space<vmem_shared>>) offsets(%dma_start3A_529 : memref<128xi32, #tpu.memory_space<vmem>>) semaphore(%arg18 : memref<!tpu.dma_semaphore, #tpu.memory_space<semaphore_mem>>) {add = true}
    %dma_start3A_533 = arith.constant 78 : i32
    %dma_start3A_534 = arith.constant 6 : i32
    %dma_start3A_535 = arith.constant 0 : i32
    %dma_start3A_536 = arith.constant 0 : i32
    %dma_start3A_537 = tpu.memref_slice %arg9[%dma_start3A_534, %dma_start3A_535, %dma_start3A_536] : memref<8x128x16xf32, #tpu.memory_space<vmem>> -> memref<1x128x16xf32, #tpu.memory_space<vmem>>
    %dma_start3A_538 = tpu.memref_squeeze %dma_start3A_537 : memref<1x128x16xf32, #tpu.memory_space<vmem>> -> memref<128x16xf32, #tpu.memory_space<vmem>>
    %dma_start3A_539 = arith.constant 0 : i32
    %dma_start3A_540 = tpu.memref_slice %arg7[%dma_start3A_533, %dma_start3A_539] : memref<79x128xi32, #tpu.memory_space<vmem>> -> memref<1x128xi32, #tpu.memory_space<vmem>>
    %dma_start3A_541 = tpu.memref_squeeze %dma_start3A_540 : memref<1x128xi32, #tpu.memory_space<vmem>> -> memref<128xi32, #tpu.memory_space<vmem>>
    %dma_start3A_542 = arith.constant 0 : i32
    %dma_start3A_543 = arith.constant 0 : i32
    %dma_start3A_544 = tpu.memref_slice %arg11[%dma_start3A_542, %dma_start3A_543] : memref<10000x16xf32, #tpu.memory_space<vmem_shared>> -> memref<10000x16xf32, #tpu.memory_space<vmem_shared>>
    tpu.enqueue_indirect_dma source(%dma_start3A_544 : memref<10000x16xf32, #tpu.memory_space<vmem_shared>>) target(%dma_start3A_538 : memref<128x16xf32, #tpu.memory_space<vmem>>) offsets(%dma_start3A_541 : memref<128xi32, #tpu.memory_space<vmem>>) semaphore(%arg14 : memref<!tpu.dma_semaphore, #tpu.memory_space<semaphore_mem>>)
    %dma_wait3A_545 = arith.constant 75 : i32
    %dma_wait3A_546 = arith.constant 3 : i32
    %dma_wait3A_547 = arith.constant 0 : i32
    %dma_wait3A_548 = arith.constant 0 : i32
    %dma_wait3A_549 = tpu.memref_slice %arg9[%dma_wait3A_546, %dma_wait3A_547, %dma_wait3A_548] : memref<8x128x16xf32, #tpu.memory_space<vmem>> -> memref<1x128x16xf32, #tpu.memory_space<vmem>>
    %dma_wait3A_550 = tpu.memref_squeeze %dma_wait3A_549 : memref<1x128x16xf32, #tpu.memory_space<vmem>> -> memref<128x16xf32, #tpu.memory_space<vmem>>
    %dma_wait3A_551 = arith.constant 0 : i32
    %dma_wait3A_552 = tpu.memref_slice %arg7[%dma_wait3A_545, %dma_wait3A_551] : memref<79x128xi32, #tpu.memory_space<vmem>> -> memref<1x128xi32, #tpu.memory_space<vmem>>
    %dma_wait3A_553 = tpu.memref_squeeze %dma_wait3A_552 : memref<1x128xi32, #tpu.memory_space<vmem>> -> memref<128xi32, #tpu.memory_space<vmem>>
    %dma_wait3A_554 = arith.constant 0 : i32
    %dma_wait3A_555 = arith.constant 0 : i32
    %dma_wait3A_556 = tpu.memref_slice %arg11[%dma_wait3A_554, %dma_wait3A_555] : memref<10000x16xf32, #tpu.memory_space<vmem_shared>> -> memref<10000x16xf32, #tpu.memory_space<vmem_shared>>
    tpu.wait_indirect_dma semaphore(%arg15 : memref<!tpu.dma_semaphore, #tpu.memory_space<semaphore_mem>>) src(%dma_wait3A_556 : memref<10000x16xf32, #tpu.memory_space<vmem_shared>>) dst(%dma_wait3A_550 : memref<128x16xf32, #tpu.memory_space<vmem>>)
    %dma_wait3A_557 = arith.constant 7 : i32
    %dma_wait3A_558 = arith.constant 71 : i32
    %dma_wait3A_559 = arith.constant 0 : i32
    %dma_wait3A_560 = arith.constant 0 : i32
    %dma_wait3A_561 = tpu.memref_slice %arg9[%dma_wait3A_557, %dma_wait3A_559, %dma_wait3A_560] : memref<8x128x16xf32, #tpu.memory_space<vmem>> -> memref<1x128x16xf32, #tpu.memory_space<vmem>>
    %dma_wait3A_562 = tpu.memref_squeeze %dma_wait3A_561 : memref<1x128x16xf32, #tpu.memory_space<vmem>> -> memref<128x16xf32, #tpu.memory_space<vmem>>
    %dma_wait3A_563 = arith.constant 0 : i32
    %dma_wait3A_564 = tpu.memref_slice %arg8[%dma_wait3A_558, %dma_wait3A_563] : memref<79x128xi32, #tpu.memory_space<vmem>> -> memref<1x128xi32, #tpu.memory_space<vmem>>
    %dma_wait3A_565 = tpu.memref_squeeze %dma_wait3A_564 : memref<1x128xi32, #tpu.memory_space<vmem>> -> memref<128xi32, #tpu.memory_space<vmem>>
    %dma_wait3A_566 = arith.constant 0 : i32
    %dma_wait3A_567 = arith.constant 0 : i32
    %dma_wait3A_568 = tpu.memref_slice %arg10[%dma_wait3A_566, %dma_wait3A_567] : memref<10128x16xf32, #tpu.memory_space<vmem_shared>> -> memref<10128x16xf32, #tpu.memory_space<vmem_shared>>
    tpu.wait_indirect_dma semaphore(%arg19 : memref<!tpu.dma_semaphore, #tpu.memory_space<semaphore_mem>>) src(%dma_wait3A_562 : memref<128x16xf32, #tpu.memory_space<vmem>>) dst(%dma_wait3A_568 : memref<10128x16xf32, #tpu.memory_space<vmem_shared>>)
    %dma_start3A_569 = arith.constant 3 : i32
    %dma_start3A_570 = arith.constant 75 : i32
    %dma_start3A_571 = arith.constant 0 : i32
    %dma_start3A_572 = arith.constant 0 : i32
    %dma_start3A_573 = tpu.memref_slice %arg9[%dma_start3A_569, %dma_start3A_571, %dma_start3A_572] : memref<8x128x16xf32, #tpu.memory_space<vmem>> -> memref<1x128x16xf32, #tpu.memory_space<vmem>>
    %dma_start3A_574 = tpu.memref_squeeze %dma_start3A_573 : memref<1x128x16xf32, #tpu.memory_space<vmem>> -> memref<128x16xf32, #tpu.memory_space<vmem>>
    %dma_start3A_575 = arith.constant 0 : i32
    %dma_start3A_576 = tpu.memref_slice %arg8[%dma_start3A_570, %dma_start3A_575] : memref<79x128xi32, #tpu.memory_space<vmem>> -> memref<1x128xi32, #tpu.memory_space<vmem>>
    %dma_start3A_577 = tpu.memref_squeeze %dma_start3A_576 : memref<1x128xi32, #tpu.memory_space<vmem>> -> memref<128xi32, #tpu.memory_space<vmem>>
    %dma_start3A_578 = arith.constant 0 : i32
    %dma_start3A_579 = arith.constant 0 : i32
    %dma_start3A_580 = tpu.memref_slice %arg10[%dma_start3A_578, %dma_start3A_579] : memref<10128x16xf32, #tpu.memory_space<vmem_shared>> -> memref<10128x16xf32, #tpu.memory_space<vmem_shared>>
    tpu.enqueue_indirect_dma source(%dma_start3A_574 : memref<128x16xf32, #tpu.memory_space<vmem>>) target(%dma_start3A_580 : memref<10128x16xf32, #tpu.memory_space<vmem_shared>>) offsets(%dma_start3A_577 : memref<128xi32, #tpu.memory_space<vmem>>) semaphore(%arg19 : memref<!tpu.dma_semaphore, #tpu.memory_space<semaphore_mem>>) {add = true}
    %dma_wait3A_581 = arith.constant 76 : i32
    %dma_wait3A_582 = arith.constant 4 : i32
    %dma_wait3A_583 = arith.constant 0 : i32
    %dma_wait3A_584 = arith.constant 0 : i32
    %dma_wait3A_585 = tpu.memref_slice %arg9[%dma_wait3A_582, %dma_wait3A_583, %dma_wait3A_584] : memref<8x128x16xf32, #tpu.memory_space<vmem>> -> memref<1x128x16xf32, #tpu.memory_space<vmem>>
    %dma_wait3A_586 = tpu.memref_squeeze %dma_wait3A_585 : memref<1x128x16xf32, #tpu.memory_space<vmem>> -> memref<128x16xf32, #tpu.memory_space<vmem>>
    %dma_wait3A_587 = arith.constant 0 : i32
    %dma_wait3A_588 = tpu.memref_slice %arg7[%dma_wait3A_581, %dma_wait3A_587] : memref<79x128xi32, #tpu.memory_space<vmem>> -> memref<1x128xi32, #tpu.memory_space<vmem>>
    %dma_wait3A_589 = tpu.memref_squeeze %dma_wait3A_588 : memref<1x128xi32, #tpu.memory_space<vmem>> -> memref<128xi32, #tpu.memory_space<vmem>>
    %dma_wait3A_590 = arith.constant 0 : i32
    %dma_wait3A_591 = arith.constant 0 : i32
    %dma_wait3A_592 = tpu.memref_slice %arg11[%dma_wait3A_590, %dma_wait3A_591] : memref<10000x16xf32, #tpu.memory_space<vmem_shared>> -> memref<10000x16xf32, #tpu.memory_space<vmem_shared>>
    tpu.wait_indirect_dma semaphore(%arg12 : memref<!tpu.dma_semaphore, #tpu.memory_space<semaphore_mem>>) src(%dma_wait3A_592 : memref<10000x16xf32, #tpu.memory_space<vmem_shared>>) dst(%dma_wait3A_586 : memref<128x16xf32, #tpu.memory_space<vmem>>)
    %dma_wait3A_593 = arith.constant 0 : i32
    %dma_wait3A_594 = arith.constant 72 : i32
    %dma_wait3A_595 = arith.constant 0 : i32
    %dma_wait3A_596 = arith.constant 0 : i32
    %dma_wait3A_597 = tpu.memref_slice %arg9[%dma_wait3A_593, %dma_wait3A_595, %dma_wait3A_596] : memref<8x128x16xf32, #tpu.memory_space<vmem>> -> memref<1x128x16xf32, #tpu.memory_space<vmem>>
    %dma_wait3A_598 = tpu.memref_squeeze %dma_wait3A_597 : memref<1x128x16xf32, #tpu.memory_space<vmem>> -> memref<128x16xf32, #tpu.memory_space<vmem>>
    %dma_wait3A_599 = arith.constant 0 : i32
    %dma_wait3A_600 = tpu.memref_slice %arg8[%dma_wait3A_594, %dma_wait3A_599] : memref<79x128xi32, #tpu.memory_space<vmem>> -> memref<1x128xi32, #tpu.memory_space<vmem>>
    %dma_wait3A_601 = tpu.memref_squeeze %dma_wait3A_600 : memref<1x128xi32, #tpu.memory_space<vmem>> -> memref<128xi32, #tpu.memory_space<vmem>>
    %dma_wait3A_602 = arith.constant 0 : i32
    %dma_wait3A_603 = arith.constant 0 : i32
    %dma_wait3A_604 = tpu.memref_slice %arg10[%dma_wait3A_602, %dma_wait3A_603] : memref<10128x16xf32, #tpu.memory_space<vmem_shared>> -> memref<10128x16xf32, #tpu.memory_space<vmem_shared>>
    tpu.wait_indirect_dma semaphore(%arg16 : memref<!tpu.dma_semaphore, #tpu.memory_space<semaphore_mem>>) src(%dma_wait3A_598 : memref<128x16xf32, #tpu.memory_space<vmem>>) dst(%dma_wait3A_604 : memref<10128x16xf32, #tpu.memory_space<vmem_shared>>)
    %dma_start3A_605 = arith.constant 4 : i32
    %dma_start3A_606 = arith.constant 76 : i32
    %dma_start3A_607 = arith.constant 0 : i32
    %dma_start3A_608 = arith.constant 0 : i32
    %dma_start3A_609 = tpu.memref_slice %arg9[%dma_start3A_605, %dma_start3A_607, %dma_start3A_608] : memref<8x128x16xf32, #tpu.memory_space<vmem>> -> memref<1x128x16xf32, #tpu.memory_space<vmem>>
    %dma_start3A_610 = tpu.memref_squeeze %dma_start3A_609 : memref<1x128x16xf32, #tpu.memory_space<vmem>> -> memref<128x16xf32, #tpu.memory_space<vmem>>
    %dma_start3A_611 = arith.constant 0 : i32
    %dma_start3A_612 = tpu.memref_slice %arg8[%dma_start3A_606, %dma_start3A_611] : memref<79x128xi32, #tpu.memory_space<vmem>> -> memref<1x128xi32, #tpu.memory_space<vmem>>
    %dma_start3A_613 = tpu.memref_squeeze %dma_start3A_612 : memref<1x128xi32, #tpu.memory_space<vmem>> -> memref<128xi32, #tpu.memory_space<vmem>>
    %dma_start3A_614 = arith.constant 0 : i32
    %dma_start3A_615 = arith.constant 0 : i32
    %dma_start3A_616 = tpu.memref_slice %arg10[%dma_start3A_614, %dma_start3A_615] : memref<10128x16xf32, #tpu.memory_space<vmem_shared>> -> memref<10128x16xf32, #tpu.memory_space<vmem_shared>>
    tpu.enqueue_indirect_dma source(%dma_start3A_610 : memref<128x16xf32, #tpu.memory_space<vmem>>) target(%dma_start3A_616 : memref<10128x16xf32, #tpu.memory_space<vmem_shared>>) offsets(%dma_start3A_613 : memref<128xi32, #tpu.memory_space<vmem>>) semaphore(%arg16 : memref<!tpu.dma_semaphore, #tpu.memory_space<semaphore_mem>>) {add = true}
    %dma_wait3A_617 = arith.constant 77 : i32
    %dma_wait3A_618 = arith.constant 5 : i32
    %dma_wait3A_619 = arith.constant 0 : i32
    %dma_wait3A_620 = arith.constant 0 : i32
    %dma_wait3A_621 = tpu.memref_slice %arg9[%dma_wait3A_618, %dma_wait3A_619, %dma_wait3A_620] : memref<8x128x16xf32, #tpu.memory_space<vmem>> -> memref<1x128x16xf32, #tpu.memory_space<vmem>>
    %dma_wait3A_622 = tpu.memref_squeeze %dma_wait3A_621 : memref<1x128x16xf32, #tpu.memory_space<vmem>> -> memref<128x16xf32, #tpu.memory_space<vmem>>
    %dma_wait3A_623 = arith.constant 0 : i32
    %dma_wait3A_624 = tpu.memref_slice %arg7[%dma_wait3A_617, %dma_wait3A_623] : memref<79x128xi32, #tpu.memory_space<vmem>> -> memref<1x128xi32, #tpu.memory_space<vmem>>
    %dma_wait3A_625 = tpu.memref_squeeze %dma_wait3A_624 : memref<1x128xi32, #tpu.memory_space<vmem>> -> memref<128xi32, #tpu.memory_space<vmem>>
    %dma_wait3A_626 = arith.constant 0 : i32
    %dma_wait3A_627 = arith.constant 0 : i32
    %dma_wait3A_628 = tpu.memref_slice %arg11[%dma_wait3A_626, %dma_wait3A_627] : memref<10000x16xf32, #tpu.memory_space<vmem_shared>> -> memref<10000x16xf32, #tpu.memory_space<vmem_shared>>
    tpu.wait_indirect_dma semaphore(%arg13 : memref<!tpu.dma_semaphore, #tpu.memory_space<semaphore_mem>>) src(%dma_wait3A_628 : memref<10000x16xf32, #tpu.memory_space<vmem_shared>>) dst(%dma_wait3A_622 : memref<128x16xf32, #tpu.memory_space<vmem>>)
    %dma_wait3A_629 = arith.constant 1 : i32
    %dma_wait3A_630 = arith.constant 73 : i32
    %dma_wait3A_631 = arith.constant 0 : i32
    %dma_wait3A_632 = arith.constant 0 : i32
    %dma_wait3A_633 = tpu.memref_slice %arg9[%dma_wait3A_629, %dma_wait3A_631, %dma_wait3A_632] : memref<8x128x16xf32, #tpu.memory_space<vmem>> -> memref<1x128x16xf32, #tpu.memory_space<vmem>>
    %dma_wait3A_634 = tpu.memref_squeeze %dma_wait3A_633 : memref<1x128x16xf32, #tpu.memory_space<vmem>> -> memref<128x16xf32, #tpu.memory_space<vmem>>
    %dma_wait3A_635 = arith.constant 0 : i32
    %dma_wait3A_636 = tpu.memref_slice %arg8[%dma_wait3A_630, %dma_wait3A_635] : memref<79x128xi32, #tpu.memory_space<vmem>> -> memref<1x128xi32, #tpu.memory_space<vmem>>
    %dma_wait3A_637 = tpu.memref_squeeze %dma_wait3A_636 : memref<1x128xi32, #tpu.memory_space<vmem>> -> memref<128xi32, #tpu.memory_space<vmem>>
    %dma_wait3A_638 = arith.constant 0 : i32
    %dma_wait3A_639 = arith.constant 0 : i32
    %dma_wait3A_640 = tpu.memref_slice %arg10[%dma_wait3A_638, %dma_wait3A_639] : memref<10128x16xf32, #tpu.memory_space<vmem_shared>> -> memref<10128x16xf32, #tpu.memory_space<vmem_shared>>
    tpu.wait_indirect_dma semaphore(%arg17 : memref<!tpu.dma_semaphore, #tpu.memory_space<semaphore_mem>>) src(%dma_wait3A_634 : memref<128x16xf32, #tpu.memory_space<vmem>>) dst(%dma_wait3A_640 : memref<10128x16xf32, #tpu.memory_space<vmem_shared>>)
    %dma_start3A_641 = arith.constant 5 : i32
    %dma_start3A_642 = arith.constant 77 : i32
    %dma_start3A_643 = arith.constant 0 : i32
    %dma_start3A_644 = arith.constant 0 : i32
    %dma_start3A_645 = tpu.memref_slice %arg9[%dma_start3A_641, %dma_start3A_643, %dma_start3A_644] : memref<8x128x16xf32, #tpu.memory_space<vmem>> -> memref<1x128x16xf32, #tpu.memory_space<vmem>>
    %dma_start3A_646 = tpu.memref_squeeze %dma_start3A_645 : memref<1x128x16xf32, #tpu.memory_space<vmem>> -> memref<128x16xf32, #tpu.memory_space<vmem>>
    %dma_start3A_647 = arith.constant 0 : i32
    %dma_start3A_648 = tpu.memref_slice %arg8[%dma_start3A_642, %dma_start3A_647] : memref<79x128xi32, #tpu.memory_space<vmem>> -> memref<1x128xi32, #tpu.memory_space<vmem>>
    %dma_start3A_649 = tpu.memref_squeeze %dma_start3A_648 : memref<1x128xi32, #tpu.memory_space<vmem>> -> memref<128xi32, #tpu.memory_space<vmem>>
    %dma_start3A_650 = arith.constant 0 : i32
    %dma_start3A_651 = arith.constant 0 : i32
    %dma_start3A_652 = tpu.memref_slice %arg10[%dma_start3A_650, %dma_start3A_651] : memref<10128x16xf32, #tpu.memory_space<vmem_shared>> -> memref<10128x16xf32, #tpu.memory_space<vmem_shared>>
    tpu.enqueue_indirect_dma source(%dma_start3A_646 : memref<128x16xf32, #tpu.memory_space<vmem>>) target(%dma_start3A_652 : memref<10128x16xf32, #tpu.memory_space<vmem_shared>>) offsets(%dma_start3A_649 : memref<128xi32, #tpu.memory_space<vmem>>) semaphore(%arg17 : memref<!tpu.dma_semaphore, #tpu.memory_space<semaphore_mem>>) {add = true}
    %dma_wait3A_653 = arith.constant 78 : i32
    %dma_wait3A_654 = arith.constant 6 : i32
    %dma_wait3A_655 = arith.constant 0 : i32
    %dma_wait3A_656 = arith.constant 0 : i32
    %dma_wait3A_657 = tpu.memref_slice %arg9[%dma_wait3A_654, %dma_wait3A_655, %dma_wait3A_656] : memref<8x128x16xf32, #tpu.memory_space<vmem>> -> memref<1x128x16xf32, #tpu.memory_space<vmem>>
    %dma_wait3A_658 = tpu.memref_squeeze %dma_wait3A_657 : memref<1x128x16xf32, #tpu.memory_space<vmem>> -> memref<128x16xf32, #tpu.memory_space<vmem>>
    %dma_wait3A_659 = arith.constant 0 : i32
    %dma_wait3A_660 = tpu.memref_slice %arg7[%dma_wait3A_653, %dma_wait3A_659] : memref<79x128xi32, #tpu.memory_space<vmem>> -> memref<1x128xi32, #tpu.memory_space<vmem>>
    %dma_wait3A_661 = tpu.memref_squeeze %dma_wait3A_660 : memref<1x128xi32, #tpu.memory_space<vmem>> -> memref<128xi32, #tpu.memory_space<vmem>>
    %dma_wait3A_662 = arith.constant 0 : i32
    %dma_wait3A_663 = arith.constant 0 : i32
    %dma_wait3A_664 = tpu.memref_slice %arg11[%dma_wait3A_662, %dma_wait3A_663] : memref<10000x16xf32, #tpu.memory_space<vmem_shared>> -> memref<10000x16xf32, #tpu.memory_space<vmem_shared>>
    tpu.wait_indirect_dma semaphore(%arg14 : memref<!tpu.dma_semaphore, #tpu.memory_space<semaphore_mem>>) src(%dma_wait3A_664 : memref<10000x16xf32, #tpu.memory_space<vmem_shared>>) dst(%dma_wait3A_658 : memref<128x16xf32, #tpu.memory_space<vmem>>)
    %dma_wait3A_665 = arith.constant 2 : i32
    %dma_wait3A_666 = arith.constant 74 : i32
    %dma_wait3A_667 = arith.constant 0 : i32
    %dma_wait3A_668 = arith.constant 0 : i32
    %dma_wait3A_669 = tpu.memref_slice %arg9[%dma_wait3A_665, %dma_wait3A_667, %dma_wait3A_668] : memref<8x128x16xf32, #tpu.memory_space<vmem>> -> memref<1x128x16xf32, #tpu.memory_space<vmem>>
    %dma_wait3A_670 = tpu.memref_squeeze %dma_wait3A_669 : memref<1x128x16xf32, #tpu.memory_space<vmem>> -> memref<128x16xf32, #tpu.memory_space<vmem>>
    %dma_wait3A_671 = arith.constant 0 : i32
    %dma_wait3A_672 = tpu.memref_slice %arg8[%dma_wait3A_666, %dma_wait3A_671] : memref<79x128xi32, #tpu.memory_space<vmem>> -> memref<1x128xi32, #tpu.memory_space<vmem>>
    %dma_wait3A_673 = tpu.memref_squeeze %dma_wait3A_672 : memref<1x128xi32, #tpu.memory_space<vmem>> -> memref<128xi32, #tpu.memory_space<vmem>>
    %dma_wait3A_674 = arith.constant 0 : i32
    %dma_wait3A_675 = arith.constant 0 : i32
    %dma_wait3A_676 = tpu.memref_slice %arg10[%dma_wait3A_674, %dma_wait3A_675] : memref<10128x16xf32, #tpu.memory_space<vmem_shared>> -> memref<10128x16xf32, #tpu.memory_space<vmem_shared>>
    tpu.wait_indirect_dma semaphore(%arg18 : memref<!tpu.dma_semaphore, #tpu.memory_space<semaphore_mem>>) src(%dma_wait3A_670 : memref<128x16xf32, #tpu.memory_space<vmem>>) dst(%dma_wait3A_676 : memref<10128x16xf32, #tpu.memory_space<vmem_shared>>)
    %dma_start3A_677 = arith.constant 6 : i32
    %dma_start3A_678 = arith.constant 78 : i32
    %dma_start3A_679 = arith.constant 0 : i32
    %dma_start3A_680 = arith.constant 0 : i32
    %dma_start3A_681 = tpu.memref_slice %arg9[%dma_start3A_677, %dma_start3A_679, %dma_start3A_680] : memref<8x128x16xf32, #tpu.memory_space<vmem>> -> memref<1x128x16xf32, #tpu.memory_space<vmem>>
    %dma_start3A_682 = tpu.memref_squeeze %dma_start3A_681 : memref<1x128x16xf32, #tpu.memory_space<vmem>> -> memref<128x16xf32, #tpu.memory_space<vmem>>
    %dma_start3A_683 = arith.constant 0 : i32
    %dma_start3A_684 = tpu.memref_slice %arg8[%dma_start3A_678, %dma_start3A_683] : memref<79x128xi32, #tpu.memory_space<vmem>> -> memref<1x128xi32, #tpu.memory_space<vmem>>
    %dma_start3A_685 = tpu.memref_squeeze %dma_start3A_684 : memref<1x128xi32, #tpu.memory_space<vmem>> -> memref<128xi32, #tpu.memory_space<vmem>>
    %dma_start3A_686 = arith.constant 0 : i32
    %dma_start3A_687 = arith.constant 0 : i32
    %dma_start3A_688 = tpu.memref_slice %arg10[%dma_start3A_686, %dma_start3A_687] : memref<10128x16xf32, #tpu.memory_space<vmem_shared>> -> memref<10128x16xf32, #tpu.memory_space<vmem_shared>>
    tpu.enqueue_indirect_dma source(%dma_start3A_682 : memref<128x16xf32, #tpu.memory_space<vmem>>) target(%dma_start3A_688 : memref<10128x16xf32, #tpu.memory_space<vmem_shared>>) offsets(%dma_start3A_685 : memref<128xi32, #tpu.memory_space<vmem>>) semaphore(%arg18 : memref<!tpu.dma_semaphore, #tpu.memory_space<semaphore_mem>>) {add = true}
    %dma_wait3A_689 = arith.constant 3 : i32
    %dma_wait3A_690 = arith.constant 75 : i32
    %dma_wait3A_691 = arith.constant 0 : i32
    %dma_wait3A_692 = arith.constant 0 : i32
    %dma_wait3A_693 = tpu.memref_slice %arg9[%dma_wait3A_689, %dma_wait3A_691, %dma_wait3A_692] : memref<8x128x16xf32, #tpu.memory_space<vmem>> -> memref<1x128x16xf32, #tpu.memory_space<vmem>>
    %dma_wait3A_694 = tpu.memref_squeeze %dma_wait3A_693 : memref<1x128x16xf32, #tpu.memory_space<vmem>> -> memref<128x16xf32, #tpu.memory_space<vmem>>
    %dma_wait3A_695 = arith.constant 0 : i32
    %dma_wait3A_696 = tpu.memref_slice %arg8[%dma_wait3A_690, %dma_wait3A_695] : memref<79x128xi32, #tpu.memory_space<vmem>> -> memref<1x128xi32, #tpu.memory_space<vmem>>
    %dma_wait3A_697 = tpu.memref_squeeze %dma_wait3A_696 : memref<1x128xi32, #tpu.memory_space<vmem>> -> memref<128xi32, #tpu.memory_space<vmem>>
    %dma_wait3A_698 = arith.constant 0 : i32
    %dma_wait3A_699 = arith.constant 0 : i32
    %dma_wait3A_700 = tpu.memref_slice %arg10[%dma_wait3A_698, %dma_wait3A_699] : memref<10128x16xf32, #tpu.memory_space<vmem_shared>> -> memref<10128x16xf32, #tpu.memory_space<vmem_shared>>
    tpu.wait_indirect_dma semaphore(%arg19 : memref<!tpu.dma_semaphore, #tpu.memory_space<semaphore_mem>>) src(%dma_wait3A_694 : memref<128x16xf32, #tpu.memory_space<vmem>>) dst(%dma_wait3A_700 : memref<10128x16xf32, #tpu.memory_space<vmem_shared>>)
    %dma_wait3A_701 = arith.constant 4 : i32
    %dma_wait3A_702 = arith.constant 76 : i32
    %dma_wait3A_703 = arith.constant 0 : i32
    %dma_wait3A_704 = arith.constant 0 : i32
    %dma_wait3A_705 = tpu.memref_slice %arg9[%dma_wait3A_701, %dma_wait3A_703, %dma_wait3A_704] : memref<8x128x16xf32, #tpu.memory_space<vmem>> -> memref<1x128x16xf32, #tpu.memory_space<vmem>>
    %dma_wait3A_706 = tpu.memref_squeeze %dma_wait3A_705 : memref<1x128x16xf32, #tpu.memory_space<vmem>> -> memref<128x16xf32, #tpu.memory_space<vmem>>
    %dma_wait3A_707 = arith.constant 0 : i32
    %dma_wait3A_708 = tpu.memref_slice %arg8[%dma_wait3A_702, %dma_wait3A_707] : memref<79x128xi32, #tpu.memory_space<vmem>> -> memref<1x128xi32, #tpu.memory_space<vmem>>
    %dma_wait3A_709 = tpu.memref_squeeze %dma_wait3A_708 : memref<1x128xi32, #tpu.memory_space<vmem>> -> memref<128xi32, #tpu.memory_space<vmem>>
    %dma_wait3A_710 = arith.constant 0 : i32
    %dma_wait3A_711 = arith.constant 0 : i32
    %dma_wait3A_712 = tpu.memref_slice %arg10[%dma_wait3A_710, %dma_wait3A_711] : memref<10128x16xf32, #tpu.memory_space<vmem_shared>> -> memref<10128x16xf32, #tpu.memory_space<vmem_shared>>
    tpu.wait_indirect_dma semaphore(%arg16 : memref<!tpu.dma_semaphore, #tpu.memory_space<semaphore_mem>>) src(%dma_wait3A_706 : memref<128x16xf32, #tpu.memory_space<vmem>>) dst(%dma_wait3A_712 : memref<10128x16xf32, #tpu.memory_space<vmem_shared>>)
    %dma_wait3A_713 = arith.constant 5 : i32
    %dma_wait3A_714 = arith.constant 77 : i32
    %dma_wait3A_715 = arith.constant 0 : i32
    %dma_wait3A_716 = arith.constant 0 : i32
    %dma_wait3A_717 = tpu.memref_slice %arg9[%dma_wait3A_713, %dma_wait3A_715, %dma_wait3A_716] : memref<8x128x16xf32, #tpu.memory_space<vmem>> -> memref<1x128x16xf32, #tpu.memory_space<vmem>>
    %dma_wait3A_718 = tpu.memref_squeeze %dma_wait3A_717 : memref<1x128x16xf32, #tpu.memory_space<vmem>> -> memref<128x16xf32, #tpu.memory_space<vmem>>
    %dma_wait3A_719 = arith.constant 0 : i32
    %dma_wait3A_720 = tpu.memref_slice %arg8[%dma_wait3A_714, %dma_wait3A_719] : memref<79x128xi32, #tpu.memory_space<vmem>> -> memref<1x128xi32, #tpu.memory_space<vmem>>
    %dma_wait3A_721 = tpu.memref_squeeze %dma_wait3A_720 : memref<1x128xi32, #tpu.memory_space<vmem>> -> memref<128xi32, #tpu.memory_space<vmem>>
    %dma_wait3A_722 = arith.constant 0 : i32
    %dma_wait3A_723 = arith.constant 0 : i32
    %dma_wait3A_724 = tpu.memref_slice %arg10[%dma_wait3A_722, %dma_wait3A_723] : memref<10128x16xf32, #tpu.memory_space<vmem_shared>> -> memref<10128x16xf32, #tpu.memory_space<vmem_shared>>
    tpu.wait_indirect_dma semaphore(%arg17 : memref<!tpu.dma_semaphore, #tpu.memory_space<semaphore_mem>>) src(%dma_wait3A_718 : memref<128x16xf32, #tpu.memory_space<vmem>>) dst(%dma_wait3A_724 : memref<10128x16xf32, #tpu.memory_space<vmem_shared>>)
    %dma_wait3A_725 = arith.constant 6 : i32
    %dma_wait3A_726 = arith.constant 78 : i32
    %dma_wait3A_727 = arith.constant 0 : i32
    %dma_wait3A_728 = arith.constant 0 : i32
    %dma_wait3A_729 = tpu.memref_slice %arg9[%dma_wait3A_725, %dma_wait3A_727, %dma_wait3A_728] : memref<8x128x16xf32, #tpu.memory_space<vmem>> -> memref<1x128x16xf32, #tpu.memory_space<vmem>>
    %dma_wait3A_730 = tpu.memref_squeeze %dma_wait3A_729 : memref<1x128x16xf32, #tpu.memory_space<vmem>> -> memref<128x16xf32, #tpu.memory_space<vmem>>
    %dma_wait3A_731 = arith.constant 0 : i32
    %dma_wait3A_732 = tpu.memref_slice %arg8[%dma_wait3A_726, %dma_wait3A_731] : memref<79x128xi32, #tpu.memory_space<vmem>> -> memref<1x128xi32, #tpu.memory_space<vmem>>
    %dma_wait3A_733 = tpu.memref_squeeze %dma_wait3A_732 : memref<1x128xi32, #tpu.memory_space<vmem>> -> memref<128xi32, #tpu.memory_space<vmem>>
    %dma_wait3A_734 = arith.constant 0 : i32
    %dma_wait3A_735 = arith.constant 0 : i32
    %dma_wait3A_736 = tpu.memref_slice %arg10[%dma_wait3A_734, %dma_wait3A_735] : memref<10128x16xf32, #tpu.memory_space<vmem_shared>> -> memref<10128x16xf32, #tpu.memory_space<vmem_shared>>
    tpu.wait_indirect_dma semaphore(%arg18 : memref<!tpu.dma_semaphore, #tpu.memory_space<semaphore_mem>>) src(%dma_wait3A_730 : memref<128x16xf32, #tpu.memory_space<vmem>>) dst(%dma_wait3A_736 : memref<10128x16xf32, #tpu.memory_space<vmem_shared>>)
    %barrier3A_737 = arith.constant 0 : index
    tpu.barrier barrier_id(%barrier3A_737)
    %mul3A_738 = arith.constant 624 : i32
    %mul3A_739 = arith.muli %arg1, %mul3A_738 : i32
    "tpu.region"() ({
      %run_scoped3A = tpu.sem_alloc : memref<!tpu.dma_semaphore, #tpu.memory_space<semaphore_mem>>
      %dma_start3A_745 = arith.constant 0 : i32
      %dma_start3A_746 = tpu.memref_slice %arg6[%arg0, %mul3A_739, %dma_start3A_745] : memref<2x10000x16xf32, #tpu.memory_space<hbm>> -> memref<1x624x16xf32, #tpu.memory_space<hbm>>
      %dma_start3A_747 = tpu.memref_squeeze %dma_start3A_746 : memref<1x624x16xf32, #tpu.memory_space<hbm>> -> memref<624x16xf32, #tpu.memory_space<hbm>>
      %dma_start3A_748 = arith.constant 0 : i32
      %dma_start3A_749 = tpu.memref_slice %arg10[%mul3A_739, %dma_start3A_748] : memref<10128x16xf32, #tpu.memory_space<vmem_shared>> -> memref<624x16xf32, #tpu.memory_space<vmem_shared>>
      tpu.enqueue_dma source(%dma_start3A_749 : memref<624x16xf32, #tpu.memory_space<vmem_shared>>) target(%dma_start3A_747 : memref<624x16xf32, #tpu.memory_space<hbm>>) target_semaphore(%run_scoped3A : memref<!tpu.dma_semaphore, #tpu.memory_space<semaphore_mem>>)
      %dma_wait3A_750 = arith.constant 0 : i32
      %dma_wait3A_751 = tpu.memref_slice %arg6[%arg0, %mul3A_739, %dma_wait3A_750] : memref<2x10000x16xf32, #tpu.memory_space<hbm>> -> memref<1x624x16xf32, #tpu.memory_space<hbm>>
      %dma_wait3A_752 = tpu.memref_squeeze %dma_wait3A_751 : memref<1x624x16xf32, #tpu.memory_space<hbm>> -> memref<624x16xf32, #tpu.memory_space<hbm>>
      %dma_wait3A_753 = arith.constant 0 : i32
      %dma_wait3A_754 = tpu.memref_slice %arg10[%mul3A_739, %dma_wait3A_753] : memref<10128x16xf32, #tpu.memory_space<vmem_shared>> -> memref<624x16xf32, #tpu.memory_space<vmem_shared>>
      tpu.wait_dma2 semaphore(%run_scoped3A : memref<!tpu.dma_semaphore, #tpu.memory_space<semaphore_mem>>) src(%dma_wait3A_754 : memref<624x16xf32, #tpu.memory_space<vmem_shared>>) dst(%dma_wait3A_752 : memref<624x16xf32, #tpu.memory_space<hbm>>)
      tpu.yield
    }) : () -> ()
    %eq3A_740 = arith.constant 15 : i32
    %eq3A_741 = arith.cmpi eq, %arg1, %eq3A_740 : i32
    %convert_element_type3A_742 = arith.extui %eq3A_741 : i1 to i32
    %cond3A_743 = arith.constant 0 : i32
    %cond3A_744 = arith.cmpi ne, %convert_element_type3A_742, %cond3A_743 : i32
    scf.if %cond3A_744 {
      "tpu.region"() ({
        %run_scoped3A = tpu.sem_alloc : memref<!tpu.dma_semaphore, #tpu.memory_space<semaphore_mem>>
        %dma_start3A_745 = arith.constant 9984 : i32
        %dma_start3A_746 = arith.constant 0 : i32
        %dma_start3A_747 = tpu.memref_slice %arg6[%arg0, %dma_start3A_745, %dma_start3A_746] : memref<2x10000x16xf32, #tpu.memory_space<hbm>> -> memref<1x16x16xf32, #tpu.memory_space<hbm>>
        %dma_start3A_748 = tpu.memref_squeeze %dma_start3A_747 : memref<1x16x16xf32, #tpu.memory_space<hbm>> -> memref<16x16xf32, #tpu.memory_space<hbm>>
        %dma_start3A_749 = arith.constant 9984 : i32
        %dma_start3A_750 = arith.constant 0 : i32
        %dma_start3A_751 = tpu.memref_slice %arg10[%dma_start3A_749, %dma_start3A_750] : memref<10128x16xf32, #tpu.memory_space<vmem_shared>> -> memref<16x16xf32, #tpu.memory_space<vmem_shared>>
        tpu.enqueue_dma source(%dma_start3A_751 : memref<16x16xf32, #tpu.memory_space<vmem_shared>>) target(%dma_start3A_748 : memref<16x16xf32, #tpu.memory_space<hbm>>) target_semaphore(%run_scoped3A : memref<!tpu.dma_semaphore, #tpu.memory_space<semaphore_mem>>)
        %dma_wait3A_752 = arith.constant 9984 : i32
        %dma_wait3A_753 = arith.constant 0 : i32
        %dma_wait3A_754 = tpu.memref_slice %arg6[%arg0, %dma_wait3A_752, %dma_wait3A_753] : memref<2x10000x16xf32, #tpu.memory_space<hbm>> -> memref<1x16x16xf32, #tpu.memory_space<hbm>>
        %dma_wait3A_755 = tpu.memref_squeeze %dma_wait3A_754 : memref<1x16x16xf32, #tpu.memory_space<hbm>> -> memref<16x16xf32, #tpu.memory_space<hbm>>
        %dma_wait3A_756 = arith.constant 9984 : i32
        %dma_wait3A_757 = arith.constant 0 : i32
        %dma_wait3A_758 = tpu.memref_slice %arg10[%dma_wait3A_756, %dma_wait3A_757] : memref<10128x16xf32, #tpu.memory_space<vmem_shared>> -> memref<16x16xf32, #tpu.memory_space<vmem_shared>>
        tpu.wait_dma2 semaphore(%run_scoped3A : memref<!tpu.dma_semaphore, #tpu.memory_space<semaphore_mem>>) src(%dma_wait3A_758 : memref<16x16xf32, #tpu.memory_space<vmem_shared>>) dst(%dma_wait3A_755 : memref<16x16xf32, #tpu.memory_space<hbm>>)
        tpu.yield
      }) : () -> ()
    } else {
    }
    return
  }
}

module attributes {stable_mosaic.version = 14 : i64} {
  func.func @gcn_tc0(%arg0: memref<10000x128xf32, #tpu.memory_space<vmem>>, %arg1: memref<128x16xf32, #tpu.memory_space<vmem>>, %arg2: memref<10000x16xf32, #tpu.memory_space<vmem>>) attributes {dimension_semantics = [], scalar_prefetch = 0 : i64, scratch_operands = 0 : i64, tpu.core_type = #tpu.core_type<tc>} {
    %get3A = arith.constant 0 : index
    %get3A_0 = arith.constant 0 : index
    %get3A_1 = vector.load %arg0[%get3A, %get3A_0] : memref<10000x128xf32, #tpu.memory_space<vmem>>, vector<10000x128xf32>
    %get3A_2 = arith.constant 0 : index
    %get3A_3 = arith.constant 0 : index
    %get3A_4 = vector.load %arg1[%get3A_2, %get3A_3] : memref<128x16xf32, #tpu.memory_space<vmem>>, vector<128x16xf32>
    %dot_general3A = arith.constant dense<0.000000e+00> : vector<10000x16xf32>
    %dot_general3A_5 = tpu.matmul %get3A_1, %get3A_4, %dot_general3A {dimension_numbers = #tpu.dot_dimension_numbers<[1], [0], [0], [1], [0, 0, 1, 1], [], []>, transpose_lhs_hint = false} : vector<10000x128xf32>, vector<128x16xf32>, vector<10000x16xf32> -> vector<10000x16xf32>
    %swap3A = arith.constant 0 : index
    %swap3A_6 = arith.constant 0 : index
    %swap3A_7 = vector.load %arg2[%swap3A, %swap3A_6] : memref<10000x16xf32, #tpu.memory_space<vmem>>, vector<10000x16xf32>
    tpu.vector_store %arg2[%swap3A, %swap3A_6], %dot_general3A_5 {strides = array<i32>} : memref<10000x16xf32, #tpu.memory_space<vmem>>, vector<10000x16xf32>,
    return
  }
}

module attributes {stable_mosaic.version = 14 : i64} {
  func.func @gcn_tc1(%arg0: memref<10000x16xf32, #tpu.memory_space<vmem>>, %arg1: memref<2x10000x8xf32, #tpu.memory_space<vmem>>, %arg2: memref<10000x16xf32, #tpu.memory_space<vmem>>, %arg3: memref<10000x1xf32, #tpu.memory_space<vmem>>) attributes {dimension_semantics = [], scalar_prefetch = 0 : i64, scratch_operands = 0 : i64, tpu.core_type = #tpu.core_type<tc>} {
    %get3A = arith.constant 0 : index
    %get3A_0 = arith.constant 0 : index
    %get3A_1 = arith.constant 0 : index
    %get3A_2 = vector.load %arg1[%get3A, %get3A_0, %get3A_1] : memref<2x10000x8xf32, #tpu.memory_space<vmem>>, vector<1x10000x1xf32>
    %get3A_3 = vector.shape_cast %get3A_2 : vector<1x10000x1xf32> to vector<10000x1xf32>
    %get3A_4 = arith.constant 1 : index
    %get3A_5 = arith.constant 0 : index
    %get3A_6 = arith.constant 0 : index
    %get3A_7 = vector.load %arg1[%get3A_4, %get3A_5, %get3A_6] : memref<2x10000x8xf32, #tpu.memory_space<vmem>>, vector<1x10000x1xf32>
    %get3A_8 = vector.shape_cast %get3A_7 : vector<1x10000x1xf32> to vector<10000x1xf32>
    %add3A = arith.addf %get3A_3, %get3A_8 : vector<10000x1xf32>
    %add3A_9 = arith.constant 1.000000e+00 : f32
    %add3A_10 = vector.broadcast %add3A_9 : f32 to vector<10000x1xf32>
    %add3A_11 = arith.addf %add3A, %add3A_10 : vector<10000x1xf32>
    %rsqrt3A = math.rsqrt %add3A_11 : vector<10000x1xf32>
    %get3A_12 = arith.constant 0 : index
    %get3A_13 = arith.constant 0 : index
    %get3A_14 = vector.load %arg0[%get3A_12, %get3A_13] : memref<10000x16xf32, #tpu.memory_space<vmem>>, vector<10000x16xf32>
    %mul3A = vector.broadcast %rsqrt3A : vector<10000x1xf32> to vector<10000x16xf32>
    %mul3A_15 = arith.mulf %get3A_14, %mul3A : vector<10000x16xf32>
    %swap3A = arith.constant 0 : index
    %swap3A_16 = arith.constant 0 : index
    %swap3A_17 = vector.load %arg2[%swap3A, %swap3A_16] : memref<10000x16xf32, #tpu.memory_space<vmem>>, vector<10000x16xf32>
    tpu.vector_store %arg2[%swap3A, %swap3A_16], %mul3A_15 {strides = array<i32>} : memref<10000x16xf32, #tpu.memory_space<vmem>>, vector<10000x16xf32>,
    %swap3A_18 = arith.constant 0 : index
    %swap3A_19 = arith.constant 0 : index
    %swap3A_20 = vector.load %arg3[%swap3A_18, %swap3A_19] : memref<10000x1xf32, #tpu.memory_space<vmem>>, vector<10000x1xf32>
    tpu.vector_store %arg3[%swap3A_18, %swap3A_19], %rsqrt3A {strides = array<i32>} : memref<10000x1xf32, #tpu.memory_space<vmem>>, vector<10000x1xf32>,
    return
  }
}

module attributes {stable_mosaic.version = 14 : i64} {
  func.func @gcn_tc2(%arg0: memref<2x10000x16xf32, #tpu.memory_space<vmem>>, %arg1: memref<10000x1xf32, #tpu.memory_space<vmem>>, %arg2: memref<1x16xf32, #tpu.memory_space<vmem>>, %arg3: memref<16x16xf32, #tpu.memory_space<vmem>>, %arg4: memref<10000x16xf32, #tpu.memory_space<vmem>>) attributes {dimension_semantics = [], scalar_prefetch = 0 : i64, scratch_operands = 0 : i64, tpu.core_type = #tpu.core_type<tc>} {
    %get3A = arith.constant 0 : index
    %get3A_0 = arith.constant 0 : index
    %get3A_1 = vector.load %arg1[%get3A, %get3A_0] : memref<10000x1xf32, #tpu.memory_space<vmem>>, vector<10000x1xf32>
    %get3A_2 = arith.constant 0 : index
    %get3A_3 = arith.constant 0 : index
    %get3A_4 = arith.constant 0 : index
    %get3A_5 = vector.load %arg0[%get3A_2, %get3A_3, %get3A_4] : memref<2x10000x16xf32, #tpu.memory_space<vmem>>, vector<1x10000x16xf32>
    %get3A_6 = vector.shape_cast %get3A_5 : vector<1x10000x16xf32> to vector<10000x16xf32>
    %get3A_7 = arith.constant 1 : index
    %get3A_8 = arith.constant 0 : index
    %get3A_9 = arith.constant 0 : index
    %get3A_10 = vector.load %arg0[%get3A_7, %get3A_8, %get3A_9] : memref<2x10000x16xf32, #tpu.memory_space<vmem>>, vector<1x10000x16xf32>
    %get3A_11 = vector.shape_cast %get3A_10 : vector<1x10000x16xf32> to vector<10000x16xf32>
    %add3A = arith.addf %get3A_6, %get3A_11 : vector<10000x16xf32>
    %mul3A = vector.broadcast %get3A_1 : vector<10000x1xf32> to vector<10000x16xf32>
    %mul3A_12 = arith.mulf %add3A, %mul3A : vector<10000x16xf32>
    %get3A_13 = arith.constant 0 : index
    %get3A_14 = arith.constant 0 : index
    %get3A_15 = vector.load %arg2[%get3A_13, %get3A_14] : memref<1x16xf32, #tpu.memory_space<vmem>>, vector<1x16xf32>
    %add3A_16 = vector.broadcast %get3A_15 : vector<1x16xf32> to vector<10000x16xf32>
    %add3A_17 = arith.addf %mul3A_12, %add3A_16 : vector<10000x16xf32>
    %max3A = arith.constant 0.000000e+00 : f32
    %max3A_18 = vector.broadcast %max3A : f32 to vector<10000x16xf32>
    %max3A_19 = arith.maximumf %add3A_17, %max3A_18 : vector<10000x16xf32>
    %get3A_20 = arith.constant 0 : index
    %get3A_21 = arith.constant 0 : index
    %get3A_22 = vector.load %arg3[%get3A_20, %get3A_21] : memref<16x16xf32, #tpu.memory_space<vmem>>, vector<16x16xf32>
    %dot_general3A = arith.constant dense<0.000000e+00> : vector<10000x16xf32>
    %dot_general3A_23 = tpu.matmul %max3A_19, %get3A_22, %dot_general3A {dimension_numbers = #tpu.dot_dimension_numbers<[1], [0], [0], [1], [0, 0, 1, 1], [], []>, transpose_lhs_hint = false} : vector<10000x16xf32>, vector<16x16xf32>, vector<10000x16xf32> -> vector<10000x16xf32>
    %mul3A_24 = vector.broadcast %get3A_1 : vector<10000x1xf32> to vector<10000x16xf32>
    %mul3A_25 = arith.mulf %dot_general3A_23, %mul3A_24 : vector<10000x16xf32>
    %swap3A = arith.constant 0 : index
    %swap3A_26 = arith.constant 0 : index
    %swap3A_27 = vector.load %arg4[%swap3A, %swap3A_26] : memref<10000x16xf32, #tpu.memory_space<vmem>>, vector<10000x16xf32>
    tpu.vector_store %arg4[%swap3A, %swap3A_26], %mul3A_25 {strides = array<i32>} : memref<10000x16xf32, #tpu.memory_space<vmem>>, vector<10000x16xf32>,
    return
  }
}

module attributes {stable_mosaic.version = 14 : i64} {
  func.func @gcn_tc3(%arg0: memref<2x10000x16xf32, #tpu.memory_space<vmem>>, %arg1: memref<10000x1xf32, #tpu.memory_space<vmem>>, %arg2: memref<1x16xf32, #tpu.memory_space<vmem>>, %arg3: memref<1x10000xi32, #tpu.memory_space<vmem>>, %arg4: memref<16x2xf32, #tpu.memory_space<vmem>>, %arg5: memref<1x2xf32, #tpu.memory_space<vmem>>, %arg6: memref<64x2xf32, #tpu.memory_space<vmem>>) attributes {dimension_semantics = [], scalar_prefetch = 0 : i64, scratch_operands = 0 : i64, tpu.core_type = #tpu.core_type<tc>} {
    %get3A = arith.constant 0 : index
    %get3A_0 = arith.constant 0 : index
    %get3A_1 = vector.load %arg1[%get3A, %get3A_0] : memref<10000x1xf32, #tpu.memory_space<vmem>>, vector<10000x1xf32>
    %get3A_2 = arith.constant 0 : index
    %get3A_3 = arith.constant 0 : index
    %get3A_4 = arith.constant 0 : index
    %get3A_5 = vector.load %arg0[%get3A_2, %get3A_3, %get3A_4] : memref<2x10000x16xf32, #tpu.memory_space<vmem>>, vector<1x10000x16xf32>
    %get3A_6 = vector.shape_cast %get3A_5 : vector<1x10000x16xf32> to vector<10000x16xf32>
    %get3A_7 = arith.constant 1 : index
    %get3A_8 = arith.constant 0 : index
    %get3A_9 = arith.constant 0 : index
    %get3A_10 = vector.load %arg0[%get3A_7, %get3A_8, %get3A_9] : memref<2x10000x16xf32, #tpu.memory_space<vmem>>, vector<1x10000x16xf32>
    %get3A_11 = vector.shape_cast %get3A_10 : vector<1x10000x16xf32> to vector<10000x16xf32>
    %add3A = arith.addf %get3A_6, %get3A_11 : vector<10000x16xf32>
    %mul3A = vector.broadcast %get3A_1 : vector<10000x1xf32> to vector<10000x16xf32>
    %mul3A_12 = arith.mulf %add3A, %mul3A : vector<10000x16xf32>
    %get3A_13 = arith.constant 0 : index
    %get3A_14 = arith.constant 0 : index
    %get3A_15 = vector.load %arg2[%get3A_13, %get3A_14] : memref<1x16xf32, #tpu.memory_space<vmem>>, vector<1x16xf32>
    %add3A_16 = vector.broadcast %get3A_15 : vector<1x16xf32> to vector<10000x16xf32>
    %add3A_17 = arith.addf %mul3A_12, %add3A_16 : vector<10000x16xf32>
    %max3A = arith.constant 0.000000e+00 : f32
    %max3A_18 = vector.broadcast %max3A : f32 to vector<10000x16xf32>
    %max3A_19 = arith.maximumf %add3A_17, %max3A_18 : vector<10000x16xf32>
    %iota3A = tpu.iota {dimensions = array<i32: 0>} : vector<64x10000xi32>
    %get3A_20 = arith.constant 0 : index
    %get3A_21 = arith.constant 0 : index
    %get3A_22 = vector.load %arg3[%get3A_20, %get3A_21] : memref<1x10000xi32, #tpu.memory_space<vmem>>, vector<1x10000xi32>
    %eq3A = vector.broadcast %get3A_22 : vector<1x10000xi32> to vector<64x10000xi32>
    %eq3A_23 = arith.cmpi eq, %eq3A, %iota3A : vector<64x10000xi32>
    %convert_element_type3A = arith.extui %eq3A_23 : vector<64x10000xi1> to vector<64x10000xi32>
    %convert_element_type3A_24 = arith.sitofp %convert_element_type3A : vector<64x10000xi32> to vector<64x10000xf32>
    %dot_general3A = arith.constant dense<0.000000e+00> : vector<64x16xf32>
    %dot_general3A_25 = tpu.matmul %convert_element_type3A_24, %max3A_19, %dot_general3A {dimension_numbers = #tpu.dot_dimension_numbers<[1], [0], [0], [1], [0, 0, 1, 1], [], []>, transpose_lhs_hint = false} : vector<64x10000xf32>, vector<10000x16xf32>, vector<64x16xf32> -> vector<64x16xf32>
    %reduce_sum3A = arith.constant dense<0.000000e+00> : vector<64xf32>
    %reduce_sum3A_26 = vector.multi_reduction <add>, %convert_element_type3A_24, %reduce_sum3A [1] : vector<64x10000xf32> to vector<64xf32>
    %broadcast_in_dim3A = vector.shape_cast %reduce_sum3A_26 : vector<64xf32> to vector<64x1xf32>
    %max3A_27 = arith.constant 1.000000e+00 : f32
    %max3A_28 = vector.broadcast %max3A_27 : f32 to vector<64x1xf32>
    %max3A_29 = arith.maximumf %broadcast_in_dim3A, %max3A_28 : vector<64x1xf32>
    %div3A = vector.broadcast %max3A_29 : vector<64x1xf32> to vector<64x16xf32>
    %div3A_30 = arith.divf %dot_general3A_25, %div3A : vector<64x16xf32>
    %get3A_31 = arith.constant 0 : index
    %get3A_32 = arith.constant 0 : index
    %get3A_33 = vector.load %arg4[%get3A_31, %get3A_32] : memref<16x2xf32, #tpu.memory_space<vmem>>, vector<16x2xf32>
    %dot_general3A_34 = arith.constant dense<0.000000e+00> : vector<64x2xf32>
    %dot_general3A_35 = tpu.matmul %div3A_30, %get3A_33, %dot_general3A_34 {dimension_numbers = #tpu.dot_dimension_numbers<[1], [0], [0], [1], [0, 0, 1, 1], [], []>, transpose_lhs_hint = false} : vector<64x16xf32>, vector<16x2xf32>, vector<64x2xf32> -> vector<64x2xf32>
    %get3A_36 = arith.constant 0 : index
    %get3A_37 = arith.constant 0 : index
    %get3A_38 = vector.load %arg5[%get3A_36, %get3A_37] : memref<1x2xf32, #tpu.memory_space<vmem>>, vector<1x2xf32>
    %add3A_39 = vector.broadcast %get3A_38 : vector<1x2xf32> to vector<64x2xf32>
    %add3A_40 = arith.addf %dot_general3A_35, %add3A_39 : vector<64x2xf32>
    %reduce_max3A = arith.constant dense<0xFF800000> : vector<64xf32>
    %reduce_max3A_41 = vector.multi_reduction <maximumf>, %add3A_40, %reduce_max3A [1] : vector<64x2xf32> to vector<64xf32>
    %broadcast_in_dim3A_42 = vector.shape_cast %reduce_max3A_41 : vector<64xf32> to vector<64x1xf32>
    %sub3A = vector.broadcast %broadcast_in_dim3A_42 : vector<64x1xf32> to vector<64x2xf32>
    %sub3A_43 = arith.subf %add3A_40, %sub3A : vector<64x2xf32>
    %exp3A = math.exp %sub3A_43 : vector<64x2xf32>
    %reduce_sum3A_44 = arith.constant dense<0.000000e+00> : vector<64xf32>
    %reduce_sum3A_45 = vector.multi_reduction <add>, %exp3A, %reduce_sum3A_44 [1] : vector<64x2xf32> to vector<64xf32>
    %broadcast_in_dim3A_46 = vector.shape_cast %reduce_sum3A_45 : vector<64xf32> to vector<64x1xf32>
    %log3A = math.log %broadcast_in_dim3A_46 : vector<64x1xf32>
    %sub3A_47 = vector.broadcast %log3A : vector<64x1xf32> to vector<64x2xf32>
    %sub3A_48 = arith.subf %sub3A_43, %sub3A_47 : vector<64x2xf32>
    %swap3A = arith.constant 0 : index
    %swap3A_49 = arith.constant 0 : index
    %swap3A_50 = vector.load %arg6[%swap3A, %swap3A_49] : memref<64x2xf32, #tpu.memory_space<vmem>>, vector<64x2xf32>
    tpu.vector_store %arg6[%swap3A, %swap3A_49], %sub3A_48 {strides = array<i32>} : memref<64x2xf32, #tpu.memory_space<vmem>>, vector<64x2xf32>,
    return
  }
}

</mosaic_0001>

<sc_bundles>
// kernel: gcn_deg.3.cloned.1.call-start
scs
__scs_entry_jumppad:
0x0: {  	(pc) =	sbr.rel $0x88, $3  }
0x1: {  	(tag) =	ssettag $0x0;
	lr =	simm.s32 $0x1  }
0x2: {  	[smem:$0x3F98] =	sst lr;
	_ =	strace $0xD0000000  }
0x3: {  	_ = 	snop  }
0x4: {  	_ = 	snop  }
0x5: {  	_ = 	snop  }
0x6: {  	_ = 	snop  }
0x7: {  	_ = 	snop  }
__scs_overlays_trampoline_lowered:
0x8: {  	[smem:$0x3FA7] =	sst s0  }
0x9: {  	[smem:$0x3FA8] =	sst s1  }
0xa: {  	[smem:$0x3FA9] =	sst s2  }
0xb: {  	[smem:$0x3FAA] =	sst s3  }
0xc: {  	[smem:$0x3FAB] =	sst s4  }
0xd: {  	[smem:$0x3FAC] =	sst s5  }
0xe: {  	[smem:$0x3FAD] =	sst s6  }
0xf: {  	[smem:$0x3FAE] =	sst s7  }
0x10: {  	[smem:$0x3FAF] =	sst s8  }
0x11: {  	[smem:$0x3FB0] =	sst s9;
	s0 =	simm.s32 @!p0 $0x0  }
0x12: {  	s1 =	sld [smem:$0x3F96];
	s0 =	simm.s32 @p0 $0x1  }
0x13: {  	[smem:$0x3FB1] =	sst s0;
	s0 =	simm.s32 @!p1 $0x0  }
0x14: {  	s2 =	sld [smem:$0x3F95];
	s0 =	simm.s32 @p1 $0x1  }
0x15: {  	[smem:$0x3FB2] =	sst s0;
	s0 =	simm.s32 @!p2 $0x0  }
0x16: {  	s3 =	sld [smem:$0x3FDB];
	s0 =	simm.s32 @p2 $0x1  }
0x17: {  	s4 =	simm.s32 $0x1BF5;
	[smem:$0x3FB4] =	sst s0  }
0x18: {  	s0 =	sld [smem:$0x3F97];
	_ =	swait.ge [sflag:s4], $0x0  }
0x19: {  	s7 =	sld [smem:$0x3F98]  }
0x1a: {  	s8 =	sadd.s32 $0xFFFFE003, lr  }
0x1b: {  	s9 =	sadd.s32 $0xFFFFFEF7, lr;
	s5 =	simm.s32 $0xFFFFFFFF;
	p2 =	slt.u32 s8, $0xFFFFF086  }
0x1c: {  	p1 =	slt.u32 s9, $0xF7A;
	s5 =	simm.s32 @!p2 $0x0  }
0x1d: {  	s5 =	simm.s32 @p1 $0x1;
	p0 =	seq.s32 s7, s2  }
0x1e: {  	s7 =	smul.u32 @!p0 $0xF7A, s2;
	p2 =	seq.s32 @!p0 s5, $0x0  }
0x1f: {  	s9 =	smul.u32 $0xF7A, s1;
	s8 =	simm.s32 @!p0 $0x1BF5;
	p2 =	por !p2, p0  }
0x20: {  	[sflag:s8] =	ssyncset.s32 @!p0 $0xFFFFF086;
	s6 =	sadd.s32 @!p0 s3, s7;
	s7 =	simm.s32 @!p0 $0x108  }
0x21: {  	s3 =	sadd.s32 s3, s9;
	s6 =	sadd.s32 @!p0 $0x88, s6;
	s7 =	simm.s32 @p2 $0x1082  }
0x22: {  	[simem:s7], [sflag:s8] =	dma.local @!p0 [hbm:s6], $0xF7A  }
0x23: {  	s9 =	sor.u32 $0xD0000000, s2;
	s6 =	simm.s32 $0x108;
	_ =	swait.ge @!p0 [sflag:s8], $0x0  }
0x24: {  	s3 =	sadd.s32 $0x88, s3;
	s6 =	simm.s32 @!p1 $0x1082;
	[sflag:s4] =	ssyncset.s32 $0xFFFFF086  }
0x25: {  	[simem:s6], [sflag:s4] =	dma.local [hbm:s3], $0xF7A  }
0x26: {  	[smem:$0x3F98] =	sst s1;
	(tag) =	ssettag s2;
	_ =	strace s9  }
0x27: {  	s1 =	sld [smem:$0x3FA8]  }
0x28: {  	s2 =	sld [smem:$0x3FA9]  }
0x29: {  	s4 =	sld [smem:$0x3FAB]  }
0x2a: {  	p0 =	seq.s32 s5, $0x0;
	s5 =	sld [smem:$0x3FAC]  }
0x2b: {  	s6 =	sld [smem:$0x3FAD]  }
0x2c: {  	s7 =	sld [smem:$0x3FAE]  }
0x2d: {  	s3 =	simm.s32 $0x108;
	s8 =	sld [smem:$0x3FAF]  }
0x2e: {  	s3 =	simm.s32 @!p0 $0x1082;
	s9 =	sld [smem:$0x3FB0]  }
0x2f: {  	lr =	sadd.s32 s0, s3;
	s0 =	sld [smem:$0x3FA7]  }
0x30: {  	s3 =	sld [smem:$0x3FAA]  }
0x31: {  	[smem:$0x3FB3] =	sst s10  }
0x32: {  	s10 =	sld [smem:$0x3FB1];
	_ =	sdelay $0x3  }
0x33: {  	p0 =	seq.s32 s10, $0x1;
	s10 =	sld [smem:$0x3FB3];
	_ =	sdelay $0x3  }
0x34: {  	[smem:$0x3FB3] =	sst s10  }
0x35: {  	s10 =	sld [smem:$0x3FB2];
	_ =	sdelay $0x3  }
0x36: {  	p1 =	seq.s32 s10, $0x1;
	s10 =	sld [smem:$0x3FB3];
	_ =	sdelay $0x3  }
0x37: {  	[smem:$0x3FB3] =	sst s10  }
0x38: {  	s10 =	sld [smem:$0x3FB4]  }
0x39: {  	_ = 	snop;
	(pc) =	sbr.ind lr, $3  }
0x3a: {  	_ = 	snop  }
0x3b: {  	_ = 	snop  }
0x3c: {  	p2 =	seq.s32 s10, $0x1;
	s10 =	sld [smem:$0x3FB3]  }
0x3d: {  	_ =	shalt  }
0x3e: {  	_ =	shalt  }
0x3f: {  	_ =	shalt  }
0x40: {  	_ =	shalt  }
0x41: {  	_ =	shalt  }
0x42: {  	_ =	shalt  }
0x43: {  	_ =	shalt  }
0x44: {  	_ =	shalt  }
0x45: {  	_ =	shalt  }
0x46: {  	_ =	shalt  }
0x47: {  	_ =	shalt  }
0x48: {  	_ =	shalt  }
0x49: {  	_ =	shalt  }
0x4a: {  	_ =	shalt  }
0x4b: {  	_ =	shalt  }
0x4c: {  	_ =	shalt  }
0x4d: {  	_ =	shalt  }
0x4e: {  	_ =	shalt  }
0x4f: {  	_ =	shalt  }
0x50: {  	_ =	shalt  }
0x51: {  	_ =	shalt  }
0x52: {  	_ =	shalt  }
0x53: {  	_ =	shalt  }
0x54: {  	_ =	shalt  }
0x55: {  	_ =	shalt  }
0x56: {  	_ =	shalt  }
0x57: {  	_ =	shalt  }
0x58: {  	_ =	shalt  }
0x59: {  	_ =	shalt  }
0x5a: {  	_ =	shalt  }
0x5b: {  	_ =	shalt  }
0x5c: {  	_ =	shalt  }
0x5d: {  	_ =	shalt  }
0x5e: {  	_ =	shalt  }
0x5f: {  	_ =	shalt  }
0x60: {  	_ =	shalt  }
0x61: {  	_ =	shalt  }
0x62: {  	_ =	shalt  }
0x63: {  	_ =	shalt  }
0x64: {  	_ =	shalt  }
0x65: {  	_ =	shalt  }
0x66: {  	_ =	shalt  }
0x67: {  	_ =	shalt  }
0x68: {  	_ =	shalt  }
0x69: {  	_ =	shalt  }
0x6a: {  	_ =	shalt  }
0x6b: {  	_ =	shalt  }
0x6c: {  	_ =	shalt  }
0x6d: {  	_ =	shalt  }
0x6e: {  	_ =	shalt  }
0x6f: {  	_ =	shalt  }
0x70: {  	_ =	shalt  }
0x71: {  	_ =	shalt  }
0x72: {  	_ =	shalt  }
0x73: {  	_ =	shalt  }
0x74: {  	_ =	shalt  }
0x75: {  	_ =	shalt  }
0x76: {  	_ =	shalt  }
0x77: {  	_ =	shalt  }
0x78: {  	_ =	shalt  }
0x79: {  	_ =	shalt  }
0x7a: {  	_ =	shalt  }
0x7b: {  	_ =	shalt  }
0x7c: {  	_ =	shalt  }
0x7d: {  	_ =	shalt  }
0x7e: {  	_ =	shalt  }
0x7f: {  	_ =	shalt  }
0x80: {  	_ =	shalt  }
0x81: {  	_ =	shalt  }
0x82: {  	_ =	shalt  }
0x83: {  	_ =	shalt  }
0x84: {  	_ =	shalt  }
0x85: {  	_ =	shalt  }
0x86: {  	_ =	shalt  }
0x87: {  	_ =	shalt  }
.Lfunc_end0:
.L_simem_size_0:
called_computation_lowered:
.L_overlay_start_0:
0x88: {  	s2 =	sld [smem:$0x3FD9]  }
0x89: {  	s3 =	sld [smem:$0x3FFE];
	_ =	sdelay $0x1  }
0x8a: {  	s1 =	srdreg.scid  }
0x8b: {  	s0 =	sand.u32 $0x1, s1  }
0x8c: {  	s16 =	sshll.u32 s0, $0xA;
	s2 =	sadd.s32 s3, s2  }
0x8d: {  	s2 =	sadd.s32 s2, s16  }
0x8e: {  	[smem:$0x3FBF] =	sst s2  }
0x8f: {  	_ = 	snop  }
0x90: {  	(tm) =	ssettm $0x1  }
0x91: {  	s17 =	sld [smem:$0x3FFB];
	_ =	sdelay $0x3  }
0x92: {  	_ =	strace s17  }
0x93: {  	s2 =	sld [smem:$0x3FFC];
	_ =	sdelay $0x3  }
0x94: {  	_ =	strace s2  }
0x95: {  	s2 =	sld [smem:$0x3FFD];
	_ =	sdelay $0x3  }
0x96: {  	_ =	strace s2  }
0x97: {  	_ =	strace $0x8FFFFFFF  }
0x98: {  	s18 =	sld [smem:$0x3FDB];
	_ =	sdelay $0x1  }
0x99: {  	s19 =	simm.s32 $_scs_section_size  }
0x9a: {  	s4 =	simm.s32 $_size__tile_overlayer_lowered;
	s5 =	simm.s32 $_tile_overlayer_lowered  }
0x9b: {  	s22 =	simm.s32 $0x1BFF;
	s21 =	sshll.u32 s5, $0x1;
	s2 =	sadd.s32 s19, s18  }
0x9c: {  	s6 =	simm.s32 $0x0;
	s20 =	sshll.u32 s4, $0x1;
	s4 =	sadd.s32 s21, s2  }
0x9d: {  	[timem:s6], [sflag:s22] =	dma.local [hbm:s4], s20  }
0x9e: {  	_ =	swait.ge [sflag:s22], s20  }
0x9f: {  	s3 =	ssub.s32 $0x0, s20;
	[sflag:s22] =	ssyncset.done $0x0  }
0xa0: {  	[sflag:s22] =	ssyncadd.s32 s3;
	_ =	sdelay $0x1  }
0xa1: {  	s23 =	simm.s32 $0x1B8B  }
0xa2: {  	_ =	swait.ge [sflag:s23], $0x1  }
0xa3: {  	[sflag:s23] =	ssyncset.done $0x0  }
0xa4: {  	s25 =	simm.s32 $0x1B8E;
	s24 =	sld [smem:$0x3FFE];
	[sflag:s23] =	ssyncadd.s32 $0xFFFFFFFF  }
0xa5: {  	s26 =	simm.s32 $execute0_lowered;
	[smem:$0x3FD2] =	sst s25  }
0xa6: {  	s4 =	sshll.u32 s26, $0x1;
	_ =	strace $0x80000046;
	[dreg:$0x1] =	wrdreg $0xFFFFFFFF  }
0xa7: {  	s28 =	simm.s32 $_size_execute0_lowered;
	s2 =	sadd.s32 s2, s4;
	[dreg:$0x0] =	wrdreg $0x0  }
0xa8: {  	s4 =	sshll.u32 s28, $0x1;
	[dreg:$0x2] =	wrdreg s2  }
0xa9: {  	[dreg:$0x3] =	wrdreg s4  }
0xaa: {  	[dreg:$0x4] =	wrdreg $0xC0  }
0xab: {  	_ =	task [dreg:s6], $0x5FFFF  }
0xac: {  	[dreg:$0x1] =	wrdreg $0xFFFFFFFF  }
0xad: {  	[dreg:$0x0] =	wrdreg $0x60  }
0xae: {  	[dreg:$0x2] =	wrdreg s24  }
0xaf: {  	[dreg:$0x3] =	wrdreg $0x2B800  }
0xb0: {  	[dreg:$0x4] =	wrdreg $0x9  }
0xb1: {  	_ =	task.clear_ibuf [dreg:s6], $0x5FFFF;
	_ =	strace $0x90000046  }
0xb2: {  	s29 =	simm.s32 $0x9;
	_ =	strace $0x80000048  }
0xb3: {  	_ =	swait.ge [sflag:s29], $0x1  }
0xb4: {  	[sflag:s29] =	ssyncadd.s32 $0xFFFFFFFF  }
0xb5: {  	_ =	strace $0x90000048  }
0xb6: {  	_ =	sfence  }
0xb7: {  	s30 =	sld [smem:$0x0];
	_ =	sdelay $0x2  }
0xb8: {  	s31 =	sshll.u32 s1, $0xD;
	s1 =	sshrl.u32 s1, $0x2  }
0xb9: {  	s3 =	sand.u32 $0x4000, s31;
	s1 =	sadd.s32 s1, s30  }
0xba: {  	s0 =	sor.u32 s3, s0;
	s1 =	sshll.u32 s1, $0x11  }
0xbb: {  	s0 =	sor.u32 s1, s0  }
0xbc: {  	s0 =	sadd.s32 $0x8F2B, s0  }
0xbd: {  	[sflag:s0] =	ssyncadd.remote.s32 $0x1  }
0xbe: {  	_ =	sfence.sel $0xFFFF  }
0xbf: {  	[dreg:$0x0] =	wrdreg $0xFFFFFFFF;
	(pc) =	sbr.abs _section_cstart, $3  }
0xc0: {  	[dreg:$0x1] =	wrdreg $0xFFFFFFFF  }
0xc1: {  	_ =	task.clear_ibuf [dreg:s6], $0x2FFFF;
	_ =	strace $0x9FFFFFFF  }
0xc2: {  	(tm) =	ssettm $0x7FFFFFFF  }
0xc3: {  	_ =	shalt  }
tec
execute0_lowered:
.L_overlay_start_1:
0x0: {  	(tag) =	ssettag $0x1  }
0x1: {  	s0 =	rddreg [dreg:$0x0]  }
0x2: {  	s2 =	rddreg [dreg:$0x1]  }
0x3: {  	s1 =	srdreg.scid;
	s11 =	stileid.u32;
	s3 =	simm.s32 $0x0  }
0x4: {  	s18 =	simm.s32 $0x2780;
	s19 =	simm.s32 $0x80;
	s28 =	simm.s32 $0x2  }
0x5: {  	s29 =	simm.s32 $0x3;
	s30 =	simm.s32 $0x4;
	s31 =	simm.s32 $0x5  }
0x6: {  	s20 =	simm.s32 $0x8;
	s22 =	simm.s32 $0x2700;
	s23 =	simm.s32 $0x0  }
0x7: {  	s1 =	sand.u32 $0x1, s1;
	s4 =	sshll.u32 s11, $0x1;
	s7 =	smul.u32 $0x4E00, s11  }
0x8: {  	[smem:$0x7FF] =	sst s3;
	s5 =	sadd.s32 $0x15A00, s0;
	s10 =	smul.u32 $0x1380, s11  }
0x9: {  	s17 =	sadd.s32 $0x13800, s2;
	s26 =	sshll.u32 s11, $0x6;
	p0 =	sne.s32 s11, $0xF  }
0xa: {  	s4 =	sor.u32 s1, s4;
	_ =	strace $0x80000047;
	s8 =	ssub.s32 $0x2, s1  }
0xb: {  	s1 =	smul.u32 $0x13880, s1;
	s11 =	sor.u32 $0x1C09, s26;
	s17 =	sshrl.u32 @!p0 s17, $0x3  }
0xc: {  	s26 =	simm.s32 $0x1;
	s6 =	smul.u32 $0x4F0, s4;
	s4 =	sadd.s32 $0x15C00, s0  }
0xd: {  	s9 =	sshrl.u32 s8, $0x1;
	s7 =	sshrl.u32 s7, $0x2;
	s12 =	sadd.s32 s10, s2  }
0xe: {  	s9 =	ssub.s32 s8, s9;
	s7 =	sadd.s32 s7, s2;
	s24 =	sadd.s32 s10, s1  }
0xf: {  	s1 =	sshrl.u32 s1, $0x3;
	s10 =	simm.s32 $0x9;
	s12 =	sshrl.u32 s12, $0x3  }
0x10: {  	s6 =	sadd.s32 s6, s0;
	s0 =	sadd.s32 $0x15E00, s0;
	s13 =	sadd.s32 $0x400, s7  }
0x11: {  	s14 =	sadd.s32 $0x800, s7;
	s15 =	sadd.s32 $0xC00, s7;
	s16 =	sadd.s32 $0x1000, s7  }
0x12: {  	s25 =	sshrl.u32 s24, $0x3;
	s9 =	smax.u32 s9, $0x1;
	s6 =	sadd.s32 $0x1E00, s6  }
0x13: {  	s7 =	sadd.s32 s0, s25;
	s0 =	sadd.s32 s0, s1;
	s13 =	sshrl.u32 s13, $0x3  }
0x14: {  	s14 =	sshrl.u32 s14, $0x3;
	s15 =	sshrl.u32 s15, $0x3;
	s16 =	sshrl.u32 s16, $0x3  }
0x15: {  	s1 =	simm.s32 $0x7;
	s8 =	sadd.s32 $0x2700, s0;
	s0 =	simm.s32 $0x6  }
.LBB2_1:
0x16: {  	[tilespmem:s3], [sflag:$0x9] =	stream.linear.gather [hbm4b:s6+s3], $0x2780, $0x38;
	[tilespmem:$0x3F48] =	vst v63  }
0x17: {  	_ =	swait.ge [sflag:s10], $0x2780  }
0x18: {  	[sflag:s10] =	ssyncset.done $0x0  }
0x19: {  	[sflag:s10] =	ssyncadd.s32 $0xFFFFD880  }
0x1a: {  	[spmem:s12], [sflag:s11] =	dma.local [hbm:s5], $0x80  }
0x1b: {  	_ =	swait.ge [sflag:s10], $0x80  }
0x1c: {  	[sflag:s10] =	ssyncset.done $0x0  }
0x1d: {  	[sflag:s10] =	ssyncadd.s32 $0xFFFFFF80  }
0x1e: {  	[spmem:s13], [sflag:s11] =	dma.local [hbm:s5], $0x80  }
0x1f: {  	_ =	swait.ge [sflag:s10], $0x80  }
0x20: {  	[sflag:s10] =	ssyncset.done $0x0  }
0x21: {  	[sflag:s10] =	ssyncadd.s32 $0xFFFFFF80  }
0x22: {  	[spmem:s14], [sflag:s11] =	dma.local [hbm:s5], $0x80  }
0x23: {  	_ =	swait.ge [sflag:s10], $0x80  }
0x24: {  	[sflag:s10] =	ssyncset.done $0x0  }
0x25: {  	[sflag:s10] =	ssyncadd.s32 $0xFFFFFF80  }
0x26: {  	[spmem:s15], [sflag:s11] =	dma.local [hbm:s5], $0x80  }
0x27: {  	_ =	swait.ge [sflag:s10], $0x80  }
0x28: {  	[sflag:s10] =	ssyncset.done $0x0  }
0x29: {  	[sflag:s10] =	ssyncadd.s32 $0xFFFFFF80  }
0x2a: {  	[spmem:s16], [sflag:s11] =	dma.local [hbm:s5], $0x70  }
0x2b: {  	_ =	swait.ge [sflag:s10], $0x70  }
0x2c: {  	[sflag:s10] =	ssyncset.done $0x0  }
0x2d: {  	s24 =	simm.s32 @!p0 $0x9;
	[sflag:s10] =	ssyncadd.s32 $0xFFFFFF90  }
0x2e: {  	[spmem:s17], [sflag:s11] =	dma.local @!p0 [hbm:s5], $0x10  }
0x2f: {  	_ =	swait.ge @!p0 [sflag:s24], $0x10  }
0x30: {  	[sflag:s24] =	ssyncset.done @!p0 $0x0  }
0x31: {  	[sflag:s24] =	ssyncadd.s32 @!p0 $0xFFFFFFF0  }
0x32: {  	[tilespmem:s18], [sflag:$0x9] =	stream.linear.gather [hbm4b:s4+s3], $0x400, $0x38;
	[tilespmem:$0x3F48] =	vst v63  }
0x33: {  	_ =	swait.ge [sflag:s10], $0x400  }
0x34: {  	[sflag:s10] =	ssyncset.done $0x0  }
0x35: {  	[sflag:s10] =	ssyncadd.s32 $0xFFFFFC00  }
0x36: {  	[bflag:$0x0] =	sbarrier.arrive $0xFFFF  }
0x37: {  	[spmem:s2] =	stream.indirect.scatter.add.f32 [tilespmem:s18], [sflag:$0x1], $0x8, s3, s19, $0xb8;
	[tilespmem:$0x3F48] =	vst v63  }
0x38: {  	_ = 	snop  }
0x39: {  	[spmem:s2] =	stream.indirect.scatter.add.f32 [tilespmem:s18], [sflag:$0x2], $0x8, s19, s19, $0xb8;
	[tilespmem:$0x3F48] =	vst v63  }
0x3a: {  	s21 =	simm.s32 $0x100  }
0x3b: {  	[spmem:s2] =	stream.indirect.scatter.add.f32 [tilespmem:s18], [sflag:$0x3], $0x8, s21, s19, $0xb8;
	[tilespmem:$0x3F48] =	vst v63  }
0x3c: {  	s24 =	simm.s32 $0x180  }
0x3d: {  	[spmem:s2] =	stream.indirect.scatter.add.f32 [tilespmem:s18], [sflag:$0x4], $0x8, s24, s19, $0xb8;
	[tilespmem:$0x3F48] =	vst v63  }
0x3e: {  	s25 =	simm.s32 $0x200  }
0x3f: {  	[spmem:s2] =	stream.indirect.scatter.add.f32 [tilespmem:s18], [sflag:$0x5], $0x8, s25, s19, $0xb8;
	[tilespmem:$0x3F48] =	vst v63  }
0x40: {  	s24 =	simm.s32 $0x280  }
0x41: {  	[spmem:s2] =	stream.indirect.scatter.add.f32 [tilespmem:s18], [sflag:$0x6], $0x8, s24, s19, $0xb8;
	[tilespmem:$0x3F48] =	vst v63  }
0x42: {  	s25 =	simm.s32 $0x300  }
0x43: {  	[spmem:s2] =	stream.indirect.scatter.add.f32 [tilespmem:s18], [sflag:$0x7], $0x8, s25, s19, $0xb8;
	[tilespmem:$0x3F48] =	vst v63  }
0x44: {  	s24 =	simm.s32 $0x380  }
0x45: {  	[spmem:s2] =	stream.indirect.scatter.add.f32 [tilespmem:s18], [sflag:$0x8], $0x8, s24, s19, $0xb8;
	[tilespmem:$0x3F48] =	vst v63  }
0x46: {  	_ =	swait.ge [sflag:s26], $0x400  }
0x47: {  	[sflag:s26] =	ssyncset.done $0x0  }
0x48: {  	s25 =	simm.s32 $0x400;
	[sflag:s26] =	ssyncadd.s32 $0xFFFFFC00  }
0x49: {  	[spmem:s2] =	stream.indirect.scatter.add.f32 [tilespmem:s18], [sflag:$0x1], $0x8, s25, s19, $0xb8;
	[tilespmem:$0x3F48] =	vst v63  }
0x4a: {  	_ =	swait.ge [sflag:s28], $0x400  }
0x4b: {  	[sflag:s28] =	ssyncset.done $0x0  }
0x4c: {  	s21 =	simm.s32 $0x480;
	[sflag:s28] =	ssyncadd.s32 $0xFFFFFC00  }
0x4d: {  	[spmem:s2] =	stream.indirect.scatter.add.f32 [tilespmem:s18], [sflag:$0x2], $0x8, s21, s19, $0xb8;
	[tilespmem:$0x3F48] =	vst v63  }
0x4e: {  	_ =	swait.ge [sflag:s29], $0x400  }
0x4f: {  	[sflag:s29] =	ssyncset.done $0x0  }
0x50: {  	s25 =	simm.s32 $0x500;
	[sflag:s29] =	ssyncadd.s32 $0xFFFFFC00  }
0x51: {  	[spmem:s2] =	stream.indirect.scatter.add.f32 [tilespmem:s18], [sflag:$0x3], $0x8, s25, s19, $0xb8;
	[tilespmem:$0x3F48] =	vst v63  }
0x52: {  	_ =	swait.ge [sflag:s30], $0x400  }
0x53: {  	[sflag:s30] =	ssyncset.done $0x0  }
0x54: {  	s21 =	simm.s32 $0x580;
	[sflag:s30] =	ssyncadd.s32 $0xFFFFFC00  }
0x55: {  	[spmem:s2] =	stream.indirect.scatter.add.f32 [tilespmem:s18], [sflag:$0x4], $0x8, s21, s19, $0xb8;
	[tilespmem:$0x3F48] =	vst v63  }
0x56: {  	_ =	swait.ge [sflag:s31], $0x400  }
0x57: {  	[sflag:s31] =	ssyncset.done $0x0  }
0x58: {  	s25 =	simm.s32 $0x600;
	[sflag:s31] =	ssyncadd.s32 $0xFFFFFC00  }
0x59: {  	[spmem:s2] =	stream.indirect.scatter.add.f32 [tilespmem:s18], [sflag:$0x5], $0x8, s25, s19, $0xb8;
	[tilespmem:$0x3F48] =	vst v63  }
0x5a: {  	_ =	swait.ge [sflag:s0], $0x400  }
0x5b: {  	[sflag:s0] =	ssyncset.done $0x0  }
0x5c: {  	s21 =	simm.s32 $0x680;
	[sflag:s0] =	ssyncadd.s32 $0xFFFFFC00  }
0x5d: {  	[spmem:s2] =	stream.indirect.scatter.add.f32 [tilespmem:s18], [sflag:$0x6], $0x8, s21, s19, $0xb8;
	[tilespmem:$0x3F48] =	vst v63  }
0x5e: {  	_ =	swait.ge [sflag:s1], $0x400  }
0x5f: {  	[sflag:s1] =	ssyncset.done $0x0  }
0x60: {  	s25 =	simm.s32 $0x700;
	[sflag:s1] =	ssyncadd.s32 $0xFFFFFC00  }
0x61: {  	[spmem:s2] =	stream.indirect.scatter.add.f32 [tilespmem:s18], [sflag:$0x7], $0x8, s25, s19, $0xb8;
	[tilespmem:$0x3F48] =	vst v63  }
0x62: {  	_ =	swait.ge [sflag:s20], $0x400  }
0x63: {  	[sflag:s20] =	ssyncset.done $0x0  }
0x64: {  	s24 =	simm.s32 $0x1000;
	s25 =	simm.s32 $0x780;
	[sflag:s20] =	ssyncadd.s32 $0xFFFFFC00  }
.LBB2_2:
0x65: {  	[spmem:s2] =	stream.indirect.scatter.add.f32 [tilespmem:s18], [sflag:$0x8], $0x8, s25, s19, $0xb8;
	[tilespmem:$0x3F48] =	vst v63  }
0x66: {  	s25 =	smov.u32 s24  }
0x67: {  	p1 =	sne.s32 s24, $0x7000;
	s24 =	sadd.s32 $0x1000, s24;
	_ =	swait.ge [sflag:s26], $0x400  }
0x68: {  	s25 =	sshra.s32 s25, $0x2;
	[sflag:s26] =	ssyncset.done $0x0  }
0x69: {  	s21 =	sadd.s32 $0x400, s25;
	[sflag:s26] =	ssyncadd.s32 $0xFFFFFC00  }
0x6a: {  	[spmem:s2] =	stream.indirect.scatter.add.f32 [tilespmem:s18], [sflag:$0x1], $0x8, s21, s19, $0xb8;
	[tilespmem:$0x3F48] =	vst v63  }
0x6b: {  	_ =	swait.ge [sflag:s28], $0x400  }
0x6c: {  	[sflag:s28] =	ssyncset.done $0x0  }
0x6d: {  	s21 =	sadd.s32 $0x480, s25;
	[sflag:s28] =	ssyncadd.s32 $0xFFFFFC00  }
0x6e: {  	[spmem:s2] =	stream.indirect.scatter.add.f32 [tilespmem:s18], [sflag:$0x2], $0x8, s21, s19, $0xb8;
	[tilespmem:$0x3F48] =	vst v63  }
0x6f: {  	_ =	swait.ge [sflag:s29], $0x400  }
0x70: {  	[sflag:s29] =	ssyncset.done $0x0  }
0x71: {  	s21 =	sadd.s32 $0x500, s25;
	[sflag:s29] =	ssyncadd.s32 $0xFFFFFC00  }
0x72: {  	[spmem:s2] =	stream.indirect.scatter.add.f32 [tilespmem:s18], [sflag:$0x3], $0x8, s21, s19, $0xb8;
	[tilespmem:$0x3F48] =	vst v63  }
0x73: {  	_ =	swait.ge [sflag:s30], $0x400  }
0x74: {  	[sflag:s30] =	ssyncset.done $0x0  }
0x75: {  	s21 =	sadd.s32 $0x580, s25;
	[sflag:s30] =	ssyncadd.s32 $0xFFFFFC00  }
0x76: {  	[spmem:s2] =	stream.indirect.scatter.add.f32 [tilespmem:s18], [sflag:$0x4], $0x8, s21, s19, $0xb8;
	[tilespmem:$0x3F48] =	vst v63  }
0x77: {  	_ =	swait.ge [sflag:s31], $0x400  }
0x78: {  	[sflag:s31] =	ssyncset.done $0x0  }
0x79: {  	s21 =	sadd.s32 $0x600, s25;
	[sflag:s31] =	ssyncadd.s32 $0xFFFFFC00  }
0x7a: {  	[spmem:s2] =	stream.indirect.scatter.add.f32 [tilespmem:s18], [sflag:$0x5], $0x8, s21, s19, $0xb8;
	[tilespmem:$0x3F48] =	vst v63  }
0x7b: {  	_ =	swait.ge [sflag:s0], $0x400  }
0x7c: {  	[sflag:s0] =	ssyncset.done $0x0  }
0x7d: {  	s21 =	sadd.s32 $0x680, s25;
	[sflag:s0] =	ssyncadd.s32 $0xFFFFFC00  }
0x7e: {  	[spmem:s2] =	stream.indirect.scatter.add.f32 [tilespmem:s18], [sflag:$0x6], $0x8, s21, s19, $0xb8;
	[tilespmem:$0x3F48] =	vst v63  }
0x7f: {  	_ =	swait.ge [sflag:s1], $0x400  }
0x80: {  	[sflag:s1] =	ssyncset.done $0x0  }
.Ltmp0:
0x81: {  	s21 =	sadd.s32 $0x700, s25;
	[sflag:s1] =	ssyncadd.s32 $0xFFFFFC00;
	(pc) =	sbr.rel @p1 .LBB2_2-.Ltmp0, $4  }
0x82: {  	[spmem:s2] =	stream.indirect.scatter.add.f32 [tilespmem:s18], [sflag:$0x7], $0x8, s21, s19, $0xb8;
	[tilespmem:$0x3F48] =	vst v63  }
0x83: {  	_ =	swait.ge [sflag:s20], $0x400  }
0x84: {  	[sflag:s20] =	ssyncset.done $0x0  }
0x85: {  	s25 =	sadd.s32 $0x780, s25;
	[sflag:s20] =	ssyncadd.s32 $0xFFFFFC00  }
0x86: {  	[spmem:s2] =	stream.indirect.scatter.add.f32 [tilespmem:s18], [sflag:$0x8], $0x8, s25, s19, $0xb8;
	[tilespmem:$0x3F48] =	vst v63  }
0x87: {  	_ =	swait.ge [sflag:s26], $0x400  }
0x88: {  	[sflag:s26] =	ssyncset.done $0x0  }
0x89: {  	s21 =	simm.s32 $0x2400;
	[sflag:s26] =	ssyncadd.s32 $0xFFFFFC00  }
0x8a: {  	[spmem:s2] =	stream.indirect.scatter.add.f32 [tilespmem:s18], [sflag:$0x1], $0x8, s21, s19, $0xb8;
	[tilespmem:$0x3F48] =	vst v63  }
0x8b: {  	_ =	swait.ge [sflag:s28], $0x400  }
0x8c: {  	[sflag:s28] =	ssyncset.done $0x0  }
0x8d: {  	s25 =	simm.s32 $0x2480;
	[sflag:s28] =	ssyncadd.s32 $0xFFFFFC00  }
0x8e: {  	[spmem:s2] =	stream.indirect.scatter.add.f32 [tilespmem:s18], [sflag:$0x2], $0x8, s25, s19, $0xb8;
	[tilespmem:$0x3F48] =	vst v63  }
0x8f: {  	_ =	swait.ge [sflag:s29], $0x400  }
0x90: {  	[sflag:s29] =	ssyncset.done $0x0  }
0x91: {  	s24 =	simm.s32 $0x2500;
	[sflag:s29] =	ssyncadd.s32 $0xFFFFFC00  }
0x92: {  	[spmem:s2] =	stream.indirect.scatter.add.f32 [tilespmem:s18], [sflag:$0x3], $0x8, s24, s19, $0xb8;
	[tilespmem:$0x3F48] =	vst v63  }
0x93: {  	_ =	swait.ge [sflag:s30], $0x400  }
0x94: {  	[sflag:s30] =	ssyncset.done $0x0  }
0x95: {  	s25 =	simm.s32 $0x2580;
	[sflag:s30] =	ssyncadd.s32 $0xFFFFFC00  }
0x96: {  	[spmem:s2] =	stream.indirect.scatter.add.f32 [tilespmem:s18], [sflag:$0x4], $0x8, s25, s19, $0xb8;
	[tilespmem:$0x3F48] =	vst v63  }
0x97: {  	_ =	swait.ge [sflag:s31], $0x400  }
0x98: {  	[sflag:s31] =	ssyncset.done $0x0  }
0x99: {  	s24 =	simm.s32 $0x2600;
	[sflag:s31] =	ssyncadd.s32 $0xFFFFFC00  }
0x9a: {  	[spmem:s2] =	stream.indirect.scatter.add.f32 [tilespmem:s18], [sflag:$0x5], $0x8, s24, s19, $0xb8;
	[tilespmem:$0x3F48] =	vst v63  }
0x9b: {  	_ =	swait.ge [sflag:s0], $0x400  }
0x9c: {  	[sflag:s0] =	ssyncset.done $0x0  }
0x9d: {  	s25 =	simm.s32 $0x2680;
	[sflag:s0] =	ssyncadd.s32 $0xFFFFFC00  }
0x9e: {  	[spmem:s2] =	stream.indirect.scatter.add.f32 [tilespmem:s18], [sflag:$0x6], $0x8, s25, s19, $0xb8;
	[tilespmem:$0x3F48] =	vst v63  }
0x9f: {  	_ =	swait.ge [sflag:s1], $0x400  }
0xa0: {  	[sflag:s1] =	ssyncset.done $0x0  }
0xa1: {  	[sflag:s1] =	ssyncadd.s32 $0xFFFFFC00  }
0xa2: {  	[spmem:s2] =	stream.indirect.scatter.add.f32 [tilespmem:s18], [sflag:$0x7], $0x8, s22, s19, $0xb8;
	[tilespmem:$0x3F48] =	vst v63  }
0xa3: {  	_ =	swait.ge [sflag:s20], $0x400  }
0xa4: {  	[sflag:s20] =	ssyncset.done $0x0  }
0xa5: {  	[sflag:s20] =	ssyncadd.s32 $0xFFFFFC00  }
0xa6: {  	_ =	swait.ge [sflag:s26], $0x400  }
0xa7: {  	[sflag:s26] =	ssyncset.done $0x0  }
0xa8: {  	[sflag:s26] =	ssyncadd.s32 $0xFFFFFC00  }
0xa9: {  	_ =	swait.ge [sflag:s28], $0x400  }
0xaa: {  	[sflag:s28] =	ssyncset.done $0x0  }
0xab: {  	[sflag:s28] =	ssyncadd.s32 $0xFFFFFC00  }
0xac: {  	_ =	swait.ge [sflag:s29], $0x400  }
0xad: {  	[sflag:s29] =	ssyncset.done $0x0  }
0xae: {  	[sflag:s29] =	ssyncadd.s32 $0xFFFFFC00  }
0xaf: {  	_ =	swait.ge [sflag:s30], $0x400  }
0xb0: {  	[sflag:s30] =	ssyncset.done $0x0  }
0xb1: {  	[sflag:s30] =	ssyncadd.s32 $0xFFFFFC00  }
0xb2: {  	_ =	swait.ge [sflag:s31], $0x400  }
0xb3: {  	[sflag:s31] =	ssyncset.done $0x0  }
0xb4: {  	[sflag:s31] =	ssyncadd.s32 $0xFFFFFC00  }
0xb5: {  	_ =	swait.ge [sflag:s0], $0x400  }
0xb6: {  	[sflag:s0] =	ssyncset.done $0x0  }
0xb7: {  	[sflag:s0] =	ssyncadd.s32 $0xFFFFFC00  }
0xb8: {  	_ =	swait.ge [sflag:s1], $0x400  }
0xb9: {  	[sflag:s1] =	ssyncset.done $0x0  }
0xba: {  	[sflag:s1] =	ssyncadd.s32 $0xFFFFFC00  }
0xbb: {  	[bflag:$0x0] =	sbarrier.arrive $0xFFFF  }
0xbc: {  	[hbm:s7], [sflag:s11] =	dma.local [spmem:s12], $0x270  }
0xbd: {  	s23 =	sadd.s32 $0x1, s23;
	_ =	swait.ge [sflag:s10], $0x270  }
0xbe: {  	p1 =	sne.s32 s23, s9;
	[sflag:s10] =	ssyncset.done $0x0  }
.Ltmp1:
0xbf: {  	s21 =	simm.s32 @!p0 $0x9;
	[sflag:s10] =	ssyncadd.s32 $0xFFFFFD90;
	(pc) =	sbr.rel @p1 .LBB2_1-.Ltmp1, $4  }
0xc0: {  	[hbm:s8], [sflag:s11] =	dma.local @!p0 [spmem:s17], $0x10  }
0xc1: {  	_ =	swait.ge @!p0 [sflag:s21], $0x10  }
0xc2: {  	[sflag:s21] =	ssyncset.done @!p0 $0x0  }
0xc3: {  	[sflag:s21] =	ssyncadd.s32 @!p0 $0xFFFFFFF0  }
0xc4: {  	_ =	sfence.sel $0x180000  }
0xc5: {  	[bflag:$0x0] =	sbarrier.arrive $0xFFFF  }
0xc6: {  	_ =	strace $0x90000047  }
0xc7: {  	s0 =	stileid.u32;
	[bflag:$0x2] =	sbarrier.arrive $0xFFFF  }
0xc8: {  	p0 =	sne.s32 s0, $0x0;
	s0 =	rddreg [dreg:$0x2]  }
0xc9: {  	s0 =	sadd.s32 @!p0 $0x100000, s0  }
0xca: {  	[sflag:s0] =	ssyncadd.tile.s32 @!p0 $0x1;
	_ =	shalt  }
.Lfunc_end2:
_tile_overlayer_lowered:
.L_overlay_start_2:
0xcb: {  	(tag) =	ssettag $0x2  }
0xcc: {  	s0 =	rddreg [dreg:$0x0];
	s2 =	stileid.u32  }
0xcd: {  	s1 =	rddreg [dreg:$0x1];
	p0 =	sne.s32 s2, $0x0  }
0xce: {  	s3 =	rddreg [dreg:$0x2];
	[bflag:$0x3] =	sbarrier.arrive $0xFFFF;
	s2 =	simm.s32 @!p0 $0x1C09  }
0xcf: {  	[timem:s3], [sflag:s2] =	dma.local @!p0 [hbm:s0], s1  }
0xd0: {  	s0 =	simm.s32 @!p0 $0x9  }
0xd1: {  	_ =	swait.ge @!p0 [sflag:s0], s1  }
0xd2: {  	s1 =	ssub.s32 @!p0 $0x0, s1;
	[sflag:s0] =	ssyncset.done @!p0 $0x0  }
0xd3: {  	[sflag:s0] =	ssyncadd.s32 @!p0 s1  }
0xd4: {  	[bflag:$0x3] =	sbarrier.arrive $0xFFFF  }
0xd5: {  	_ =	shalt  }

// kernel: gcn_seg_sum.4.cloned.1.call-start
scs
__scs_entry_jumppad:
0x0: {  	(pc) =	sbr.rel $0x88, $3  }
0x1: {  	(tag) =	ssettag $0x0;
	lr =	simm.s32 $0x1  }
0x2: {  	[smem:$0x3F98] =	sst lr;
	_ =	strace $0xD0000000  }
0x3: {  	_ = 	snop  }
0x4: {  	_ = 	snop  }
0x5: {  	_ = 	snop  }
0x6: {  	_ = 	snop  }
0x7: {  	_ = 	snop  }
__scs_overlays_trampoline_lowered:
0x8: {  	[smem:$0x3FA7] =	sst s0  }
0x9: {  	[smem:$0x3FA8] =	sst s1  }
0xa: {  	[smem:$0x3FA9] =	sst s2  }
0xb: {  	[smem:$0x3FAA] =	sst s3  }
0xc: {  	[smem:$0x3FAB] =	sst s4  }
0xd: {  	[smem:$0x3FAC] =	sst s5  }
0xe: {  	[smem:$0x3FAD] =	sst s6  }
0xf: {  	[smem:$0x3FAE] =	sst s7  }
0x10: {  	[smem:$0x3FAF] =	sst s8  }
0x11: {  	[smem:$0x3FB0] =	sst s9;
	s0 =	simm.s32 @!p0 $0x0  }
0x12: {  	s1 =	sld [smem:$0x3F96];
	s0 =	simm.s32 @p0 $0x1  }
0x13: {  	[smem:$0x3FB1] =	sst s0;
	s0 =	simm.s32 @!p1 $0x0  }
0x14: {  	s2 =	sld [smem:$0x3F95];
	s0 =	simm.s32 @p1 $0x1  }
0x15: {  	[smem:$0x3FB2] =	sst s0;
	s0 =	simm.s32 @!p2 $0x0  }
0x16: {  	s3 =	sld [smem:$0x3FDB];
	s0 =	simm.s32 @p2 $0x1  }
0x17: {  	s4 =	simm.s32 $0x1BF5;
	[smem:$0x3FB4] =	sst s0  }
0x18: {  	s0 =	sld [smem:$0x3F97];
	_ =	swait.ge [sflag:s4], $0x0  }
0x19: {  	s7 =	sld [smem:$0x3F98]  }
0x1a: {  	s8 =	sadd.s32 $0xFFFFE003, lr  }
0x1b: {  	s9 =	sadd.s32 $0xFFFFFEF7, lr;
	s5 =	simm.s32 $0xFFFFFFFF;
	p2 =	slt.u32 s8, $0xFFFFF086  }
0x1c: {  	p1 =	slt.u32 s9, $0xF7A;
	s5 =	simm.s32 @!p2 $0x0  }
0x1d: {  	s5 =	simm.s32 @p1 $0x1;
	p0 =	seq.s32 s7, s2  }
0x1e: {  	s7 =	smul.u32 @!p0 $0xF7A, s2;
	p2 =	seq.s32 @!p0 s5, $0x0  }
0x1f: {  	s9 =	smul.u32 $0xF7A, s1;
	s8 =	simm.s32 @!p0 $0x1BF5;
	p2 =	por !p2, p0  }
0x20: {  	[sflag:s8] =	ssyncset.s32 @!p0 $0xFFFFF086;
	s6 =	sadd.s32 @!p0 s3, s7;
	s7 =	simm.s32 @!p0 $0x108  }
0x21: {  	s3 =	sadd.s32 s3, s9;
	s6 =	sadd.s32 @!p0 $0x88, s6;
	s7 =	simm.s32 @p2 $0x1082  }
0x22: {  	[simem:s7], [sflag:s8] =	dma.local @!p0 [hbm:s6], $0xF7A  }
0x23: {  	s9 =	sor.u32 $0xD0000000, s2;
	s6 =	simm.s32 $0x108;
	_ =	swait.ge @!p0 [sflag:s8], $0x0  }
0x24: {  	s3 =	sadd.s32 $0x88, s3;
	s6 =	simm.s32 @!p1 $0x1082;
	[sflag:s4] =	ssyncset.s32 $0xFFFFF086  }
0x25: {  	[simem:s6], [sflag:s4] =	dma.local [hbm:s3], $0xF7A  }
0x26: {  	[smem:$0x3F98] =	sst s1;
	(tag) =	ssettag s2;
	_ =	strace s9  }
0x27: {  	s1 =	sld [smem:$0x3FA8]  }
0x28: {  	s2 =	sld [smem:$0x3FA9]  }
0x29: {  	s4 =	sld [smem:$0x3FAB]  }
0x2a: {  	p0 =	seq.s32 s5, $0x0;
	s5 =	sld [smem:$0x3FAC]  }
0x2b: {  	s6 =	sld [smem:$0x3FAD]  }
0x2c: {  	s7 =	sld [smem:$0x3FAE]  }
0x2d: {  	s3 =	simm.s32 $0x108;
	s8 =	sld [smem:$0x3FAF]  }
0x2e: {  	s3 =	simm.s32 @!p0 $0x1082;
	s9 =	sld [smem:$0x3FB0]  }
0x2f: {  	lr =	sadd.s32 s0, s3;
	s0 =	sld [smem:$0x3FA7]  }
0x30: {  	s3 =	sld [smem:$0x3FAA]  }
0x31: {  	[smem:$0x3FB3] =	sst s10  }
0x32: {  	s10 =	sld [smem:$0x3FB1];
	_ =	sdelay $0x3  }
0x33: {  	p0 =	seq.s32 s10, $0x1;
	s10 =	sld [smem:$0x3FB3];
	_ =	sdelay $0x3  }
0x34: {  	[smem:$0x3FB3] =	sst s10  }
0x35: {  	s10 =	sld [smem:$0x3FB2];
	_ =	sdelay $0x3  }
0x36: {  	p1 =	seq.s32 s10, $0x1;
	s10 =	sld [smem:$0x3FB3];
	_ =	sdelay $0x3  }
0x37: {  	[smem:$0x3FB3] =	sst s10  }
0x38: {  	s10 =	sld [smem:$0x3FB4]  }
0x39: {  	_ = 	snop;
	(pc) =	sbr.ind lr, $3  }
0x3a: {  	_ = 	snop  }
0x3b: {  	_ = 	snop  }
0x3c: {  	p2 =	seq.s32 s10, $0x1;
	s10 =	sld [smem:$0x3FB3]  }
0x3d: {  	_ =	shalt  }
0x3e: {  	_ =	shalt  }
0x3f: {  	_ =	shalt  }
0x40: {  	_ =	shalt  }
0x41: {  	_ =	shalt  }
0x42: {  	_ =	shalt  }
0x43: {  	_ =	shalt  }
0x44: {  	_ =	shalt  }
0x45: {  	_ =	shalt  }
0x46: {  	_ =	shalt  }
0x47: {  	_ =	shalt  }
0x48: {  	_ =	shalt  }
0x49: {  	_ =	shalt  }
0x4a: {  	_ =	shalt  }
0x4b: {  	_ =	shalt  }
0x4c: {  	_ =	shalt  }
0x4d: {  	_ =	shalt  }
0x4e: {  	_ =	shalt  }
0x4f: {  	_ =	shalt  }
0x50: {  	_ =	shalt  }
0x51: {  	_ =	shalt  }
0x52: {  	_ =	shalt  }
0x53: {  	_ =	shalt  }
0x54: {  	_ =	shalt  }
0x55: {  	_ =	shalt  }
0x56: {  	_ =	shalt  }
0x57: {  	_ =	shalt  }
0x58: {  	_ =	shalt  }
0x59: {  	_ =	shalt  }
0x5a: {  	_ =	shalt  }
0x5b: {  	_ =	shalt  }
0x5c: {  	_ =	shalt  }
0x5d: {  	_ =	shalt  }
0x5e: {  	_ =	shalt  }
0x5f: {  	_ =	shalt  }
0x60: {  	_ =	shalt  }
0x61: {  	_ =	shalt  }
0x62: {  	_ =	shalt  }
0x63: {  	_ =	shalt  }
0x64: {  	_ =	shalt  }
0x65: {  	_ =	shalt  }
0x66: {  	_ =	shalt  }
0x67: {  	_ =	shalt  }
0x68: {  	_ =	shalt  }
0x69: {  	_ =	shalt  }
0x6a: {  	_ =	shalt  }
0x6b: {  	_ =	shalt  }
0x6c: {  	_ =	shalt  }
0x6d: {  	_ =	shalt  }
0x6e: {  	_ =	shalt  }
0x6f: {  	_ =	shalt  }
0x70: {  	_ =	shalt  }
0x71: {  	_ =	shalt  }
0x72: {  	_ =	shalt  }
0x73: {  	_ =	shalt  }
0x74: {  	_ =	shalt  }
0x75: {  	_ =	shalt  }
0x76: {  	_ =	shalt  }
0x77: {  	_ =	shalt  }
0x78: {  	_ =	shalt  }
0x79: {  	_ =	shalt  }
0x7a: {  	_ =	shalt  }
0x7b: {  	_ =	shalt  }
0x7c: {  	_ =	shalt  }
0x7d: {  	_ =	shalt  }
0x7e: {  	_ =	shalt  }
0x7f: {  	_ =	shalt  }
0x80: {  	_ =	shalt  }
0x81: {  	_ =	shalt  }
0x82: {  	_ =	shalt  }
0x83: {  	_ =	shalt  }
0x84: {  	_ =	shalt  }
0x85: {  	_ =	shalt  }
0x86: {  	_ =	shalt  }
0x87: {  	_ =	shalt  }
.Lfunc_end0:
.L_simem_size_0:
called_computation.1_lowered:
.L_overlay_start_0:
0x88: {  	s2 =	sld [smem:$0x3FD9]  }
0x89: {  	s3 =	sld [smem:$0x3FFE];
	_ =	sdelay $0x1  }
0x8a: {  	s1 =	srdreg.scid  }
0x8b: {  	s0 =	sand.u32 $0x1, s1  }
0x8c: {  	s16 =	sshll.u32 s0, $0xA;
	s2 =	sadd.s32 s3, s2  }
0x8d: {  	s2 =	sadd.s32 s2, s16  }
0x8e: {  	[smem:$0x3FBF] =	sst s2  }
0x8f: {  	_ = 	snop  }
0x90: {  	(tm) =	ssettm $0x1  }
0x91: {  	s17 =	sld [smem:$0x3FFB];
	_ =	sdelay $0x3  }
0x92: {  	_ =	strace s17  }
0x93: {  	s2 =	sld [smem:$0x3FFC];
	_ =	sdelay $0x3  }
0x94: {  	_ =	strace s2  }
0x95: {  	s2 =	sld [smem:$0x3FFD];
	_ =	sdelay $0x3  }
0x96: {  	_ =	strace s2  }
0x97: {  	_ =	strace $0x8FFFFFFF  }
0x98: {  	s18 =	sld [smem:$0x3FDB];
	_ =	sdelay $0x1  }
0x99: {  	s19 =	simm.s32 $_scs_section_size  }
0x9a: {  	s4 =	simm.s32 $_size__tile_overlayer_lowered;
	s5 =	simm.s32 $_tile_overlayer_lowered  }
0x9b: {  	s22 =	simm.s32 $0x1BFF;
	s21 =	sshll.u32 s5, $0x1;
	s2 =	sadd.s32 s19, s18  }
0x9c: {  	s6 =	simm.s32 $0x0;
	s20 =	sshll.u32 s4, $0x1;
	s4 =	sadd.s32 s21, s2  }
0x9d: {  	[timem:s6], [sflag:s22] =	dma.local [hbm:s4], s20  }
0x9e: {  	_ =	swait.ge [sflag:s22], s20  }
0x9f: {  	s3 =	ssub.s32 $0x0, s20;
	[sflag:s22] =	ssyncset.done $0x0  }
0xa0: {  	[sflag:s22] =	ssyncadd.s32 s3;
	_ =	sdelay $0x1  }
0xa1: {  	s23 =	simm.s32 $0x1B8B  }
0xa2: {  	_ =	swait.ge [sflag:s23], $0x1  }
0xa3: {  	[sflag:s23] =	ssyncset.done $0x0  }
0xa4: {  	s25 =	simm.s32 $0x1B8E;
	s24 =	sld [smem:$0x3FFE];
	[sflag:s23] =	ssyncadd.s32 $0xFFFFFFFF  }
0xa5: {  	s26 =	simm.s32 $execute0_lowered;
	[smem:$0x3FD2] =	sst s25  }
0xa6: {  	s4 =	sshll.u32 s26, $0x1;
	_ =	strace $0x80000049;
	[dreg:$0x1] =	wrdreg $0xFFFFFFFF  }
0xa7: {  	s28 =	simm.s32 $_size_execute0_lowered;
	s2 =	sadd.s32 s2, s4;
	[dreg:$0x0] =	wrdreg $0x0  }
0xa8: {  	s4 =	sshll.u32 s28, $0x1;
	[dreg:$0x2] =	wrdreg s2  }
0xa9: {  	[dreg:$0x3] =	wrdreg s4  }
0xaa: {  	[dreg:$0x4] =	wrdreg $0xC0  }
0xab: {  	_ =	task [dreg:s6], $0x5FFFF  }
0xac: {  	[dreg:$0x1] =	wrdreg $0xFFFFFFFF  }
0xad: {  	[dreg:$0x0] =	wrdreg $0x60  }
0xae: {  	[dreg:$0x2] =	wrdreg s24  }
0xaf: {  	[dreg:$0x3] =	wrdreg $0xB6900  }
0xb0: {  	[dreg:$0x4] =	wrdreg $0x8F000  }
0xb1: {  	[dreg:$0x5] =	wrdreg $0x9  }
0xb2: {  	_ =	task.clear_ibuf [dreg:s6], $0x6FFFF;
	_ =	strace $0x90000049  }
0xb3: {  	s29 =	simm.s32 $0x9;
	_ =	strace $0x8000004B  }
0xb4: {  	_ =	swait.ge [sflag:s29], $0x1  }
0xb5: {  	[sflag:s29] =	ssyncadd.s32 $0xFFFFFFFF  }
0xb6: {  	_ =	strace $0x9000004B  }
0xb7: {  	_ =	sfence  }
0xb8: {  	s30 =	sld [smem:$0x0];
	_ =	sdelay $0x2  }
0xb9: {  	s31 =	sshll.u32 s1, $0xD;
	s1 =	sshrl.u32 s1, $0x2  }
0xba: {  	s3 =	sand.u32 $0x4000, s31;
	s1 =	sadd.s32 s1, s30  }
0xbb: {  	s0 =	sor.u32 s3, s0;
	s1 =	sshll.u32 s1, $0x11  }
0xbc: {  	s0 =	sor.u32 s1, s0  }
0xbd: {  	s0 =	sadd.s32 $0x8F2B, s0  }
0xbe: {  	[sflag:s0] =	ssyncadd.remote.s32 $0x1  }
0xbf: {  	_ =	sfence.sel $0xFFFF  }
0xc0: {  	[dreg:$0x0] =	wrdreg $0xFFFFFFFF;
	(pc) =	sbr.abs _section_cstart, $3  }
0xc1: {  	[dreg:$0x1] =	wrdreg $0xFFFFFFFF  }
0xc2: {  	_ =	task.clear_ibuf [dreg:s6], $0x2FFFF;
	_ =	strace $0x9FFFFFFF  }
0xc3: {  	(tm) =	ssettm $0x7FFFFFFF  }
tec
execute0_lowered:
.L_overlay_start_1:
0x0: {  	(tag) =	ssettag $0x1  }
0x1: {  	s0 =	rddreg [dreg:$0x0]  }
0x2: {  	s1 =	rddreg [dreg:$0x1]  }
0x3: {  	s3 =	rddreg [dreg:$0x2]  }
0x4: {  	s17 =	stileid.u32;
	s2 =	srdreg.scid  }
0x5: {  	s6 =	simm.s32 $0x0;
	s28 =	simm.s32 $0x5F00;
	s30 =	simm.s32 $0x6700  }
0x6: {  	s31 =	simm.s32 $0x1;
	s29 =	simm.s32 $0x2;
	s4 =	smul.u32 $0x2700, s17  }
0x7: {  	s2 =	sand.u32 $0x1, s2;
	s5 =	sshll.u32 s17, $0x1;
	[smem:$0x7FF] =	sst s6  }
0x8: {  	s10 =	sadd.s32 $0x1AC00, s0;
	s11 =	smul.u32 $0x9C00, s17;
	s13 =	sadd.s32 $0x27000, s1  }
0x9: {  	p0 =	sne.s32 s17, $0xF;
	s17 =	simm.s32 $0x2780;
	s5 =	sor.u32 s2, s5  }
0xa: {  	_ =	strace $0x8000004A;
	s8 =	ssub.s32 $0x2, s2;
	s24 =	smul.u32 $0x27100, s2  }
0xb: {  	p1 =	sne.s32 s2, $0x0;
	s2 =	simm.s32 $0x7700;
	s18 =	sshrl.u32 s4, $0x3  }
0xc: {  	s7 =	smul.u32 $0x4F0, s5;
	s5 =	sadd.s32 $0x1AA00, s0;
	s9 =	sshrl.u32 s8, $0x1  }
0xd: {  	s20 =	sadd.s32 s4, s1;
	s23 =	sshrl.u32 s11, $0x2;
	s25 =	sadd.s32 s4, s3  }
0xe: {  	s11 =	sadd.s32 $0x27000, s3;
	s6 =	sadd.s32 s18, s0;
	s12 =	ssub.s32 s8, s9  }
0xf: {  	s9 =	sadd.s32 $0x1A800, s0;
	[dreg:$0x6] =	wrdreg s25;
	s4 =	sadd.s32 s4, s24  }
0x10: {  	s15 =	sshrl.u32 s24, $0x3;
	s18 =	sshrl.u32 @!p0 s13, $0x3;
	s7 =	sadd.s32 s7, s0  }
0x11: {  	s8 =	sadd.s32 $0x15A00, s6;
	s6 =	sadd.s32 s23, s3;
	s4 =	sshrl.u32 s4, $0x3  }
0x12: {  	s21 =	sadd.s32 s10, s15;
	s22 =	smax.u32 s12, $0x1;
	s15 =	simm.s32 $0x9  }
0x13: {  	s23 =	sshrl.u32 s20, $0x3;
	s20 =	simm.s32 $0x4F00;
	s19 =	sadd.s32 $0xBC00, s7  }
0x14: {  	s7 =	sadd.s32 $0x1E00, s7;
	s26 =	sadd.s32 $0x800, s6;
	[dreg:$0x9] =	wrdreg s22  }
0x15: {  	s14 =	sadd.s32 $0x1000, s6;
	s16 =	sadd.s32 $0x1800, s6;
	[dreg:$0xa] =	wrdreg s23  }
0x16: {  	s6 =	sadd.s32 $0x2000, s6;
	s4 =	sadd.s32 s10, s4;
	[dreg:$0x4] =	wrdreg s19  }
0x17: {  	s22 =	simm.s32 $0x3;
	s23 =	simm.s32 $0x4;
	[dreg:$0x5] =	wrdreg s7  }
0x18: {  	s10 =	simm.s32 $0x0;
	[dreg:$0x7] =	wrdreg s4;
	s4 =	sadd.s32 $0x4E00, s21  }
0x19: {  	s19 =	simm.s32 $0x80;
	s0 =	sshrl.u32 s26, $0x3;
	[dreg:$0x8] =	wrdreg s4  }
0x1a: {  	s21 =	simm.s32 $0x5700;
	s24 =	sshrl.u32 s14, $0x3;
	[dreg:$0xb] =	wrdreg s0  }
0x1b: {  	s25 =	sshrl.u32 s16, $0x3;
	s26 =	sshrl.u32 s6, $0x3;
	[dreg:$0xc] =	wrdreg s24  }
0x1c: {  	s6 =	simm.s32 $0x7;
	s7 =	simm.s32 $0x8;
	[dreg:$0xd] =	wrdreg s25  }
0x1d: {  	[dreg:$0xe] =	wrdreg s26;
	s26 =	simm.s32 $0x6F00;
	s24 =	simm.s32 $0x7F00  }
0x1e: {  	s25 =	simm.s32 $0x8700;
	s0 =	simm.s32 $0x5;
	s4 =	simm.s32 $0x6  }
.LBB2_1:
0x1f: {  	s12 =	simm.s32 $0x0;
	s13 =	rddreg [dreg:$0x4]  }
0x20: {  	[tilespmem:s12], [sflag:$0x9] =	stream.linear.gather [hbm4b:s13+s12], $0x2780, $0x38;
	[tilespmem:$0xDDA0] =	vst v63  }
0x21: {  	_ =	swait.ge [sflag:s15], $0x2780  }
0x22: {  	[sflag:s15] =	ssyncset.done $0x0  }
0x23: {  	s14 =	rddreg [dreg:$0x5];
	[sflag:s15] =	ssyncadd.s32 $0xFFFFD880  }
0x24: {  	[tilespmem:s17], [sflag:$0x9] =	stream.linear.gather [hbm4b:s14+s12], $0x2780, $0x38;
	[tilespmem:$0xDDA0] =	vst v63  }
0x25: {  	s16 =	stileid.u32;
	_ =	swait.ge [sflag:s15], $0x2780  }
0x26: {  	s12 =	sshll.u32 s16, $0x6;
	[sflag:s15] =	ssyncset.done $0x0  }
0x27: {  	s16 =	sor.u32 $0x1C09, s12;
	s13 =	rddreg [dreg:$0xa];
	[sflag:s15] =	ssyncadd.s32 $0xFFFFD880  }
0x28: {  	[spmem:s13], [sflag:s16] =	dma.local [hbm:s8], $0x4E0  }
0x29: {  	_ =	swait.ge [sflag:s15], $0x4E0  }
0x2a: {  	[sflag:s15] =	ssyncset.done $0x0  }
0x2b: {  	s12 =	simm.s32 @!p0 $0x9;
	[sflag:s15] =	ssyncadd.s32 $0xFFFFFB20  }
0x2c: {  	[spmem:s18], [sflag:s16] =	dma.local @!p0 [hbm:s9], $0x20  }
0x2d: {  	_ =	swait.ge @!p0 [sflag:s12], $0x20  }
0x2e: {  	[sflag:s12] =	ssyncset.done @!p0 $0x0;
	s14 =	rddreg [dreg:$0x6]  }
0x2f: {  	[sflag:s12] =	ssyncadd.s32 @!p0 $0xFFFFFFE0;
	s12 =	sshrl.u32 s14, $0x3  }
0x30: {  	[spmem:s12], [sflag:s16] =	dma.local @!p1 [hbm:s8], $0x4E0  }
0x31: {  	_ =	swait.ge @!p1 [sflag:s15], $0x4E0  }
0x32: {  	[sflag:s15] =	ssyncset.done @!p1 $0x0  }
0x33: {  	[sflag:s15] =	ssyncadd.s32 @!p1 $0xFFFFFB20  }
0x34: {  	[spmem:s12], [sflag:s16] =	dma.local @p1 [hbm:s5], $0x100  }
0x35: {  	_ =	swait.ge @p1 [sflag:s15], $0x100  }
0x36: {  	s13 =	smov.u32 @!p1 s9;
	[sflag:s15] =	ssyncset.done @p1 $0x0  }
0x37: {  	s13 =	rddreg @p1 [dreg:$0xb];
	[sflag:s15] =	ssyncadd.s32 @p1 $0xFFFFFF00  }
0x38: {  	[spmem:s13], [sflag:s16] =	dma.local @p1 [hbm:s5], $0x100  }
0x39: {  	_ =	swait.ge @p1 [sflag:s15], $0x100  }
0x3a: {  	[sflag:s15] =	ssyncset.done @p1 $0x0  }
0x3b: {  	s13 =	rddreg @p1 [dreg:$0xc];
	[sflag:s15] =	ssyncadd.s32 @p1 $0xFFFFFF00  }
0x3c: {  	[spmem:s13], [sflag:s16] =	dma.local @p1 [hbm:s5], $0x100  }
0x3d: {  	_ =	swait.ge @p1 [sflag:s15], $0x100  }
0x3e: {  	[sflag:s15] =	ssyncset.done @p1 $0x0  }
0x3f: {  	s13 =	rddreg @p1 [dreg:$0xd];
	[sflag:s15] =	ssyncadd.s32 @p1 $0xFFFFFF00  }
0x40: {  	[spmem:s13], [sflag:s16] =	dma.local @p1 [hbm:s5], $0x100  }
0x41: {  	_ =	swait.ge @p1 [sflag:s15], $0x100  }
0x42: {  	[sflag:s15] =	ssyncset.done @p1 $0x0  }
.Ltmp0:
0x43: {  	s13 =	rddreg @p1 [dreg:$0xe];
	[sflag:s15] =	ssyncadd.s32 @p1 $0xFFFFFF00;
	(pc) =	sbr.rel @p0 .LBB2_3-.Ltmp0, $4  }
0x44: {  	[spmem:s13], [sflag:s16] =	dma.local @p1 [hbm:s5], $0xE0  }
0x45: {  	_ =	swait.ge @p1 [sflag:s15], $0xE0  }
0x46: {  	[sflag:s15] =	ssyncset.done @p1 $0x0  }
0x47: {  	s13 =	smov.u32 @p1 s5;
	[sflag:s15] =	ssyncadd.s32 @p1 $0xFFFFFF20  }
0x48: {  	s14 =	sshrl.u32 s11, $0x3  }
0x49: {  	[spmem:s14], [sflag:s16] =	dma.local [hbm:s13], $0x20  }
0x4a: {  	_ =	swait.ge [sflag:s15], $0x20  }
0x4b: {  	[sflag:s15] =	ssyncset.done $0x0  }
0x4c: {  	[sflag:s15] =	ssyncadd.s32 $0xFFFFFFE0  }
.LBB2_3:
0x4d: {  	[bflag:$0x0] =	sbarrier.arrive $0xFFFF;
	s13 =	simm.s32 $0x0  }
0x4e: {  	[tilespmem:s20], [sflag:$0x1] =	stream.indirect.gather [spmem:s1], $0x10, s13, s19, $0xb8;
	[tilespmem:$0xDDA0] =	vst v63  }
0x4f: {  	_ = 	snop  }
0x50: {  	[tilespmem:s21], [sflag:$0x2] =	stream.indirect.gather [spmem:s1], $0x10, s19, s19, $0xb8;
	[tilespmem:$0xDDA0] =	vst v63  }
0x51: {  	s14 =	simm.s32 $0x100  }
0x52: {  	[tilespmem:s28], [sflag:$0x3] =	stream.indirect.gather [spmem:s1], $0x10, s14, s19, $0xb8;
	[tilespmem:$0xDDA0] =	vst v63  }
0x53: {  	s14 =	simm.s32 $0x180  }
0x54: {  	[tilespmem:s30], [sflag:$0x4] =	stream.indirect.gather [spmem:s1], $0x10, s14, s19, $0xb8;
	[tilespmem:$0xDDA0] =	vst v63  }
0x55: {  	_ =	swait.ge [sflag:s31], $0x800  }
0x56: {  	[sflag:s31] =	ssyncset.done $0x0  }
0x57: {  	[sflag:s31] =	ssyncadd.s32 $0xFFFFF800  }
0x58: {  	[spmem:s3] =	stream.indirect.scatter.add.f32 [tilespmem:s20], [sflag:$0x5], $0x10, s17, s19, $0xb8;
	[tilespmem:$0xDDA0] =	vst v63  }
0x59: {  	s14 =	simm.s32 $0x200  }
0x5a: {  	[tilespmem:s26], [sflag:$0x1] =	stream.indirect.gather [spmem:s1], $0x10, s14, s19, $0xb8;
	[tilespmem:$0xDDA0] =	vst v63  }
0x5b: {  	_ =	swait.ge [sflag:s29], $0x800  }
0x5c: {  	[sflag:s29] =	ssyncset.done $0x0  }
0x5d: {  	s17 =	simm.s32 $0x2800;
	[sflag:s29] =	ssyncadd.s32 $0xFFFFF800  }
0x5e: {  	[spmem:s3] =	stream.indirect.scatter.add.f32 [tilespmem:s21], [sflag:$0x6], $0x10, s17, s19, $0xb8;
	[tilespmem:$0xDDA0] =	vst v63  }
0x5f: {  	s14 =	simm.s32 $0x280  }
0x60: {  	[tilespmem:s2], [sflag:$0x2] =	stream.indirect.gather [spmem:s1], $0x10, s14, s19, $0xb8;
	[tilespmem:$0xDDA0] =	vst v63  }
0x61: {  	_ =	swait.ge [sflag:s22], $0x800  }
0x62: {  	[sflag:s22] =	ssyncset.done $0x0  }
0x63: {  	s17 =	simm.s32 $0x2880;
	[sflag:s22] =	ssyncadd.s32 $0xFFFFF800  }
0x64: {  	[spmem:s3] =	stream.indirect.scatter.add.f32 [tilespmem:s28], [sflag:$0x7], $0x10, s17, s19, $0xb8;
	[tilespmem:$0xDDA0] =	vst v63  }
0x65: {  	s14 =	simm.s32 $0x300  }
0x66: {  	[tilespmem:s24], [sflag:$0x3] =	stream.indirect.gather [spmem:s1], $0x10, s14, s19, $0xb8;
	[tilespmem:$0xDDA0] =	vst v63  }
0x67: {  	_ =	swait.ge [sflag:s23], $0x800  }
0x68: {  	[sflag:s23] =	ssyncset.done $0x0  }
0x69: {  	s17 =	simm.s32 $0x2900;
	[sflag:s23] =	ssyncadd.s32 $0xFFFFF800  }
0x6a: {  	[spmem:s3] =	stream.indirect.scatter.add.f32 [tilespmem:s30], [sflag:$0x8], $0x10, s17, s19, $0xb8;
	[tilespmem:$0xDDA0] =	vst v63  }
0x6b: {  	s14 =	simm.s32 $0x380  }
0x6c: {  	[tilespmem:s25], [sflag:$0x4] =	stream.indirect.gather [spmem:s1], $0x10, s14, s19, $0xb8;
	[tilespmem:$0xDDA0] =	vst v63  }
0x6d: {  	_ =	swait.ge [sflag:s31], $0x800  }
0x6e: {  	[sflag:s31] =	ssyncset.done $0x0  }
0x6f: {  	[sflag:s31] =	ssyncadd.s32 $0xFFFFF800  }
0x70: {  	_ =	swait.ge [sflag:s0], $0x800  }
0x71: {  	[sflag:s0] =	ssyncset.done $0x0  }
0x72: {  	s17 =	simm.s32 $0x2980;
	[sflag:s0] =	ssyncadd.s32 $0xFFFFF800  }
0x73: {  	[spmem:s3] =	stream.indirect.scatter.add.f32 [tilespmem:s26], [sflag:$0x5], $0x10, s17, s19, $0xb8;
	[tilespmem:$0xDDA0] =	vst v63  }
0x74: {  	s14 =	simm.s32 $0x400  }
0x75: {  	[tilespmem:s20], [sflag:$0x1] =	stream.indirect.gather [spmem:s1], $0x10, s14, s19, $0xb8;
	[tilespmem:$0xDDA0] =	vst v63  }
0x76: {  	_ =	swait.ge [sflag:s29], $0x800  }
0x77: {  	[sflag:s29] =	ssyncset.done $0x0  }
0x78: {  	[sflag:s29] =	ssyncadd.s32 $0xFFFFF800  }
0x79: {  	_ =	swait.ge [sflag:s4], $0x800  }
0x7a: {  	[sflag:s4] =	ssyncset.done $0x0  }
0x7b: {  	s17 =	simm.s32 $0x2A00;
	[sflag:s4] =	ssyncadd.s32 $0xFFFFF800  }
0x7c: {  	[spmem:s3] =	stream.indirect.scatter.add.f32 [tilespmem:s2], [sflag:$0x6], $0x10, s17, s19, $0xb8;
	[tilespmem:$0xDDA0] =	vst v63  }
0x7d: {  	s14 =	simm.s32 $0x480  }
0x7e: {  	[tilespmem:s21], [sflag:$0x2] =	stream.indirect.gather [spmem:s1], $0x10, s14, s19, $0xb8;
	[tilespmem:$0xDDA0] =	vst v63  }
0x7f: {  	_ =	swait.ge [sflag:s22], $0x800  }
0x80: {  	[sflag:s22] =	ssyncset.done $0x0  }
0x81: {  	[sflag:s22] =	ssyncadd.s32 $0xFFFFF800  }
0x82: {  	_ =	swait.ge [sflag:s6], $0x800  }
0x83: {  	[sflag:s6] =	ssyncset.done $0x0  }
0x84: {  	s17 =	simm.s32 $0x2A80;
	[sflag:s6] =	ssyncadd.s32 $0xFFFFF800  }
0x85: {  	[spmem:s3] =	stream.indirect.scatter.add.f32 [tilespmem:s24], [sflag:$0x7], $0x10, s17, s19, $0xb8;
	[tilespmem:$0xDDA0] =	vst v63  }
0x86: {  	s14 =	simm.s32 $0x500  }
0x87: {  	[tilespmem:s28], [sflag:$0x3] =	stream.indirect.gather [spmem:s1], $0x10, s14, s19, $0xb8;
	[tilespmem:$0xDDA0] =	vst v63  }
0x88: {  	_ =	swait.ge [sflag:s23], $0x800  }
0x89: {  	[sflag:s23] =	ssyncset.done $0x0  }
0x8a: {  	[sflag:s23] =	ssyncadd.s32 $0xFFFFF800  }
0x8b: {  	_ =	swait.ge [sflag:s7], $0x800  }
0x8c: {  	[sflag:s7] =	ssyncset.done $0x0  }
0x8d: {  	s17 =	simm.s32 $0x2B00;
	[sflag:s7] =	ssyncadd.s32 $0xFFFFF800  }
0x8e: {  	[spmem:s3] =	stream.indirect.scatter.add.f32 [tilespmem:s25], [sflag:$0x8], $0x10, s17, s19, $0xb8;
	[tilespmem:$0xDDA0] =	vst v63  }
0x8f: {  	s14 =	simm.s32 $0x580  }
0x90: {  	[tilespmem:s30], [sflag:$0x4] =	stream.indirect.gather [spmem:s1], $0x10, s14, s19, $0xb8;
	[tilespmem:$0xDDA0] =	vst v63  }
0x91: {  	_ =	swait.ge [sflag:s31], $0x800  }
0x92: {  	[sflag:s31] =	ssyncset.done $0x0  }
0x93: {  	[sflag:s31] =	ssyncadd.s32 $0xFFFFF800  }
0x94: {  	_ =	swait.ge [sflag:s0], $0x800  }
0x95: {  	[sflag:s0] =	ssyncset.done $0x0  }
0x96: {  	s17 =	simm.s32 $0x2B80;
	[sflag:s0] =	ssyncadd.s32 $0xFFFFF800  }
0x97: {  	[spmem:s3] =	stream.indirect.scatter.add.f32 [tilespmem:s20], [sflag:$0x5], $0x10, s17, s19, $0xb8;
	[tilespmem:$0xDDA0] =	vst v63  }
0x98: {  	s14 =	simm.s32 $0x600  }
0x99: {  	[tilespmem:s26], [sflag:$0x1] =	stream.indirect.gather [spmem:s1], $0x10, s14, s19, $0xb8;
	[tilespmem:$0xDDA0] =	vst v63  }
0x9a: {  	_ =	swait.ge [sflag:s29], $0x800  }
0x9b: {  	[sflag:s29] =	ssyncset.done $0x0  }
0x9c: {  	[sflag:s29] =	ssyncadd.s32 $0xFFFFF800  }
0x9d: {  	_ =	swait.ge [sflag:s4], $0x800  }
0x9e: {  	[sflag:s4] =	ssyncset.done $0x0  }
0x9f: {  	s17 =	simm.s32 $0x2C00;
	[sflag:s4] =	ssyncadd.s32 $0xFFFFF800  }
0xa0: {  	[spmem:s3] =	stream.indirect.scatter.add.f32 [tilespmem:s21], [sflag:$0x6], $0x10, s17, s19, $0xb8;
	[tilespmem:$0xDDA0] =	vst v63  }
0xa1: {  	s14 =	simm.s32 $0x680  }
0xa2: {  	[tilespmem:s2], [sflag:$0x2] =	stream.indirect.gather [spmem:s1], $0x10, s14, s19, $0xb8;
	[tilespmem:$0xDDA0] =	vst v63  }
0xa3: {  	_ =	swait.ge [sflag:s22], $0x800  }
0xa4: {  	[sflag:s22] =	ssyncset.done $0x0  }
0xa5: {  	[sflag:s22] =	ssyncadd.s32 $0xFFFFF800  }
0xa6: {  	_ =	swait.ge [sflag:s6], $0x800  }
0xa7: {  	[sflag:s6] =	ssyncset.done $0x0  }
0xa8: {  	s17 =	simm.s32 $0x2C80;
	[sflag:s6] =	ssyncadd.s32 $0xFFFFF800  }
0xa9: {  	[spmem:s3] =	stream.indirect.scatter.add.f32 [tilespmem:s28], [sflag:$0x7], $0x10, s17, s19, $0xb8;
	[tilespmem:$0xDDA0] =	vst v63  }
0xaa: {  	s14 =	simm.s32 $0x700  }
0xab: {  	[tilespmem:s24], [sflag:$0x3] =	stream.indirect.gather [spmem:s1], $0x10, s14, s19, $0xb8;
	[tilespmem:$0xDDA0] =	vst v63  }
0xac: {  	_ =	swait.ge [sflag:s23], $0x800  }
0xad: {  	[sflag:s23] =	ssyncset.done $0x0  }
0xae: {  	[sflag:s23] =	ssyncadd.s32 $0xFFFFF800  }
0xaf: {  	_ =	swait.ge [sflag:s7], $0x800  }
0xb0: {  	s13 =	simm.s32 $0x1000;
	[sflag:s7] =	ssyncset.done $0x0  }
0xb1: {  	s17 =	simm.s32 $0x2D00;
	s14 =	simm.s32 $0x780;
	[sflag:s7] =	ssyncadd.s32 $0xFFFFF800  }
0xb2: {  	[spmem:s3] =	stream.indirect.scatter.add.f32 [tilespmem:s30], [sflag:$0x8], $0x10, s17, s19, $0xb8;
	[tilespmem:$0xDDA0] =	vst v63  }
.LBB2_4:
0xb3: {  	[tilespmem:s25], [sflag:$0x4] =	stream.indirect.gather [spmem:s1], $0x10, s14, s19, $0xb8;
	[tilespmem:$0xDDA0] =	vst v63  }
0xb4: {  	s14 =	smov.u32 s13  }
0xb5: {  	p2 =	sne.s32 s13, $0x7000;
	s13 =	sadd.s32 $0x1000, s13;
	_ =	swait.ge [sflag:s31], $0x800  }
0xb6: {  	[sflag:s31] =	ssyncset.done $0x0  }
0xb7: {  	[sflag:s31] =	ssyncadd.s32 $0xFFFFF800  }
0xb8: {  	_ =	swait.ge [sflag:s0], $0x800  }
0xb9: {  	s14 =	sshra.s32 s14, $0x2;
	[sflag:s0] =	ssyncset.done $0x0  }
0xba: {  	s17 =	sadd.s32 $0x2980, s14;
	[sflag:s0] =	ssyncadd.s32 $0xFFFFF800  }
0xbb: {  	[spmem:s3] =	stream.indirect.scatter.add.f32 [tilespmem:s26], [sflag:$0x5], $0x10, s17, s19, $0xb8;
	[tilespmem:$0xDDA0] =	vst v63  }
0xbc: {  	s17 =	sadd.s32 $0x400, s14  }
0xbd: {  	[tilespmem:s20], [sflag:$0x1] =	stream.indirect.gather [spmem:s1], $0x10, s17, s19, $0xb8;
	[tilespmem:$0xDDA0] =	vst v63  }
0xbe: {  	_ =	swait.ge [sflag:s29], $0x800  }
0xbf: {  	[sflag:s29] =	ssyncset.done $0x0  }
0xc0: {  	[sflag:s29] =	ssyncadd.s32 $0xFFFFF800  }
0xc1: {  	_ =	swait.ge [sflag:s4], $0x800  }
0xc2: {  	[sflag:s4] =	ssyncset.done $0x0  }
0xc3: {  	s17 =	sadd.s32 $0x2A00, s14;
	[sflag:s4] =	ssyncadd.s32 $0xFFFFF800  }
0xc4: {  	[spmem:s3] =	stream.indirect.scatter.add.f32 [tilespmem:s2], [sflag:$0x6], $0x10, s17, s19, $0xb8;
	[tilespmem:$0xDDA0] =	vst v63  }
0xc5: {  	s17 =	sadd.s32 $0x480, s14  }
0xc6: {  	[tilespmem:s21], [sflag:$0x2] =	stream.indirect.gather [spmem:s1], $0x10, s17, s19, $0xb8;
	[tilespmem:$0xDDA0] =	vst v63  }
0xc7: {  	_ =	swait.ge [sflag:s22], $0x800  }
0xc8: {  	[sflag:s22] =	ssyncset.done $0x0  }
0xc9: {  	[sflag:s22] =	ssyncadd.s32 $0xFFFFF800  }
0xca: {  	_ =	swait.ge [sflag:s6], $0x800  }
0xcb: {  	[sflag:s6] =	ssyncset.done $0x0  }
0xcc: {  	s17 =	sadd.s32 $0x2A80, s14;
	[sflag:s6] =	ssyncadd.s32 $0xFFFFF800  }
0xcd: {  	[spmem:s3] =	stream.indirect.scatter.add.f32 [tilespmem:s24], [sflag:$0x7], $0x10, s17, s19, $0xb8;
	[tilespmem:$0xDDA0] =	vst v63  }
0xce: {  	s17 =	sadd.s32 $0x500, s14  }
0xcf: {  	[tilespmem:s28], [sflag:$0x3] =	stream.indirect.gather [spmem:s1], $0x10, s17, s19, $0xb8;
	[tilespmem:$0xDDA0] =	vst v63  }
0xd0: {  	_ =	swait.ge [sflag:s23], $0x800  }
0xd1: {  	[sflag:s23] =	ssyncset.done $0x0  }
0xd2: {  	[sflag:s23] =	ssyncadd.s32 $0xFFFFF800  }
0xd3: {  	_ =	swait.ge [sflag:s7], $0x800  }
0xd4: {  	[sflag:s7] =	ssyncset.done $0x0  }
0xd5: {  	s17 =	sadd.s32 $0x2B00, s14;
	[sflag:s7] =	ssyncadd.s32 $0xFFFFF800  }
0xd6: {  	[spmem:s3] =	stream.indirect.scatter.add.f32 [tilespmem:s25], [sflag:$0x8], $0x10, s17, s19, $0xb8;
	[tilespmem:$0xDDA0] =	vst v63  }
0xd7: {  	s17 =	sadd.s32 $0x580, s14  }
0xd8: {  	[tilespmem:s30], [sflag:$0x4] =	stream.indirect.gather [spmem:s1], $0x10, s17, s19, $0xb8;
	[tilespmem:$0xDDA0] =	vst v63  }
0xd9: {  	_ =	swait.ge [sflag:s31], $0x800  }
0xda: {  	[sflag:s31] =	ssyncset.done $0x0  }
0xdb: {  	[sflag:s31] =	ssyncadd.s32 $0xFFFFF800  }
0xdc: {  	_ =	swait.ge [sflag:s0], $0x800  }
0xdd: {  	[sflag:s0] =	ssyncset.done $0x0  }
0xde: {  	s17 =	sadd.s32 $0x2B80, s14;
	[sflag:s0] =	ssyncadd.s32 $0xFFFFF800  }
0xdf: {  	[spmem:s3] =	stream.indirect.scatter.add.f32 [tilespmem:s20], [sflag:$0x5], $0x10, s17, s19, $0xb8;
	[tilespmem:$0xDDA0] =	vst v63  }
0xe0: {  	s17 =	sadd.s32 $0x600, s14  }
0xe1: {  	[tilespmem:s26], [sflag:$0x1] =	stream.indirect.gather [spmem:s1], $0x10, s17, s19, $0xb8;
	[tilespmem:$0xDDA0] =	vst v63  }
0xe2: {  	_ =	swait.ge [sflag:s29], $0x800  }
0xe3: {  	[sflag:s29] =	ssyncset.done $0x0  }
0xe4: {  	[sflag:s29] =	ssyncadd.s32 $0xFFFFF800  }
0xe5: {  	_ =	swait.ge [sflag:s4], $0x800  }
0xe6: {  	[sflag:s4] =	ssyncset.done $0x0  }
0xe7: {  	s17 =	sadd.s32 $0x2C00, s14;
	[sflag:s4] =	ssyncadd.s32 $0xFFFFF800  }
0xe8: {  	[spmem:s3] =	stream.indirect.scatter.add.f32 [tilespmem:s21], [sflag:$0x6], $0x10, s17, s19, $0xb8;
	[tilespmem:$0xDDA0] =	vst v63  }
0xe9: {  	s17 =	sadd.s32 $0x680, s14  }
0xea: {  	[tilespmem:s2], [sflag:$0x2] =	stream.indirect.gather [spmem:s1], $0x10, s17, s19, $0xb8;
	[tilespmem:$0xDDA0] =	vst v63  }
0xeb: {  	_ =	swait.ge [sflag:s22], $0x800  }
0xec: {  	[sflag:s22] =	ssyncset.done $0x0  }
0xed: {  	[sflag:s22] =	ssyncadd.s32 $0xFFFFF800  }
0xee: {  	_ =	swait.ge [sflag:s6], $0x800  }
0xef: {  	[sflag:s6] =	ssyncset.done $0x0  }
0xf0: {  	s17 =	sadd.s32 $0x2C80, s14;
	[sflag:s6] =	ssyncadd.s32 $0xFFFFF800  }
0xf1: {  	[spmem:s3] =	stream.indirect.scatter.add.f32 [tilespmem:s28], [sflag:$0x7], $0x10, s17, s19, $0xb8;
	[tilespmem:$0xDDA0] =	vst v63  }
0xf2: {  	s17 =	sadd.s32 $0x700, s14  }
0xf3: {  	[tilespmem:s24], [sflag:$0x3] =	stream.indirect.gather [spmem:s1], $0x10, s17, s19, $0xb8;
	[tilespmem:$0xDDA0] =	vst v63  }
0xf4: {  	_ =	swait.ge [sflag:s23], $0x800  }
0xf5: {  	[sflag:s23] =	ssyncset.done $0x0  }
0xf6: {  	[sflag:s23] =	ssyncadd.s32 $0xFFFFF800  }
.Ltmp1:
0xf7: {  	_ =	swait.ge [sflag:s7], $0x800;
	(pc) =	sbr.rel @p2 .LBB2_4-.Ltmp1, $4  }
0xf8: {  	[sflag:s7] =	ssyncset.done $0x0  }
0xf9: {  	s17 =	sadd.s32 $0x2D00, s14;
	[sflag:s7] =	ssyncadd.s32 $0xFFFFF800  }
0xfa: {  	[spmem:s3] =	stream.indirect.scatter.add.f32 [tilespmem:s30], [sflag:$0x8], $0x10, s17, s19, $0xb8;
	[tilespmem:$0xDDA0] =	vst v63  }
0xfb: {  	s14 =	sadd.s32 $0x780, s14  }
0xfc: {  	[tilespmem:s25], [sflag:$0x4] =	stream.indirect.gather [spmem:s1], $0x10, s14, s19, $0xb8;
	[tilespmem:$0xDDA0] =	vst v63  }
0xfd: {  	_ =	swait.ge [sflag:s31], $0x800  }
0xfe: {  	[sflag:s31] =	ssyncset.done $0x0  }
0xff: {  	[sflag:s31] =	ssyncadd.s32 $0xFFFFF800  }
0x100: {  	_ =	swait.ge [sflag:s0], $0x800  }
0x101: {  	[sflag:s0] =	ssyncset.done $0x0  }
0x102: {  	s13 =	simm.s32 $0x4980;
	[sflag:s0] =	ssyncadd.s32 $0xFFFFF800  }
0x103: {  	[spmem:s3] =	stream.indirect.scatter.add.f32 [tilespmem:s26], [sflag:$0x5], $0x10, s13, s19, $0xb8;
	[tilespmem:$0xDDA0] =	vst v63  }
0x104: {  	s17 =	simm.s32 $0x2400  }
0x105: {  	[tilespmem:s20], [sflag:$0x1] =	stream.indirect.gather [spmem:s1], $0x10, s17, s19, $0xb8;
	[tilespmem:$0xDDA0] =	vst v63  }
0x106: {  	_ =	swait.ge [sflag:s29], $0x800  }
0x107: {  	[sflag:s29] =	ssyncset.done $0x0  }
0x108: {  	[sflag:s29] =	ssyncadd.s32 $0xFFFFF800  }
0x109: {  	_ =	swait.ge [sflag:s4], $0x800  }
0x10a: {  	[sflag:s4] =	ssyncset.done $0x0  }
0x10b: {  	s14 =	simm.s32 $0x4A00;
	[sflag:s4] =	ssyncadd.s32 $0xFFFFF800  }
0x10c: {  	[spmem:s3] =	stream.indirect.scatter.add.f32 [tilespmem:s2], [sflag:$0x6], $0x10, s14, s19, $0xb8;
	[tilespmem:$0xDDA0] =	vst v63  }
0x10d: {  	s17 =	simm.s32 $0x2480  }
0x10e: {  	[tilespmem:s21], [sflag:$0x2] =	stream.indirect.gather [spmem:s1], $0x10, s17, s19, $0xb8;
	[tilespmem:$0xDDA0] =	vst v63  }
0x10f: {  	_ =	swait.ge [sflag:s22], $0x800  }
0x110: {  	[sflag:s22] =	ssyncset.done $0x0  }
0x111: {  	[sflag:s22] =	ssyncadd.s32 $0xFFFFF800  }
0x112: {  	_ =	swait.ge [sflag:s6], $0x800  }
0x113: {  	[sflag:s6] =	ssyncset.done $0x0  }
0x114: {  	s14 =	simm.s32 $0x4A80;
	[sflag:s6] =	ssyncadd.s32 $0xFFFFF800  }
0x115: {  	[spmem:s3] =	stream.indirect.scatter.add.f32 [tilespmem:s24], [sflag:$0x7], $0x10, s14, s19, $0xb8;
	[tilespmem:$0xDDA0] =	vst v63  }
0x116: {  	s17 =	simm.s32 $0x2500  }
0x117: {  	[tilespmem:s28], [sflag:$0x3] =	stream.indirect.gather [spmem:s1], $0x10, s17, s19, $0xb8;
	[tilespmem:$0xDDA0] =	vst v63  }
0x118: {  	_ =	swait.ge [sflag:s23], $0x800  }
0x119: {  	[sflag:s23] =	ssyncset.done $0x0  }
0x11a: {  	[sflag:s23] =	ssyncadd.s32 $0xFFFFF800  }
0x11b: {  	_ =	swait.ge [sflag:s7], $0x800  }
0x11c: {  	[sflag:s7] =	ssyncset.done $0x0  }
0x11d: {  	s14 =	simm.s32 $0x4B00;
	[sflag:s7] =	ssyncadd.s32 $0xFFFFF800  }
0x11e: {  	[spmem:s3] =	stream.indirect.scatter.add.f32 [tilespmem:s25], [sflag:$0x8], $0x10, s14, s19, $0xb8;
	[tilespmem:$0xDDA0] =	vst v63  }
0x11f: {  	s17 =	simm.s32 $0x2580  }
0x120: {  	[tilespmem:s30], [sflag:$0x4] =	stream.indirect.gather [spmem:s1], $0x10, s17, s19, $0xb8;
	[tilespmem:$0xDDA0] =	vst v63  }
0x121: {  	_ =	swait.ge [sflag:s31], $0x800  }
0x122: {  	[sflag:s31] =	ssyncset.done $0x0  }
0x123: {  	[sflag:s31] =	ssyncadd.s32 $0xFFFFF800  }
0x124: {  	_ =	swait.ge [sflag:s0], $0x800  }
0x125: {  	[sflag:s0] =	ssyncset.done $0x0  }
0x126: {  	s14 =	simm.s32 $0x4B80;
	[sflag:s0] =	ssyncadd.s32 $0xFFFFF800  }
0x127: {  	[spmem:s3] =	stream.indirect.scatter.add.f32 [tilespmem:s20], [sflag:$0x5], $0x10, s14, s19, $0xb8;
	[tilespmem:$0xDDA0] =	vst v63  }
0x128: {  	s17 =	simm.s32 $0x2600  }
0x129: {  	[tilespmem:s26], [sflag:$0x1] =	stream.indirect.gather [spmem:s1], $0x10, s17, s19, $0xb8;
	[tilespmem:$0xDDA0] =	vst v63  }
0x12a: {  	_ =	swait.ge [sflag:s29], $0x800  }
0x12b: {  	[sflag:s29] =	ssyncset.done $0x0  }
0x12c: {  	[sflag:s29] =	ssyncadd.s32 $0xFFFFF800  }
0x12d: {  	_ =	swait.ge [sflag:s4], $0x800  }
0x12e: {  	[sflag:s4] =	ssyncset.done $0x0  }
0x12f: {  	s14 =	simm.s32 $0x4C00;
	[sflag:s4] =	ssyncadd.s32 $0xFFFFF800  }
0x130: {  	[spmem:s3] =	stream.indirect.scatter.add.f32 [tilespmem:s21], [sflag:$0x6], $0x10, s14, s19, $0xb8;
	[tilespmem:$0xDDA0] =	vst v63  }
0x131: {  	s17 =	simm.s32 $0x2680  }
0x132: {  	[tilespmem:s2], [sflag:$0x2] =	stream.indirect.gather [spmem:s1], $0x10, s17, s19, $0xb8;
	[tilespmem:$0xDDA0] =	vst v63  }
0x133: {  	_ =	swait.ge [sflag:s22], $0x800  }
0x134: {  	[sflag:s22] =	ssyncset.done $0x0  }
0x135: {  	[sflag:s22] =	ssyncadd.s32 $0xFFFFF800  }
0x136: {  	_ =	swait.ge [sflag:s6], $0x800  }
0x137: {  	[sflag:s6] =	ssyncset.done $0x0  }
0x138: {  	s14 =	simm.s32 $0x4C80;
	[sflag:s6] =	ssyncadd.s32 $0xFFFFF800  }
0x139: {  	[spmem:s3] =	stream.indirect.scatter.add.f32 [tilespmem:s28], [sflag:$0x7], $0x10, s14, s19, $0xb8;
	[tilespmem:$0xDDA0] =	vst v63  }
0x13a: {  	s17 =	simm.s32 $0x2700  }
0x13b: {  	[tilespmem:s24], [sflag:$0x3] =	stream.indirect.gather [spmem:s1], $0x10, s17, s19, $0xb8;
	[tilespmem:$0xDDA0] =	vst v63  }
0x13c: {  	_ =	swait.ge [sflag:s23], $0x800  }
0x13d: {  	[sflag:s23] =	ssyncset.done $0x0  }
0x13e: {  	[sflag:s23] =	ssyncadd.s32 $0xFFFFF800  }
0x13f: {  	_ =	swait.ge [sflag:s7], $0x800  }
0x140: {  	[sflag:s7] =	ssyncset.done $0x0  }
0x141: {  	s14 =	simm.s32 $0x4D00;
	[sflag:s7] =	ssyncadd.s32 $0xFFFFF800  }
0x142: {  	[spmem:s3] =	stream.indirect.scatter.add.f32 [tilespmem:s30], [sflag:$0x8], $0x10, s14, s19, $0xb8;
	[tilespmem:$0xDDA0] =	vst v63  }
0x143: {  	_ =	swait.ge [sflag:s31], $0x800  }
0x144: {  	[sflag:s31] =	ssyncset.done $0x0  }
0x145: {  	[sflag:s31] =	ssyncadd.s32 $0xFFFFF800  }
0x146: {  	_ =	swait.ge [sflag:s0], $0x800  }
0x147: {  	[sflag:s0] =	ssyncset.done $0x0  }
0x148: {  	s17 =	simm.s32 $0x4D80;
	[sflag:s0] =	ssyncadd.s32 $0xFFFFF800  }
0x149: {  	[spmem:s3] =	stream.indirect.scatter.add.f32 [tilespmem:s26], [sflag:$0x5], $0x10, s17, s19, $0xb8;
	[tilespmem:$0xDDA0] =	vst v63  }
0x14a: {  	_ =	swait.ge [sflag:s29], $0x800  }
0x14b: {  	[sflag:s29] =	ssyncset.done $0x0  }
0x14c: {  	[sflag:s29] =	ssyncadd.s32 $0xFFFFF800  }
0x14d: {  	_ =	swait.ge [sflag:s4], $0x800  }
0x14e: {  	[sflag:s4] =	ssyncset.done $0x0  }
0x14f: {  	s14 =	simm.s32 $0x4E00;
	[sflag:s4] =	ssyncadd.s32 $0xFFFFF800  }
0x150: {  	[spmem:s3] =	stream.indirect.scatter.add.f32 [tilespmem:s2], [sflag:$0x6], $0x10, s14, s19, $0xb8;
	[tilespmem:$0xDDA0] =	vst v63  }
0x151: {  	_ =	swait.ge [sflag:s22], $0x800  }
0x152: {  	[sflag:s22] =	ssyncset.done $0x0  }
0x153: {  	[sflag:s22] =	ssyncadd.s32 $0xFFFFF800  }
0x154: {  	_ =	swait.ge [sflag:s6], $0x800  }
0x155: {  	[sflag:s6] =	ssyncset.done $0x0  }
0x156: {  	s17 =	simm.s32 $0x4E80;
	[sflag:s6] =	ssyncadd.s32 $0xFFFFF800  }
0x157: {  	[spmem:s3] =	stream.indirect.scatter.add.f32 [tilespmem:s24], [sflag:$0x7], $0x10, s17, s19, $0xb8;
	[tilespmem:$0xDDA0] =	vst v63  }
0x158: {  	_ =	swait.ge [sflag:s7], $0x800  }
0x159: {  	[sflag:s7] =	ssyncset.done $0x0  }
0x15a: {  	[sflag:s7] =	ssyncadd.s32 $0xFFFFF800  }
0x15b: {  	_ =	swait.ge [sflag:s0], $0x800  }
0x15c: {  	[sflag:s0] =	ssyncset.done $0x0  }
0x15d: {  	[sflag:s0] =	ssyncadd.s32 $0xFFFFF800  }
0x15e: {  	_ =	swait.ge [sflag:s4], $0x800  }
0x15f: {  	[sflag:s4] =	ssyncset.done $0x0  }
0x160: {  	[sflag:s4] =	ssyncadd.s32 $0xFFFFF800  }
0x161: {  	_ =	swait.ge [sflag:s6], $0x800  }
0x162: {  	[sflag:s6] =	ssyncset.done $0x0  }
0x163: {  	[sflag:s6] =	ssyncadd.s32 $0xFFFFF800  }
0x164: {  	[bflag:$0x0] =	sbarrier.arrive $0xFFFF  }
0x165: {  	s14 =	rddreg [dreg:$0x7]  }
0x166: {  	[hbm:s14], [sflag:s16] =	dma.local [spmem:s12], $0x4E0  }
0x167: {  	_ =	swait.ge [sflag:s15], $0x4E0  }
0x168: {  	[sflag:s15] =	ssyncset.done $0x0  }
0x169: {  	s12 =	sshrl.u32 @!p0 s11, $0x3;
	s13 =	rddreg [dreg:$0x8];
	[sflag:s15] =	ssyncadd.s32 $0xFFFFFB20  }
0x16a: {  	[hbm:s13], [sflag:s16] =	dma.local @!p0 [spmem:s12], $0x20  }
0x16b: {  	s12 =	simm.s32 @!p0 $0x9  }
0x16c: {  	_ =	swait.ge @!p0 [sflag:s12], $0x20  }
0x16d: {  	s10 =	sadd.s32 $0x1, s10;
	s17 =	rddreg [dreg:$0x9]  }
0x16e: {  	p2 =	sne.s32 s10, s17  }
.Ltmp2:
0x16f: {  	_ = 	snop;
	(pc) =	sbr.rel @p2 .LBB2_1-.Ltmp2, $3  }
0x170: {  	_ =	sdelay $0x1  }
0x171: {  	[sflag:s12] =	ssyncset.done @!p0 $0x0  }
0x172: {  	[sflag:s12] =	ssyncadd.s32 @!p0 $0xFFFFFFE0;
	s17 =	simm.s32 $0x2780  }
0x173: {  	_ =	sfence.sel $0x180000  }
0x174: {  	[bflag:$0x0] =	sbarrier.arrive $0xFFFF  }
0x175: {  	_ =	strace $0x9000004A  }
0x176: {  	s0 =	stileid.u32;
	[bflag:$0x2] =	sbarrier.arrive $0xFFFF  }
0x177: {  	p0 =	sne.s32 s0, $0x0;
	s0 =	rddreg [dreg:$0x3]  }
0x178: {  	s0 =	sadd.s32 @!p0 $0x100000, s0  }
0x179: {  	[sflag:s0] =	ssyncadd.tile.s32 @!p0 $0x1;
	_ =	shalt  }
.Lfunc_end2:
_tile_overlayer_lowered:
.L_overlay_start_2:
0x17a: {  	(tag) =	ssettag $0x2  }
0x17b: {  	s0 =	rddreg [dreg:$0x0];
	s2 =	stileid.u32  }
0x17c: {  	s1 =	rddreg [dreg:$0x1];
	p0 =	sne.s32 s2, $0x0  }
0x17d: {  	s3 =	rddreg [dreg:$0x2];
	[bflag:$0x3] =	sbarrier.arrive $0xFFFF;
	s2 =	simm.s32 @!p0 $0x1C09  }
0x17e: {  	[timem:s3], [sflag:s2] =	dma.local @!p0 [hbm:s0], s1  }
0x17f: {  	s0 =	simm.s32 @!p0 $0x9  }
0x180: {  	_ =	swait.ge @!p0 [sflag:s0], s1  }
0x181: {  	s1 =	ssub.s32 @!p0 $0x0, s1;
	[sflag:s0] =	ssyncset.done @!p0 $0x0  }
0x182: {  	[sflag:s0] =	ssyncadd.s32 @!p0 s1  }
0x183: {  	[bflag:$0x3] =	sbarrier.arrive $0xFFFF  }
0x184: {  	_ =	shalt  }

// kernel: gcn_seg_sum.7.cloned.1.call-start
scs
__scs_entry_jumppad:
0x0: {  	(pc) =	sbr.rel $0x88, $3  }
0x1: {  	(tag) =	ssettag $0x0;
	lr =	simm.s32 $0x1  }
0x2: {  	[smem:$0x3F98] =	sst lr;
	_ =	strace $0xD0000000  }
0x3: {  	_ = 	snop  }
0x4: {  	_ = 	snop  }
0x5: {  	_ = 	snop  }
0x6: {  	_ = 	snop  }
0x7: {  	_ = 	snop  }
__scs_overlays_trampoline_lowered:
0x8: {  	[smem:$0x3FA7] =	sst s0  }
0x9: {  	[smem:$0x3FA8] =	sst s1  }
0xa: {  	[smem:$0x3FA9] =	sst s2  }
0xb: {  	[smem:$0x3FAA] =	sst s3  }
0xc: {  	[smem:$0x3FAB] =	sst s4  }
0xd: {  	[smem:$0x3FAC] =	sst s5  }
0xe: {  	[smem:$0x3FAD] =	sst s6  }
0xf: {  	[smem:$0x3FAE] =	sst s7  }
0x10: {  	[smem:$0x3FAF] =	sst s8  }
0x11: {  	[smem:$0x3FB0] =	sst s9;
	s0 =	simm.s32 @!p0 $0x0  }
0x12: {  	s1 =	sld [smem:$0x3F96];
	s0 =	simm.s32 @p0 $0x1  }
0x13: {  	[smem:$0x3FB1] =	sst s0;
	s0 =	simm.s32 @!p1 $0x0  }
0x14: {  	s2 =	sld [smem:$0x3F95];
	s0 =	simm.s32 @p1 $0x1  }
0x15: {  	[smem:$0x3FB2] =	sst s0;
	s0 =	simm.s32 @!p2 $0x0  }
0x16: {  	s3 =	sld [smem:$0x3FDB];
	s0 =	simm.s32 @p2 $0x1  }
0x17: {  	s4 =	simm.s32 $0x1BF5;
	[smem:$0x3FB4] =	sst s0  }
0x18: {  	s0 =	sld [smem:$0x3F97];
	_ =	swait.ge [sflag:s4], $0x0  }
0x19: {  	s7 =	sld [smem:$0x3F98]  }
0x1a: {  	s8 =	sadd.s32 $0xFFFFE003, lr  }
0x1b: {  	s9 =	sadd.s32 $0xFFFFFEF7, lr;
	s5 =	simm.s32 $0xFFFFFFFF;
	p2 =	slt.u32 s8, $0xFFFFF086  }
0x1c: {  	p1 =	slt.u32 s9, $0xF7A;
	s5 =	simm.s32 @!p2 $0x0  }
0x1d: {  	s5 =	simm.s32 @p1 $0x1;
	p0 =	seq.s32 s7, s2  }
0x1e: {  	s7 =	smul.u32 @!p0 $0xF7A, s2;
	p2 =	seq.s32 @!p0 s5, $0x0  }
0x1f: {  	s9 =	smul.u32 $0xF7A, s1;
	s8 =	simm.s32 @!p0 $0x1BF5;
	p2 =	por !p2, p0  }
0x20: {  	[sflag:s8] =	ssyncset.s32 @!p0 $0xFFFFF086;
	s6 =	sadd.s32 @!p0 s3, s7;
	s7 =	simm.s32 @!p0 $0x108  }
0x21: {  	s3 =	sadd.s32 s3, s9;
	s6 =	sadd.s32 @!p0 $0x88, s6;
	s7 =	simm.s32 @p2 $0x1082  }
0x22: {  	[simem:s7], [sflag:s8] =	dma.local @!p0 [hbm:s6], $0xF7A  }
0x23: {  	s9 =	sor.u32 $0xD0000000, s2;
	s6 =	simm.s32 $0x108;
	_ =	swait.ge @!p0 [sflag:s8], $0x0  }
0x24: {  	s3 =	sadd.s32 $0x88, s3;
	s6 =	simm.s32 @!p1 $0x1082;
	[sflag:s4] =	ssyncset.s32 $0xFFFFF086  }
0x25: {  	[simem:s6], [sflag:s4] =	dma.local [hbm:s3], $0xF7A  }
0x26: {  	[smem:$0x3F98] =	sst s1;
	(tag) =	ssettag s2;
	_ =	strace s9  }
0x27: {  	s1 =	sld [smem:$0x3FA8]  }
0x28: {  	s2 =	sld [smem:$0x3FA9]  }
0x29: {  	s4 =	sld [smem:$0x3FAB]  }
0x2a: {  	p0 =	seq.s32 s5, $0x0;
	s5 =	sld [smem:$0x3FAC]  }
0x2b: {  	s6 =	sld [smem:$0x3FAD]  }
0x2c: {  	s7 =	sld [smem:$0x3FAE]  }
0x2d: {  	s3 =	simm.s32 $0x108;
	s8 =	sld [smem:$0x3FAF]  }
0x2e: {  	s3 =	simm.s32 @!p0 $0x1082;
	s9 =	sld [smem:$0x3FB0]  }
0x2f: {  	lr =	sadd.s32 s0, s3;
	s0 =	sld [smem:$0x3FA7]  }
0x30: {  	s3 =	sld [smem:$0x3FAA]  }
0x31: {  	[smem:$0x3FB3] =	sst s10  }
0x32: {  	s10 =	sld [smem:$0x3FB1];
	_ =	sdelay $0x3  }
0x33: {  	p0 =	seq.s32 s10, $0x1;
	s10 =	sld [smem:$0x3FB3];
	_ =	sdelay $0x3  }
0x34: {  	[smem:$0x3FB3] =	sst s10  }
0x35: {  	s10 =	sld [smem:$0x3FB2];
	_ =	sdelay $0x3  }
0x36: {  	p1 =	seq.s32 s10, $0x1;
	s10 =	sld [smem:$0x3FB3];
	_ =	sdelay $0x3  }
0x37: {  	[smem:$0x3FB3] =	sst s10  }
0x38: {  	s10 =	sld [smem:$0x3FB4]  }
0x39: {  	_ = 	snop;
	(pc) =	sbr.ind lr, $3  }
0x3a: {  	_ = 	snop  }
0x3b: {  	_ = 	snop  }
0x3c: {  	p2 =	seq.s32 s10, $0x1;
	s10 =	sld [smem:$0x3FB3]  }
0x3d: {  	_ =	shalt  }
0x3e: {  	_ =	shalt  }
0x3f: {  	_ =	shalt  }
0x40: {  	_ =	shalt  }
0x41: {  	_ =	shalt  }
0x42: {  	_ =	shalt  }
0x43: {  	_ =	shalt  }
0x44: {  	_ =	shalt  }
0x45: {  	_ =	shalt  }
0x46: {  	_ =	shalt  }
0x47: {  	_ =	shalt  }
0x48: {  	_ =	shalt  }
0x49: {  	_ =	shalt  }
0x4a: {  	_ =	shalt  }
0x4b: {  	_ =	shalt  }
0x4c: {  	_ =	shalt  }
0x4d: {  	_ =	shalt  }
0x4e: {  	_ =	shalt  }
0x4f: {  	_ =	shalt  }
0x50: {  	_ =	shalt  }
0x51: {  	_ =	shalt  }
0x52: {  	_ =	shalt  }
0x53: {  	_ =	shalt  }
0x54: {  	_ =	shalt  }
0x55: {  	_ =	shalt  }
0x56: {  	_ =	shalt  }
0x57: {  	_ =	shalt  }
0x58: {  	_ =	shalt  }
0x59: {  	_ =	shalt  }
0x5a: {  	_ =	shalt  }
0x5b: {  	_ =	shalt  }
0x5c: {  	_ =	shalt  }
0x5d: {  	_ =	shalt  }
0x5e: {  	_ =	shalt  }
0x5f: {  	_ =	shalt  }
0x60: {  	_ =	shalt  }
0x61: {  	_ =	shalt  }
0x62: {  	_ =	shalt  }
0x63: {  	_ =	shalt  }
0x64: {  	_ =	shalt  }
0x65: {  	_ =	shalt  }
0x66: {  	_ =	shalt  }
0x67: {  	_ =	shalt  }
0x68: {  	_ =	shalt  }
0x69: {  	_ =	shalt  }
0x6a: {  	_ =	shalt  }
0x6b: {  	_ =	shalt  }
0x6c: {  	_ =	shalt  }
0x6d: {  	_ =	shalt  }
0x6e: {  	_ =	shalt  }
0x6f: {  	_ =	shalt  }
0x70: {  	_ =	shalt  }
0x71: {  	_ =	shalt  }
0x72: {  	_ =	shalt  }
0x73: {  	_ =	shalt  }
0x74: {  	_ =	shalt  }
0x75: {  	_ =	shalt  }
0x76: {  	_ =	shalt  }
0x77: {  	_ =	shalt  }
0x78: {  	_ =	shalt  }
0x79: {  	_ =	shalt  }
0x7a: {  	_ =	shalt  }
0x7b: {  	_ =	shalt  }
0x7c: {  	_ =	shalt  }
0x7d: {  	_ =	shalt  }
0x7e: {  	_ =	shalt  }
0x7f: {  	_ =	shalt  }
0x80: {  	_ =	shalt  }
0x81: {  	_ =	shalt  }
0x82: {  	_ =	shalt  }
0x83: {  	_ =	shalt  }
0x84: {  	_ =	shalt  }
0x85: {  	_ =	shalt  }
0x86: {  	_ =	shalt  }
0x87: {  	_ =	shalt  }
.Lfunc_end0:
.L_simem_size_0:
called_computation.2_lowered:
.L_overlay_start_0:
0x88: {  	s2 =	sld [smem:$0x3FD9]  }
0x89: {  	s3 =	sld [smem:$0x3FFE];
	_ =	sdelay $0x1  }
0x8a: {  	s1 =	srdreg.scid  }
0x8b: {  	s0 =	sand.u32 $0x1, s1  }
0x8c: {  	s16 =	sshll.u32 s0, $0xA;
	s2 =	sadd.s32 s3, s2  }
0x8d: {  	s2 =	sadd.s32 s2, s16  }
0x8e: {  	[smem:$0x3FBF] =	sst s2  }
0x8f: {  	_ = 	snop  }
0x90: {  	(tm) =	ssettm $0x1  }
0x91: {  	s17 =	sld [smem:$0x3FFB];
	_ =	sdelay $0x3  }
0x92: {  	_ =	strace s17  }
0x93: {  	s2 =	sld [smem:$0x3FFC];
	_ =	sdelay $0x3  }
0x94: {  	_ =	strace s2  }
0x95: {  	s2 =	sld [smem:$0x3FFD];
	_ =	sdelay $0x3  }
0x96: {  	_ =	strace s2  }
0x97: {  	_ =	strace $0x8FFFFFFF  }
0x98: {  	s18 =	sld [smem:$0x3FDB];
	_ =	sdelay $0x1  }
0x99: {  	s19 =	simm.s32 $_scs_section_size  }
0x9a: {  	s4 =	simm.s32 $_size__tile_overlayer_lowered;
	s5 =	simm.s32 $_tile_overlayer_lowered  }
0x9b: {  	s22 =	simm.s32 $0x1BFF;
	s21 =	sshll.u32 s5, $0x1;
	s2 =	sadd.s32 s19, s18  }
0x9c: {  	s6 =	simm.s32 $0x0;
	s20 =	sshll.u32 s4, $0x1;
	s4 =	sadd.s32 s21, s2  }
0x9d: {  	[timem:s6], [sflag:s22] =	dma.local [hbm:s4], s20  }
0x9e: {  	_ =	swait.ge [sflag:s22], s20  }
0x9f: {  	s3 =	ssub.s32 $0x0, s20;
	[sflag:s22] =	ssyncset.done $0x0  }
0xa0: {  	[sflag:s22] =	ssyncadd.s32 s3;
	_ =	sdelay $0x1  }
0xa1: {  	s23 =	simm.s32 $0x1B8B  }
0xa2: {  	_ =	swait.ge [sflag:s23], $0x1  }
0xa3: {  	[sflag:s23] =	ssyncset.done $0x0  }
0xa4: {  	s25 =	simm.s32 $0x1B8E;
	s24 =	sld [smem:$0x3FFE];
	[sflag:s23] =	ssyncadd.s32 $0xFFFFFFFF  }
0xa5: {  	s26 =	simm.s32 $execute0_lowered;
	[smem:$0x3FD2] =	sst s25  }
0xa6: {  	s4 =	sshll.u32 s26, $0x1;
	_ =	strace $0x8000004C;
	[dreg:$0x1] =	wrdreg $0xFFFFFFFF  }
0xa7: {  	s28 =	simm.s32 $_size_execute0_lowered;
	s2 =	sadd.s32 s2, s4;
	[dreg:$0x0] =	wrdreg $0x0  }
0xa8: {  	s4 =	sshll.u32 s28, $0x1;
	[dreg:$0x2] =	wrdreg s2  }
0xa9: {  	[dreg:$0x3] =	wrdreg s4  }
0xaa: {  	[dreg:$0x4] =	wrdreg $0xC0  }
0xab: {  	_ =	task [dreg:s6], $0x5FFFF  }
0xac: {  	[dreg:$0x1] =	wrdreg $0xFFFFFFFF  }
0xad: {  	[dreg:$0x0] =	wrdreg $0x60  }
0xae: {  	[dreg:$0x2] =	wrdreg s24  }
0xaf: {  	[dreg:$0x3] =	wrdreg $0xB6900  }
0xb0: {  	[dreg:$0x4] =	wrdreg $0x8F000  }
0xb1: {  	[dreg:$0x5] =	wrdreg $0x9  }
0xb2: {  	_ =	task.clear_ibuf [dreg:s6], $0x6FFFF;
	_ =	strace $0x9000004C  }
0xb3: {  	s29 =	simm.s32 $0x9;
	_ =	strace $0x8000004E  }
0xb4: {  	_ =	swait.ge [sflag:s29], $0x1  }
0xb5: {  	[sflag:s29] =	ssyncadd.s32 $0xFFFFFFFF  }
0xb6: {  	_ =	strace $0x9000004E  }
0xb7: {  	_ =	sfence  }
0xb8: {  	s30 =	sld [smem:$0x0];
	_ =	sdelay $0x2  }
0xb9: {  	s31 =	sshll.u32 s1, $0xD;
	s1 =	sshrl.u32 s1, $0x2  }
0xba: {  	s3 =	sand.u32 $0x4000, s31;
	s1 =	sadd.s32 s1, s30  }
0xbb: {  	s0 =	sor.u32 s3, s0;
	s1 =	sshll.u32 s1, $0x11  }
0xbc: {  	s0 =	sor.u32 s1, s0  }
0xbd: {  	s0 =	sadd.s32 $0x8F2B, s0  }
0xbe: {  	[sflag:s0] =	ssyncadd.remote.s32 $0x1  }
0xbf: {  	_ =	sfence.sel $0xFFFF  }
0xc0: {  	[dreg:$0x0] =	wrdreg $0xFFFFFFFF;
	(pc) =	sbr.abs _section_cstart, $3  }
0xc1: {  	[dreg:$0x1] =	wrdreg $0xFFFFFFFF  }
0xc2: {  	_ =	task.clear_ibuf [dreg:s6], $0x2FFFF;
	_ =	strace $0x9FFFFFFF  }
0xc3: {  	(tm) =	ssettm $0x7FFFFFFF  }
tec
execute0_lowered:
.L_overlay_start_1:
0x0: {  	(tag) =	ssettag $0x1  }
0x1: {  	s0 =	rddreg [dreg:$0x0]  }
0x2: {  	s1 =	rddreg [dreg:$0x1]  }
0x3: {  	s3 =	rddreg [dreg:$0x2]  }
0x4: {  	s17 =	stileid.u32;
	s2 =	srdreg.scid  }
0x5: {  	s6 =	simm.s32 $0x0;
	s28 =	simm.s32 $0x5F00;
	s30 =	simm.s32 $0x6700  }
0x6: {  	s31 =	simm.s32 $0x1;
	s29 =	simm.s32 $0x2;
	s4 =	smul.u32 $0x2700, s17  }
0x7: {  	s2 =	sand.u32 $0x1, s2;
	s5 =	sshll.u32 s17, $0x1;
	[smem:$0x7FF] =	sst s6  }
0x8: {  	s10 =	sadd.s32 $0x1AC00, s0;
	s11 =	smul.u32 $0x9C00, s17;
	s13 =	sadd.s32 $0x27000, s1  }
0x9: {  	p0 =	sne.s32 s17, $0xF;
	s17 =	simm.s32 $0x2780;
	s5 =	sor.u32 s2, s5  }
0xa: {  	_ =	strace $0x8000004D;
	s8 =	ssub.s32 $0x2, s2;
	s24 =	smul.u32 $0x27100, s2  }
0xb: {  	p1 =	sne.s32 s2, $0x0;
	s2 =	simm.s32 $0x7700;
	s18 =	sshrl.u32 s4, $0x3  }
0xc: {  	s7 =	smul.u32 $0x4F0, s5;
	s5 =	sadd.s32 $0x1AA00, s0;
	s9 =	sshrl.u32 s8, $0x1  }
0xd: {  	s20 =	sadd.s32 s4, s1;
	s23 =	sshrl.u32 s11, $0x2;
	s25 =	sadd.s32 s4, s3  }
0xe: {  	s11 =	sadd.s32 $0x27000, s3;
	s6 =	sadd.s32 s18, s0;
	s12 =	ssub.s32 s8, s9  }
0xf: {  	s9 =	sadd.s32 $0x1A800, s0;
	[dreg:$0x6] =	wrdreg s25;
	s4 =	sadd.s32 s4, s24  }
0x10: {  	s15 =	sshrl.u32 s24, $0x3;
	s18 =	sshrl.u32 @!p0 s13, $0x3;
	s7 =	sadd.s32 s7, s0  }
0x11: {  	s8 =	sadd.s32 $0x15A00, s6;
	s6 =	sadd.s32 s23, s3;
	s4 =	sshrl.u32 s4, $0x3  }
0x12: {  	s21 =	sadd.s32 s10, s15;
	s22 =	smax.u32 s12, $0x1;
	s15 =	simm.s32 $0x9  }
0x13: {  	s23 =	sshrl.u32 s20, $0x3;
	s20 =	simm.s32 $0x4F00;
	s19 =	sadd.s32 $0xBC00, s7  }
0x14: {  	s7 =	sadd.s32 $0x1E00, s7;
	s26 =	sadd.s32 $0x800, s6;
	[dreg:$0x9] =	wrdreg s22  }
0x15: {  	s14 =	sadd.s32 $0x1000, s6;
	s16 =	sadd.s32 $0x1800, s6;
	[dreg:$0xa] =	wrdreg s23  }
0x16: {  	s6 =	sadd.s32 $0x2000, s6;
	s4 =	sadd.s32 s10, s4;
	[dreg:$0x4] =	wrdreg s19  }
0x17: {  	s22 =	simm.s32 $0x3;
	s23 =	simm.s32 $0x4;
	[dreg:$0x5] =	wrdreg s7  }
0x18: {  	s10 =	simm.s32 $0x0;
	[dreg:$0x7] =	wrdreg s4;
	s4 =	sadd.s32 $0x4E00, s21  }
0x19: {  	s19 =	simm.s32 $0x80;
	s0 =	sshrl.u32 s26, $0x3;
	[dreg:$0x8] =	wrdreg s4  }
0x1a: {  	s21 =	simm.s32 $0x5700;
	s24 =	sshrl.u32 s14, $0x3;
	[dreg:$0xb] =	wrdreg s0  }
0x1b: {  	s25 =	sshrl.u32 s16, $0x3;
	s26 =	sshrl.u32 s6, $0x3;
	[dreg:$0xc] =	wrdreg s24  }
0x1c: {  	s6 =	simm.s32 $0x7;
	s7 =	simm.s32 $0x8;
	[dreg:$0xd] =	wrdreg s25  }
0x1d: {  	[dreg:$0xe] =	wrdreg s26;
	s26 =	simm.s32 $0x6F00;
	s24 =	simm.s32 $0x7F00  }
0x1e: {  	s25 =	simm.s32 $0x8700;
	s0 =	simm.s32 $0x5;
	s4 =	simm.s32 $0x6  }
.LBB2_1:
0x1f: {  	s12 =	simm.s32 $0x0;
	s13 =	rddreg [dreg:$0x4]  }
0x20: {  	[tilespmem:s12], [sflag:$0x9] =	stream.linear.gather [hbm4b:s13+s12], $0x2780, $0x38;
	[tilespmem:$0xDDA0] =	vst v63  }
0x21: {  	_ =	swait.ge [sflag:s15], $0x2780  }
0x22: {  	[sflag:s15] =	ssyncset.done $0x0  }
0x23: {  	s14 =	rddreg [dreg:$0x5];
	[sflag:s15] =	ssyncadd.s32 $0xFFFFD880  }
0x24: {  	[tilespmem:s17], [sflag:$0x9] =	stream.linear.gather [hbm4b:s14+s12], $0x2780, $0x38;
	[tilespmem:$0xDDA0] =	vst v63  }
0x25: {  	s16 =	stileid.u32;
	_ =	swait.ge [sflag:s15], $0x2780  }
0x26: {  	s12 =	sshll.u32 s16, $0x6;
	[sflag:s15] =	ssyncset.done $0x0  }
0x27: {  	s16 =	sor.u32 $0x1C09, s12;
	s13 =	rddreg [dreg:$0xa];
	[sflag:s15] =	ssyncadd.s32 $0xFFFFD880  }
0x28: {  	[spmem:s13], [sflag:s16] =	dma.local [hbm:s8], $0x4E0  }
0x29: {  	_ =	swait.ge [sflag:s15], $0x4E0  }
0x2a: {  	[sflag:s15] =	ssyncset.done $0x0  }
0x2b: {  	s12 =	simm.s32 @!p0 $0x9;
	[sflag:s15] =	ssyncadd.s32 $0xFFFFFB20  }
0x2c: {  	[spmem:s18], [sflag:s16] =	dma.local @!p0 [hbm:s9], $0x20  }
0x2d: {  	_ =	swait.ge @!p0 [sflag:s12], $0x20  }
0x2e: {  	[sflag:s12] =	ssyncset.done @!p0 $0x0;
	s14 =	rddreg [dreg:$0x6]  }
0x2f: {  	[sflag:s12] =	ssyncadd.s32 @!p0 $0xFFFFFFE0;
	s12 =	sshrl.u32 s14, $0x3  }
0x30: {  	[spmem:s12], [sflag:s16] =	dma.local @!p1 [hbm:s8], $0x4E0  }
0x31: {  	_ =	swait.ge @!p1 [sflag:s15], $0x4E0  }
0x32: {  	[sflag:s15] =	ssyncset.done @!p1 $0x0  }
0x33: {  	[sflag:s15] =	ssyncadd.s32 @!p1 $0xFFFFFB20  }
0x34: {  	[spmem:s12], [sflag:s16] =	dma.local @p1 [hbm:s5], $0x100  }
0x35: {  	_ =	swait.ge @p1 [sflag:s15], $0x100  }
0x36: {  	s13 =	smov.u32 @!p1 s9;
	[sflag:s15] =	ssyncset.done @p1 $0x0  }
0x37: {  	s13 =	rddreg @p1 [dreg:$0xb];
	[sflag:s15] =	ssyncadd.s32 @p1 $0xFFFFFF00  }
0x38: {  	[spmem:s13], [sflag:s16] =	dma.local @p1 [hbm:s5], $0x100  }
0x39: {  	_ =	swait.ge @p1 [sflag:s15], $0x100  }
0x3a: {  	[sflag:s15] =	ssyncset.done @p1 $0x0  }
0x3b: {  	s13 =	rddreg @p1 [dreg:$0xc];
	[sflag:s15] =	ssyncadd.s32 @p1 $0xFFFFFF00  }
0x3c: {  	[spmem:s13], [sflag:s16] =	dma.local @p1 [hbm:s5], $0x100  }
0x3d: {  	_ =	swait.ge @p1 [sflag:s15], $0x100  }
0x3e: {  	[sflag:s15] =	ssyncset.done @p1 $0x0  }
0x3f: {  	s13 =	rddreg @p1 [dreg:$0xd];
	[sflag:s15] =	ssyncadd.s32 @p1 $0xFFFFFF00  }
0x40: {  	[spmem:s13], [sflag:s16] =	dma.local @p1 [hbm:s5], $0x100  }
0x41: {  	_ =	swait.ge @p1 [sflag:s15], $0x100  }
0x42: {  	[sflag:s15] =	ssyncset.done @p1 $0x0  }
.Ltmp0:
0x43: {  	s13 =	rddreg @p1 [dreg:$0xe];
	[sflag:s15] =	ssyncadd.s32 @p1 $0xFFFFFF00;
	(pc) =	sbr.rel @p0 .LBB2_3-.Ltmp0, $4  }
0x44: {  	[spmem:s13], [sflag:s16] =	dma.local @p1 [hbm:s5], $0xE0  }
0x45: {  	_ =	swait.ge @p1 [sflag:s15], $0xE0  }
0x46: {  	[sflag:s15] =	ssyncset.done @p1 $0x0  }
0x47: {  	s13 =	smov.u32 @p1 s5;
	[sflag:s15] =	ssyncadd.s32 @p1 $0xFFFFFF20  }
0x48: {  	s14 =	sshrl.u32 s11, $0x3  }
0x49: {  	[spmem:s14], [sflag:s16] =	dma.local [hbm:s13], $0x20  }
0x4a: {  	_ =	swait.ge [sflag:s15], $0x20  }
0x4b: {  	[sflag:s15] =	ssyncset.done $0x0  }
0x4c: {  	[sflag:s15] =	ssyncadd.s32 $0xFFFFFFE0  }
.LBB2_3:
0x4d: {  	[bflag:$0x0] =	sbarrier.arrive $0xFFFF;
	s13 =	simm.s32 $0x0  }
0x4e: {  	[tilespmem:s20], [sflag:$0x1] =	stream.indirect.gather [spmem:s1], $0x10, s13, s19, $0xb8;
	[tilespmem:$0xDDA0] =	vst v63  }
0x4f: {  	_ = 	snop  }
0x50: {  	[tilespmem:s21], [sflag:$0x2] =	stream.indirect.gather [spmem:s1], $0x10, s19, s19, $0xb8;
	[tilespmem:$0xDDA0] =	vst v63  }
0x51: {  	s14 =	simm.s32 $0x100  }
0x52: {  	[tilespmem:s28], [sflag:$0x3] =	stream.indirect.gather [spmem:s1], $0x10, s14, s19, $0xb8;
	[tilespmem:$0xDDA0] =	vst v63  }
0x53: {  	s14 =	simm.s32 $0x180  }
0x54: {  	[tilespmem:s30], [sflag:$0x4] =	stream.indirect.gather [spmem:s1], $0x10, s14, s19, $0xb8;
	[tilespmem:$0xDDA0] =	vst v63  }
0x55: {  	_ =	swait.ge [sflag:s31], $0x800  }
0x56: {  	[sflag:s31] =	ssyncset.done $0x0  }
0x57: {  	[sflag:s31] =	ssyncadd.s32 $0xFFFFF800  }
0x58: {  	[spmem:s3] =	stream.indirect.scatter.add.f32 [tilespmem:s20], [sflag:$0x5], $0x10, s17, s19, $0xb8;
	[tilespmem:$0xDDA0] =	vst v63  }
0x59: {  	s14 =	simm.s32 $0x200  }
0x5a: {  	[tilespmem:s26], [sflag:$0x1] =	stream.indirect.gather [spmem:s1], $0x10, s14, s19, $0xb8;
	[tilespmem:$0xDDA0] =	vst v63  }
0x5b: {  	_ =	swait.ge [sflag:s29], $0x800  }
0x5c: {  	[sflag:s29] =	ssyncset.done $0x0  }
0x5d: {  	s17 =	simm.s32 $0x2800;
	[sflag:s29] =	ssyncadd.s32 $0xFFFFF800  }
0x5e: {  	[spmem:s3] =	stream.indirect.scatter.add.f32 [tilespmem:s21], [sflag:$0x6], $0x10, s17, s19, $0xb8;
	[tilespmem:$0xDDA0] =	vst v63  }
0x5f: {  	s14 =	simm.s32 $0x280  }
0x60: {  	[tilespmem:s2], [sflag:$0x2] =	stream.indirect.gather [spmem:s1], $0x10, s14, s19, $0xb8;
	[tilespmem:$0xDDA0] =	vst v63  }
0x61: {  	_ =	swait.ge [sflag:s22], $0x800  }
0x62: {  	[sflag:s22] =	ssyncset.done $0x0  }
0x63: {  	s17 =	simm.s32 $0x2880;
	[sflag:s22] =	ssyncadd.s32 $0xFFFFF800  }
0x64: {  	[spmem:s3] =	stream.indirect.scatter.add.f32 [tilespmem:s28], [sflag:$0x7], $0x10, s17, s19, $0xb8;
	[tilespmem:$0xDDA0] =	vst v63  }
0x65: {  	s14 =	simm.s32 $0x300  }
0x66: {  	[tilespmem:s24], [sflag:$0x3] =	stream.indirect.gather [spmem:s1], $0x10, s14, s19, $0xb8;
	[tilespmem:$0xDDA0] =	vst v63  }
0x67: {  	_ =	swait.ge [sflag:s23], $0x800  }
0x68: {  	[sflag:s23] =	ssyncset.done $0x0  }
0x69: {  	s17 =	simm.s32 $0x2900;
	[sflag:s23] =	ssyncadd.s32 $0xFFFFF800  }
0x6a: {  	[spmem:s3] =	stream.indirect.scatter.add.f32 [tilespmem:s30], [sflag:$0x8], $0x10, s17, s19, $0xb8;
	[tilespmem:$0xDDA0] =	vst v63  }
0x6b: {  	s14 =	simm.s32 $0x380  }
0x6c: {  	[tilespmem:s25], [sflag:$0x4] =	stream.indirect.gather [spmem:s1], $0x10, s14, s19, $0xb8;
	[tilespmem:$0xDDA0] =	vst v63  }
0x6d: {  	_ =	swait.ge [sflag:s31], $0x800  }
0x6e: {  	[sflag:s31] =	ssyncset.done $0x0  }
0x6f: {  	[sflag:s31] =	ssyncadd.s32 $0xFFFFF800  }
0x70: {  	_ =	swait.ge [sflag:s0], $0x800  }
0x71: {  	[sflag:s0] =	ssyncset.done $0x0  }
0x72: {  	s17 =	simm.s32 $0x2980;
	[sflag:s0] =	ssyncadd.s32 $0xFFFFF800  }
0x73: {  	[spmem:s3] =	stream.indirect.scatter.add.f32 [tilespmem:s26], [sflag:$0x5], $0x10, s17, s19, $0xb8;
	[tilespmem:$0xDDA0] =	vst v63  }
0x74: {  	s14 =	simm.s32 $0x400  }
0x75: {  	[tilespmem:s20], [sflag:$0x1] =	stream.indirect.gather [spmem:s1], $0x10, s14, s19, $0xb8;
	[tilespmem:$0xDDA0] =	vst v63  }
0x76: {  	_ =	swait.ge [sflag:s29], $0x800  }
0x77: {  	[sflag:s29] =	ssyncset.done $0x0  }
0x78: {  	[sflag:s29] =	ssyncadd.s32 $0xFFFFF800  }
0x79: {  	_ =	swait.ge [sflag:s4], $0x800  }
0x7a: {  	[sflag:s4] =	ssyncset.done $0x0  }
0x7b: {  	s17 =	simm.s32 $0x2A00;
	[sflag:s4] =	ssyncadd.s32 $0xFFFFF800  }
0x7c: {  	[spmem:s3] =	stream.indirect.scatter.add.f32 [tilespmem:s2], [sflag:$0x6], $0x10, s17, s19, $0xb8;
	[tilespmem:$0xDDA0] =	vst v63  }
0x7d: {  	s14 =	simm.s32 $0x480  }
0x7e: {  	[tilespmem:s21], [sflag:$0x2] =	stream.indirect.gather [spmem:s1], $0x10, s14, s19, $0xb8;
	[tilespmem:$0xDDA0] =	vst v63  }
0x7f: {  	_ =	swait.ge [sflag:s22], $0x800  }
0x80: {  	[sflag:s22] =	ssyncset.done $0x0  }
0x81: {  	[sflag:s22] =	ssyncadd.s32 $0xFFFFF800  }
0x82: {  	_ =	swait.ge [sflag:s6], $0x800  }
0x83: {  	[sflag:s6] =	ssyncset.done $0x0  }
0x84: {  	s17 =	simm.s32 $0x2A80;
	[sflag:s6] =	ssyncadd.s32 $0xFFFFF800  }
0x85: {  	[spmem:s3] =	stream.indirect.scatter.add.f32 [tilespmem:s24], [sflag:$0x7], $0x10, s17, s19, $0xb8;
	[tilespmem:$0xDDA0] =	vst v63  }
0x86: {  	s14 =	simm.s32 $0x500  }
0x87: {  	[tilespmem:s28], [sflag:$0x3] =	stream.indirect.gather [spmem:s1], $0x10, s14, s19, $0xb8;
	[tilespmem:$0xDDA0] =	vst v63  }
0x88: {  	_ =	swait.ge [sflag:s23], $0x800  }
0x89: {  	[sflag:s23] =	ssyncset.done $0x0  }
0x8a: {  	[sflag:s23] =	ssyncadd.s32 $0xFFFFF800  }
0x8b: {  	_ =	swait.ge [sflag:s7], $0x800  }
0x8c: {  	[sflag:s7] =	ssyncset.done $0x0  }
0x8d: {  	s17 =	simm.s32 $0x2B00;
	[sflag:s7] =	ssyncadd.s32 $0xFFFFF800  }
0x8e: {  	[spmem:s3] =	stream.indirect.scatter.add.f32 [tilespmem:s25], [sflag:$0x8], $0x10, s17, s19, $0xb8;
	[tilespmem:$0xDDA0] =	vst v63  }
0x8f: {  	s14 =	simm.s32 $0x580  }
0x90: {  	[tilespmem:s30], [sflag:$0x4] =	stream.indirect.gather [spmem:s1], $0x10, s14, s19, $0xb8;
	[tilespmem:$0xDDA0] =	vst v63  }
0x91: {  	_ =	swait.ge [sflag:s31], $0x800  }
0x92: {  	[sflag:s31] =	ssyncset.done $0x0  }
0x93: {  	[sflag:s31] =	ssyncadd.s32 $0xFFFFF800  }
0x94: {  	_ =	swait.ge [sflag:s0], $0x800  }
0x95: {  	[sflag:s0] =	ssyncset.done $0x0  }
0x96: {  	s17 =	simm.s32 $0x2B80;
	[sflag:s0] =	ssyncadd.s32 $0xFFFFF800  }
0x97: {  	[spmem:s3] =	stream.indirect.scatter.add.f32 [tilespmem:s20], [sflag:$0x5], $0x10, s17, s19, $0xb8;
	[tilespmem:$0xDDA0] =	vst v63  }
0x98: {  	s14 =	simm.s32 $0x600  }
0x99: {  	[tilespmem:s26], [sflag:$0x1] =	stream.indirect.gather [spmem:s1], $0x10, s14, s19, $0xb8;
	[tilespmem:$0xDDA0] =	vst v63  }
0x9a: {  	_ =	swait.ge [sflag:s29], $0x800  }
0x9b: {  	[sflag:s29] =	ssyncset.done $0x0  }
0x9c: {  	[sflag:s29] =	ssyncadd.s32 $0xFFFFF800  }
0x9d: {  	_ =	swait.ge [sflag:s4], $0x800  }
0x9e: {  	[sflag:s4] =	ssyncset.done $0x0  }
0x9f: {  	s17 =	simm.s32 $0x2C00;
	[sflag:s4] =	ssyncadd.s32 $0xFFFFF800  }
0xa0: {  	[spmem:s3] =	stream.indirect.scatter.add.f32 [tilespmem:s21], [sflag:$0x6], $0x10, s17, s19, $0xb8;
	[tilespmem:$0xDDA0] =	vst v63  }
0xa1: {  	s14 =	simm.s32 $0x680  }
0xa2: {  	[tilespmem:s2], [sflag:$0x2] =	stream.indirect.gather [spmem:s1], $0x10, s14, s19, $0xb8;
	[tilespmem:$0xDDA0] =	vst v63  }
0xa3: {  	_ =	swait.ge [sflag:s22], $0x800  }
0xa4: {  	[sflag:s22] =	ssyncset.done $0x0  }
0xa5: {  	[sflag:s22] =	ssyncadd.s32 $0xFFFFF800  }
0xa6: {  	_ =	swait.ge [sflag:s6], $0x800  }
0xa7: {  	[sflag:s6] =	ssyncset.done $0x0  }
0xa8: {  	s17 =	simm.s32 $0x2C80;
	[sflag:s6] =	ssyncadd.s32 $0xFFFFF800  }
0xa9: {  	[spmem:s3] =	stream.indirect.scatter.add.f32 [tilespmem:s28], [sflag:$0x7], $0x10, s17, s19, $0xb8;
	[tilespmem:$0xDDA0] =	vst v63  }
0xaa: {  	s14 =	simm.s32 $0x700  }
0xab: {  	[tilespmem:s24], [sflag:$0x3] =	stream.indirect.gather [spmem:s1], $0x10, s14, s19, $0xb8;
	[tilespmem:$0xDDA0] =	vst v63  }
0xac: {  	_ =	swait.ge [sflag:s23], $0x800  }
0xad: {  	[sflag:s23] =	ssyncset.done $0x0  }
0xae: {  	[sflag:s23] =	ssyncadd.s32 $0xFFFFF800  }
0xaf: {  	_ =	swait.ge [sflag:s7], $0x800  }
0xb0: {  	s13 =	simm.s32 $0x1000;
	[sflag:s7] =	ssyncset.done $0x0  }
0xb1: {  	s17 =	simm.s32 $0x2D00;
	s14 =	simm.s32 $0x780;
	[sflag:s7] =	ssyncadd.s32 $0xFFFFF800  }
0xb2: {  	[spmem:s3] =	stream.indirect.scatter.add.f32 [tilespmem:s30], [sflag:$0x8], $0x10, s17, s19, $0xb8;
	[tilespmem:$0xDDA0] =	vst v63  }
.LBB2_4:
0xb3: {  	[tilespmem:s25], [sflag:$0x4] =	stream.indirect.gather [spmem:s1], $0x10, s14, s19, $0xb8;
	[tilespmem:$0xDDA0] =	vst v63  }
0xb4: {  	s14 =	smov.u32 s13  }
0xb5: {  	p2 =	sne.s32 s13, $0x7000;
	s13 =	sadd.s32 $0x1000, s13;
	_ =	swait.ge [sflag:s31], $0x800  }
0xb6: {  	[sflag:s31] =	ssyncset.done $0x0  }
0xb7: {  	[sflag:s31] =	ssyncadd.s32 $0xFFFFF800  }
0xb8: {  	_ =	swait.ge [sflag:s0], $0x800  }
0xb9: {  	s14 =	sshra.s32 s14, $0x2;
	[sflag:s0] =	ssyncset.done $0x0  }
0xba: {  	s17 =	sadd.s32 $0x2980, s14;
	[sflag:s0] =	ssyncadd.s32 $0xFFFFF800  }
0xbb: {  	[spmem:s3] =	stream.indirect.scatter.add.f32 [tilespmem:s26], [sflag:$0x5], $0x10, s17, s19, $0xb8;
	[tilespmem:$0xDDA0] =	vst v63  }
0xbc: {  	s17 =	sadd.s32 $0x400, s14  }
0xbd: {  	[tilespmem:s20], [sflag:$0x1] =	stream.indirect.gather [spmem:s1], $0x10, s17, s19, $0xb8;
	[tilespmem:$0xDDA0] =	vst v63  }
0xbe: {  	_ =	swait.ge [sflag:s29], $0x800  }
0xbf: {  	[sflag:s29] =	ssyncset.done $0x0  }
0xc0: {  	[sflag:s29] =	ssyncadd.s32 $0xFFFFF800  }
0xc1: {  	_ =	swait.ge [sflag:s4], $0x800  }
0xc2: {  	[sflag:s4] =	ssyncset.done $0x0  }
0xc3: {  	s17 =	sadd.s32 $0x2A00, s14;
	[sflag:s4] =	ssyncadd.s32 $0xFFFFF800  }
0xc4: {  	[spmem:s3] =	stream.indirect.scatter.add.f32 [tilespmem:s2], [sflag:$0x6], $0x10, s17, s19, $0xb8;
	[tilespmem:$0xDDA0] =	vst v63  }
0xc5: {  	s17 =	sadd.s32 $0x480, s14  }
0xc6: {  	[tilespmem:s21], [sflag:$0x2] =	stream.indirect.gather [spmem:s1], $0x10, s17, s19, $0xb8;
	[tilespmem:$0xDDA0] =	vst v63  }
0xc7: {  	_ =	swait.ge [sflag:s22], $0x800  }
0xc8: {  	[sflag:s22] =	ssyncset.done $0x0  }
0xc9: {  	[sflag:s22] =	ssyncadd.s32 $0xFFFFF800  }
0xca: {  	_ =	swait.ge [sflag:s6], $0x800  }
0xcb: {  	[sflag:s6] =	ssyncset.done $0x0  }
0xcc: {  	s17 =	sadd.s32 $0x2A80, s14;
	[sflag:s6] =	ssyncadd.s32 $0xFFFFF800  }
0xcd: {  	[spmem:s3] =	stream.indirect.scatter.add.f32 [tilespmem:s24], [sflag:$0x7], $0x10, s17, s19, $0xb8;
	[tilespmem:$0xDDA0] =	vst v63  }
0xce: {  	s17 =	sadd.s32 $0x500, s14  }
0xcf: {  	[tilespmem:s28], [sflag:$0x3] =	stream.indirect.gather [spmem:s1], $0x10, s17, s19, $0xb8;
	[tilespmem:$0xDDA0] =	vst v63  }
0xd0: {  	_ =	swait.ge [sflag:s23], $0x800  }
0xd1: {  	[sflag:s23] =	ssyncset.done $0x0  }
0xd2: {  	[sflag:s23] =	ssyncadd.s32 $0xFFFFF800  }
0xd3: {  	_ =	swait.ge [sflag:s7], $0x800  }
0xd4: {  	[sflag:s7] =	ssyncset.done $0x0  }
0xd5: {  	s17 =	sadd.s32 $0x2B00, s14;
	[sflag:s7] =	ssyncadd.s32 $0xFFFFF800  }
0xd6: {  	[spmem:s3] =	stream.indirect.scatter.add.f32 [tilespmem:s25], [sflag:$0x8], $0x10, s17, s19, $0xb8;
	[tilespmem:$0xDDA0] =	vst v63  }
0xd7: {  	s17 =	sadd.s32 $0x580, s14  }
0xd8: {  	[tilespmem:s30], [sflag:$0x4] =	stream.indirect.gather [spmem:s1], $0x10, s17, s19, $0xb8;
	[tilespmem:$0xDDA0] =	vst v63  }
0xd9: {  	_ =	swait.ge [sflag:s31], $0x800  }
0xda: {  	[sflag:s31] =	ssyncset.done $0x0  }
0xdb: {  	[sflag:s31] =	ssyncadd.s32 $0xFFFFF800  }
0xdc: {  	_ =	swait.ge [sflag:s0], $0x800  }
0xdd: {  	[sflag:s0] =	ssyncset.done $0x0  }
0xde: {  	s17 =	sadd.s32 $0x2B80, s14;
	[sflag:s0] =	ssyncadd.s32 $0xFFFFF800  }
0xdf: {  	[spmem:s3] =	stream.indirect.scatter.add.f32 [tilespmem:s20], [sflag:$0x5], $0x10, s17, s19, $0xb8;
	[tilespmem:$0xDDA0] =	vst v63  }
0xe0: {  	s17 =	sadd.s32 $0x600, s14  }
0xe1: {  	[tilespmem:s26], [sflag:$0x1] =	stream.indirect.gather [spmem:s1], $0x10, s17, s19, $0xb8;
	[tilespmem:$0xDDA0] =	vst v63  }
0xe2: {  	_ =	swait.ge [sflag:s29], $0x800  }
0xe3: {  	[sflag:s29] =	ssyncset.done $0x0  }
0xe4: {  	[sflag:s29] =	ssyncadd.s32 $0xFFFFF800  }
0xe5: {  	_ =	swait.ge [sflag:s4], $0x800  }
0xe6: {  	[sflag:s4] =	ssyncset.done $0x0  }
0xe7: {  	s17 =	sadd.s32 $0x2C00, s14;
	[sflag:s4] =	ssyncadd.s32 $0xFFFFF800  }
0xe8: {  	[spmem:s3] =	stream.indirect.scatter.add.f32 [tilespmem:s21], [sflag:$0x6], $0x10, s17, s19, $0xb8;
	[tilespmem:$0xDDA0] =	vst v63  }
0xe9: {  	s17 =	sadd.s32 $0x680, s14  }
0xea: {  	[tilespmem:s2], [sflag:$0x2] =	stream.indirect.gather [spmem:s1], $0x10, s17, s19, $0xb8;
	[tilespmem:$0xDDA0] =	vst v63  }
0xeb: {  	_ =	swait.ge [sflag:s22], $0x800  }
0xec: {  	[sflag:s22] =	ssyncset.done $0x0  }
0xed: {  	[sflag:s22] =	ssyncadd.s32 $0xFFFFF800  }
0xee: {  	_ =	swait.ge [sflag:s6], $0x800  }
0xef: {  	[sflag:s6] =	ssyncset.done $0x0  }
0xf0: {  	s17 =	sadd.s32 $0x2C80, s14;
	[sflag:s6] =	ssyncadd.s32 $0xFFFFF800  }
0xf1: {  	[spmem:s3] =	stream.indirect.scatter.add.f32 [tilespmem:s28], [sflag:$0x7], $0x10, s17, s19, $0xb8;
	[tilespmem:$0xDDA0] =	vst v63  }
0xf2: {  	s17 =	sadd.s32 $0x700, s14  }
0xf3: {  	[tilespmem:s24], [sflag:$0x3] =	stream.indirect.gather [spmem:s1], $0x10, s17, s19, $0xb8;
	[tilespmem:$0xDDA0] =	vst v63  }
0xf4: {  	_ =	swait.ge [sflag:s23], $0x800  }
0xf5: {  	[sflag:s23] =	ssyncset.done $0x0  }
0xf6: {  	[sflag:s23] =	ssyncadd.s32 $0xFFFFF800  }
.Ltmp1:
0xf7: {  	_ =	swait.ge [sflag:s7], $0x800;
	(pc) =	sbr.rel @p2 .LBB2_4-.Ltmp1, $4  }
0xf8: {  	[sflag:s7] =	ssyncset.done $0x0  }
0xf9: {  	s17 =	sadd.s32 $0x2D00, s14;
	[sflag:s7] =	ssyncadd.s32 $0xFFFFF800  }
0xfa: {  	[spmem:s3] =	stream.indirect.scatter.add.f32 [tilespmem:s30], [sflag:$0x8], $0x10, s17, s19, $0xb8;
	[tilespmem:$0xDDA0] =	vst v63  }
0xfb: {  	s14 =	sadd.s32 $0x780, s14  }
0xfc: {  	[tilespmem:s25], [sflag:$0x4] =	stream.indirect.gather [spmem:s1], $0x10, s14, s19, $0xb8;
	[tilespmem:$0xDDA0] =	vst v63  }
0xfd: {  	_ =	swait.ge [sflag:s31], $0x800  }
0xfe: {  	[sflag:s31] =	ssyncset.done $0x0  }
0xff: {  	[sflag:s31] =	ssyncadd.s32 $0xFFFFF800  }
0x100: {  	_ =	swait.ge [sflag:s0], $0x800  }
0x101: {  	[sflag:s0] =	ssyncset.done $0x0  }
0x102: {  	s13 =	simm.s32 $0x4980;
	[sflag:s0] =	ssyncadd.s32 $0xFFFFF800  }
0x103: {  	[spmem:s3] =	stream.indirect.scatter.add.f32 [tilespmem:s26], [sflag:$0x5], $0x10, s13, s19, $0xb8;
	[tilespmem:$0xDDA0] =	vst v63  }
0x104: {  	s17 =	simm.s32 $0x2400  }
0x105: {  	[tilespmem:s20], [sflag:$0x1] =	stream.indirect.gather [spmem:s1], $0x10, s17, s19, $0xb8;
	[tilespmem:$0xDDA0] =	vst v63  }
0x106: {  	_ =	swait.ge [sflag:s29], $0x800  }
0x107: {  	[sflag:s29] =	ssyncset.done $0x0  }
0x108: {  	[sflag:s29] =	ssyncadd.s32 $0xFFFFF800  }
0x109: {  	_ =	swait.ge [sflag:s4], $0x800  }
0x10a: {  	[sflag:s4] =	ssyncset.done $0x0  }
0x10b: {  	s14 =	simm.s32 $0x4A00;
	[sflag:s4] =	ssyncadd.s32 $0xFFFFF800  }
0x10c: {  	[spmem:s3] =	stream.indirect.scatter.add.f32 [tilespmem:s2], [sflag:$0x6], $0x10, s14, s19, $0xb8;
	[tilespmem:$0xDDA0] =	vst v63  }
0x10d: {  	s17 =	simm.s32 $0x2480  }
0x10e: {  	[tilespmem:s21], [sflag:$0x2] =	stream.indirect.gather [spmem:s1], $0x10, s17, s19, $0xb8;
	[tilespmem:$0xDDA0] =	vst v63  }
0x10f: {  	_ =	swait.ge [sflag:s22], $0x800  }
0x110: {  	[sflag:s22] =	ssyncset.done $0x0  }
0x111: {  	[sflag:s22] =	ssyncadd.s32 $0xFFFFF800  }
0x112: {  	_ =	swait.ge [sflag:s6], $0x800  }
0x113: {  	[sflag:s6] =	ssyncset.done $0x0  }
0x114: {  	s14 =	simm.s32 $0x4A80;
	[sflag:s6] =	ssyncadd.s32 $0xFFFFF800  }
0x115: {  	[spmem:s3] =	stream.indirect.scatter.add.f32 [tilespmem:s24], [sflag:$0x7], $0x10, s14, s19, $0xb8;
	[tilespmem:$0xDDA0] =	vst v63  }
0x116: {  	s17 =	simm.s32 $0x2500  }
0x117: {  	[tilespmem:s28], [sflag:$0x3] =	stream.indirect.gather [spmem:s1], $0x10, s17, s19, $0xb8;
	[tilespmem:$0xDDA0] =	vst v63  }
0x118: {  	_ =	swait.ge [sflag:s23], $0x800  }
0x119: {  	[sflag:s23] =	ssyncset.done $0x0  }
0x11a: {  	[sflag:s23] =	ssyncadd.s32 $0xFFFFF800  }
0x11b: {  	_ =	swait.ge [sflag:s7], $0x800  }
0x11c: {  	[sflag:s7] =	ssyncset.done $0x0  }
0x11d: {  	s14 =	simm.s32 $0x4B00;
	[sflag:s7] =	ssyncadd.s32 $0xFFFFF800  }
0x11e: {  	[spmem:s3] =	stream.indirect.scatter.add.f32 [tilespmem:s25], [sflag:$0x8], $0x10, s14, s19, $0xb8;
	[tilespmem:$0xDDA0] =	vst v63  }
0x11f: {  	s17 =	simm.s32 $0x2580  }
0x120: {  	[tilespmem:s30], [sflag:$0x4] =	stream.indirect.gather [spmem:s1], $0x10, s17, s19, $0xb8;
	[tilespmem:$0xDDA0] =	vst v63  }
0x121: {  	_ =	swait.ge [sflag:s31], $0x800  }
0x122: {  	[sflag:s31] =	ssyncset.done $0x0  }
0x123: {  	[sflag:s31] =	ssyncadd.s32 $0xFFFFF800  }
0x124: {  	_ =	swait.ge [sflag:s0], $0x800  }
0x125: {  	[sflag:s0] =	ssyncset.done $0x0  }
0x126: {  	s14 =	simm.s32 $0x4B80;
	[sflag:s0] =	ssyncadd.s32 $0xFFFFF800  }
0x127: {  	[spmem:s3] =	stream.indirect.scatter.add.f32 [tilespmem:s20], [sflag:$0x5], $0x10, s14, s19, $0xb8;
	[tilespmem:$0xDDA0] =	vst v63  }
0x128: {  	s17 =	simm.s32 $0x2600  }
0x129: {  	[tilespmem:s26], [sflag:$0x1] =	stream.indirect.gather [spmem:s1], $0x10, s17, s19, $0xb8;
	[tilespmem:$0xDDA0] =	vst v63  }
0x12a: {  	_ =	swait.ge [sflag:s29], $0x800  }
0x12b: {  	[sflag:s29] =	ssyncset.done $0x0  }
0x12c: {  	[sflag:s29] =	ssyncadd.s32 $0xFFFFF800  }
0x12d: {  	_ =	swait.ge [sflag:s4], $0x800  }
0x12e: {  	[sflag:s4] =	ssyncset.done $0x0  }
0x12f: {  	s14 =	simm.s32 $0x4C00;
	[sflag:s4] =	ssyncadd.s32 $0xFFFFF800  }
0x130: {  	[spmem:s3] =	stream.indirect.scatter.add.f32 [tilespmem:s21], [sflag:$0x6], $0x10, s14, s19, $0xb8;
	[tilespmem:$0xDDA0] =	vst v63  }
0x131: {  	s17 =	simm.s32 $0x2680  }
0x132: {  	[tilespmem:s2], [sflag:$0x2] =	stream.indirect.gather [spmem:s1], $0x10, s17, s19, $0xb8;
	[tilespmem:$0xDDA0] =	vst v63  }
0x133: {  	_ =	swait.ge [sflag:s22], $0x800  }
0x134: {  	[sflag:s22] =	ssyncset.done $0x0  }
0x135: {  	[sflag:s22] =	ssyncadd.s32 $0xFFFFF800  }
0x136: {  	_ =	swait.ge [sflag:s6], $0x800  }
0x137: {  	[sflag:s6] =	ssyncset.done $0x0  }
0x138: {  	s14 =	simm.s32 $0x4C80;
	[sflag:s6] =	ssyncadd.s32 $0xFFFFF800  }
0x139: {  	[spmem:s3] =	stream.indirect.scatter.add.f32 [tilespmem:s28], [sflag:$0x7], $0x10, s14, s19, $0xb8;
	[tilespmem:$0xDDA0] =	vst v63  }
0x13a: {  	s17 =	simm.s32 $0x2700  }
0x13b: {  	[tilespmem:s24], [sflag:$0x3] =	stream.indirect.gather [spmem:s1], $0x10, s17, s19, $0xb8;
	[tilespmem:$0xDDA0] =	vst v63  }
0x13c: {  	_ =	swait.ge [sflag:s23], $0x800  }
0x13d: {  	[sflag:s23] =	ssyncset.done $0x0  }
0x13e: {  	[sflag:s23] =	ssyncadd.s32 $0xFFFFF800  }
0x13f: {  	_ =	swait.ge [sflag:s7], $0x800  }
0x140: {  	[sflag:s7] =	ssyncset.done $0x0  }
0x141: {  	s14 =	simm.s32 $0x4D00;
	[sflag:s7] =	ssyncadd.s32 $0xFFFFF800  }
0x142: {  	[spmem:s3] =	stream.indirect.scatter.add.f32 [tilespmem:s30], [sflag:$0x8], $0x10, s14, s19, $0xb8;
	[tilespmem:$0xDDA0] =	vst v63  }
0x143: {  	_ =	swait.ge [sflag:s31], $0x800  }
0x144: {  	[sflag:s31] =	ssyncset.done $0x0  }
0x145: {  	[sflag:s31] =	ssyncadd.s32 $0xFFFFF800  }
0x146: {  	_ =	swait.ge [sflag:s0], $0x800  }
0x147: {  	[sflag:s0] =	ssyncset.done $0x0  }
0x148: {  	s17 =	simm.s32 $0x4D80;
	[sflag:s0] =	ssyncadd.s32 $0xFFFFF800  }
0x149: {  	[spmem:s3] =	stream.indirect.scatter.add.f32 [tilespmem:s26], [sflag:$0x5], $0x10, s17, s19, $0xb8;
	[tilespmem:$0xDDA0] =	vst v63  }
0x14a: {  	_ =	swait.ge [sflag:s29], $0x800  }
0x14b: {  	[sflag:s29] =	ssyncset.done $0x0  }
0x14c: {  	[sflag:s29] =	ssyncadd.s32 $0xFFFFF800  }
0x14d: {  	_ =	swait.ge [sflag:s4], $0x800  }
0x14e: {  	[sflag:s4] =	ssyncset.done $0x0  }
0x14f: {  	s14 =	simm.s32 $0x4E00;
	[sflag:s4] =	ssyncadd.s32 $0xFFFFF800  }
0x150: {  	[spmem:s3] =	stream.indirect.scatter.add.f32 [tilespmem:s2], [sflag:$0x6], $0x10, s14, s19, $0xb8;
	[tilespmem:$0xDDA0] =	vst v63  }
0x151: {  	_ =	swait.ge [sflag:s22], $0x800  }
0x152: {  	[sflag:s22] =	ssyncset.done $0x0  }
0x153: {  	[sflag:s22] =	ssyncadd.s32 $0xFFFFF800  }
0x154: {  	_ =	swait.ge [sflag:s6], $0x800  }
0x155: {  	[sflag:s6] =	ssyncset.done $0x0  }
0x156: {  	s17 =	simm.s32 $0x4E80;
	[sflag:s6] =	ssyncadd.s32 $0xFFFFF800  }
0x157: {  	[spmem:s3] =	stream.indirect.scatter.add.f32 [tilespmem:s24], [sflag:$0x7], $0x10, s17, s19, $0xb8;
	[tilespmem:$0xDDA0] =	vst v63  }
0x158: {  	_ =	swait.ge [sflag:s7], $0x800  }
0x159: {  	[sflag:s7] =	ssyncset.done $0x0  }
0x15a: {  	[sflag:s7] =	ssyncadd.s32 $0xFFFFF800  }
0x15b: {  	_ =	swait.ge [sflag:s0], $0x800  }
0x15c: {  	[sflag:s0] =	ssyncset.done $0x0  }
0x15d: {  	[sflag:s0] =	ssyncadd.s32 $0xFFFFF800  }
0x15e: {  	_ =	swait.ge [sflag:s4], $0x800  }
0x15f: {  	[sflag:s4] =	ssyncset.done $0x0  }
0x160: {  	[sflag:s4] =	ssyncadd.s32 $0xFFFFF800  }
0x161: {  	_ =	swait.ge [sflag:s6], $0x800  }
0x162: {  	[sflag:s6] =	ssyncset.done $0x0  }
0x163: {  	[sflag:s6] =	ssyncadd.s32 $0xFFFFF800  }
0x164: {  	[bflag:$0x0] =	sbarrier.arrive $0xFFFF  }
0x165: {  	s14 =	rddreg [dreg:$0x7]  }
0x166: {  	[hbm:s14], [sflag:s16] =	dma.local [spmem:s12], $0x4E0  }
0x167: {  	_ =	swait.ge [sflag:s15], $0x4E0  }
0x168: {  	[sflag:s15] =	ssyncset.done $0x0  }
0x169: {  	s12 =	sshrl.u32 @!p0 s11, $0x3;
	s13 =	rddreg [dreg:$0x8];
	[sflag:s15] =	ssyncadd.s32 $0xFFFFFB20  }
0x16a: {  	[hbm:s13], [sflag:s16] =	dma.local @!p0 [spmem:s12], $0x20  }
0x16b: {  	s12 =	simm.s32 @!p0 $0x9  }
0x16c: {  	_ =	swait.ge @!p0 [sflag:s12], $0x20  }
0x16d: {  	s10 =	sadd.s32 $0x1, s10;
	s17 =	rddreg [dreg:$0x9]  }
0x16e: {  	p2 =	sne.s32 s10, s17  }
.Ltmp2:
0x16f: {  	_ = 	snop;
	(pc) =	sbr.rel @p2 .LBB2_1-.Ltmp2, $3  }
0x170: {  	_ =	sdelay $0x1  }
0x171: {  	[sflag:s12] =	ssyncset.done @!p0 $0x0  }
0x172: {  	[sflag:s12] =	ssyncadd.s32 @!p0 $0xFFFFFFE0;
	s17 =	simm.s32 $0x2780  }
0x173: {  	_ =	sfence.sel $0x180000  }
0x174: {  	[bflag:$0x0] =	sbarrier.arrive $0xFFFF  }
0x175: {  	_ =	strace $0x9000004D  }
0x176: {  	s0 =	stileid.u32;
	[bflag:$0x2] =	sbarrier.arrive $0xFFFF  }
0x177: {  	p0 =	sne.s32 s0, $0x0;
	s0 =	rddreg [dreg:$0x3]  }
0x178: {  	s0 =	sadd.s32 @!p0 $0x100000, s0  }
0x179: {  	[sflag:s0] =	ssyncadd.tile.s32 @!p0 $0x1;
	_ =	shalt  }
.Lfunc_end2:
_tile_overlayer_lowered:
.L_overlay_start_2:
0x17a: {  	(tag) =	ssettag $0x2  }
0x17b: {  	s0 =	rddreg [dreg:$0x0];
	s2 =	stileid.u32  }
0x17c: {  	s1 =	rddreg [dreg:$0x1];
	p0 =	sne.s32 s2, $0x0  }
0x17d: {  	s3 =	rddreg [dreg:$0x2];
	[bflag:$0x3] =	sbarrier.arrive $0xFFFF;
	s2 =	simm.s32 @!p0 $0x1C09  }
0x17e: {  	[timem:s3], [sflag:s2] =	dma.local @!p0 [hbm:s0], s1  }
0x17f: {  	s0 =	simm.s32 @!p0 $0x9  }
0x180: {  	_ =	swait.ge @!p0 [sflag:s0], s1  }
0x181: {  	s1 =	ssub.s32 @!p0 $0x0, s1;
	[sflag:s0] =	ssyncset.done @!p0 $0x0  }
0x182: {  	[sflag:s0] =	ssyncadd.s32 @!p0 s1  }
0x183: {  	[bflag:$0x3] =	sbarrier.arrive $0xFFFF  }
0x184: {  	_ =	shalt  }

</sc_bundles>
